<compile_context>
chip_gen: v7x
topology: tpu7x:2x2x1
jax: 0.10.2.dev20260603
libtpu: 0.0.44.dev20260713+nightly
codegen_flags: <defaults>
</compile_context>

<pallas_src>
import functools

import jax
import jax.numpy as jnp
from jax import lax
from jax.experimental import pallas as pl
from jax.experimental.pallas import tpu as pltpu
from jax.experimental.pallas import tpu_sc as plsc

IN_NODE = 128
IN_EDGE = 16
OUT_DIM = 16

NW = 32
CHUNK = 1000
SUB = 128


def _node_proj_body(x_ref, wn_ref, psrc_ref, pdst_ref):
    p = jax.lax.dot_general(
        x_ref[...], wn_ref[...], (((1,), (0,)), ((), ())),
        preferred_element_type=jnp.float32)
    psrc_ref[...] = p[:, :OUT_DIM]
    pdst_ref[...] = p[:, OUT_DIM:]


def _node_proj(x, wn):
    n = x.shape[0]
    blk = n // 5
    return pl.pallas_call(
        _node_proj_body,
        grid=(5,),
        in_specs=[
            pl.BlockSpec((blk, IN_NODE), lambda i: (i, 0)),
            pl.BlockSpec((IN_NODE, 2 * OUT_DIM), lambda i: (0, 0)),
        ],
        out_specs=(
            pl.BlockSpec((blk, OUT_DIM), lambda i: (i, 0)),
            pl.BlockSpec((blk, OUT_DIM), lambda i: (i, 0)),
        ),
        out_shape=(
            jax.ShapeDtypeStruct((n, OUT_DIM), jnp.float32),
            jax.ShapeDtypeStruct((n, OUT_DIM), jnp.float32),
        ),
    )(x, wn)


CT = 8
CHUNK_E = CT * 128
FULL_CHUNKS = 9


def _sc_gather_add_body(psrc_hbm, pdst_hbm, ei_hbm,
                        out_hbm, ei_v, rows_v, gt_v,
                        gsem):
    wid = lax.axis_index("s") * 2 + lax.axis_index("c")
    tile0 = 78 * wid + jnp.minimum(wid, 4)
    tail_tiles = 6 + (wid < 4).astype(jnp.int32)
    lane = lax.iota(jnp.int32, 16)

    def do_tiles(tstart, nt):
        pltpu.sync_copy(ei_hbm.at[pl.ds(tstart * 256, nt * 256)],
                        ei_v.at[pl.ds(0, nt * 256)])
        cps = []
        for t in range(nt):
            cps.append(pltpu.async_copy(
                psrc_hbm.at[ei_v.at[pl.ds(256 * t, 128)]],
                rows_v.at[pl.ds(256 * t, 128)], gsem))
            cps.append(pltpu.async_copy(
                pdst_hbm.at[ei_v.at[pl.ds(256 * t + 128, 128)]],
                rows_v.at[pl.ds(256 * t + 128, 128)], gsem))
        for cp in cps:
            cp.wait()

        for t in range(nt):
            @plsc.parallel_loop(0, 128, step=8, unroll=4)
            def row_body(c, _t=t):
                for k in range(8):
                    v = (rows_v[256 * _t + c + k]
                         + rows_v[256 * _t + 128 + c + k])
                    col = jnp.full((16,), 128 * _t + c + k, dtype=jnp.int32)
                    plsc.store_scatter(gt_v, [lane, col], v)
        pltpu.sync_copy(gt_v.at[:, pl.ds(0, nt * 128)],
                        out_hbm.at[:, pl.ds(tstart * 128, nt * 128)])

    def chunk_body(k, _):
        do_tiles(tile0 + CT * k, CT)
        return 0
    lax.fori_loop(0, FULL_CHUNKS, chunk_body, 0)

    def tail_body(j, _):
        do_tiles(tile0 + CT * FULL_CHUNKS + j, 1)
        return 0
    lax.fori_loop(0, tail_tiles, tail_body, 0)


def _sc_gather_add(psrc, pdst, ei_flat):
    e = ei_flat.shape[0] // 2
    mesh = plsc.VectorSubcoreMesh(core_axis_name="c", subcore_axis_name="s")
    return pl.kernel(
        _sc_gather_add_body,
        out_type=jax.ShapeDtypeStruct((OUT_DIM, e), jnp.float32),
        mesh=mesh,
        compiler_params=pltpu.CompilerParams(
            use_tc_tiling_on_sc=False, needs_layout_passes=False),
        scratch_types=[
            pltpu.VMEM((2 * CHUNK_E,), jnp.int32),
            pltpu.VMEM((2 * CHUNK_E, OUT_DIM), jnp.float32),
            pltpu.VMEM((OUT_DIM, CHUNK_E), jnp.float32),
            pltpu.SemaphoreType.DMA,
        ],
    )(psrc, pdst, ei_flat)


def _final_body(we_ref, eat_ref, g_ref, out_ref):
    ep = jax.lax.dot_general(
        we_ref[...], eat_ref[...], (((1,), (0,)), ((), ())),
        preferred_element_type=jnp.float32)
    out_ref[...] = ep + g_ref[...]


def _final_tc(we, eat, g):
    e = eat.shape[1]
    blk = 12800
    grid = e // blk
    return pl.pallas_call(
        _final_body,
        grid=(grid,),
        in_specs=[
            pl.BlockSpec((IN_EDGE, IN_EDGE), lambda i: (0, 0)),
            pl.BlockSpec((IN_EDGE, blk), lambda i: (0, i)),
            pl.BlockSpec((OUT_DIM, blk), lambda i: (0, i)),
        ],
        out_specs=pl.BlockSpec((OUT_DIM, blk), lambda i: (0, i)),
        out_shape=jax.ShapeDtypeStruct((OUT_DIM, e), jnp.float32),
    )(we, eat, g)


def kernel(x, edge_index, edge_attr, W):
    x = x.astype(jnp.float32)
    W = W.astype(jnp.float32)
    e = edge_attr.shape[0]
    ei_flat = (edge_index.astype(jnp.int32)
               .reshape(2, e // 128, 128)
               .transpose(1, 0, 2)
               .reshape(-1))

    wn = jnp.concatenate(
        [W[:, :IN_NODE].T, W[:, IN_NODE + IN_EDGE:].T], axis=1)
    psrc, pdst = _node_proj(x, wn)

    g = _sc_gather_add(psrc, pdst, ei_flat)

    we = W[:, IN_NODE:IN_NODE + IN_EDGE]
    eat = edge_attr.T
    out_t = _final_tc(we, eat, g)
    return out_t.T

# --- scband reference (transcript-rebuilt; emitter-appended) ---
"""Pipeline reference for scband-triplet-linear-56478819943052 (READ-ONLY COPY).

The authoritative reference and input builder live on the scoring server;
editing this copy changes nothing except your own understanding.
"""

import jax, jax.numpy as jnp
import numpy as np

IN_NODE_DIM = 128
IN_EDGE_DIM = 16
OUT_EDGE_DIM = 16
N_NODES = 10000
N_EDGES = 320000


def setup_inputs(seed: int = 0) -> dict:
    key = jax.random.key(seed)
    k_x, k_e, k_idx, k_w = jax.random.split(key, 4)
    x = jax.random.normal(k_x, (N_NODES, IN_NODE_DIM), dtype=jnp.float32)
    edge_attr = jax.random.normal(k_e, (N_EDGES, IN_EDGE_DIM), dtype=jnp.float32)
    edge_index = jax.random.randint(k_idx, (2, N_EDGES), 0, N_NODES, dtype=jnp.int64)
    # xavier_normal_ with gain=1.414 on weight of shape [out, in]
    fan_in = IN_NODE_DIM * 2 + IN_EDGE_DIM
    fan_out = OUT_EDGE_DIM
    std = 1.414 * np.sqrt(2.0 / (fan_in + fan_out))
    W = jax.random.normal(k_w, (OUT_EDGE_DIM, fan_in), dtype=jnp.float32) * std
    return {"x": x, "edge_index": edge_index, "edge_attr": edge_attr, "W": W}


def reference(x, edge_index, edge_attr, W):
    # DGL apply_edges(triplet_linear): per-edge concat of src emb, edge emb, dst emb
    src = jnp.take(x, edge_index[0], axis=0)   # [E, in_node_dim]
    dst = jnp.take(x, edge_index[1], axis=0)   # [E, in_node_dim]
    triplets = jnp.concatenate([src, edge_attr, dst], axis=-1)  # [E, 2*in_node + in_edge]
    # Linear (bias=False): edata['emb'] = triplets @ W.T
    out = triplets @ W.T  # [E, out_edge_dim]
    return out

if __name__ == "__main__":
    import jax
    _d = setup_inputs()
    print(jax.jit(kernel)(*tuple(_d.values())))

</pallas_src>

<mosaic_0001>
#map = affine_map<(d0, d1) -> (0, 0)>
#map1 = affine_map<(d0, d1) -> (0)>
module attributes {stable_mosaic.version = 14 : i64} {
  func.func @_sc_gather_add_body(%arg0: i32, %arg1: i32, %arg2: memref<10000x16xf32, #tpu.memory_space<hbm>>, %arg3: memref<10000x16xf32, #tpu.memory_space<hbm>>, %arg4: memref<640000xi32, #tpu.memory_space<hbm>>, %arg5: memref<16x320000xf32, #tpu.memory_space<hbm>>, %arg6: memref<2048xi32, #tpu.memory_space<vmem>>, %arg7: memref<2048x16xf32, #tpu.memory_space<vmem>>, %arg8: memref<16x1024xf32, #tpu.memory_space<vmem>>, %arg9: memref<!tpu.dma_semaphore, #tpu.memory_space<semaphore_mem>>) attributes {dimension_semantics = [#tpu.dimension_semantics<core_parallel>, #tpu.dimension_semantics<subcore_parallel>], iteration_bounds = array<i64: 2, 16>, scalar_prefetch = 0 : i64, scratch_operands = 4 : i64, tpu.core_type = #tpu.core_type<sc_vector_subcore>, window_params = [{transform_indices = #map}, {transform_indices = #map}, {transform_indices = #map1}, {transform_indices = #map}]} {
    %mul3A = arith.constant 2 : i32
    %mul3A_0 = arith.muli %arg1, %mul3A : i32
    %add3A = arith.addi %mul3A_0, %arg0 : i32
    %mul3A_1 = arith.constant 78 : i32
    %mul3A_2 = arith.muli %mul3A_1, %add3A : i32
    %min3A = arith.constant 4 : i32
    %min3A_3 = arith.minsi %add3A, %min3A : i32
    %add3A_4 = arith.addi %mul3A_2, %min3A_3 : i32
    %lt3A = arith.constant 4 : i32
    %lt3A_5 = arith.cmpi slt, %add3A, %lt3A : i32
    %convert_element_type3A = arith.extui %lt3A_5 : i1 to i32
    %add3A_6 = arith.constant 6 : i32
    %add3A_7 = arith.addi %add3A_6, %convert_element_type3A : i32
    %iota3A = tpu.iota {dimensions = array<i32: 0>} : vector<16xi32>
    %scan3A = arith.constant 0 : i32
    %scan3A_8 = arith.constant 0 : i32
    %scan3A_9 = arith.constant 9 : i32
    %scan3A_10 = arith.addi %scan3A_8, %scan3A_9 : i32
    %scan3A_11 = arith.constant 1 : i32
    %scan3A_12 = scf.for %scan3A_25 = %scan3A_8 to %scan3A_10 step %scan3A_11 iter_args(%scan3A_26 = %scan3A) -> (i32)  : i32 {
      %mul3A_27 = arith.constant 8 : i32
      %mul3A_28 = arith.muli %mul3A_27, %scan3A_25 : i32
      %add3A_29 = arith.addi %add3A_4, %mul3A_28 : i32
      %mul3A_30 = arith.constant 256 : i32
      %mul3A_31 = arith.muli %add3A_29, %mul3A_30 : i32
      "tpu.region"() ({
        %run_scoped3A = tpu.sem_alloc : memref<!tpu.dma_semaphore, #tpu.memory_space<semaphore_mem>>
        %dma_start3A_312 = arith.constant 0 : i32
        %dma_start3A_313 = tpu.memref_slice %arg6[%dma_start3A_312] : memref<2048xi32, #tpu.memory_space<vmem>> -> memref<2048xi32, #tpu.memory_space<vmem>>
        %dma_start3A_314 = tpu.memref_slice %arg4[%mul3A_31] : memref<640000xi32, #tpu.memory_space<hbm>> -> memref<2048xi32, #tpu.memory_space<hbm>>
        %dma_start3A_315 = arith.constant 0 : i32
        %dma_start3A_316 = tpu.memref_slice %arg6[%dma_start3A_315] : memref<2048xi32, #tpu.memory_space<vmem>> -> memref<2048xi32, #tpu.memory_space<vmem>>
        %dma_start3A_317 = tpu.memref_slice %arg4[%mul3A_31] : memref<640000xi32, #tpu.memory_space<hbm>> -> memref<2048xi32, #tpu.memory_space<hbm>>
        tpu.enqueue_dma source(%dma_start3A_317 : memref<2048xi32, #tpu.memory_space<hbm>>) target(%dma_start3A_316 : memref<2048xi32, #tpu.memory_space<vmem>>) target_semaphore(%run_scoped3A : memref<!tpu.dma_semaphore, #tpu.memory_space<semaphore_mem>>)
        %dma_wait3A_318 = arith.constant 0 : i32
        %dma_wait3A_319 = tpu.memref_slice %arg6[%dma_wait3A_318] : memref<2048xi32, #tpu.memory_space<vmem>> -> memref<2048xi32, #tpu.memory_space<vmem>>
        %dma_wait3A_320 = tpu.memref_slice %arg4[%mul3A_31] : memref<640000xi32, #tpu.memory_space<hbm>> -> memref<2048xi32, #tpu.memory_space<hbm>>
        %dma_wait3A_321 = arith.constant 0 : i32
        %dma_wait3A_322 = tpu.memref_slice %arg6[%dma_wait3A_321] : memref<2048xi32, #tpu.memory_space<vmem>> -> memref<2048xi32, #tpu.memory_space<vmem>>
        %dma_wait3A_323 = tpu.memref_slice %arg4[%mul3A_31] : memref<640000xi32, #tpu.memory_space<hbm>> -> memref<2048xi32, #tpu.memory_space<hbm>>
        tpu.wait_dma2 semaphore(%run_scoped3A : memref<!tpu.dma_semaphore, #tpu.memory_space<semaphore_mem>>) src(%dma_wait3A_323 : memref<2048xi32, #tpu.memory_space<hbm>>) dst(%dma_wait3A_322 : memref<2048xi32, #tpu.memory_space<vmem>>)
        tpu.yield
      }) : () -> ()
      %dma_start3A = arith.constant 0 : i32
      %dma_start3A_32 = arith.constant 0 : i32
      %dma_start3A_33 = tpu.memref_slice %arg7[%dma_start3A, %dma_start3A_32] : memref<2048x16xf32, #tpu.memory_space<vmem>> -> memref<128x16xf32, #tpu.memory_space<vmem>>
      %dma_start3A_34 = arith.constant 0 : i32
      %dma_start3A_35 = tpu.memref_slice %arg6[%dma_start3A_34] : memref<2048xi32, #tpu.memory_space<vmem>> -> memref<128xi32, #tpu.memory_space<vmem>>
      %dma_start3A_36 = arith.constant 0 : i32
      %dma_start3A_37 = arith.constant 0 : i32
      %dma_start3A_38 = tpu.memref_slice %arg2[%dma_start3A_36, %dma_start3A_37] : memref<10000x16xf32, #tpu.memory_space<hbm>> -> memref<10000x16xf32, #tpu.memory_space<hbm>>
      tpu.enqueue_indirect_dma source(%dma_start3A_38 : memref<10000x16xf32, #tpu.memory_space<hbm>>) target(%dma_start3A_33 : memref<128x16xf32, #tpu.memory_space<vmem>>) offsets(%dma_start3A_35 : memref<128xi32, #tpu.memory_space<vmem>>) semaphore(%arg9 : memref<!tpu.dma_semaphore, #tpu.memory_space<semaphore_mem>>)
      %dma_start3A_39 = arith.constant 128 : i32
      %dma_start3A_40 = arith.constant 0 : i32
      %dma_start3A_41 = tpu.memref_slice %arg7[%dma_start3A_39, %dma_start3A_40] : memref<2048x16xf32, #tpu.memory_space<vmem>> -> memref<128x16xf32, #tpu.memory_space<vmem>>
      %dma_start3A_42 = arith.constant 128 : i32
      %dma_start3A_43 = tpu.memref_slice %arg6[%dma_start3A_42] : memref<2048xi32, #tpu.memory_space<vmem>> -> memref<128xi32, #tpu.memory_space<vmem>>
      %dma_start3A_44 = arith.constant 0 : i32
      %dma_start3A_45 = arith.constant 0 : i32
      %dma_start3A_46 = tpu.memref_slice %arg3[%dma_start3A_44, %dma_start3A_45] : memref<10000x16xf32, #tpu.memory_space<hbm>> -> memref<10000x16xf32, #tpu.memory_space<hbm>>
      tpu.enqueue_indirect_dma source(%dma_start3A_46 : memref<10000x16xf32, #tpu.memory_space<hbm>>) target(%dma_start3A_41 : memref<128x16xf32, #tpu.memory_space<vmem>>) offsets(%dma_start3A_43 : memref<128xi32, #tpu.memory_space<vmem>>) semaphore(%arg9 : memref<!tpu.dma_semaphore, #tpu.memory_space<semaphore_mem>>)
      %dma_start3A_47 = arith.constant 256 : i32
      %dma_start3A_48 = arith.constant 0 : i32
      %dma_start3A_49 = tpu.memref_slice %arg7[%dma_start3A_47, %dma_start3A_48] : memref<2048x16xf32, #tpu.memory_space<vmem>> -> memref<128x16xf32, #tpu.memory_space<vmem>>
      %dma_start3A_50 = arith.constant 256 : i32
      %dma_start3A_51 = tpu.memref_slice %arg6[%dma_start3A_50] : memref<2048xi32, #tpu.memory_space<vmem>> -> memref<128xi32, #tpu.memory_space<vmem>>
      %dma_start3A_52 = arith.constant 0 : i32
      %dma_start3A_53 = arith.constant 0 : i32
      %dma_start3A_54 = tpu.memref_slice %arg2[%dma_start3A_52, %dma_start3A_53] : memref<10000x16xf32, #tpu.memory_space<hbm>> -> memref<10000x16xf32, #tpu.memory_space<hbm>>
      tpu.enqueue_indirect_dma source(%dma_start3A_54 : memref<10000x16xf32, #tpu.memory_space<hbm>>) target(%dma_start3A_49 : memref<128x16xf32, #tpu.memory_space<vmem>>) offsets(%dma_start3A_51 : memref<128xi32, #tpu.memory_space<vmem>>) semaphore(%arg9 : memref<!tpu.dma_semaphore, #tpu.memory_space<semaphore_mem>>)
      %dma_start3A_55 = arith.constant 384 : i32
      %dma_start3A_56 = arith.constant 0 : i32
      %dma_start3A_57 = tpu.memref_slice %arg7[%dma_start3A_55, %dma_start3A_56] : memref<2048x16xf32, #tpu.memory_space<vmem>> -> memref<128x16xf32, #tpu.memory_space<vmem>>
      %dma_start3A_58 = arith.constant 384 : i32
      %dma_start3A_59 = tpu.memref_slice %arg6[%dma_start3A_58] : memref<2048xi32, #tpu.memory_space<vmem>> -> memref<128xi32, #tpu.memory_space<vmem>>
      %dma_start3A_60 = arith.constant 0 : i32
      %dma_start3A_61 = arith.constant 0 : i32
      %dma_start3A_62 = tpu.memref_slice %arg3[%dma_start3A_60, %dma_start3A_61] : memref<10000x16xf32, #tpu.memory_space<hbm>> -> memref<10000x16xf32, #tpu.memory_space<hbm>>
      tpu.enqueue_indirect_dma source(%dma_start3A_62 : memref<10000x16xf32, #tpu.memory_space<hbm>>) target(%dma_start3A_57 : memref<128x16xf32, #tpu.memory_space<vmem>>) offsets(%dma_start3A_59 : memref<128xi32, #tpu.memory_space<vmem>>) semaphore(%arg9 : memref<!tpu.dma_semaphore, #tpu.memory_space<semaphore_mem>>)
      %dma_start3A_63 = arith.constant 512 : i32
      %dma_start3A_64 = arith.constant 0 : i32
      %dma_start3A_65 = tpu.memref_slice %arg7[%dma_start3A_63, %dma_start3A_64] : memref<2048x16xf32, #tpu.memory_space<vmem>> -> memref<128x16xf32, #tpu.memory_space<vmem>>
      %dma_start3A_66 = arith.constant 512 : i32
      %dma_start3A_67 = tpu.memref_slice %arg6[%dma_start3A_66] : memref<2048xi32, #tpu.memory_space<vmem>> -> memref<128xi32, #tpu.memory_space<vmem>>
      %dma_start3A_68 = arith.constant 0 : i32
      %dma_start3A_69 = arith.constant 0 : i32
      %dma_start3A_70 = tpu.memref_slice %arg2[%dma_start3A_68, %dma_start3A_69] : memref<10000x16xf32, #tpu.memory_space<hbm>> -> memref<10000x16xf32, #tpu.memory_space<hbm>>
      tpu.enqueue_indirect_dma source(%dma_start3A_70 : memref<10000x16xf32, #tpu.memory_space<hbm>>) target(%dma_start3A_65 : memref<128x16xf32, #tpu.memory_space<vmem>>) offsets(%dma_start3A_67 : memref<128xi32, #tpu.memory_space<vmem>>) semaphore(%arg9 : memref<!tpu.dma_semaphore, #tpu.memory_space<semaphore_mem>>)
      %dma_start3A_71 = arith.constant 640 : i32
      %dma_start3A_72 = arith.constant 0 : i32
      %dma_start3A_73 = tpu.memref_slice %arg7[%dma_start3A_71, %dma_start3A_72] : memref<2048x16xf32, #tpu.memory_space<vmem>> -> memref<128x16xf32, #tpu.memory_space<vmem>>
      %dma_start3A_74 = arith.constant 640 : i32
      %dma_start3A_75 = tpu.memref_slice %arg6[%dma_start3A_74] : memref<2048xi32, #tpu.memory_space<vmem>> -> memref<128xi32, #tpu.memory_space<vmem>>
      %dma_start3A_76 = arith.constant 0 : i32
      %dma_start3A_77 = arith.constant 0 : i32
      %dma_start3A_78 = tpu.memref_slice %arg3[%dma_start3A_76, %dma_start3A_77] : memref<10000x16xf32, #tpu.memory_space<hbm>> -> memref<10000x16xf32, #tpu.memory_space<hbm>>
      tpu.enqueue_indirect_dma source(%dma_start3A_78 : memref<10000x16xf32, #tpu.memory_space<hbm>>) target(%dma_start3A_73 : memref<128x16xf32, #tpu.memory_space<vmem>>) offsets(%dma_start3A_75 : memref<128xi32, #tpu.memory_space<vmem>>) semaphore(%arg9 : memref<!tpu.dma_semaphore, #tpu.memory_space<semaphore_mem>>)
      %dma_start3A_79 = arith.constant 768 : i32
      %dma_start3A_80 = arith.constant 0 : i32
      %dma_start3A_81 = tpu.memref_slice %arg7[%dma_start3A_79, %dma_start3A_80] : memref<2048x16xf32, #tpu.memory_space<vmem>> -> memref<128x16xf32, #tpu.memory_space<vmem>>
      %dma_start3A_82 = arith.constant 768 : i32
      %dma_start3A_83 = tpu.memref_slice %arg6[%dma_start3A_82] : memref<2048xi32, #tpu.memory_space<vmem>> -> memref<128xi32, #tpu.memory_space<vmem>>
      %dma_start3A_84 = arith.constant 0 : i32
      %dma_start3A_85 = arith.constant 0 : i32
      %dma_start3A_86 = tpu.memref_slice %arg2[%dma_start3A_84, %dma_start3A_85] : memref<10000x16xf32, #tpu.memory_space<hbm>> -> memref<10000x16xf32, #tpu.memory_space<hbm>>
      tpu.enqueue_indirect_dma source(%dma_start3A_86 : memref<10000x16xf32, #tpu.memory_space<hbm>>) target(%dma_start3A_81 : memref<128x16xf32, #tpu.memory_space<vmem>>) offsets(%dma_start3A_83 : memref<128xi32, #tpu.memory_space<vmem>>) semaphore(%arg9 : memref<!tpu.dma_semaphore, #tpu.memory_space<semaphore_mem>>)
      %dma_start3A_87 = arith.constant 896 : i32
      %dma_start3A_88 = arith.constant 0 : i32
      %dma_start3A_89 = tpu.memref_slice %arg7[%dma_start3A_87, %dma_start3A_88] : memref<2048x16xf32, #tpu.memory_space<vmem>> -> memref<128x16xf32, #tpu.memory_space<vmem>>
      %dma_start3A_90 = arith.constant 896 : i32
      %dma_start3A_91 = tpu.memref_slice %arg6[%dma_start3A_90] : memref<2048xi32, #tpu.memory_space<vmem>> -> memref<128xi32, #tpu.memory_space<vmem>>
      %dma_start3A_92 = arith.constant 0 : i32
      %dma_start3A_93 = arith.constant 0 : i32
      %dma_start3A_94 = tpu.memref_slice %arg3[%dma_start3A_92, %dma_start3A_93] : memref<10000x16xf32, #tpu.memory_space<hbm>> -> memref<10000x16xf32, #tpu.memory_space<hbm>>
      tpu.enqueue_indirect_dma source(%dma_start3A_94 : memref<10000x16xf32, #tpu.memory_space<hbm>>) target(%dma_start3A_89 : memref<128x16xf32, #tpu.memory_space<vmem>>) offsets(%dma_start3A_91 : memref<128xi32, #tpu.memory_space<vmem>>) semaphore(%arg9 : memref<!tpu.dma_semaphore, #tpu.memory_space<semaphore_mem>>)
      %dma_start3A_95 = arith.constant 1024 : i32
      %dma_start3A_96 = arith.constant 0 : i32
      %dma_start3A_97 = tpu.memref_slice %arg7[%dma_start3A_95, %dma_start3A_96] : memref<2048x16xf32, #tpu.memory_space<vmem>> -> memref<128x16xf32, #tpu.memory_space<vmem>>
      %dma_start3A_98 = arith.constant 1024 : i32
      %dma_start3A_99 = tpu.memref_slice %arg6[%dma_start3A_98] : memref<2048xi32, #tpu.memory_space<vmem>> -> memref<128xi32, #tpu.memory_space<vmem>>
      %dma_start3A_100 = arith.constant 0 : i32
      %dma_start3A_101 = arith.constant 0 : i32
      %dma_start3A_102 = tpu.memref_slice %arg2[%dma_start3A_100, %dma_start3A_101] : memref<10000x16xf32, #tpu.memory_space<hbm>> -> memref<10000x16xf32, #tpu.memory_space<hbm>>
      tpu.enqueue_indirect_dma source(%dma_start3A_102 : memref<10000x16xf32, #tpu.memory_space<hbm>>) target(%dma_start3A_97 : memref<128x16xf32, #tpu.memory_space<vmem>>) offsets(%dma_start3A_99 : memref<128xi32, #tpu.memory_space<vmem>>) semaphore(%arg9 : memref<!tpu.dma_semaphore, #tpu.memory_space<semaphore_mem>>)
      %dma_start3A_103 = arith.constant 1152 : i32
      %dma_start3A_104 = arith.constant 0 : i32
      %dma_start3A_105 = tpu.memref_slice %arg7[%dma_start3A_103, %dma_start3A_104] : memref<2048x16xf32, #tpu.memory_space<vmem>> -> memref<128x16xf32, #tpu.memory_space<vmem>>
      %dma_start3A_106 = arith.constant 1152 : i32
      %dma_start3A_107 = tpu.memref_slice %arg6[%dma_start3A_106] : memref<2048xi32, #tpu.memory_space<vmem>> -> memref<128xi32, #tpu.memory_space<vmem>>
      %dma_start3A_108 = arith.constant 0 : i32
      %dma_start3A_109 = arith.constant 0 : i32
      %dma_start3A_110 = tpu.memref_slice %arg3[%dma_start3A_108, %dma_start3A_109] : memref<10000x16xf32, #tpu.memory_space<hbm>> -> memref<10000x16xf32, #tpu.memory_space<hbm>>
      tpu.enqueue_indirect_dma source(%dma_start3A_110 : memref<10000x16xf32, #tpu.memory_space<hbm>>) target(%dma_start3A_105 : memref<128x16xf32, #tpu.memory_space<vmem>>) offsets(%dma_start3A_107 : memref<128xi32, #tpu.memory_space<vmem>>) semaphore(%arg9 : memref<!tpu.dma_semaphore, #tpu.memory_space<semaphore_mem>>)
      %dma_start3A_111 = arith.constant 1280 : i32
      %dma_start3A_112 = arith.constant 0 : i32
      %dma_start3A_113 = tpu.memref_slice %arg7[%dma_start3A_111, %dma_start3A_112] : memref<2048x16xf32, #tpu.memory_space<vmem>> -> memref<128x16xf32, #tpu.memory_space<vmem>>
      %dma_start3A_114 = arith.constant 1280 : i32
      %dma_start3A_115 = tpu.memref_slice %arg6[%dma_start3A_114] : memref<2048xi32, #tpu.memory_space<vmem>> -> memref<128xi32, #tpu.memory_space<vmem>>
      %dma_start3A_116 = arith.constant 0 : i32
      %dma_start3A_117 = arith.constant 0 : i32
      %dma_start3A_118 = tpu.memref_slice %arg2[%dma_start3A_116, %dma_start3A_117] : memref<10000x16xf32, #tpu.memory_space<hbm>> -> memref<10000x16xf32, #tpu.memory_space<hbm>>
      tpu.enqueue_indirect_dma source(%dma_start3A_118 : memref<10000x16xf32, #tpu.memory_space<hbm>>) target(%dma_start3A_113 : memref<128x16xf32, #tpu.memory_space<vmem>>) offsets(%dma_start3A_115 : memref<128xi32, #tpu.memory_space<vmem>>) semaphore(%arg9 : memref<!tpu.dma_semaphore, #tpu.memory_space<semaphore_mem>>)
      %dma_start3A_119 = arith.constant 1408 : i32
      %dma_start3A_120 = arith.constant 0 : i32
      %dma_start3A_121 = tpu.memref_slice %arg7[%dma_start3A_119, %dma_start3A_120] : memref<2048x16xf32, #tpu.memory_space<vmem>> -> memref<128x16xf32, #tpu.memory_space<vmem>>
      %dma_start3A_122 = arith.constant 1408 : i32
      %dma_start3A_123 = tpu.memref_slice %arg6[%dma_start3A_122] : memref<2048xi32, #tpu.memory_space<vmem>> -> memref<128xi32, #tpu.memory_space<vmem>>
      %dma_start3A_124 = arith.constant 0 : i32
      %dma_start3A_125 = arith.constant 0 : i32
      %dma_start3A_126 = tpu.memref_slice %arg3[%dma_start3A_124, %dma_start3A_125] : memref<10000x16xf32, #tpu.memory_space<hbm>> -> memref<10000x16xf32, #tpu.memory_space<hbm>>
      tpu.enqueue_indirect_dma source(%dma_start3A_126 : memref<10000x16xf32, #tpu.memory_space<hbm>>) target(%dma_start3A_121 : memref<128x16xf32, #tpu.memory_space<vmem>>) offsets(%dma_start3A_123 : memref<128xi32, #tpu.memory_space<vmem>>) semaphore(%arg9 : memref<!tpu.dma_semaphore, #tpu.memory_space<semaphore_mem>>)
      %dma_start3A_127 = arith.constant 1536 : i32
      %dma_start3A_128 = arith.constant 0 : i32
      %dma_start3A_129 = tpu.memref_slice %arg7[%dma_start3A_127, %dma_start3A_128] : memref<2048x16xf32, #tpu.memory_space<vmem>> -> memref<128x16xf32, #tpu.memory_space<vmem>>
      %dma_start3A_130 = arith.constant 1536 : i32
      %dma_start3A_131 = tpu.memref_slice %arg6[%dma_start3A_130] : memref<2048xi32, #tpu.memory_space<vmem>> -> memref<128xi32, #tpu.memory_space<vmem>>
      %dma_start3A_132 = arith.constant 0 : i32
      %dma_start3A_133 = arith.constant 0 : i32
      %dma_start3A_134 = tpu.memref_slice %arg2[%dma_start3A_132, %dma_start3A_133] : memref<10000x16xf32, #tpu.memory_space<hbm>> -> memref<10000x16xf32, #tpu.memory_space<hbm>>
      tpu.enqueue_indirect_dma source(%dma_start3A_134 : memref<10000x16xf32, #tpu.memory_space<hbm>>) target(%dma_start3A_129 : memref<128x16xf32, #tpu.memory_space<vmem>>) offsets(%dma_start3A_131 : memref<128xi32, #tpu.memory_space<vmem>>) semaphore(%arg9 : memref<!tpu.dma_semaphore, #tpu.memory_space<semaphore_mem>>)
      %dma_start3A_135 = arith.constant 1664 : i32
      %dma_start3A_136 = arith.constant 0 : i32
      %dma_start3A_137 = tpu.memref_slice %arg7[%dma_start3A_135, %dma_start3A_136] : memref<2048x16xf32, #tpu.memory_space<vmem>> -> memref<128x16xf32, #tpu.memory_space<vmem>>
      %dma_start3A_138 = arith.constant 1664 : i32
      %dma_start3A_139 = tpu.memref_slice %arg6[%dma_start3A_138] : memref<2048xi32, #tpu.memory_space<vmem>> -> memref<128xi32, #tpu.memory_space<vmem>>
      %dma_start3A_140 = arith.constant 0 : i32
      %dma_start3A_141 = arith.constant 0 : i32
      %dma_start3A_142 = tpu.memref_slice %arg3[%dma_start3A_140, %dma_start3A_141] : memref<10000x16xf32, #tpu.memory_space<hbm>> -> memref<10000x16xf32, #tpu.memory_space<hbm>>
      tpu.enqueue_indirect_dma source(%dma_start3A_142 : memref<10000x16xf32, #tpu.memory_space<hbm>>) target(%dma_start3A_137 : memref<128x16xf32, #tpu.memory_space<vmem>>) offsets(%dma_start3A_139 : memref<128xi32, #tpu.memory_space<vmem>>) semaphore(%arg9 : memref<!tpu.dma_semaphore, #tpu.memory_space<semaphore_mem>>)
      %dma_start3A_143 = arith.constant 1792 : i32
      %dma_start3A_144 = arith.constant 0 : i32
      %dma_start3A_145 = tpu.memref_slice %arg7[%dma_start3A_143, %dma_start3A_144] : memref<2048x16xf32, #tpu.memory_space<vmem>> -> memref<128x16xf32, #tpu.memory_space<vmem>>
      %dma_start3A_146 = arith.constant 1792 : i32
      %dma_start3A_147 = tpu.memref_slice %arg6[%dma_start3A_146] : memref<2048xi32, #tpu.memory_space<vmem>> -> memref<128xi32, #tpu.memory_space<vmem>>
      %dma_start3A_148 = arith.constant 0 : i32
      %dma_start3A_149 = arith.constant 0 : i32
      %dma_start3A_150 = tpu.memref_slice %arg2[%dma_start3A_148, %dma_start3A_149] : memref<10000x16xf32, #tpu.memory_space<hbm>> -> memref<10000x16xf32, #tpu.memory_space<hbm>>
      tpu.enqueue_indirect_dma source(%dma_start3A_150 : memref<10000x16xf32, #tpu.memory_space<hbm>>) target(%dma_start3A_145 : memref<128x16xf32, #tpu.memory_space<vmem>>) offsets(%dma_start3A_147 : memref<128xi32, #tpu.memory_space<vmem>>) semaphore(%arg9 : memref<!tpu.dma_semaphore, #tpu.memory_space<semaphore_mem>>)
      %dma_start3A_151 = arith.constant 1920 : i32
      %dma_start3A_152 = arith.constant 0 : i32
      %dma_start3A_153 = tpu.memref_slice %arg7[%dma_start3A_151, %dma_start3A_152] : memref<2048x16xf32, #tpu.memory_space<vmem>> -> memref<128x16xf32, #tpu.memory_space<vmem>>
      %dma_start3A_154 = arith.constant 1920 : i32
      %dma_start3A_155 = tpu.memref_slice %arg6[%dma_start3A_154] : memref<2048xi32, #tpu.memory_space<vmem>> -> memref<128xi32, #tpu.memory_space<vmem>>
      %dma_start3A_156 = arith.constant 0 : i32
      %dma_start3A_157 = arith.constant 0 : i32
      %dma_start3A_158 = tpu.memref_slice %arg3[%dma_start3A_156, %dma_start3A_157] : memref<10000x16xf32, #tpu.memory_space<hbm>> -> memref<10000x16xf32, #tpu.memory_space<hbm>>
      tpu.enqueue_indirect_dma source(%dma_start3A_158 : memref<10000x16xf32, #tpu.memory_space<hbm>>) target(%dma_start3A_153 : memref<128x16xf32, #tpu.memory_space<vmem>>) offsets(%dma_start3A_155 : memref<128xi32, #tpu.memory_space<vmem>>) semaphore(%arg9 : memref<!tpu.dma_semaphore, #tpu.memory_space<semaphore_mem>>)
      %dma_wait3A = arith.constant 0 : i32
      %dma_wait3A_159 = arith.constant 0 : i32
      %dma_wait3A_160 = tpu.memref_slice %arg7[%dma_wait3A, %dma_wait3A_159] : memref<2048x16xf32, #tpu.memory_space<vmem>> -> memref<128x16xf32, #tpu.memory_space<vmem>>
      %dma_wait3A_161 = arith.constant 0 : i32
      %dma_wait3A_162 = tpu.memref_slice %arg6[%dma_wait3A_161] : memref<2048xi32, #tpu.memory_space<vmem>> -> memref<128xi32, #tpu.memory_space<vmem>>
      %dma_wait3A_163 = arith.constant 0 : i32
      %dma_wait3A_164 = arith.constant 0 : i32
      %dma_wait3A_165 = tpu.memref_slice %arg2[%dma_wait3A_163, %dma_wait3A_164] : memref<10000x16xf32, #tpu.memory_space<hbm>> -> memref<10000x16xf32, #tpu.memory_space<hbm>>
      tpu.wait_indirect_dma semaphore(%arg9 : memref<!tpu.dma_semaphore, #tpu.memory_space<semaphore_mem>>) src(%dma_wait3A_165 : memref<10000x16xf32, #tpu.memory_space<hbm>>) dst(%dma_wait3A_160 : memref<128x16xf32, #tpu.memory_space<vmem>>)
      %dma_wait3A_166 = arith.constant 128 : i32
      %dma_wait3A_167 = arith.constant 0 : i32
      %dma_wait3A_168 = tpu.memref_slice %arg7[%dma_wait3A_166, %dma_wait3A_167] : memref<2048x16xf32, #tpu.memory_space<vmem>> -> memref<128x16xf32, #tpu.memory_space<vmem>>
      %dma_wait3A_169 = arith.constant 128 : i32
      %dma_wait3A_170 = tpu.memref_slice %arg6[%dma_wait3A_169] : memref<2048xi32, #tpu.memory_space<vmem>> -> memref<128xi32, #tpu.memory_space<vmem>>
      %dma_wait3A_171 = arith.constant 0 : i32
      %dma_wait3A_172 = arith.constant 0 : i32
      %dma_wait3A_173 = tpu.memref_slice %arg3[%dma_wait3A_171, %dma_wait3A_172] : memref<10000x16xf32, #tpu.memory_space<hbm>> -> memref<10000x16xf32, #tpu.memory_space<hbm>>
      tpu.wait_indirect_dma semaphore(%arg9 : memref<!tpu.dma_semaphore, #tpu.memory_space<semaphore_mem>>) src(%dma_wait3A_173 : memref<10000x16xf32, #tpu.memory_space<hbm>>) dst(%dma_wait3A_168 : memref<128x16xf32, #tpu.memory_space<vmem>>)
      %dma_wait3A_174 = arith.constant 256 : i32
      %dma_wait3A_175 = arith.constant 0 : i32
      %dma_wait3A_176 = tpu.memref_slice %arg7[%dma_wait3A_174, %dma_wait3A_175] : memref<2048x16xf32, #tpu.memory_space<vmem>> -> memref<128x16xf32, #tpu.memory_space<vmem>>
      %dma_wait3A_177 = arith.constant 256 : i32
      %dma_wait3A_178 = tpu.memref_slice %arg6[%dma_wait3A_177] : memref<2048xi32, #tpu.memory_space<vmem>> -> memref<128xi32, #tpu.memory_space<vmem>>
      %dma_wait3A_179 = arith.constant 0 : i32
      %dma_wait3A_180 = arith.constant 0 : i32
      %dma_wait3A_181 = tpu.memref_slice %arg2[%dma_wait3A_179, %dma_wait3A_180] : memref<10000x16xf32, #tpu.memory_space<hbm>> -> memref<10000x16xf32, #tpu.memory_space<hbm>>
      tpu.wait_indirect_dma semaphore(%arg9 : memref<!tpu.dma_semaphore, #tpu.memory_space<semaphore_mem>>) src(%dma_wait3A_181 : memref<10000x16xf32, #tpu.memory_space<hbm>>) dst(%dma_wait3A_176 : memref<128x16xf32, #tpu.memory_space<vmem>>)
      %dma_wait3A_182 = arith.constant 384 : i32
      %dma_wait3A_183 = arith.constant 0 : i32
      %dma_wait3A_184 = tpu.memref_slice %arg7[%dma_wait3A_182, %dma_wait3A_183] : memref<2048x16xf32, #tpu.memory_space<vmem>> -> memref<128x16xf32, #tpu.memory_space<vmem>>
      %dma_wait3A_185 = arith.constant 384 : i32
      %dma_wait3A_186 = tpu.memref_slice %arg6[%dma_wait3A_185] : memref<2048xi32, #tpu.memory_space<vmem>> -> memref<128xi32, #tpu.memory_space<vmem>>
      %dma_wait3A_187 = arith.constant 0 : i32
      %dma_wait3A_188 = arith.constant 0 : i32
      %dma_wait3A_189 = tpu.memref_slice %arg3[%dma_wait3A_187, %dma_wait3A_188] : memref<10000x16xf32, #tpu.memory_space<hbm>> -> memref<10000x16xf32, #tpu.memory_space<hbm>>
      tpu.wait_indirect_dma semaphore(%arg9 : memref<!tpu.dma_semaphore, #tpu.memory_space<semaphore_mem>>) src(%dma_wait3A_189 : memref<10000x16xf32, #tpu.memory_space<hbm>>) dst(%dma_wait3A_184 : memref<128x16xf32, #tpu.memory_space<vmem>>)
      %dma_wait3A_190 = arith.constant 512 : i32
      %dma_wait3A_191 = arith.constant 0 : i32
      %dma_wait3A_192 = tpu.memref_slice %arg7[%dma_wait3A_190, %dma_wait3A_191] : memref<2048x16xf32, #tpu.memory_space<vmem>> -> memref<128x16xf32, #tpu.memory_space<vmem>>
      %dma_wait3A_193 = arith.constant 512 : i32
      %dma_wait3A_194 = tpu.memref_slice %arg6[%dma_wait3A_193] : memref<2048xi32, #tpu.memory_space<vmem>> -> memref<128xi32, #tpu.memory_space<vmem>>
      %dma_wait3A_195 = arith.constant 0 : i32
      %dma_wait3A_196 = arith.constant 0 : i32
      %dma_wait3A_197 = tpu.memref_slice %arg2[%dma_wait3A_195, %dma_wait3A_196] : memref<10000x16xf32, #tpu.memory_space<hbm>> -> memref<10000x16xf32, #tpu.memory_space<hbm>>
      tpu.wait_indirect_dma semaphore(%arg9 : memref<!tpu.dma_semaphore, #tpu.memory_space<semaphore_mem>>) src(%dma_wait3A_197 : memref<10000x16xf32, #tpu.memory_space<hbm>>) dst(%dma_wait3A_192 : memref<128x16xf32, #tpu.memory_space<vmem>>)
      %dma_wait3A_198 = arith.constant 640 : i32
      %dma_wait3A_199 = arith.constant 0 : i32
      %dma_wait3A_200 = tpu.memref_slice %arg7[%dma_wait3A_198, %dma_wait3A_199] : memref<2048x16xf32, #tpu.memory_space<vmem>> -> memref<128x16xf32, #tpu.memory_space<vmem>>
      %dma_wait3A_201 = arith.constant 640 : i32
      %dma_wait3A_202 = tpu.memref_slice %arg6[%dma_wait3A_201] : memref<2048xi32, #tpu.memory_space<vmem>> -> memref<128xi32, #tpu.memory_space<vmem>>
      %dma_wait3A_203 = arith.constant 0 : i32
      %dma_wait3A_204 = arith.constant 0 : i32
      %dma_wait3A_205 = tpu.memref_slice %arg3[%dma_wait3A_203, %dma_wait3A_204] : memref<10000x16xf32, #tpu.memory_space<hbm>> -> memref<10000x16xf32, #tpu.memory_space<hbm>>
      tpu.wait_indirect_dma semaphore(%arg9 : memref<!tpu.dma_semaphore, #tpu.memory_space<semaphore_mem>>) src(%dma_wait3A_205 : memref<10000x16xf32, #tpu.memory_space<hbm>>) dst(%dma_wait3A_200 : memref<128x16xf32, #tpu.memory_space<vmem>>)
      %dma_wait3A_206 = arith.constant 768 : i32
      %dma_wait3A_207 = arith.constant 0 : i32
      %dma_wait3A_208 = tpu.memref_slice %arg7[%dma_wait3A_206, %dma_wait3A_207] : memref<2048x16xf32, #tpu.memory_space<vmem>> -> memref<128x16xf32, #tpu.memory_space<vmem>>
      %dma_wait3A_209 = arith.constant 768 : i32
      %dma_wait3A_210 = tpu.memref_slice %arg6[%dma_wait3A_209] : memref<2048xi32, #tpu.memory_space<vmem>> -> memref<128xi32, #tpu.memory_space<vmem>>
      %dma_wait3A_211 = arith.constant 0 : i32
      %dma_wait3A_212 = arith.constant 0 : i32
      %dma_wait3A_213 = tpu.memref_slice %arg2[%dma_wait3A_211, %dma_wait3A_212] : memref<10000x16xf32, #tpu.memory_space<hbm>> -> memref<10000x16xf32, #tpu.memory_space<hbm>>
      tpu.wait_indirect_dma semaphore(%arg9 : memref<!tpu.dma_semaphore, #tpu.memory_space<semaphore_mem>>) src(%dma_wait3A_213 : memref<10000x16xf32, #tpu.memory_space<hbm>>) dst(%dma_wait3A_208 : memref<128x16xf32, #tpu.memory_space<vmem>>)
      %dma_wait3A_214 = arith.constant 896 : i32
      %dma_wait3A_215 = arith.constant 0 : i32
      %dma_wait3A_216 = tpu.memref_slice %arg7[%dma_wait3A_214, %dma_wait3A_215] : memref<2048x16xf32, #tpu.memory_space<vmem>> -> memref<128x16xf32, #tpu.memory_space<vmem>>
      %dma_wait3A_217 = arith.constant 896 : i32
      %dma_wait3A_218 = tpu.memref_slice %arg6[%dma_wait3A_217] : memref<2048xi32, #tpu.memory_space<vmem>> -> memref<128xi32, #tpu.memory_space<vmem>>
      %dma_wait3A_219 = arith.constant 0 : i32
      %dma_wait3A_220 = arith.constant 0 : i32
      %dma_wait3A_221 = tpu.memref_slice %arg3[%dma_wait3A_219, %dma_wait3A_220] : memref<10000x16xf32, #tpu.memory_space<hbm>> -> memref<10000x16xf32, #tpu.memory_space<hbm>>
      tpu.wait_indirect_dma semaphore(%arg9 : memref<!tpu.dma_semaphore, #tpu.memory_space<semaphore_mem>>) src(%dma_wait3A_221 : memref<10000x16xf32, #tpu.memory_space<hbm>>) dst(%dma_wait3A_216 : memref<128x16xf32, #tpu.memory_space<vmem>>)
      %dma_wait3A_222 = arith.constant 1024 : i32
      %dma_wait3A_223 = arith.constant 0 : i32
      %dma_wait3A_224 = tpu.memref_slice %arg7[%dma_wait3A_222, %dma_wait3A_223] : memref<2048x16xf32, #tpu.memory_space<vmem>> -> memref<128x16xf32, #tpu.memory_space<vmem>>
      %dma_wait3A_225 = arith.constant 1024 : i32
      %dma_wait3A_226 = tpu.memref_slice %arg6[%dma_wait3A_225] : memref<2048xi32, #tpu.memory_space<vmem>> -> memref<128xi32, #tpu.memory_space<vmem>>
      %dma_wait3A_227 = arith.constant 0 : i32
      %dma_wait3A_228 = arith.constant 0 : i32
      %dma_wait3A_229 = tpu.memref_slice %arg2[%dma_wait3A_227, %dma_wait3A_228] : memref<10000x16xf32, #tpu.memory_space<hbm>> -> memref<10000x16xf32, #tpu.memory_space<hbm>>
      tpu.wait_indirect_dma semaphore(%arg9 : memref<!tpu.dma_semaphore, #tpu.memory_space<semaphore_mem>>) src(%dma_wait3A_229 : memref<10000x16xf32, #tpu.memory_space<hbm>>) dst(%dma_wait3A_224 : memref<128x16xf32, #tpu.memory_space<vmem>>)
      %dma_wait3A_230 = arith.constant 1152 : i32
      %dma_wait3A_231 = arith.constant 0 : i32
      %dma_wait3A_232 = tpu.memref_slice %arg7[%dma_wait3A_230, %dma_wait3A_231] : memref<2048x16xf32, #tpu.memory_space<vmem>> -> memref<128x16xf32, #tpu.memory_space<vmem>>
      %dma_wait3A_233 = arith.constant 1152 : i32
      %dma_wait3A_234 = tpu.memref_slice %arg6[%dma_wait3A_233] : memref<2048xi32, #tpu.memory_space<vmem>> -> memref<128xi32, #tpu.memory_space<vmem>>
      %dma_wait3A_235 = arith.constant 0 : i32
      %dma_wait3A_236 = arith.constant 0 : i32
      %dma_wait3A_237 = tpu.memref_slice %arg3[%dma_wait3A_235, %dma_wait3A_236] : memref<10000x16xf32, #tpu.memory_space<hbm>> -> memref<10000x16xf32, #tpu.memory_space<hbm>>
      tpu.wait_indirect_dma semaphore(%arg9 : memref<!tpu.dma_semaphore, #tpu.memory_space<semaphore_mem>>) src(%dma_wait3A_237 : memref<10000x16xf32, #tpu.memory_space<hbm>>) dst(%dma_wait3A_232 : memref<128x16xf32, #tpu.memory_space<vmem>>)
      %dma_wait3A_238 = arith.constant 1280 : i32
      %dma_wait3A_239 = arith.constant 0 : i32
      %dma_wait3A_240 = tpu.memref_slice %arg7[%dma_wait3A_238, %dma_wait3A_239] : memref<2048x16xf32, #tpu.memory_space<vmem>> -> memref<128x16xf32, #tpu.memory_space<vmem>>
      %dma_wait3A_241 = arith.constant 1280 : i32
      %dma_wait3A_242 = tpu.memref_slice %arg6[%dma_wait3A_241] : memref<2048xi32, #tpu.memory_space<vmem>> -> memref<128xi32, #tpu.memory_space<vmem>>
      %dma_wait3A_243 = arith.constant 0 : i32
      %dma_wait3A_244 = arith.constant 0 : i32
      %dma_wait3A_245 = tpu.memref_slice %arg2[%dma_wait3A_243, %dma_wait3A_244] : memref<10000x16xf32, #tpu.memory_space<hbm>> -> memref<10000x16xf32, #tpu.memory_space<hbm>>
      tpu.wait_indirect_dma semaphore(%arg9 : memref<!tpu.dma_semaphore, #tpu.memory_space<semaphore_mem>>) src(%dma_wait3A_245 : memref<10000x16xf32, #tpu.memory_space<hbm>>) dst(%dma_wait3A_240 : memref<128x16xf32, #tpu.memory_space<vmem>>)
      %dma_wait3A_246 = arith.constant 1408 : i32
      %dma_wait3A_247 = arith.constant 0 : i32
      %dma_wait3A_248 = tpu.memref_slice %arg7[%dma_wait3A_246, %dma_wait3A_247] : memref<2048x16xf32, #tpu.memory_space<vmem>> -> memref<128x16xf32, #tpu.memory_space<vmem>>
      %dma_wait3A_249 = arith.constant 1408 : i32
      %dma_wait3A_250 = tpu.memref_slice %arg6[%dma_wait3A_249] : memref<2048xi32, #tpu.memory_space<vmem>> -> memref<128xi32, #tpu.memory_space<vmem>>
      %dma_wait3A_251 = arith.constant 0 : i32
      %dma_wait3A_252 = arith.constant 0 : i32
      %dma_wait3A_253 = tpu.memref_slice %arg3[%dma_wait3A_251, %dma_wait3A_252] : memref<10000x16xf32, #tpu.memory_space<hbm>> -> memref<10000x16xf32, #tpu.memory_space<hbm>>
      tpu.wait_indirect_dma semaphore(%arg9 : memref<!tpu.dma_semaphore, #tpu.memory_space<semaphore_mem>>) src(%dma_wait3A_253 : memref<10000x16xf32, #tpu.memory_space<hbm>>) dst(%dma_wait3A_248 : memref<128x16xf32, #tpu.memory_space<vmem>>)
      %dma_wait3A_254 = arith.constant 1536 : i32
      %dma_wait3A_255 = arith.constant 0 : i32
      %dma_wait3A_256 = tpu.memref_slice %arg7[%dma_wait3A_254, %dma_wait3A_255] : memref<2048x16xf32, #tpu.memory_space<vmem>> -> memref<128x16xf32, #tpu.memory_space<vmem>>
      %dma_wait3A_257 = arith.constant 1536 : i32
      %dma_wait3A_258 = tpu.memref_slice %arg6[%dma_wait3A_257] : memref<2048xi32, #tpu.memory_space<vmem>> -> memref<128xi32, #tpu.memory_space<vmem>>
      %dma_wait3A_259 = arith.constant 0 : i32
      %dma_wait3A_260 = arith.constant 0 : i32
      %dma_wait3A_261 = tpu.memref_slice %arg2[%dma_wait3A_259, %dma_wait3A_260] : memref<10000x16xf32, #tpu.memory_space<hbm>> -> memref<10000x16xf32, #tpu.memory_space<hbm>>
      tpu.wait_indirect_dma semaphore(%arg9 : memref<!tpu.dma_semaphore, #tpu.memory_space<semaphore_mem>>) src(%dma_wait3A_261 : memref<10000x16xf32, #tpu.memory_space<hbm>>) dst(%dma_wait3A_256 : memref<128x16xf32, #tpu.memory_space<vmem>>)
      %dma_wait3A_262 = arith.constant 1664 : i32
      %dma_wait3A_263 = arith.constant 0 : i32
      %dma_wait3A_264 = tpu.memref_slice %arg7[%dma_wait3A_262, %dma_wait3A_263] : memref<2048x16xf32, #tpu.memory_space<vmem>> -> memref<128x16xf32, #tpu.memory_space<vmem>>
      %dma_wait3A_265 = arith.constant 1664 : i32
      %dma_wait3A_266 = tpu.memref_slice %arg6[%dma_wait3A_265] : memref<2048xi32, #tpu.memory_space<vmem>> -> memref<128xi32, #tpu.memory_space<vmem>>
      %dma_wait3A_267 = arith.constant 0 : i32
      %dma_wait3A_268 = arith.constant 0 : i32
      %dma_wait3A_269 = tpu.memref_slice %arg3[%dma_wait3A_267, %dma_wait3A_268] : memref<10000x16xf32, #tpu.memory_space<hbm>> -> memref<10000x16xf32, #tpu.memory_space<hbm>>
      tpu.wait_indirect_dma semaphore(%arg9 : memref<!tpu.dma_semaphore, #tpu.memory_space<semaphore_mem>>) src(%dma_wait3A_269 : memref<10000x16xf32, #tpu.memory_space<hbm>>) dst(%dma_wait3A_264 : memref<128x16xf32, #tpu.memory_space<vmem>>)
      %dma_wait3A_270 = arith.constant 1792 : i32
      %dma_wait3A_271 = arith.constant 0 : i32
      %dma_wait3A_272 = tpu.memref_slice %arg7[%dma_wait3A_270, %dma_wait3A_271] : memref<2048x16xf32, #tpu.memory_space<vmem>> -> memref<128x16xf32, #tpu.memory_space<vmem>>
      %dma_wait3A_273 = arith.constant 1792 : i32
      %dma_wait3A_274 = tpu.memref_slice %arg6[%dma_wait3A_273] : memref<2048xi32, #tpu.memory_space<vmem>> -> memref<128xi32, #tpu.memory_space<vmem>>
      %dma_wait3A_275 = arith.constant 0 : i32
      %dma_wait3A_276 = arith.constant 0 : i32
      %dma_wait3A_277 = tpu.memref_slice %arg2[%dma_wait3A_275, %dma_wait3A_276] : memref<10000x16xf32, #tpu.memory_space<hbm>> -> memref<10000x16xf32, #tpu.memory_space<hbm>>
      tpu.wait_indirect_dma semaphore(%arg9 : memref<!tpu.dma_semaphore, #tpu.memory_space<semaphore_mem>>) src(%dma_wait3A_277 : memref<10000x16xf32, #tpu.memory_space<hbm>>) dst(%dma_wait3A_272 : memref<128x16xf32, #tpu.memory_space<vmem>>)
      %dma_wait3A_278 = arith.constant 1920 : i32
      %dma_wait3A_279 = arith.constant 0 : i32
      %dma_wait3A_280 = tpu.memref_slice %arg7[%dma_wait3A_278, %dma_wait3A_279] : memref<2048x16xf32, #tpu.memory_space<vmem>> -> memref<128x16xf32, #tpu.memory_space<vmem>>
      %dma_wait3A_281 = arith.constant 1920 : i32
      %dma_wait3A_282 = tpu.memref_slice %arg6[%dma_wait3A_281] : memref<2048xi32, #tpu.memory_space<vmem>> -> memref<128xi32, #tpu.memory_space<vmem>>
      %dma_wait3A_283 = arith.constant 0 : i32
      %dma_wait3A_284 = arith.constant 0 : i32
      %dma_wait3A_285 = tpu.memref_slice %arg3[%dma_wait3A_283, %dma_wait3A_284] : memref<10000x16xf32, #tpu.memory_space<hbm>> -> memref<10000x16xf32, #tpu.memory_space<hbm>>
      tpu.wait_indirect_dma semaphore(%arg9 : memref<!tpu.dma_semaphore, #tpu.memory_space<semaphore_mem>>) src(%dma_wait3A_285 : memref<10000x16xf32, #tpu.memory_space<hbm>>) dst(%dma_wait3A_280 : memref<128x16xf32, #tpu.memory_space<vmem>>)
      %parallel_loop3A = arith.constant 0 : i32
      %parallel_loop3A_286 = arith.constant 128 : i32
      %parallel_loop3A_287 = arith.constant 8 : i32
      scf.for %parallel_loop3A_312 = %parallel_loop3A to %parallel_loop3A_286 step %parallel_loop3A_287  : i32 {
        %parallel_loop3A_313 = arith.constant 0 : i32
        %parallel_loop3A_314 = arith.addi %parallel_loop3A_313, %parallel_loop3A_312 : i32
        %parallel_loop3A_315 = arith.constant 0 : i32
        %parallel_loop3A_316 = arith.addi %parallel_loop3A_314, %parallel_loop3A_315 : i32
        %parallel_loop3A_317 = arith.index_cast %parallel_loop3A_316 : i32 to index
        %parallel_loop3A_318 = arith.constant 0 : index
        %parallel_loop3A_319 = tpu.vector_load %arg7[%parallel_loop3A_317, %parallel_loop3A_318] {strides = array<i32>} : memref<2048x16xf32, #tpu.memory_space<vmem>>, vector<16xf32>,
        %parallel_loop3A_320 = arith.constant 128 : i32
        %parallel_loop3A_321 = arith.addi %parallel_loop3A_320, %parallel_loop3A_312 : i32
        %parallel_loop3A_322 = arith.constant 0 : i32
        %parallel_loop3A_323 = arith.addi %parallel_loop3A_321, %parallel_loop3A_322 : i32
        %parallel_loop3A_324 = arith.index_cast %parallel_loop3A_323 : i32 to index
        %parallel_loop3A_325 = arith.constant 0 : index
        %parallel_loop3A_326 = tpu.vector_load %arg7[%parallel_loop3A_324, %parallel_loop3A_325] {strides = array<i32>} : memref<2048x16xf32, #tpu.memory_space<vmem>>, vector<16xf32>,
        %parallel_loop3A_327 = arith.addf %parallel_loop3A_319, %parallel_loop3A_326 : vector<16xf32>
        %parallel_loop3A_328 = arith.constant 0 : i32
        %parallel_loop3A_329 = arith.addi %parallel_loop3A_328, %parallel_loop3A_312 : i32
        %parallel_loop3A_330 = arith.constant 0 : i32
        %parallel_loop3A_331 = arith.addi %parallel_loop3A_329, %parallel_loop3A_330 : i32
        %parallel_loop3A_332 = vector.broadcast %parallel_loop3A_331 : i32 to vector<16xi32>
        tpu.vector_store_idx %arg8[%iota3A, %parallel_loop3A_332], %parallel_loop3A_327 : memref<16x1024xf32, #tpu.memory_space<vmem>>[vector<16xi32>, vector<16xi32>], vector<16xf32>,
        %parallel_loop3A_333 = arith.constant 0 : i32
        %parallel_loop3A_334 = arith.addi %parallel_loop3A_333, %parallel_loop3A_312 : i32
        %parallel_loop3A_335 = arith.constant 1 : i32
        %parallel_loop3A_336 = arith.addi %parallel_loop3A_334, %parallel_loop3A_335 : i32
        %parallel_loop3A_337 = arith.index_cast %parallel_loop3A_336 : i32 to index
        %parallel_loop3A_338 = arith.constant 0 : index
        %parallel_loop3A_339 = tpu.vector_load %arg7[%parallel_loop3A_337, %parallel_loop3A_338] {strides = array<i32>} : memref<2048x16xf32, #tpu.memory_space<vmem>>, vector<16xf32>,
        %parallel_loop3A_340 = arith.constant 128 : i32
        %parallel_loop3A_341 = arith.addi %parallel_loop3A_340, %parallel_loop3A_312 : i32
        %parallel_loop3A_342 = arith.constant 1 : i32
        %parallel_loop3A_343 = arith.addi %parallel_loop3A_341, %parallel_loop3A_342 : i32
        %parallel_loop3A_344 = arith.index_cast %parallel_loop3A_343 : i32 to index
        %parallel_loop3A_345 = arith.constant 0 : index
        %parallel_loop3A_346 = tpu.vector_load %arg7[%parallel_loop3A_344, %parallel_loop3A_345] {strides = array<i32>} : memref<2048x16xf32, #tpu.memory_space<vmem>>, vector<16xf32>,
        %parallel_loop3A_347 = arith.addf %parallel_loop3A_339, %parallel_loop3A_346 : vector<16xf32>
        %parallel_loop3A_348 = arith.constant 0 : i32
        %parallel_loop3A_349 = arith.addi %parallel_loop3A_348, %parallel_loop3A_312 : i32
        %parallel_loop3A_350 = arith.constant 1 : i32
        %parallel_loop3A_351 = arith.addi %parallel_loop3A_349, %parallel_loop3A_350 : i32
        %parallel_loop3A_352 = vector.broadcast %parallel_loop3A_351 : i32 to vector<16xi32>
        tpu.vector_store_idx %arg8[%iota3A, %parallel_loop3A_352], %parallel_loop3A_347 : memref<16x1024xf32, #tpu.memory_space<vmem>>[vector<16xi32>, vector<16xi32>], vector<16xf32>,
        %parallel_loop3A_353 = arith.constant 0 : i32
        %parallel_loop3A_354 = arith.addi %parallel_loop3A_353, %parallel_loop3A_312 : i32
        %parallel_loop3A_355 = arith.constant 2 : i32
        %parallel_loop3A_356 = arith.addi %parallel_loop3A_354, %parallel_loop3A_355 : i32
        %parallel_loop3A_357 = arith.index_cast %parallel_loop3A_356 : i32 to index
        %parallel_loop3A_358 = arith.constant 0 : index
        %parallel_loop3A_359 = tpu.vector_load %arg7[%parallel_loop3A_357, %parallel_loop3A_358] {strides = array<i32>} : memref<2048x16xf32, #tpu.memory_space<vmem>>, vector<16xf32>,
        %parallel_loop3A_360 = arith.constant 128 : i32
        %parallel_loop3A_361 = arith.addi %parallel_loop3A_360, %parallel_loop3A_312 : i32
        %parallel_loop3A_362 = arith.constant 2 : i32
        %parallel_loop3A_363 = arith.addi %parallel_loop3A_361, %parallel_loop3A_362 : i32
        %parallel_loop3A_364 = arith.index_cast %parallel_loop3A_363 : i32 to index
        %parallel_loop3A_365 = arith.constant 0 : index
        %parallel_loop3A_366 = tpu.vector_load %arg7[%parallel_loop3A_364, %parallel_loop3A_365] {strides = array<i32>} : memref<2048x16xf32, #tpu.memory_space<vmem>>, vector<16xf32>,
        %parallel_loop3A_367 = arith.addf %parallel_loop3A_359, %parallel_loop3A_366 : vector<16xf32>
        %parallel_loop3A_368 = arith.constant 0 : i32
        %parallel_loop3A_369 = arith.addi %parallel_loop3A_368, %parallel_loop3A_312 : i32
        %parallel_loop3A_370 = arith.constant 2 : i32
        %parallel_loop3A_371 = arith.addi %parallel_loop3A_369, %parallel_loop3A_370 : i32
        %parallel_loop3A_372 = vector.broadcast %parallel_loop3A_371 : i32 to vector<16xi32>
        tpu.vector_store_idx %arg8[%iota3A, %parallel_loop3A_372], %parallel_loop3A_367 : memref<16x1024xf32, #tpu.memory_space<vmem>>[vector<16xi32>, vector<16xi32>], vector<16xf32>,
        %parallel_loop3A_373 = arith.constant 0 : i32
        %parallel_loop3A_374 = arith.addi %parallel_loop3A_373, %parallel_loop3A_312 : i32
        %parallel_loop3A_375 = arith.constant 3 : i32
        %parallel_loop3A_376 = arith.addi %parallel_loop3A_374, %parallel_loop3A_375 : i32
        %parallel_loop3A_377 = arith.index_cast %parallel_loop3A_376 : i32 to index
        %parallel_loop3A_378 = arith.constant 0 : index
        %parallel_loop3A_379 = tpu.vector_load %arg7[%parallel_loop3A_377, %parallel_loop3A_378] {strides = array<i32>} : memref<2048x16xf32, #tpu.memory_space<vmem>>, vector<16xf32>,
        %parallel_loop3A_380 = arith.constant 128 : i32
        %parallel_loop3A_381 = arith.addi %parallel_loop3A_380, %parallel_loop3A_312 : i32
        %parallel_loop3A_382 = arith.constant 3 : i32
        %parallel_loop3A_383 = arith.addi %parallel_loop3A_381, %parallel_loop3A_382 : i32
        %parallel_loop3A_384 = arith.index_cast %parallel_loop3A_383 : i32 to index
        %parallel_loop3A_385 = arith.constant 0 : index
        %parallel_loop3A_386 = tpu.vector_load %arg7[%parallel_loop3A_384, %parallel_loop3A_385] {strides = array<i32>} : memref<2048x16xf32, #tpu.memory_space<vmem>>, vector<16xf32>,
        %parallel_loop3A_387 = arith.addf %parallel_loop3A_379, %parallel_loop3A_386 : vector<16xf32>
        %parallel_loop3A_388 = arith.constant 0 : i32
        %parallel_loop3A_389 = arith.addi %parallel_loop3A_388, %parallel_loop3A_312 : i32
        %parallel_loop3A_390 = arith.constant 3 : i32
        %parallel_loop3A_391 = arith.addi %parallel_loop3A_389, %parallel_loop3A_390 : i32
        %parallel_loop3A_392 = vector.broadcast %parallel_loop3A_391 : i32 to vector<16xi32>
        tpu.vector_store_idx %arg8[%iota3A, %parallel_loop3A_392], %parallel_loop3A_387 : memref<16x1024xf32, #tpu.memory_space<vmem>>[vector<16xi32>, vector<16xi32>], vector<16xf32>,
        %parallel_loop3A_393 = arith.constant 0 : i32
        %parallel_loop3A_394 = arith.addi %parallel_loop3A_393, %parallel_loop3A_312 : i32
        %parallel_loop3A_395 = arith.constant 4 : i32
        %parallel_loop3A_396 = arith.addi %parallel_loop3A_394, %parallel_loop3A_395 : i32
        %parallel_loop3A_397 = arith.index_cast %parallel_loop3A_396 : i32 to index
        %parallel_loop3A_398 = arith.constant 0 : index
        %parallel_loop3A_399 = tpu.vector_load %arg7[%parallel_loop3A_397, %parallel_loop3A_398] {strides = array<i32>} : memref<2048x16xf32, #tpu.memory_space<vmem>>, vector<16xf32>,
        %parallel_loop3A_400 = arith.constant 128 : i32
        %parallel_loop3A_401 = arith.addi %parallel_loop3A_400, %parallel_loop3A_312 : i32
        %parallel_loop3A_402 = arith.constant 4 : i32
        %parallel_loop3A_403 = arith.addi %parallel_loop3A_401, %parallel_loop3A_402 : i32
        %parallel_loop3A_404 = arith.index_cast %parallel_loop3A_403 : i32 to index
        %parallel_loop3A_405 = arith.constant 0 : index
        %parallel_loop3A_406 = tpu.vector_load %arg7[%parallel_loop3A_404, %parallel_loop3A_405] {strides = array<i32>} : memref<2048x16xf32, #tpu.memory_space<vmem>>, vector<16xf32>,
        %parallel_loop3A_407 = arith.addf %parallel_loop3A_399, %parallel_loop3A_406 : vector<16xf32>
        %parallel_loop3A_408 = arith.constant 0 : i32
        %parallel_loop3A_409 = arith.addi %parallel_loop3A_408, %parallel_loop3A_312 : i32
        %parallel_loop3A_410 = arith.constant 4 : i32
        %parallel_loop3A_411 = arith.addi %parallel_loop3A_409, %parallel_loop3A_410 : i32
        %parallel_loop3A_412 = vector.broadcast %parallel_loop3A_411 : i32 to vector<16xi32>
        tpu.vector_store_idx %arg8[%iota3A, %parallel_loop3A_412], %parallel_loop3A_407 : memref<16x1024xf32, #tpu.memory_space<vmem>>[vector<16xi32>, vector<16xi32>], vector<16xf32>,
        %parallel_loop3A_413 = arith.constant 0 : i32
        %parallel_loop3A_414 = arith.addi %parallel_loop3A_413, %parallel_loop3A_312 : i32
        %parallel_loop3A_415 = arith.constant 5 : i32
        %parallel_loop3A_416 = arith.addi %parallel_loop3A_414, %parallel_loop3A_415 : i32
        %parallel_loop3A_417 = arith.index_cast %parallel_loop3A_416 : i32 to index
        %parallel_loop3A_418 = arith.constant 0 : index
        %parallel_loop3A_419 = tpu.vector_load %arg7[%parallel_loop3A_417, %parallel_loop3A_418] {strides = array<i32>} : memref<2048x16xf32, #tpu.memory_space<vmem>>, vector<16xf32>,
        %parallel_loop3A_420 = arith.constant 128 : i32
        %parallel_loop3A_421 = arith.addi %parallel_loop3A_420, %parallel_loop3A_312 : i32
        %parallel_loop3A_422 = arith.constant 5 : i32
        %parallel_loop3A_423 = arith.addi %parallel_loop3A_421, %parallel_loop3A_422 : i32
        %parallel_loop3A_424 = arith.index_cast %parallel_loop3A_423 : i32 to index
        %parallel_loop3A_425 = arith.constant 0 : index
        %parallel_loop3A_426 = tpu.vector_load %arg7[%parallel_loop3A_424, %parallel_loop3A_425] {strides = array<i32>} : memref<2048x16xf32, #tpu.memory_space<vmem>>, vector<16xf32>,
        %parallel_loop3A_427 = arith.addf %parallel_loop3A_419, %parallel_loop3A_426 : vector<16xf32>
        %parallel_loop3A_428 = arith.constant 0 : i32
        %parallel_loop3A_429 = arith.addi %parallel_loop3A_428, %parallel_loop3A_312 : i32
        %parallel_loop3A_430 = arith.constant 5 : i32
        %parallel_loop3A_431 = arith.addi %parallel_loop3A_429, %parallel_loop3A_430 : i32
        %parallel_loop3A_432 = vector.broadcast %parallel_loop3A_431 : i32 to vector<16xi32>
        tpu.vector_store_idx %arg8[%iota3A, %parallel_loop3A_432], %parallel_loop3A_427 : memref<16x1024xf32, #tpu.memory_space<vmem>>[vector<16xi32>, vector<16xi32>], vector<16xf32>,
        %parallel_loop3A_433 = arith.constant 0 : i32
        %parallel_loop3A_434 = arith.addi %parallel_loop3A_433, %parallel_loop3A_312 : i32
        %parallel_loop3A_435 = arith.constant 6 : i32
        %parallel_loop3A_436 = arith.addi %parallel_loop3A_434, %parallel_loop3A_435 : i32
        %parallel_loop3A_437 = arith.index_cast %parallel_loop3A_436 : i32 to index
        %parallel_loop3A_438 = arith.constant 0 : index
        %parallel_loop3A_439 = tpu.vector_load %arg7[%parallel_loop3A_437, %parallel_loop3A_438] {strides = array<i32>} : memref<2048x16xf32, #tpu.memory_space<vmem>>, vector<16xf32>,
        %parallel_loop3A_440 = arith.constant 128 : i32
        %parallel_loop3A_441 = arith.addi %parallel_loop3A_440, %parallel_loop3A_312 : i32
        %parallel_loop3A_442 = arith.constant 6 : i32
        %parallel_loop3A_443 = arith.addi %parallel_loop3A_441, %parallel_loop3A_442 : i32
        %parallel_loop3A_444 = arith.index_cast %parallel_loop3A_443 : i32 to index
        %parallel_loop3A_445 = arith.constant 0 : index
        %parallel_loop3A_446 = tpu.vector_load %arg7[%parallel_loop3A_444, %parallel_loop3A_445] {strides = array<i32>} : memref<2048x16xf32, #tpu.memory_space<vmem>>, vector<16xf32>,
        %parallel_loop3A_447 = arith.addf %parallel_loop3A_439, %parallel_loop3A_446 : vector<16xf32>
        %parallel_loop3A_448 = arith.constant 0 : i32
        %parallel_loop3A_449 = arith.addi %parallel_loop3A_448, %parallel_loop3A_312 : i32
        %parallel_loop3A_450 = arith.constant 6 : i32
        %parallel_loop3A_451 = arith.addi %parallel_loop3A_449, %parallel_loop3A_450 : i32
        %parallel_loop3A_452 = vector.broadcast %parallel_loop3A_451 : i32 to vector<16xi32>
        tpu.vector_store_idx %arg8[%iota3A, %parallel_loop3A_452], %parallel_loop3A_447 : memref<16x1024xf32, #tpu.memory_space<vmem>>[vector<16xi32>, vector<16xi32>], vector<16xf32>,
        %parallel_loop3A_453 = arith.constant 0 : i32
        %parallel_loop3A_454 = arith.addi %parallel_loop3A_453, %parallel_loop3A_312 : i32
        %parallel_loop3A_455 = arith.constant 7 : i32
        %parallel_loop3A_456 = arith.addi %parallel_loop3A_454, %parallel_loop3A_455 : i32
        %parallel_loop3A_457 = arith.index_cast %parallel_loop3A_456 : i32 to index
        %parallel_loop3A_458 = arith.constant 0 : index
        %parallel_loop3A_459 = tpu.vector_load %arg7[%parallel_loop3A_457, %parallel_loop3A_458] {strides = array<i32>} : memref<2048x16xf32, #tpu.memory_space<vmem>>, vector<16xf32>,
        %parallel_loop3A_460 = arith.constant 128 : i32
        %parallel_loop3A_461 = arith.addi %parallel_loop3A_460, %parallel_loop3A_312 : i32
        %parallel_loop3A_462 = arith.constant 7 : i32
        %parallel_loop3A_463 = arith.addi %parallel_loop3A_461, %parallel_loop3A_462 : i32
        %parallel_loop3A_464 = arith.index_cast %parallel_loop3A_463 : i32 to index
        %parallel_loop3A_465 = arith.constant 0 : index
        %parallel_loop3A_466 = tpu.vector_load %arg7[%parallel_loop3A_464, %parallel_loop3A_465] {strides = array<i32>} : memref<2048x16xf32, #tpu.memory_space<vmem>>, vector<16xf32>,
        %parallel_loop3A_467 = arith.addf %parallel_loop3A_459, %parallel_loop3A_466 : vector<16xf32>
        %parallel_loop3A_468 = arith.constant 0 : i32
        %parallel_loop3A_469 = arith.addi %parallel_loop3A_468, %parallel_loop3A_312 : i32
        %parallel_loop3A_470 = arith.constant 7 : i32
        %parallel_loop3A_471 = arith.addi %parallel_loop3A_469, %parallel_loop3A_470 : i32
        %parallel_loop3A_472 = vector.broadcast %parallel_loop3A_471 : i32 to vector<16xi32>
        tpu.vector_store_idx %arg8[%iota3A, %parallel_loop3A_472], %parallel_loop3A_467 : memref<16x1024xf32, #tpu.memory_space<vmem>>[vector<16xi32>, vector<16xi32>], vector<16xf32>,
      } {sc.loop_unroll_factor = 4 : i64, sc.parallel_access}
      %parallel_loop3A_288 = arith.constant 0 : i32
      %parallel_loop3A_289 = arith.constant 128 : i32
      %parallel_loop3A_290 = arith.constant 8 : i32
      scf.for %parallel_loop3A_312 = %parallel_loop3A_288 to %parallel_loop3A_289 step %parallel_loop3A_290  : i32 {
        %parallel_loop3A_313 = arith.constant 256 : i32
        %parallel_loop3A_314 = arith.addi %parallel_loop3A_313, %parallel_loop3A_312 : i32
        %parallel_loop3A_315 = arith.constant 0 : i32
        %parallel_loop3A_316 = arith.addi %parallel_loop3A_314, %parallel_loop3A_315 : i32
        %parallel_loop3A_317 = arith.index_cast %parallel_loop3A_316 : i32 to index
        %parallel_loop3A_318 = arith.constant 0 : index
        %parallel_loop3A_319 = tpu.vector_load %arg7[%parallel_loop3A_317, %parallel_loop3A_318] {strides = array<i32>} : memref<2048x16xf32, #tpu.memory_space<vmem>>, vector<16xf32>,
        %parallel_loop3A_320 = arith.constant 384 : i32
        %parallel_loop3A_321 = arith.addi %parallel_loop3A_320, %parallel_loop3A_312 : i32
        %parallel_loop3A_322 = arith.constant 0 : i32
        %parallel_loop3A_323 = arith.addi %parallel_loop3A_321, %parallel_loop3A_322 : i32
        %parallel_loop3A_324 = arith.index_cast %parallel_loop3A_323 : i32 to index
        %parallel_loop3A_325 = arith.constant 0 : index
        %parallel_loop3A_326 = tpu.vector_load %arg7[%parallel_loop3A_324, %parallel_loop3A_325] {strides = array<i32>} : memref<2048x16xf32, #tpu.memory_space<vmem>>, vector<16xf32>,
        %parallel_loop3A_327 = arith.addf %parallel_loop3A_319, %parallel_loop3A_326 : vector<16xf32>
        %parallel_loop3A_328 = arith.constant 128 : i32
        %parallel_loop3A_329 = arith.addi %parallel_loop3A_328, %parallel_loop3A_312 : i32
        %parallel_loop3A_330 = arith.constant 0 : i32
        %parallel_loop3A_331 = arith.addi %parallel_loop3A_329, %parallel_loop3A_330 : i32
        %parallel_loop3A_332 = vector.broadcast %parallel_loop3A_331 : i32 to vector<16xi32>
        tpu.vector_store_idx %arg8[%iota3A, %parallel_loop3A_332], %parallel_loop3A_327 : memref<16x1024xf32, #tpu.memory_space<vmem>>[vector<16xi32>, vector<16xi32>], vector<16xf32>,
        %parallel_loop3A_333 = arith.constant 256 : i32
        %parallel_loop3A_334 = arith.addi %parallel_loop3A_333, %parallel_loop3A_312 : i32
        %parallel_loop3A_335 = arith.constant 1 : i32
        %parallel_loop3A_336 = arith.addi %parallel_loop3A_334, %parallel_loop3A_335 : i32
        %parallel_loop3A_337 = arith.index_cast %parallel_loop3A_336 : i32 to index
        %parallel_loop3A_338 = arith.constant 0 : index
        %parallel_loop3A_339 = tpu.vector_load %arg7[%parallel_loop3A_337, %parallel_loop3A_338] {strides = array<i32>} : memref<2048x16xf32, #tpu.memory_space<vmem>>, vector<16xf32>,
        %parallel_loop3A_340 = arith.constant 384 : i32
        %parallel_loop3A_341 = arith.addi %parallel_loop3A_340, %parallel_loop3A_312 : i32
        %parallel_loop3A_342 = arith.constant 1 : i32
        %parallel_loop3A_343 = arith.addi %parallel_loop3A_341, %parallel_loop3A_342 : i32
        %parallel_loop3A_344 = arith.index_cast %parallel_loop3A_343 : i32 to index
        %parallel_loop3A_345 = arith.constant 0 : index
        %parallel_loop3A_346 = tpu.vector_load %arg7[%parallel_loop3A_344, %parallel_loop3A_345] {strides = array<i32>} : memref<2048x16xf32, #tpu.memory_space<vmem>>, vector<16xf32>,
        %parallel_loop3A_347 = arith.addf %parallel_loop3A_339, %parallel_loop3A_346 : vector<16xf32>
        %parallel_loop3A_348 = arith.constant 128 : i32
        %parallel_loop3A_349 = arith.addi %parallel_loop3A_348, %parallel_loop3A_312 : i32
        %parallel_loop3A_350 = arith.constant 1 : i32
        %parallel_loop3A_351 = arith.addi %parallel_loop3A_349, %parallel_loop3A_350 : i32
        %parallel_loop3A_352 = vector.broadcast %parallel_loop3A_351 : i32 to vector<16xi32>
        tpu.vector_store_idx %arg8[%iota3A, %parallel_loop3A_352], %parallel_loop3A_347 : memref<16x1024xf32, #tpu.memory_space<vmem>>[vector<16xi32>, vector<16xi32>], vector<16xf32>,
        %parallel_loop3A_353 = arith.constant 256 : i32
        %parallel_loop3A_354 = arith.addi %parallel_loop3A_353, %parallel_loop3A_312 : i32
        %parallel_loop3A_355 = arith.constant 2 : i32
        %parallel_loop3A_356 = arith.addi %parallel_loop3A_354, %parallel_loop3A_355 : i32
        %parallel_loop3A_357 = arith.index_cast %parallel_loop3A_356 : i32 to index
        %parallel_loop3A_358 = arith.constant 0 : index
        %parallel_loop3A_359 = tpu.vector_load %arg7[%parallel_loop3A_357, %parallel_loop3A_358] {strides = array<i32>} : memref<2048x16xf32, #tpu.memory_space<vmem>>, vector<16xf32>,
        %parallel_loop3A_360 = arith.constant 384 : i32
        %parallel_loop3A_361 = arith.addi %parallel_loop3A_360, %parallel_loop3A_312 : i32
        %parallel_loop3A_362 = arith.constant 2 : i32
        %parallel_loop3A_363 = arith.addi %parallel_loop3A_361, %parallel_loop3A_362 : i32
        %parallel_loop3A_364 = arith.index_cast %parallel_loop3A_363 : i32 to index
        %parallel_loop3A_365 = arith.constant 0 : index
        %parallel_loop3A_366 = tpu.vector_load %arg7[%parallel_loop3A_364, %parallel_loop3A_365] {strides = array<i32>} : memref<2048x16xf32, #tpu.memory_space<vmem>>, vector<16xf32>,
        %parallel_loop3A_367 = arith.addf %parallel_loop3A_359, %parallel_loop3A_366 : vector<16xf32>
        %parallel_loop3A_368 = arith.constant 128 : i32
        %parallel_loop3A_369 = arith.addi %parallel_loop3A_368, %parallel_loop3A_312 : i32
        %parallel_loop3A_370 = arith.constant 2 : i32
        %parallel_loop3A_371 = arith.addi %parallel_loop3A_369, %parallel_loop3A_370 : i32
        %parallel_loop3A_372 = vector.broadcast %parallel_loop3A_371 : i32 to vector<16xi32>
        tpu.vector_store_idx %arg8[%iota3A, %parallel_loop3A_372], %parallel_loop3A_367 : memref<16x1024xf32, #tpu.memory_space<vmem>>[vector<16xi32>, vector<16xi32>], vector<16xf32>,
        %parallel_loop3A_373 = arith.constant 256 : i32
        %parallel_loop3A_374 = arith.addi %parallel_loop3A_373, %parallel_loop3A_312 : i32
        %parallel_loop3A_375 = arith.constant 3 : i32
        %parallel_loop3A_376 = arith.addi %parallel_loop3A_374, %parallel_loop3A_375 : i32
        %parallel_loop3A_377 = arith.index_cast %parallel_loop3A_376 : i32 to index
        %parallel_loop3A_378 = arith.constant 0 : index
        %parallel_loop3A_379 = tpu.vector_load %arg7[%parallel_loop3A_377, %parallel_loop3A_378] {strides = array<i32>} : memref<2048x16xf32, #tpu.memory_space<vmem>>, vector<16xf32>,
        %parallel_loop3A_380 = arith.constant 384 : i32
        %parallel_loop3A_381 = arith.addi %parallel_loop3A_380, %parallel_loop3A_312 : i32
        %parallel_loop3A_382 = arith.constant 3 : i32
        %parallel_loop3A_383 = arith.addi %parallel_loop3A_381, %parallel_loop3A_382 : i32
        %parallel_loop3A_384 = arith.index_cast %parallel_loop3A_383 : i32 to index
        %parallel_loop3A_385 = arith.constant 0 : index
        %parallel_loop3A_386 = tpu.vector_load %arg7[%parallel_loop3A_384, %parallel_loop3A_385] {strides = array<i32>} : memref<2048x16xf32, #tpu.memory_space<vmem>>, vector<16xf32>,
        %parallel_loop3A_387 = arith.addf %parallel_loop3A_379, %parallel_loop3A_386 : vector<16xf32>
        %parallel_loop3A_388 = arith.constant 128 : i32
        %parallel_loop3A_389 = arith.addi %parallel_loop3A_388, %parallel_loop3A_312 : i32
        %parallel_loop3A_390 = arith.constant 3 : i32
        %parallel_loop3A_391 = arith.addi %parallel_loop3A_389, %parallel_loop3A_390 : i32
        %parallel_loop3A_392 = vector.broadcast %parallel_loop3A_391 : i32 to vector<16xi32>
        tpu.vector_store_idx %arg8[%iota3A, %parallel_loop3A_392], %parallel_loop3A_387 : memref<16x1024xf32, #tpu.memory_space<vmem>>[vector<16xi32>, vector<16xi32>], vector<16xf32>,
        %parallel_loop3A_393 = arith.constant 256 : i32
        %parallel_loop3A_394 = arith.addi %parallel_loop3A_393, %parallel_loop3A_312 : i32
        %parallel_loop3A_395 = arith.constant 4 : i32
        %parallel_loop3A_396 = arith.addi %parallel_loop3A_394, %parallel_loop3A_395 : i32
        %parallel_loop3A_397 = arith.index_cast %parallel_loop3A_396 : i32 to index
        %parallel_loop3A_398 = arith.constant 0 : index
        %parallel_loop3A_399 = tpu.vector_load %arg7[%parallel_loop3A_397, %parallel_loop3A_398] {strides = array<i32>} : memref<2048x16xf32, #tpu.memory_space<vmem>>, vector<16xf32>,
        %parallel_loop3A_400 = arith.constant 384 : i32
        %parallel_loop3A_401 = arith.addi %parallel_loop3A_400, %parallel_loop3A_312 : i32
        %parallel_loop3A_402 = arith.constant 4 : i32
        %parallel_loop3A_403 = arith.addi %parallel_loop3A_401, %parallel_loop3A_402 : i32
        %parallel_loop3A_404 = arith.index_cast %parallel_loop3A_403 : i32 to index
        %parallel_loop3A_405 = arith.constant 0 : index
        %parallel_loop3A_406 = tpu.vector_load %arg7[%parallel_loop3A_404, %parallel_loop3A_405] {strides = array<i32>} : memref<2048x16xf32, #tpu.memory_space<vmem>>, vector<16xf32>,
        %parallel_loop3A_407 = arith.addf %parallel_loop3A_399, %parallel_loop3A_406 : vector<16xf32>
        %parallel_loop3A_408 = arith.constant 128 : i32
        %parallel_loop3A_409 = arith.addi %parallel_loop3A_408, %parallel_loop3A_312 : i32
        %parallel_loop3A_410 = arith.constant 4 : i32
        %parallel_loop3A_411 = arith.addi %parallel_loop3A_409, %parallel_loop3A_410 : i32
        %parallel_loop3A_412 = vector.broadcast %parallel_loop3A_411 : i32 to vector<16xi32>
        tpu.vector_store_idx %arg8[%iota3A, %parallel_loop3A_412], %parallel_loop3A_407 : memref<16x1024xf32, #tpu.memory_space<vmem>>[vector<16xi32>, vector<16xi32>], vector<16xf32>,
        %parallel_loop3A_413 = arith.constant 256 : i32
        %parallel_loop3A_414 = arith.addi %parallel_loop3A_413, %parallel_loop3A_312 : i32
        %parallel_loop3A_415 = arith.constant 5 : i32
        %parallel_loop3A_416 = arith.addi %parallel_loop3A_414, %parallel_loop3A_415 : i32
        %parallel_loop3A_417 = arith.index_cast %parallel_loop3A_416 : i32 to index
        %parallel_loop3A_418 = arith.constant 0 : index
        %parallel_loop3A_419 = tpu.vector_load %arg7[%parallel_loop3A_417, %parallel_loop3A_418] {strides = array<i32>} : memref<2048x16xf32, #tpu.memory_space<vmem>>, vector<16xf32>,
        %parallel_loop3A_420 = arith.constant 384 : i32
        %parallel_loop3A_421 = arith.addi %parallel_loop3A_420, %parallel_loop3A_312 : i32
        %parallel_loop3A_422 = arith.constant 5 : i32
        %parallel_loop3A_423 = arith.addi %parallel_loop3A_421, %parallel_loop3A_422 : i32
        %parallel_loop3A_424 = arith.index_cast %parallel_loop3A_423 : i32 to index
        %parallel_loop3A_425 = arith.constant 0 : index
        %parallel_loop3A_426 = tpu.vector_load %arg7[%parallel_loop3A_424, %parallel_loop3A_425] {strides = array<i32>} : memref<2048x16xf32, #tpu.memory_space<vmem>>, vector<16xf32>,
        %parallel_loop3A_427 = arith.addf %parallel_loop3A_419, %parallel_loop3A_426 : vector<16xf32>
        %parallel_loop3A_428 = arith.constant 128 : i32
        %parallel_loop3A_429 = arith.addi %parallel_loop3A_428, %parallel_loop3A_312 : i32
        %parallel_loop3A_430 = arith.constant 5 : i32
        %parallel_loop3A_431 = arith.addi %parallel_loop3A_429, %parallel_loop3A_430 : i32
        %parallel_loop3A_432 = vector.broadcast %parallel_loop3A_431 : i32 to vector<16xi32>
        tpu.vector_store_idx %arg8[%iota3A, %parallel_loop3A_432], %parallel_loop3A_427 : memref<16x1024xf32, #tpu.memory_space<vmem>>[vector<16xi32>, vector<16xi32>], vector<16xf32>,
        %parallel_loop3A_433 = arith.constant 256 : i32
        %parallel_loop3A_434 = arith.addi %parallel_loop3A_433, %parallel_loop3A_312 : i32
        %parallel_loop3A_435 = arith.constant 6 : i32
        %parallel_loop3A_436 = arith.addi %parallel_loop3A_434, %parallel_loop3A_435 : i32
        %parallel_loop3A_437 = arith.index_cast %parallel_loop3A_436 : i32 to index
        %parallel_loop3A_438 = arith.constant 0 : index
        %parallel_loop3A_439 = tpu.vector_load %arg7[%parallel_loop3A_437, %parallel_loop3A_438] {strides = array<i32>} : memref<2048x16xf32, #tpu.memory_space<vmem>>, vector<16xf32>,
        %parallel_loop3A_440 = arith.constant 384 : i32
        %parallel_loop3A_441 = arith.addi %parallel_loop3A_440, %parallel_loop3A_312 : i32
        %parallel_loop3A_442 = arith.constant 6 : i32
        %parallel_loop3A_443 = arith.addi %parallel_loop3A_441, %parallel_loop3A_442 : i32
        %parallel_loop3A_444 = arith.index_cast %parallel_loop3A_443 : i32 to index
        %parallel_loop3A_445 = arith.constant 0 : index
        %parallel_loop3A_446 = tpu.vector_load %arg7[%parallel_loop3A_444, %parallel_loop3A_445] {strides = array<i32>} : memref<2048x16xf32, #tpu.memory_space<vmem>>, vector<16xf32>,
        %parallel_loop3A_447 = arith.addf %parallel_loop3A_439, %parallel_loop3A_446 : vector<16xf32>
        %parallel_loop3A_448 = arith.constant 128 : i32
        %parallel_loop3A_449 = arith.addi %parallel_loop3A_448, %parallel_loop3A_312 : i32
        %parallel_loop3A_450 = arith.constant 6 : i32
        %parallel_loop3A_451 = arith.addi %parallel_loop3A_449, %parallel_loop3A_450 : i32
        %parallel_loop3A_452 = vector.broadcast %parallel_loop3A_451 : i32 to vector<16xi32>
        tpu.vector_store_idx %arg8[%iota3A, %parallel_loop3A_452], %parallel_loop3A_447 : memref<16x1024xf32, #tpu.memory_space<vmem>>[vector<16xi32>, vector<16xi32>], vector<16xf32>,
        %parallel_loop3A_453 = arith.constant 256 : i32
        %parallel_loop3A_454 = arith.addi %parallel_loop3A_453, %parallel_loop3A_312 : i32
        %parallel_loop3A_455 = arith.constant 7 : i32
        %parallel_loop3A_456 = arith.addi %parallel_loop3A_454, %parallel_loop3A_455 : i32
        %parallel_loop3A_457 = arith.index_cast %parallel_loop3A_456 : i32 to index
        %parallel_loop3A_458 = arith.constant 0 : index
        %parallel_loop3A_459 = tpu.vector_load %arg7[%parallel_loop3A_457, %parallel_loop3A_458] {strides = array<i32>} : memref<2048x16xf32, #tpu.memory_space<vmem>>, vector<16xf32>,
        %parallel_loop3A_460 = arith.constant 384 : i32
        %parallel_loop3A_461 = arith.addi %parallel_loop3A_460, %parallel_loop3A_312 : i32
        %parallel_loop3A_462 = arith.constant 7 : i32
        %parallel_loop3A_463 = arith.addi %parallel_loop3A_461, %parallel_loop3A_462 : i32
        %parallel_loop3A_464 = arith.index_cast %parallel_loop3A_463 : i32 to index
        %parallel_loop3A_465 = arith.constant 0 : index
        %parallel_loop3A_466 = tpu.vector_load %arg7[%parallel_loop3A_464, %parallel_loop3A_465] {strides = array<i32>} : memref<2048x16xf32, #tpu.memory_space<vmem>>, vector<16xf32>,
        %parallel_loop3A_467 = arith.addf %parallel_loop3A_459, %parallel_loop3A_466 : vector<16xf32>
        %parallel_loop3A_468 = arith.constant 128 : i32
        %parallel_loop3A_469 = arith.addi %parallel_loop3A_468, %parallel_loop3A_312 : i32
        %parallel_loop3A_470 = arith.constant 7 : i32
        %parallel_loop3A_471 = arith.addi %parallel_loop3A_469, %parallel_loop3A_470 : i32
        %parallel_loop3A_472 = vector.broadcast %parallel_loop3A_471 : i32 to vector<16xi32>
        tpu.vector_store_idx %arg8[%iota3A, %parallel_loop3A_472], %parallel_loop3A_467 : memref<16x1024xf32, #tpu.memory_space<vmem>>[vector<16xi32>, vector<16xi32>], vector<16xf32>,
      } {sc.loop_unroll_factor = 4 : i64, sc.parallel_access}
      %parallel_loop3A_291 = arith.constant 0 : i32
      %parallel_loop3A_292 = arith.constant 128 : i32
      %parallel_loop3A_293 = arith.constant 8 : i32
      scf.for %parallel_loop3A_312 = %parallel_loop3A_291 to %parallel_loop3A_292 step %parallel_loop3A_293  : i32 {
        %parallel_loop3A_313 = arith.constant 512 : i32
        %parallel_loop3A_314 = arith.addi %parallel_loop3A_313, %parallel_loop3A_312 : i32
        %parallel_loop3A_315 = arith.constant 0 : i32
        %parallel_loop3A_316 = arith.addi %parallel_loop3A_314, %parallel_loop3A_315 : i32
        %parallel_loop3A_317 = arith.index_cast %parallel_loop3A_316 : i32 to index
        %parallel_loop3A_318 = arith.constant 0 : index
        %parallel_loop3A_319 = tpu.vector_load %arg7[%parallel_loop3A_317, %parallel_loop3A_318] {strides = array<i32>} : memref<2048x16xf32, #tpu.memory_space<vmem>>, vector<16xf32>,
        %parallel_loop3A_320 = arith.constant 640 : i32
        %parallel_loop3A_321 = arith.addi %parallel_loop3A_320, %parallel_loop3A_312 : i32
        %parallel_loop3A_322 = arith.constant 0 : i32
        %parallel_loop3A_323 = arith.addi %parallel_loop3A_321, %parallel_loop3A_322 : i32
        %parallel_loop3A_324 = arith.index_cast %parallel_loop3A_323 : i32 to index
        %parallel_loop3A_325 = arith.constant 0 : index
        %parallel_loop3A_326 = tpu.vector_load %arg7[%parallel_loop3A_324, %parallel_loop3A_325] {strides = array<i32>} : memref<2048x16xf32, #tpu.memory_space<vmem>>, vector<16xf32>,
        %parallel_loop3A_327 = arith.addf %parallel_loop3A_319, %parallel_loop3A_326 : vector<16xf32>
        %parallel_loop3A_328 = arith.constant 256 : i32
        %parallel_loop3A_329 = arith.addi %parallel_loop3A_328, %parallel_loop3A_312 : i32
        %parallel_loop3A_330 = arith.constant 0 : i32
        %parallel_loop3A_331 = arith.addi %parallel_loop3A_329, %parallel_loop3A_330 : i32
        %parallel_loop3A_332 = vector.broadcast %parallel_loop3A_331 : i32 to vector<16xi32>
        tpu.vector_store_idx %arg8[%iota3A, %parallel_loop3A_332], %parallel_loop3A_327 : memref<16x1024xf32, #tpu.memory_space<vmem>>[vector<16xi32>, vector<16xi32>], vector<16xf32>,
        %parallel_loop3A_333 = arith.constant 512 : i32
        %parallel_loop3A_334 = arith.addi %parallel_loop3A_333, %parallel_loop3A_312 : i32
        %parallel_loop3A_335 = arith.constant 1 : i32
        %parallel_loop3A_336 = arith.addi %parallel_loop3A_334, %parallel_loop3A_335 : i32
        %parallel_loop3A_337 = arith.index_cast %parallel_loop3A_336 : i32 to index
        %parallel_loop3A_338 = arith.constant 0 : index
        %parallel_loop3A_339 = tpu.vector_load %arg7[%parallel_loop3A_337, %parallel_loop3A_338] {strides = array<i32>} : memref<2048x16xf32, #tpu.memory_space<vmem>>, vector<16xf32>,
        %parallel_loop3A_340 = arith.constant 640 : i32
        %parallel_loop3A_341 = arith.addi %parallel_loop3A_340, %parallel_loop3A_312 : i32
        %parallel_loop3A_342 = arith.constant 1 : i32
        %parallel_loop3A_343 = arith.addi %parallel_loop3A_341, %parallel_loop3A_342 : i32
        %parallel_loop3A_344 = arith.index_cast %parallel_loop3A_343 : i32 to index
        %parallel_loop3A_345 = arith.constant 0 : index
        %parallel_loop3A_346 = tpu.vector_load %arg7[%parallel_loop3A_344, %parallel_loop3A_345] {strides = array<i32>} : memref<2048x16xf32, #tpu.memory_space<vmem>>, vector<16xf32>,
        %parallel_loop3A_347 = arith.addf %parallel_loop3A_339, %parallel_loop3A_346 : vector<16xf32>
        %parallel_loop3A_348 = arith.constant 256 : i32
        %parallel_loop3A_349 = arith.addi %parallel_loop3A_348, %parallel_loop3A_312 : i32
        %parallel_loop3A_350 = arith.constant 1 : i32
        %parallel_loop3A_351 = arith.addi %parallel_loop3A_349, %parallel_loop3A_350 : i32
        %parallel_loop3A_352 = vector.broadcast %parallel_loop3A_351 : i32 to vector<16xi32>
        tpu.vector_store_idx %arg8[%iota3A, %parallel_loop3A_352], %parallel_loop3A_347 : memref<16x1024xf32, #tpu.memory_space<vmem>>[vector<16xi32>, vector<16xi32>], vector<16xf32>,
        %parallel_loop3A_353 = arith.constant 512 : i32
        %parallel_loop3A_354 = arith.addi %parallel_loop3A_353, %parallel_loop3A_312 : i32
        %parallel_loop3A_355 = arith.constant 2 : i32
        %parallel_loop3A_356 = arith.addi %parallel_loop3A_354, %parallel_loop3A_355 : i32
        %parallel_loop3A_357 = arith.index_cast %parallel_loop3A_356 : i32 to index
        %parallel_loop3A_358 = arith.constant 0 : index
        %parallel_loop3A_359 = tpu.vector_load %arg7[%parallel_loop3A_357, %parallel_loop3A_358] {strides = array<i32>} : memref<2048x16xf32, #tpu.memory_space<vmem>>, vector<16xf32>,
        %parallel_loop3A_360 = arith.constant 640 : i32
        %parallel_loop3A_361 = arith.addi %parallel_loop3A_360, %parallel_loop3A_312 : i32
        %parallel_loop3A_362 = arith.constant 2 : i32
        %parallel_loop3A_363 = arith.addi %parallel_loop3A_361, %parallel_loop3A_362 : i32
        %parallel_loop3A_364 = arith.index_cast %parallel_loop3A_363 : i32 to index
        %parallel_loop3A_365 = arith.constant 0 : index
        %parallel_loop3A_366 = tpu.vector_load %arg7[%parallel_loop3A_364, %parallel_loop3A_365] {strides = array<i32>} : memref<2048x16xf32, #tpu.memory_space<vmem>>, vector<16xf32>,
        %parallel_loop3A_367 = arith.addf %parallel_loop3A_359, %parallel_loop3A_366 : vector<16xf32>
        %parallel_loop3A_368 = arith.constant 256 : i32
        %parallel_loop3A_369 = arith.addi %parallel_loop3A_368, %parallel_loop3A_312 : i32
        %parallel_loop3A_370 = arith.constant 2 : i32
        %parallel_loop3A_371 = arith.addi %parallel_loop3A_369, %parallel_loop3A_370 : i32
        %parallel_loop3A_372 = vector.broadcast %parallel_loop3A_371 : i32 to vector<16xi32>
        tpu.vector_store_idx %arg8[%iota3A, %parallel_loop3A_372], %parallel_loop3A_367 : memref<16x1024xf32, #tpu.memory_space<vmem>>[vector<16xi32>, vector<16xi32>], vector<16xf32>,
        %parallel_loop3A_373 = arith.constant 512 : i32
        %parallel_loop3A_374 = arith.addi %parallel_loop3A_373, %parallel_loop3A_312 : i32
        %parallel_loop3A_375 = arith.constant 3 : i32
        %parallel_loop3A_376 = arith.addi %parallel_loop3A_374, %parallel_loop3A_375 : i32
        %parallel_loop3A_377 = arith.index_cast %parallel_loop3A_376 : i32 to index
        %parallel_loop3A_378 = arith.constant 0 : index
        %parallel_loop3A_379 = tpu.vector_load %arg7[%parallel_loop3A_377, %parallel_loop3A_378] {strides = array<i32>} : memref<2048x16xf32, #tpu.memory_space<vmem>>, vector<16xf32>,
        %parallel_loop3A_380 = arith.constant 640 : i32
        %parallel_loop3A_381 = arith.addi %parallel_loop3A_380, %parallel_loop3A_312 : i32
        %parallel_loop3A_382 = arith.constant 3 : i32
        %parallel_loop3A_383 = arith.addi %parallel_loop3A_381, %parallel_loop3A_382 : i32
        %parallel_loop3A_384 = arith.index_cast %parallel_loop3A_383 : i32 to index
        %parallel_loop3A_385 = arith.constant 0 : index
        %parallel_loop3A_386 = tpu.vector_load %arg7[%parallel_loop3A_384, %parallel_loop3A_385] {strides = array<i32>} : memref<2048x16xf32, #tpu.memory_space<vmem>>, vector<16xf32>,
        %parallel_loop3A_387 = arith.addf %parallel_loop3A_379, %parallel_loop3A_386 : vector<16xf32>
        %parallel_loop3A_388 = arith.constant 256 : i32
        %parallel_loop3A_389 = arith.addi %parallel_loop3A_388, %parallel_loop3A_312 : i32
        %parallel_loop3A_390 = arith.constant 3 : i32
        %parallel_loop3A_391 = arith.addi %parallel_loop3A_389, %parallel_loop3A_390 : i32
        %parallel_loop3A_392 = vector.broadcast %parallel_loop3A_391 : i32 to vector<16xi32>
        tpu.vector_store_idx %arg8[%iota3A, %parallel_loop3A_392], %parallel_loop3A_387 : memref<16x1024xf32, #tpu.memory_space<vmem>>[vector<16xi32>, vector<16xi32>], vector<16xf32>,
        %parallel_loop3A_393 = arith.constant 512 : i32
        %parallel_loop3A_394 = arith.addi %parallel_loop3A_393, %parallel_loop3A_312 : i32
        %parallel_loop3A_395 = arith.constant 4 : i32
        %parallel_loop3A_396 = arith.addi %parallel_loop3A_394, %parallel_loop3A_395 : i32
        %parallel_loop3A_397 = arith.index_cast %parallel_loop3A_396 : i32 to index
        %parallel_loop3A_398 = arith.constant 0 : index
        %parallel_loop3A_399 = tpu.vector_load %arg7[%parallel_loop3A_397, %parallel_loop3A_398] {strides = array<i32>} : memref<2048x16xf32, #tpu.memory_space<vmem>>, vector<16xf32>,
        %parallel_loop3A_400 = arith.constant 640 : i32
        %parallel_loop3A_401 = arith.addi %parallel_loop3A_400, %parallel_loop3A_312 : i32
        %parallel_loop3A_402 = arith.constant 4 : i32
        %parallel_loop3A_403 = arith.addi %parallel_loop3A_401, %parallel_loop3A_402 : i32
        %parallel_loop3A_404 = arith.index_cast %parallel_loop3A_403 : i32 to index
        %parallel_loop3A_405 = arith.constant 0 : index
        %parallel_loop3A_406 = tpu.vector_load %arg7[%parallel_loop3A_404, %parallel_loop3A_405] {strides = array<i32>} : memref<2048x16xf32, #tpu.memory_space<vmem>>, vector<16xf32>,
        %parallel_loop3A_407 = arith.addf %parallel_loop3A_399, %parallel_loop3A_406 : vector<16xf32>
        %parallel_loop3A_408 = arith.constant 256 : i32
        %parallel_loop3A_409 = arith.addi %parallel_loop3A_408, %parallel_loop3A_312 : i32
        %parallel_loop3A_410 = arith.constant 4 : i32
        %parallel_loop3A_411 = arith.addi %parallel_loop3A_409, %parallel_loop3A_410 : i32
        %parallel_loop3A_412 = vector.broadcast %parallel_loop3A_411 : i32 to vector<16xi32>
        tpu.vector_store_idx %arg8[%iota3A, %parallel_loop3A_412], %parallel_loop3A_407 : memref<16x1024xf32, #tpu.memory_space<vmem>>[vector<16xi32>, vector<16xi32>], vector<16xf32>,
        %parallel_loop3A_413 = arith.constant 512 : i32
        %parallel_loop3A_414 = arith.addi %parallel_loop3A_413, %parallel_loop3A_312 : i32
        %parallel_loop3A_415 = arith.constant 5 : i32
        %parallel_loop3A_416 = arith.addi %parallel_loop3A_414, %parallel_loop3A_415 : i32
        %parallel_loop3A_417 = arith.index_cast %parallel_loop3A_416 : i32 to index
        %parallel_loop3A_418 = arith.constant 0 : index
        %parallel_loop3A_419 = tpu.vector_load %arg7[%parallel_loop3A_417, %parallel_loop3A_418] {strides = array<i32>} : memref<2048x16xf32, #tpu.memory_space<vmem>>, vector<16xf32>,
        %parallel_loop3A_420 = arith.constant 640 : i32
        %parallel_loop3A_421 = arith.addi %parallel_loop3A_420, %parallel_loop3A_312 : i32
        %parallel_loop3A_422 = arith.constant 5 : i32
        %parallel_loop3A_423 = arith.addi %parallel_loop3A_421, %parallel_loop3A_422 : i32
        %parallel_loop3A_424 = arith.index_cast %parallel_loop3A_423 : i32 to index
        %parallel_loop3A_425 = arith.constant 0 : index
        %parallel_loop3A_426 = tpu.vector_load %arg7[%parallel_loop3A_424, %parallel_loop3A_425] {strides = array<i32>} : memref<2048x16xf32, #tpu.memory_space<vmem>>, vector<16xf32>,
        %parallel_loop3A_427 = arith.addf %parallel_loop3A_419, %parallel_loop3A_426 : vector<16xf32>
        %parallel_loop3A_428 = arith.constant 256 : i32
        %parallel_loop3A_429 = arith.addi %parallel_loop3A_428, %parallel_loop3A_312 : i32
        %parallel_loop3A_430 = arith.constant 5 : i32
        %parallel_loop3A_431 = arith.addi %parallel_loop3A_429, %parallel_loop3A_430 : i32
        %parallel_loop3A_432 = vector.broadcast %parallel_loop3A_431 : i32 to vector<16xi32>
        tpu.vector_store_idx %arg8[%iota3A, %parallel_loop3A_432], %parallel_loop3A_427 : memref<16x1024xf32, #tpu.memory_space<vmem>>[vector<16xi32>, vector<16xi32>], vector<16xf32>,
        %parallel_loop3A_433 = arith.constant 512 : i32
        %parallel_loop3A_434 = arith.addi %parallel_loop3A_433, %parallel_loop3A_312 : i32
        %parallel_loop3A_435 = arith.constant 6 : i32
        %parallel_loop3A_436 = arith.addi %parallel_loop3A_434, %parallel_loop3A_435 : i32
        %parallel_loop3A_437 = arith.index_cast %parallel_loop3A_436 : i32 to index
        %parallel_loop3A_438 = arith.constant 0 : index
        %parallel_loop3A_439 = tpu.vector_load %arg7[%parallel_loop3A_437, %parallel_loop3A_438] {strides = array<i32>} : memref<2048x16xf32, #tpu.memory_space<vmem>>, vector<16xf32>,
        %parallel_loop3A_440 = arith.constant 640 : i32
        %parallel_loop3A_441 = arith.addi %parallel_loop3A_440, %parallel_loop3A_312 : i32
        %parallel_loop3A_442 = arith.constant 6 : i32
        %parallel_loop3A_443 = arith.addi %parallel_loop3A_441, %parallel_loop3A_442 : i32
        %parallel_loop3A_444 = arith.index_cast %parallel_loop3A_443 : i32 to index
        %parallel_loop3A_445 = arith.constant 0 : index
        %parallel_loop3A_446 = tpu.vector_load %arg7[%parallel_loop3A_444, %parallel_loop3A_445] {strides = array<i32>} : memref<2048x16xf32, #tpu.memory_space<vmem>>, vector<16xf32>,
        %parallel_loop3A_447 = arith.addf %parallel_loop3A_439, %parallel_loop3A_446 : vector<16xf32>
        %parallel_loop3A_448 = arith.constant 256 : i32
        %parallel_loop3A_449 = arith.addi %parallel_loop3A_448, %parallel_loop3A_312 : i32
        %parallel_loop3A_450 = arith.constant 6 : i32
        %parallel_loop3A_451 = arith.addi %parallel_loop3A_449, %parallel_loop3A_450 : i32
        %parallel_loop3A_452 = vector.broadcast %parallel_loop3A_451 : i32 to vector<16xi32>
        tpu.vector_store_idx %arg8[%iota3A, %parallel_loop3A_452], %parallel_loop3A_447 : memref<16x1024xf32, #tpu.memory_space<vmem>>[vector<16xi32>, vector<16xi32>], vector<16xf32>,
        %parallel_loop3A_453 = arith.constant 512 : i32
        %parallel_loop3A_454 = arith.addi %parallel_loop3A_453, %parallel_loop3A_312 : i32
        %parallel_loop3A_455 = arith.constant 7 : i32
        %parallel_loop3A_456 = arith.addi %parallel_loop3A_454, %parallel_loop3A_455 : i32
        %parallel_loop3A_457 = arith.index_cast %parallel_loop3A_456 : i32 to index
        %parallel_loop3A_458 = arith.constant 0 : index
        %parallel_loop3A_459 = tpu.vector_load %arg7[%parallel_loop3A_457, %parallel_loop3A_458] {strides = array<i32>} : memref<2048x16xf32, #tpu.memory_space<vmem>>, vector<16xf32>,
        %parallel_loop3A_460 = arith.constant 640 : i32
        %parallel_loop3A_461 = arith.addi %parallel_loop3A_460, %parallel_loop3A_312 : i32
        %parallel_loop3A_462 = arith.constant 7 : i32
        %parallel_loop3A_463 = arith.addi %parallel_loop3A_461, %parallel_loop3A_462 : i32
        %parallel_loop3A_464 = arith.index_cast %parallel_loop3A_463 : i32 to index
        %parallel_loop3A_465 = arith.constant 0 : index
        %parallel_loop3A_466 = tpu.vector_load %arg7[%parallel_loop3A_464, %parallel_loop3A_465] {strides = array<i32>} : memref<2048x16xf32, #tpu.memory_space<vmem>>, vector<16xf32>,
        %parallel_loop3A_467 = arith.addf %parallel_loop3A_459, %parallel_loop3A_466 : vector<16xf32>
        %parallel_loop3A_468 = arith.constant 256 : i32
        %parallel_loop3A_469 = arith.addi %parallel_loop3A_468, %parallel_loop3A_312 : i32
        %parallel_loop3A_470 = arith.constant 7 : i32
        %parallel_loop3A_471 = arith.addi %parallel_loop3A_469, %parallel_loop3A_470 : i32
        %parallel_loop3A_472 = vector.broadcast %parallel_loop3A_471 : i32 to vector<16xi32>
        tpu.vector_store_idx %arg8[%iota3A, %parallel_loop3A_472], %parallel_loop3A_467 : memref<16x1024xf32, #tpu.memory_space<vmem>>[vector<16xi32>, vector<16xi32>], vector<16xf32>,
      } {sc.loop_unroll_factor = 4 : i64, sc.parallel_access}
      %parallel_loop3A_294 = arith.constant 0 : i32
      %parallel_loop3A_295 = arith.constant 128 : i32
      %parallel_loop3A_296 = arith.constant 8 : i32
      scf.for %parallel_loop3A_312 = %parallel_loop3A_294 to %parallel_loop3A_295 step %parallel_loop3A_296  : i32 {
        %parallel_loop3A_313 = arith.constant 768 : i32
        %parallel_loop3A_314 = arith.addi %parallel_loop3A_313, %parallel_loop3A_312 : i32
        %parallel_loop3A_315 = arith.constant 0 : i32
        %parallel_loop3A_316 = arith.addi %parallel_loop3A_314, %parallel_loop3A_315 : i32
        %parallel_loop3A_317 = arith.index_cast %parallel_loop3A_316 : i32 to index
        %parallel_loop3A_318 = arith.constant 0 : index
        %parallel_loop3A_319 = tpu.vector_load %arg7[%parallel_loop3A_317, %parallel_loop3A_318] {strides = array<i32>} : memref<2048x16xf32, #tpu.memory_space<vmem>>, vector<16xf32>,
        %parallel_loop3A_320 = arith.constant 896 : i32
        %parallel_loop3A_321 = arith.addi %parallel_loop3A_320, %parallel_loop3A_312 : i32
        %parallel_loop3A_322 = arith.constant 0 : i32
        %parallel_loop3A_323 = arith.addi %parallel_loop3A_321, %parallel_loop3A_322 : i32
        %parallel_loop3A_324 = arith.index_cast %parallel_loop3A_323 : i32 to index
        %parallel_loop3A_325 = arith.constant 0 : index
        %parallel_loop3A_326 = tpu.vector_load %arg7[%parallel_loop3A_324, %parallel_loop3A_325] {strides = array<i32>} : memref<2048x16xf32, #tpu.memory_space<vmem>>, vector<16xf32>,
        %parallel_loop3A_327 = arith.addf %parallel_loop3A_319, %parallel_loop3A_326 : vector<16xf32>
        %parallel_loop3A_328 = arith.constant 384 : i32
        %parallel_loop3A_329 = arith.addi %parallel_loop3A_328, %parallel_loop3A_312 : i32
        %parallel_loop3A_330 = arith.constant 0 : i32
        %parallel_loop3A_331 = arith.addi %parallel_loop3A_329, %parallel_loop3A_330 : i32
        %parallel_loop3A_332 = vector.broadcast %parallel_loop3A_331 : i32 to vector<16xi32>
        tpu.vector_store_idx %arg8[%iota3A, %parallel_loop3A_332], %parallel_loop3A_327 : memref<16x1024xf32, #tpu.memory_space<vmem>>[vector<16xi32>, vector<16xi32>], vector<16xf32>,
        %parallel_loop3A_333 = arith.constant 768 : i32
        %parallel_loop3A_334 = arith.addi %parallel_loop3A_333, %parallel_loop3A_312 : i32
        %parallel_loop3A_335 = arith.constant 1 : i32
        %parallel_loop3A_336 = arith.addi %parallel_loop3A_334, %parallel_loop3A_335 : i32
        %parallel_loop3A_337 = arith.index_cast %parallel_loop3A_336 : i32 to index
        %parallel_loop3A_338 = arith.constant 0 : index
        %parallel_loop3A_339 = tpu.vector_load %arg7[%parallel_loop3A_337, %parallel_loop3A_338] {strides = array<i32>} : memref<2048x16xf32, #tpu.memory_space<vmem>>, vector<16xf32>,
        %parallel_loop3A_340 = arith.constant 896 : i32
        %parallel_loop3A_341 = arith.addi %parallel_loop3A_340, %parallel_loop3A_312 : i32
        %parallel_loop3A_342 = arith.constant 1 : i32
        %parallel_loop3A_343 = arith.addi %parallel_loop3A_341, %parallel_loop3A_342 : i32
        %parallel_loop3A_344 = arith.index_cast %parallel_loop3A_343 : i32 to index
        %parallel_loop3A_345 = arith.constant 0 : index
        %parallel_loop3A_346 = tpu.vector_load %arg7[%parallel_loop3A_344, %parallel_loop3A_345] {strides = array<i32>} : memref<2048x16xf32, #tpu.memory_space<vmem>>, vector<16xf32>,
        %parallel_loop3A_347 = arith.addf %parallel_loop3A_339, %parallel_loop3A_346 : vector<16xf32>
        %parallel_loop3A_348 = arith.constant 384 : i32
        %parallel_loop3A_349 = arith.addi %parallel_loop3A_348, %parallel_loop3A_312 : i32
        %parallel_loop3A_350 = arith.constant 1 : i32
        %parallel_loop3A_351 = arith.addi %parallel_loop3A_349, %parallel_loop3A_350 : i32
        %parallel_loop3A_352 = vector.broadcast %parallel_loop3A_351 : i32 to vector<16xi32>
        tpu.vector_store_idx %arg8[%iota3A, %parallel_loop3A_352], %parallel_loop3A_347 : memref<16x1024xf32, #tpu.memory_space<vmem>>[vector<16xi32>, vector<16xi32>], vector<16xf32>,
        %parallel_loop3A_353 = arith.constant 768 : i32
        %parallel_loop3A_354 = arith.addi %parallel_loop3A_353, %parallel_loop3A_312 : i32
        %parallel_loop3A_355 = arith.constant 2 : i32
        %parallel_loop3A_356 = arith.addi %parallel_loop3A_354, %parallel_loop3A_355 : i32
        %parallel_loop3A_357 = arith.index_cast %parallel_loop3A_356 : i32 to index
        %parallel_loop3A_358 = arith.constant 0 : index
        %parallel_loop3A_359 = tpu.vector_load %arg7[%parallel_loop3A_357, %parallel_loop3A_358] {strides = array<i32>} : memref<2048x16xf32, #tpu.memory_space<vmem>>, vector<16xf32>,
        %parallel_loop3A_360 = arith.constant 896 : i32
        %parallel_loop3A_361 = arith.addi %parallel_loop3A_360, %parallel_loop3A_312 : i32
        %parallel_loop3A_362 = arith.constant 2 : i32
        %parallel_loop3A_363 = arith.addi %parallel_loop3A_361, %parallel_loop3A_362 : i32
        %parallel_loop3A_364 = arith.index_cast %parallel_loop3A_363 : i32 to index
        %parallel_loop3A_365 = arith.constant 0 : index
        %parallel_loop3A_366 = tpu.vector_load %arg7[%parallel_loop3A_364, %parallel_loop3A_365] {strides = array<i32>} : memref<2048x16xf32, #tpu.memory_space<vmem>>, vector<16xf32>,
        %parallel_loop3A_367 = arith.addf %parallel_loop3A_359, %parallel_loop3A_366 : vector<16xf32>
        %parallel_loop3A_368 = arith.constant 384 : i32
        %parallel_loop3A_369 = arith.addi %parallel_loop3A_368, %parallel_loop3A_312 : i32
        %parallel_loop3A_370 = arith.constant 2 : i32
        %parallel_loop3A_371 = arith.addi %parallel_loop3A_369, %parallel_loop3A_370 : i32
        %parallel_loop3A_372 = vector.broadcast %parallel_loop3A_371 : i32 to vector<16xi32>
        tpu.vector_store_idx %arg8[%iota3A, %parallel_loop3A_372], %parallel_loop3A_367 : memref<16x1024xf32, #tpu.memory_space<vmem>>[vector<16xi32>, vector<16xi32>], vector<16xf32>,
        %parallel_loop3A_373 = arith.constant 768 : i32
        %parallel_loop3A_374 = arith.addi %parallel_loop3A_373, %parallel_loop3A_312 : i32
        %parallel_loop3A_375 = arith.constant 3 : i32
        %parallel_loop3A_376 = arith.addi %parallel_loop3A_374, %parallel_loop3A_375 : i32
        %parallel_loop3A_377 = arith.index_cast %parallel_loop3A_376 : i32 to index
        %parallel_loop3A_378 = arith.constant 0 : index
        %parallel_loop3A_379 = tpu.vector_load %arg7[%parallel_loop3A_377, %parallel_loop3A_378] {strides = array<i32>} : memref<2048x16xf32, #tpu.memory_space<vmem>>, vector<16xf32>,
        %parallel_loop3A_380 = arith.constant 896 : i32
        %parallel_loop3A_381 = arith.addi %parallel_loop3A_380, %parallel_loop3A_312 : i32
        %parallel_loop3A_382 = arith.constant 3 : i32
        %parallel_loop3A_383 = arith.addi %parallel_loop3A_381, %parallel_loop3A_382 : i32
        %parallel_loop3A_384 = arith.index_cast %parallel_loop3A_383 : i32 to index
        %parallel_loop3A_385 = arith.constant 0 : index
        %parallel_loop3A_386 = tpu.vector_load %arg7[%parallel_loop3A_384, %parallel_loop3A_385] {strides = array<i32>} : memref<2048x16xf32, #tpu.memory_space<vmem>>, vector<16xf32>,
        %parallel_loop3A_387 = arith.addf %parallel_loop3A_379, %parallel_loop3A_386 : vector<16xf32>
        %parallel_loop3A_388 = arith.constant 384 : i32
        %parallel_loop3A_389 = arith.addi %parallel_loop3A_388, %parallel_loop3A_312 : i32
        %parallel_loop3A_390 = arith.constant 3 : i32
        %parallel_loop3A_391 = arith.addi %parallel_loop3A_389, %parallel_loop3A_390 : i32
        %parallel_loop3A_392 = vector.broadcast %parallel_loop3A_391 : i32 to vector<16xi32>
        tpu.vector_store_idx %arg8[%iota3A, %parallel_loop3A_392], %parallel_loop3A_387 : memref<16x1024xf32, #tpu.memory_space<vmem>>[vector<16xi32>, vector<16xi32>], vector<16xf32>,
        %parallel_loop3A_393 = arith.constant 768 : i32
        %parallel_loop3A_394 = arith.addi %parallel_loop3A_393, %parallel_loop3A_312 : i32
        %parallel_loop3A_395 = arith.constant 4 : i32
        %parallel_loop3A_396 = arith.addi %parallel_loop3A_394, %parallel_loop3A_395 : i32
        %parallel_loop3A_397 = arith.index_cast %parallel_loop3A_396 : i32 to index
        %parallel_loop3A_398 = arith.constant 0 : index
        %parallel_loop3A_399 = tpu.vector_load %arg7[%parallel_loop3A_397, %parallel_loop3A_398] {strides = array<i32>} : memref<2048x16xf32, #tpu.memory_space<vmem>>, vector<16xf32>,
        %parallel_loop3A_400 = arith.constant 896 : i32
        %parallel_loop3A_401 = arith.addi %parallel_loop3A_400, %parallel_loop3A_312 : i32
        %parallel_loop3A_402 = arith.constant 4 : i32
        %parallel_loop3A_403 = arith.addi %parallel_loop3A_401, %parallel_loop3A_402 : i32
        %parallel_loop3A_404 = arith.index_cast %parallel_loop3A_403 : i32 to index
        %parallel_loop3A_405 = arith.constant 0 : index
        %parallel_loop3A_406 = tpu.vector_load %arg7[%parallel_loop3A_404, %parallel_loop3A_405] {strides = array<i32>} : memref<2048x16xf32, #tpu.memory_space<vmem>>, vector<16xf32>,
        %parallel_loop3A_407 = arith.addf %parallel_loop3A_399, %parallel_loop3A_406 : vector<16xf32>
        %parallel_loop3A_408 = arith.constant 384 : i32
        %parallel_loop3A_409 = arith.addi %parallel_loop3A_408, %parallel_loop3A_312 : i32
        %parallel_loop3A_410 = arith.constant 4 : i32
        %parallel_loop3A_411 = arith.addi %parallel_loop3A_409, %parallel_loop3A_410 : i32
        %parallel_loop3A_412 = vector.broadcast %parallel_loop3A_411 : i32 to vector<16xi32>
        tpu.vector_store_idx %arg8[%iota3A, %parallel_loop3A_412], %parallel_loop3A_407 : memref<16x1024xf32, #tpu.memory_space<vmem>>[vector<16xi32>, vector<16xi32>], vector<16xf32>,
        %parallel_loop3A_413 = arith.constant 768 : i32
        %parallel_loop3A_414 = arith.addi %parallel_loop3A_413, %parallel_loop3A_312 : i32
        %parallel_loop3A_415 = arith.constant 5 : i32
        %parallel_loop3A_416 = arith.addi %parallel_loop3A_414, %parallel_loop3A_415 : i32
        %parallel_loop3A_417 = arith.index_cast %parallel_loop3A_416 : i32 to index
        %parallel_loop3A_418 = arith.constant 0 : index
        %parallel_loop3A_419 = tpu.vector_load %arg7[%parallel_loop3A_417, %parallel_loop3A_418] {strides = array<i32>} : memref<2048x16xf32, #tpu.memory_space<vmem>>, vector<16xf32>,
        %parallel_loop3A_420 = arith.constant 896 : i32
        %parallel_loop3A_421 = arith.addi %parallel_loop3A_420, %parallel_loop3A_312 : i32
        %parallel_loop3A_422 = arith.constant 5 : i32
        %parallel_loop3A_423 = arith.addi %parallel_loop3A_421, %parallel_loop3A_422 : i32
        %parallel_loop3A_424 = arith.index_cast %parallel_loop3A_423 : i32 to index
        %parallel_loop3A_425 = arith.constant 0 : index
        %parallel_loop3A_426 = tpu.vector_load %arg7[%parallel_loop3A_424, %parallel_loop3A_425] {strides = array<i32>} : memref<2048x16xf32, #tpu.memory_space<vmem>>, vector<16xf32>,
        %parallel_loop3A_427 = arith.addf %parallel_loop3A_419, %parallel_loop3A_426 : vector<16xf32>
        %parallel_loop3A_428 = arith.constant 384 : i32
        %parallel_loop3A_429 = arith.addi %parallel_loop3A_428, %parallel_loop3A_312 : i32
        %parallel_loop3A_430 = arith.constant 5 : i32
        %parallel_loop3A_431 = arith.addi %parallel_loop3A_429, %parallel_loop3A_430 : i32
        %parallel_loop3A_432 = vector.broadcast %parallel_loop3A_431 : i32 to vector<16xi32>
        tpu.vector_store_idx %arg8[%iota3A, %parallel_loop3A_432], %parallel_loop3A_427 : memref<16x1024xf32, #tpu.memory_space<vmem>>[vector<16xi32>, vector<16xi32>], vector<16xf32>,
        %parallel_loop3A_433 = arith.constant 768 : i32
        %parallel_loop3A_434 = arith.addi %parallel_loop3A_433, %parallel_loop3A_312 : i32
        %parallel_loop3A_435 = arith.constant 6 : i32
        %parallel_loop3A_436 = arith.addi %parallel_loop3A_434, %parallel_loop3A_435 : i32
        %parallel_loop3A_437 = arith.index_cast %parallel_loop3A_436 : i32 to index
        %parallel_loop3A_438 = arith.constant 0 : index
        %parallel_loop3A_439 = tpu.vector_load %arg7[%parallel_loop3A_437, %parallel_loop3A_438] {strides = array<i32>} : memref<2048x16xf32, #tpu.memory_space<vmem>>, vector<16xf32>,
        %parallel_loop3A_440 = arith.constant 896 : i32
        %parallel_loop3A_441 = arith.addi %parallel_loop3A_440, %parallel_loop3A_312 : i32
        %parallel_loop3A_442 = arith.constant 6 : i32
        %parallel_loop3A_443 = arith.addi %parallel_loop3A_441, %parallel_loop3A_442 : i32
        %parallel_loop3A_444 = arith.index_cast %parallel_loop3A_443 : i32 to index
        %parallel_loop3A_445 = arith.constant 0 : index
        %parallel_loop3A_446 = tpu.vector_load %arg7[%parallel_loop3A_444, %parallel_loop3A_445] {strides = array<i32>} : memref<2048x16xf32, #tpu.memory_space<vmem>>, vector<16xf32>,
        %parallel_loop3A_447 = arith.addf %parallel_loop3A_439, %parallel_loop3A_446 : vector<16xf32>
        %parallel_loop3A_448 = arith.constant 384 : i32
        %parallel_loop3A_449 = arith.addi %parallel_loop3A_448, %parallel_loop3A_312 : i32
        %parallel_loop3A_450 = arith.constant 6 : i32
        %parallel_loop3A_451 = arith.addi %parallel_loop3A_449, %parallel_loop3A_450 : i32
        %parallel_loop3A_452 = vector.broadcast %parallel_loop3A_451 : i32 to vector<16xi32>
        tpu.vector_store_idx %arg8[%iota3A, %parallel_loop3A_452], %parallel_loop3A_447 : memref<16x1024xf32, #tpu.memory_space<vmem>>[vector<16xi32>, vector<16xi32>], vector<16xf32>,
        %parallel_loop3A_453 = arith.constant 768 : i32
        %parallel_loop3A_454 = arith.addi %parallel_loop3A_453, %parallel_loop3A_312 : i32
        %parallel_loop3A_455 = arith.constant 7 : i32
        %parallel_loop3A_456 = arith.addi %parallel_loop3A_454, %parallel_loop3A_455 : i32
        %parallel_loop3A_457 = arith.index_cast %parallel_loop3A_456 : i32 to index
        %parallel_loop3A_458 = arith.constant 0 : index
        %parallel_loop3A_459 = tpu.vector_load %arg7[%parallel_loop3A_457, %parallel_loop3A_458] {strides = array<i32>} : memref<2048x16xf32, #tpu.memory_space<vmem>>, vector<16xf32>,
        %parallel_loop3A_460 = arith.constant 896 : i32
        %parallel_loop3A_461 = arith.addi %parallel_loop3A_460, %parallel_loop3A_312 : i32
        %parallel_loop3A_462 = arith.constant 7 : i32
        %parallel_loop3A_463 = arith.addi %parallel_loop3A_461, %parallel_loop3A_462 : i32
        %parallel_loop3A_464 = arith.index_cast %parallel_loop3A_463 : i32 to index
        %parallel_loop3A_465 = arith.constant 0 : index
        %parallel_loop3A_466 = tpu.vector_load %arg7[%parallel_loop3A_464, %parallel_loop3A_465] {strides = array<i32>} : memref<2048x16xf32, #tpu.memory_space<vmem>>, vector<16xf32>,
        %parallel_loop3A_467 = arith.addf %parallel_loop3A_459, %parallel_loop3A_466 : vector<16xf32>
        %parallel_loop3A_468 = arith.constant 384 : i32
        %parallel_loop3A_469 = arith.addi %parallel_loop3A_468, %parallel_loop3A_312 : i32
        %parallel_loop3A_470 = arith.constant 7 : i32
        %parallel_loop3A_471 = arith.addi %parallel_loop3A_469, %parallel_loop3A_470 : i32
        %parallel_loop3A_472 = vector.broadcast %parallel_loop3A_471 : i32 to vector<16xi32>
        tpu.vector_store_idx %arg8[%iota3A, %parallel_loop3A_472], %parallel_loop3A_467 : memref<16x1024xf32, #tpu.memory_space<vmem>>[vector<16xi32>, vector<16xi32>], vector<16xf32>,
      } {sc.loop_unroll_factor = 4 : i64, sc.parallel_access}
      %parallel_loop3A_297 = arith.constant 0 : i32
      %parallel_loop3A_298 = arith.constant 128 : i32
      %parallel_loop3A_299 = arith.constant 8 : i32
      scf.for %parallel_loop3A_312 = %parallel_loop3A_297 to %parallel_loop3A_298 step %parallel_loop3A_299  : i32 {
        %parallel_loop3A_313 = arith.constant 1024 : i32
        %parallel_loop3A_314 = arith.addi %parallel_loop3A_313, %parallel_loop3A_312 : i32
        %parallel_loop3A_315 = arith.constant 0 : i32
        %parallel_loop3A_316 = arith.addi %parallel_loop3A_314, %parallel_loop3A_315 : i32
        %parallel_loop3A_317 = arith.index_cast %parallel_loop3A_316 : i32 to index
        %parallel_loop3A_318 = arith.constant 0 : index
        %parallel_loop3A_319 = tpu.vector_load %arg7[%parallel_loop3A_317, %parallel_loop3A_318] {strides = array<i32>} : memref<2048x16xf32, #tpu.memory_space<vmem>>, vector<16xf32>,
        %parallel_loop3A_320 = arith.constant 1152 : i32
        %parallel_loop3A_321 = arith.addi %parallel_loop3A_320, %parallel_loop3A_312 : i32
        %parallel_loop3A_322 = arith.constant 0 : i32
        %parallel_loop3A_323 = arith.addi %parallel_loop3A_321, %parallel_loop3A_322 : i32
        %parallel_loop3A_324 = arith.index_cast %parallel_loop3A_323 : i32 to index
        %parallel_loop3A_325 = arith.constant 0 : index
        %parallel_loop3A_326 = tpu.vector_load %arg7[%parallel_loop3A_324, %parallel_loop3A_325] {strides = array<i32>} : memref<2048x16xf32, #tpu.memory_space<vmem>>, vector<16xf32>,
        %parallel_loop3A_327 = arith.addf %parallel_loop3A_319, %parallel_loop3A_326 : vector<16xf32>
        %parallel_loop3A_328 = arith.constant 512 : i32
        %parallel_loop3A_329 = arith.addi %parallel_loop3A_328, %parallel_loop3A_312 : i32
        %parallel_loop3A_330 = arith.constant 0 : i32
        %parallel_loop3A_331 = arith.addi %parallel_loop3A_329, %parallel_loop3A_330 : i32
        %parallel_loop3A_332 = vector.broadcast %parallel_loop3A_331 : i32 to vector<16xi32>
        tpu.vector_store_idx %arg8[%iota3A, %parallel_loop3A_332], %parallel_loop3A_327 : memref<16x1024xf32, #tpu.memory_space<vmem>>[vector<16xi32>, vector<16xi32>], vector<16xf32>,
        %parallel_loop3A_333 = arith.constant 1024 : i32
        %parallel_loop3A_334 = arith.addi %parallel_loop3A_333, %parallel_loop3A_312 : i32
        %parallel_loop3A_335 = arith.constant 1 : i32
        %parallel_loop3A_336 = arith.addi %parallel_loop3A_334, %parallel_loop3A_335 : i32
        %parallel_loop3A_337 = arith.index_cast %parallel_loop3A_336 : i32 to index
        %parallel_loop3A_338 = arith.constant 0 : index
        %parallel_loop3A_339 = tpu.vector_load %arg7[%parallel_loop3A_337, %parallel_loop3A_338] {strides = array<i32>} : memref<2048x16xf32, #tpu.memory_space<vmem>>, vector<16xf32>,
        %parallel_loop3A_340 = arith.constant 1152 : i32
        %parallel_loop3A_341 = arith.addi %parallel_loop3A_340, %parallel_loop3A_312 : i32
        %parallel_loop3A_342 = arith.constant 1 : i32
        %parallel_loop3A_343 = arith.addi %parallel_loop3A_341, %parallel_loop3A_342 : i32
        %parallel_loop3A_344 = arith.index_cast %parallel_loop3A_343 : i32 to index
        %parallel_loop3A_345 = arith.constant 0 : index
        %parallel_loop3A_346 = tpu.vector_load %arg7[%parallel_loop3A_344, %parallel_loop3A_345] {strides = array<i32>} : memref<2048x16xf32, #tpu.memory_space<vmem>>, vector<16xf32>,
        %parallel_loop3A_347 = arith.addf %parallel_loop3A_339, %parallel_loop3A_346 : vector<16xf32>
        %parallel_loop3A_348 = arith.constant 512 : i32
        %parallel_loop3A_349 = arith.addi %parallel_loop3A_348, %parallel_loop3A_312 : i32
        %parallel_loop3A_350 = arith.constant 1 : i32
        %parallel_loop3A_351 = arith.addi %parallel_loop3A_349, %parallel_loop3A_350 : i32
        %parallel_loop3A_352 = vector.broadcast %parallel_loop3A_351 : i32 to vector<16xi32>
        tpu.vector_store_idx %arg8[%iota3A, %parallel_loop3A_352], %parallel_loop3A_347 : memref<16x1024xf32, #tpu.memory_space<vmem>>[vector<16xi32>, vector<16xi32>], vector<16xf32>,
        %parallel_loop3A_353 = arith.constant 1024 : i32
        %parallel_loop3A_354 = arith.addi %parallel_loop3A_353, %parallel_loop3A_312 : i32
        %parallel_loop3A_355 = arith.constant 2 : i32
        %parallel_loop3A_356 = arith.addi %parallel_loop3A_354, %parallel_loop3A_355 : i32
        %parallel_loop3A_357 = arith.index_cast %parallel_loop3A_356 : i32 to index
        %parallel_loop3A_358 = arith.constant 0 : index
        %parallel_loop3A_359 = tpu.vector_load %arg7[%parallel_loop3A_357, %parallel_loop3A_358] {strides = array<i32>} : memref<2048x16xf32, #tpu.memory_space<vmem>>, vector<16xf32>,
        %parallel_loop3A_360 = arith.constant 1152 : i32
        %parallel_loop3A_361 = arith.addi %parallel_loop3A_360, %parallel_loop3A_312 : i32
        %parallel_loop3A_362 = arith.constant 2 : i32
        %parallel_loop3A_363 = arith.addi %parallel_loop3A_361, %parallel_loop3A_362 : i32
        %parallel_loop3A_364 = arith.index_cast %parallel_loop3A_363 : i32 to index
        %parallel_loop3A_365 = arith.constant 0 : index
        %parallel_loop3A_366 = tpu.vector_load %arg7[%parallel_loop3A_364, %parallel_loop3A_365] {strides = array<i32>} : memref<2048x16xf32, #tpu.memory_space<vmem>>, vector<16xf32>,
        %parallel_loop3A_367 = arith.addf %parallel_loop3A_359, %parallel_loop3A_366 : vector<16xf32>
        %parallel_loop3A_368 = arith.constant 512 : i32
        %parallel_loop3A_369 = arith.addi %parallel_loop3A_368, %parallel_loop3A_312 : i32
        %parallel_loop3A_370 = arith.constant 2 : i32
        %parallel_loop3A_371 = arith.addi %parallel_loop3A_369, %parallel_loop3A_370 : i32
        %parallel_loop3A_372 = vector.broadcast %parallel_loop3A_371 : i32 to vector<16xi32>
        tpu.vector_store_idx %arg8[%iota3A, %parallel_loop3A_372], %parallel_loop3A_367 : memref<16x1024xf32, #tpu.memory_space<vmem>>[vector<16xi32>, vector<16xi32>], vector<16xf32>,
        %parallel_loop3A_373 = arith.constant 1024 : i32
        %parallel_loop3A_374 = arith.addi %parallel_loop3A_373, %parallel_loop3A_312 : i32
        %parallel_loop3A_375 = arith.constant 3 : i32
        %parallel_loop3A_376 = arith.addi %parallel_loop3A_374, %parallel_loop3A_375 : i32
        %parallel_loop3A_377 = arith.index_cast %parallel_loop3A_376 : i32 to index
        %parallel_loop3A_378 = arith.constant 0 : index
        %parallel_loop3A_379 = tpu.vector_load %arg7[%parallel_loop3A_377, %parallel_loop3A_378] {strides = array<i32>} : memref<2048x16xf32, #tpu.memory_space<vmem>>, vector<16xf32>,
        %parallel_loop3A_380 = arith.constant 1152 : i32
        %parallel_loop3A_381 = arith.addi %parallel_loop3A_380, %parallel_loop3A_312 : i32
        %parallel_loop3A_382 = arith.constant 3 : i32
        %parallel_loop3A_383 = arith.addi %parallel_loop3A_381, %parallel_loop3A_382 : i32
        %parallel_loop3A_384 = arith.index_cast %parallel_loop3A_383 : i32 to index
        %parallel_loop3A_385 = arith.constant 0 : index
        %parallel_loop3A_386 = tpu.vector_load %arg7[%parallel_loop3A_384, %parallel_loop3A_385] {strides = array<i32>} : memref<2048x16xf32, #tpu.memory_space<vmem>>, vector<16xf32>,
        %parallel_loop3A_387 = arith.addf %parallel_loop3A_379, %parallel_loop3A_386 : vector<16xf32>
        %parallel_loop3A_388 = arith.constant 512 : i32
        %parallel_loop3A_389 = arith.addi %parallel_loop3A_388, %parallel_loop3A_312 : i32
        %parallel_loop3A_390 = arith.constant 3 : i32
        %parallel_loop3A_391 = arith.addi %parallel_loop3A_389, %parallel_loop3A_390 : i32
        %parallel_loop3A_392 = vector.broadcast %parallel_loop3A_391 : i32 to vector<16xi32>
        tpu.vector_store_idx %arg8[%iota3A, %parallel_loop3A_392], %parallel_loop3A_387 : memref<16x1024xf32, #tpu.memory_space<vmem>>[vector<16xi32>, vector<16xi32>], vector<16xf32>,
        %parallel_loop3A_393 = arith.constant 1024 : i32
        %parallel_loop3A_394 = arith.addi %parallel_loop3A_393, %parallel_loop3A_312 : i32
        %parallel_loop3A_395 = arith.constant 4 : i32
        %parallel_loop3A_396 = arith.addi %parallel_loop3A_394, %parallel_loop3A_395 : i32
        %parallel_loop3A_397 = arith.index_cast %parallel_loop3A_396 : i32 to index
        %parallel_loop3A_398 = arith.constant 0 : index
        %parallel_loop3A_399 = tpu.vector_load %arg7[%parallel_loop3A_397, %parallel_loop3A_398] {strides = array<i32>} : memref<2048x16xf32, #tpu.memory_space<vmem>>, vector<16xf32>,
        %parallel_loop3A_400 = arith.constant 1152 : i32
        %parallel_loop3A_401 = arith.addi %parallel_loop3A_400, %parallel_loop3A_312 : i32
        %parallel_loop3A_402 = arith.constant 4 : i32
        %parallel_loop3A_403 = arith.addi %parallel_loop3A_401, %parallel_loop3A_402 : i32
        %parallel_loop3A_404 = arith.index_cast %parallel_loop3A_403 : i32 to index
        %parallel_loop3A_405 = arith.constant 0 : index
        %parallel_loop3A_406 = tpu.vector_load %arg7[%parallel_loop3A_404, %parallel_loop3A_405] {strides = array<i32>} : memref<2048x16xf32, #tpu.memory_space<vmem>>, vector<16xf32>,
        %parallel_loop3A_407 = arith.addf %parallel_loop3A_399, %parallel_loop3A_406 : vector<16xf32>
        %parallel_loop3A_408 = arith.constant 512 : i32
        %parallel_loop3A_409 = arith.addi %parallel_loop3A_408, %parallel_loop3A_312 : i32
        %parallel_loop3A_410 = arith.constant 4 : i32
        %parallel_loop3A_411 = arith.addi %parallel_loop3A_409, %parallel_loop3A_410 : i32
        %parallel_loop3A_412 = vector.broadcast %parallel_loop3A_411 : i32 to vector<16xi32>
        tpu.vector_store_idx %arg8[%iota3A, %parallel_loop3A_412], %parallel_loop3A_407 : memref<16x1024xf32, #tpu.memory_space<vmem>>[vector<16xi32>, vector<16xi32>], vector<16xf32>,
        %parallel_loop3A_413 = arith.constant 1024 : i32
        %parallel_loop3A_414 = arith.addi %parallel_loop3A_413, %parallel_loop3A_312 : i32
        %parallel_loop3A_415 = arith.constant 5 : i32
        %parallel_loop3A_416 = arith.addi %parallel_loop3A_414, %parallel_loop3A_415 : i32
        %parallel_loop3A_417 = arith.index_cast %parallel_loop3A_416 : i32 to index
        %parallel_loop3A_418 = arith.constant 0 : index
        %parallel_loop3A_419 = tpu.vector_load %arg7[%parallel_loop3A_417, %parallel_loop3A_418] {strides = array<i32>} : memref<2048x16xf32, #tpu.memory_space<vmem>>, vector<16xf32>,
        %parallel_loop3A_420 = arith.constant 1152 : i32
        %parallel_loop3A_421 = arith.addi %parallel_loop3A_420, %parallel_loop3A_312 : i32
        %parallel_loop3A_422 = arith.constant 5 : i32
        %parallel_loop3A_423 = arith.addi %parallel_loop3A_421, %parallel_loop3A_422 : i32
        %parallel_loop3A_424 = arith.index_cast %parallel_loop3A_423 : i32 to index
        %parallel_loop3A_425 = arith.constant 0 : index
        %parallel_loop3A_426 = tpu.vector_load %arg7[%parallel_loop3A_424, %parallel_loop3A_425] {strides = array<i32>} : memref<2048x16xf32, #tpu.memory_space<vmem>>, vector<16xf32>,
        %parallel_loop3A_427 = arith.addf %parallel_loop3A_419, %parallel_loop3A_426 : vector<16xf32>
        %parallel_loop3A_428 = arith.constant 512 : i32
        %parallel_loop3A_429 = arith.addi %parallel_loop3A_428, %parallel_loop3A_312 : i32
        %parallel_loop3A_430 = arith.constant 5 : i32
        %parallel_loop3A_431 = arith.addi %parallel_loop3A_429, %parallel_loop3A_430 : i32
        %parallel_loop3A_432 = vector.broadcast %parallel_loop3A_431 : i32 to vector<16xi32>
        tpu.vector_store_idx %arg8[%iota3A, %parallel_loop3A_432], %parallel_loop3A_427 : memref<16x1024xf32, #tpu.memory_space<vmem>>[vector<16xi32>, vector<16xi32>], vector<16xf32>,
        %parallel_loop3A_433 = arith.constant 1024 : i32
        %parallel_loop3A_434 = arith.addi %parallel_loop3A_433, %parallel_loop3A_312 : i32
        %parallel_loop3A_435 = arith.constant 6 : i32
        %parallel_loop3A_436 = arith.addi %parallel_loop3A_434, %parallel_loop3A_435 : i32
        %parallel_loop3A_437 = arith.index_cast %parallel_loop3A_436 : i32 to index
        %parallel_loop3A_438 = arith.constant 0 : index
        %parallel_loop3A_439 = tpu.vector_load %arg7[%parallel_loop3A_437, %parallel_loop3A_438] {strides = array<i32>} : memref<2048x16xf32, #tpu.memory_space<vmem>>, vector<16xf32>,
        %parallel_loop3A_440 = arith.constant 1152 : i32
        %parallel_loop3A_441 = arith.addi %parallel_loop3A_440, %parallel_loop3A_312 : i32
        %parallel_loop3A_442 = arith.constant 6 : i32
        %parallel_loop3A_443 = arith.addi %parallel_loop3A_441, %parallel_loop3A_442 : i32
        %parallel_loop3A_444 = arith.index_cast %parallel_loop3A_443 : i32 to index
        %parallel_loop3A_445 = arith.constant 0 : index
        %parallel_loop3A_446 = tpu.vector_load %arg7[%parallel_loop3A_444, %parallel_loop3A_445] {strides = array<i32>} : memref<2048x16xf32, #tpu.memory_space<vmem>>, vector<16xf32>,
        %parallel_loop3A_447 = arith.addf %parallel_loop3A_439, %parallel_loop3A_446 : vector<16xf32>
        %parallel_loop3A_448 = arith.constant 512 : i32
        %parallel_loop3A_449 = arith.addi %parallel_loop3A_448, %parallel_loop3A_312 : i32
        %parallel_loop3A_450 = arith.constant 6 : i32
        %parallel_loop3A_451 = arith.addi %parallel_loop3A_449, %parallel_loop3A_450 : i32
        %parallel_loop3A_452 = vector.broadcast %parallel_loop3A_451 : i32 to vector<16xi32>
        tpu.vector_store_idx %arg8[%iota3A, %parallel_loop3A_452], %parallel_loop3A_447 : memref<16x1024xf32, #tpu.memory_space<vmem>>[vector<16xi32>, vector<16xi32>], vector<16xf32>,
        %parallel_loop3A_453 = arith.constant 1024 : i32
        %parallel_loop3A_454 = arith.addi %parallel_loop3A_453, %parallel_loop3A_312 : i32
        %parallel_loop3A_455 = arith.constant 7 : i32
        %parallel_loop3A_456 = arith.addi %parallel_loop3A_454, %parallel_loop3A_455 : i32
        %parallel_loop3A_457 = arith.index_cast %parallel_loop3A_456 : i32 to index
        %parallel_loop3A_458 = arith.constant 0 : index
        %parallel_loop3A_459 = tpu.vector_load %arg7[%parallel_loop3A_457, %parallel_loop3A_458] {strides = array<i32>} : memref<2048x16xf32, #tpu.memory_space<vmem>>, vector<16xf32>,
        %parallel_loop3A_460 = arith.constant 1152 : i32
        %parallel_loop3A_461 = arith.addi %parallel_loop3A_460, %parallel_loop3A_312 : i32
        %parallel_loop3A_462 = arith.constant 7 : i32
        %parallel_loop3A_463 = arith.addi %parallel_loop3A_461, %parallel_loop3A_462 : i32
        %parallel_loop3A_464 = arith.index_cast %parallel_loop3A_463 : i32 to index
        %parallel_loop3A_465 = arith.constant 0 : index
        %parallel_loop3A_466 = tpu.vector_load %arg7[%parallel_loop3A_464, %parallel_loop3A_465] {strides = array<i32>} : memref<2048x16xf32, #tpu.memory_space<vmem>>, vector<16xf32>,
        %parallel_loop3A_467 = arith.addf %parallel_loop3A_459, %parallel_loop3A_466 : vector<16xf32>
        %parallel_loop3A_468 = arith.constant 512 : i32
        %parallel_loop3A_469 = arith.addi %parallel_loop3A_468, %parallel_loop3A_312 : i32
        %parallel_loop3A_470 = arith.constant 7 : i32
        %parallel_loop3A_471 = arith.addi %parallel_loop3A_469, %parallel_loop3A_470 : i32
        %parallel_loop3A_472 = vector.broadcast %parallel_loop3A_471 : i32 to vector<16xi32>
        tpu.vector_store_idx %arg8[%iota3A, %parallel_loop3A_472], %parallel_loop3A_467 : memref<16x1024xf32, #tpu.memory_space<vmem>>[vector<16xi32>, vector<16xi32>], vector<16xf32>,
      } {sc.loop_unroll_factor = 4 : i64, sc.parallel_access}
      %parallel_loop3A_300 = arith.constant 0 : i32
      %parallel_loop3A_301 = arith.constant 128 : i32
      %parallel_loop3A_302 = arith.constant 8 : i32
      scf.for %parallel_loop3A_312 = %parallel_loop3A_300 to %parallel_loop3A_301 step %parallel_loop3A_302  : i32 {
        %parallel_loop3A_313 = arith.constant 1280 : i32
        %parallel_loop3A_314 = arith.addi %parallel_loop3A_313, %parallel_loop3A_312 : i32
        %parallel_loop3A_315 = arith.constant 0 : i32
        %parallel_loop3A_316 = arith.addi %parallel_loop3A_314, %parallel_loop3A_315 : i32
        %parallel_loop3A_317 = arith.index_cast %parallel_loop3A_316 : i32 to index
        %parallel_loop3A_318 = arith.constant 0 : index
        %parallel_loop3A_319 = tpu.vector_load %arg7[%parallel_loop3A_317, %parallel_loop3A_318] {strides = array<i32>} : memref<2048x16xf32, #tpu.memory_space<vmem>>, vector<16xf32>,
        %parallel_loop3A_320 = arith.constant 1408 : i32
        %parallel_loop3A_321 = arith.addi %parallel_loop3A_320, %parallel_loop3A_312 : i32
        %parallel_loop3A_322 = arith.constant 0 : i32
        %parallel_loop3A_323 = arith.addi %parallel_loop3A_321, %parallel_loop3A_322 : i32
        %parallel_loop3A_324 = arith.index_cast %parallel_loop3A_323 : i32 to index
        %parallel_loop3A_325 = arith.constant 0 : index
        %parallel_loop3A_326 = tpu.vector_load %arg7[%parallel_loop3A_324, %parallel_loop3A_325] {strides = array<i32>} : memref<2048x16xf32, #tpu.memory_space<vmem>>, vector<16xf32>,
        %parallel_loop3A_327 = arith.addf %parallel_loop3A_319, %parallel_loop3A_326 : vector<16xf32>
        %parallel_loop3A_328 = arith.constant 640 : i32
        %parallel_loop3A_329 = arith.addi %parallel_loop3A_328, %parallel_loop3A_312 : i32
        %parallel_loop3A_330 = arith.constant 0 : i32
        %parallel_loop3A_331 = arith.addi %parallel_loop3A_329, %parallel_loop3A_330 : i32
        %parallel_loop3A_332 = vector.broadcast %parallel_loop3A_331 : i32 to vector<16xi32>
        tpu.vector_store_idx %arg8[%iota3A, %parallel_loop3A_332], %parallel_loop3A_327 : memref<16x1024xf32, #tpu.memory_space<vmem>>[vector<16xi32>, vector<16xi32>], vector<16xf32>,
        %parallel_loop3A_333 = arith.constant 1280 : i32
        %parallel_loop3A_334 = arith.addi %parallel_loop3A_333, %parallel_loop3A_312 : i32
        %parallel_loop3A_335 = arith.constant 1 : i32
        %parallel_loop3A_336 = arith.addi %parallel_loop3A_334, %parallel_loop3A_335 : i32
        %parallel_loop3A_337 = arith.index_cast %parallel_loop3A_336 : i32 to index
        %parallel_loop3A_338 = arith.constant 0 : index
        %parallel_loop3A_339 = tpu.vector_load %arg7[%parallel_loop3A_337, %parallel_loop3A_338] {strides = array<i32>} : memref<2048x16xf32, #tpu.memory_space<vmem>>, vector<16xf32>,
        %parallel_loop3A_340 = arith.constant 1408 : i32
        %parallel_loop3A_341 = arith.addi %parallel_loop3A_340, %parallel_loop3A_312 : i32
        %parallel_loop3A_342 = arith.constant 1 : i32
        %parallel_loop3A_343 = arith.addi %parallel_loop3A_341, %parallel_loop3A_342 : i32
        %parallel_loop3A_344 = arith.index_cast %parallel_loop3A_343 : i32 to index
        %parallel_loop3A_345 = arith.constant 0 : index
        %parallel_loop3A_346 = tpu.vector_load %arg7[%parallel_loop3A_344, %parallel_loop3A_345] {strides = array<i32>} : memref<2048x16xf32, #tpu.memory_space<vmem>>, vector<16xf32>,
        %parallel_loop3A_347 = arith.addf %parallel_loop3A_339, %parallel_loop3A_346 : vector<16xf32>
        %parallel_loop3A_348 = arith.constant 640 : i32
        %parallel_loop3A_349 = arith.addi %parallel_loop3A_348, %parallel_loop3A_312 : i32
        %parallel_loop3A_350 = arith.constant 1 : i32
        %parallel_loop3A_351 = arith.addi %parallel_loop3A_349, %parallel_loop3A_350 : i32
        %parallel_loop3A_352 = vector.broadcast %parallel_loop3A_351 : i32 to vector<16xi32>
        tpu.vector_store_idx %arg8[%iota3A, %parallel_loop3A_352], %parallel_loop3A_347 : memref<16x1024xf32, #tpu.memory_space<vmem>>[vector<16xi32>, vector<16xi32>], vector<16xf32>,
        %parallel_loop3A_353 = arith.constant 1280 : i32
        %parallel_loop3A_354 = arith.addi %parallel_loop3A_353, %parallel_loop3A_312 : i32
        %parallel_loop3A_355 = arith.constant 2 : i32
        %parallel_loop3A_356 = arith.addi %parallel_loop3A_354, %parallel_loop3A_355 : i32
        %parallel_loop3A_357 = arith.index_cast %parallel_loop3A_356 : i32 to index
        %parallel_loop3A_358 = arith.constant 0 : index
        %parallel_loop3A_359 = tpu.vector_load %arg7[%parallel_loop3A_357, %parallel_loop3A_358] {strides = array<i32>} : memref<2048x16xf32, #tpu.memory_space<vmem>>, vector<16xf32>,
        %parallel_loop3A_360 = arith.constant 1408 : i32
        %parallel_loop3A_361 = arith.addi %parallel_loop3A_360, %parallel_loop3A_312 : i32
        %parallel_loop3A_362 = arith.constant 2 : i32
        %parallel_loop3A_363 = arith.addi %parallel_loop3A_361, %parallel_loop3A_362 : i32
        %parallel_loop3A_364 = arith.index_cast %parallel_loop3A_363 : i32 to index
        %parallel_loop3A_365 = arith.constant 0 : index
        %parallel_loop3A_366 = tpu.vector_load %arg7[%parallel_loop3A_364, %parallel_loop3A_365] {strides = array<i32>} : memref<2048x16xf32, #tpu.memory_space<vmem>>, vector<16xf32>,
        %parallel_loop3A_367 = arith.addf %parallel_loop3A_359, %parallel_loop3A_366 : vector<16xf32>
        %parallel_loop3A_368 = arith.constant 640 : i32
        %parallel_loop3A_369 = arith.addi %parallel_loop3A_368, %parallel_loop3A_312 : i32
        %parallel_loop3A_370 = arith.constant 2 : i32
        %parallel_loop3A_371 = arith.addi %parallel_loop3A_369, %parallel_loop3A_370 : i32
        %parallel_loop3A_372 = vector.broadcast %parallel_loop3A_371 : i32 to vector<16xi32>
        tpu.vector_store_idx %arg8[%iota3A, %parallel_loop3A_372], %parallel_loop3A_367 : memref<16x1024xf32, #tpu.memory_space<vmem>>[vector<16xi32>, vector<16xi32>], vector<16xf32>,
        %parallel_loop3A_373 = arith.constant 1280 : i32
        %parallel_loop3A_374 = arith.addi %parallel_loop3A_373, %parallel_loop3A_312 : i32
        %parallel_loop3A_375 = arith.constant 3 : i32
        %parallel_loop3A_376 = arith.addi %parallel_loop3A_374, %parallel_loop3A_375 : i32
        %parallel_loop3A_377 = arith.index_cast %parallel_loop3A_376 : i32 to index
        %parallel_loop3A_378 = arith.constant 0 : index
        %parallel_loop3A_379 = tpu.vector_load %arg7[%parallel_loop3A_377, %parallel_loop3A_378] {strides = array<i32>} : memref<2048x16xf32, #tpu.memory_space<vmem>>, vector<16xf32>,
        %parallel_loop3A_380 = arith.constant 1408 : i32
        %parallel_loop3A_381 = arith.addi %parallel_loop3A_380, %parallel_loop3A_312 : i32
        %parallel_loop3A_382 = arith.constant 3 : i32
        %parallel_loop3A_383 = arith.addi %parallel_loop3A_381, %parallel_loop3A_382 : i32
        %parallel_loop3A_384 = arith.index_cast %parallel_loop3A_383 : i32 to index
        %parallel_loop3A_385 = arith.constant 0 : index
        %parallel_loop3A_386 = tpu.vector_load %arg7[%parallel_loop3A_384, %parallel_loop3A_385] {strides = array<i32>} : memref<2048x16xf32, #tpu.memory_space<vmem>>, vector<16xf32>,
        %parallel_loop3A_387 = arith.addf %parallel_loop3A_379, %parallel_loop3A_386 : vector<16xf32>
        %parallel_loop3A_388 = arith.constant 640 : i32
        %parallel_loop3A_389 = arith.addi %parallel_loop3A_388, %parallel_loop3A_312 : i32
        %parallel_loop3A_390 = arith.constant 3 : i32
        %parallel_loop3A_391 = arith.addi %parallel_loop3A_389, %parallel_loop3A_390 : i32
        %parallel_loop3A_392 = vector.broadcast %parallel_loop3A_391 : i32 to vector<16xi32>
        tpu.vector_store_idx %arg8[%iota3A, %parallel_loop3A_392], %parallel_loop3A_387 : memref<16x1024xf32, #tpu.memory_space<vmem>>[vector<16xi32>, vector<16xi32>], vector<16xf32>,
        %parallel_loop3A_393 = arith.constant 1280 : i32
        %parallel_loop3A_394 = arith.addi %parallel_loop3A_393, %parallel_loop3A_312 : i32
        %parallel_loop3A_395 = arith.constant 4 : i32
        %parallel_loop3A_396 = arith.addi %parallel_loop3A_394, %parallel_loop3A_395 : i32
        %parallel_loop3A_397 = arith.index_cast %parallel_loop3A_396 : i32 to index
        %parallel_loop3A_398 = arith.constant 0 : index
        %parallel_loop3A_399 = tpu.vector_load %arg7[%parallel_loop3A_397, %parallel_loop3A_398] {strides = array<i32>} : memref<2048x16xf32, #tpu.memory_space<vmem>>, vector<16xf32>,
        %parallel_loop3A_400 = arith.constant 1408 : i32
        %parallel_loop3A_401 = arith.addi %parallel_loop3A_400, %parallel_loop3A_312 : i32
        %parallel_loop3A_402 = arith.constant 4 : i32
        %parallel_loop3A_403 = arith.addi %parallel_loop3A_401, %parallel_loop3A_402 : i32
        %parallel_loop3A_404 = arith.index_cast %parallel_loop3A_403 : i32 to index
        %parallel_loop3A_405 = arith.constant 0 : index
        %parallel_loop3A_406 = tpu.vector_load %arg7[%parallel_loop3A_404, %parallel_loop3A_405] {strides = array<i32>} : memref<2048x16xf32, #tpu.memory_space<vmem>>, vector<16xf32>,
        %parallel_loop3A_407 = arith.addf %parallel_loop3A_399, %parallel_loop3A_406 : vector<16xf32>
        %parallel_loop3A_408 = arith.constant 640 : i32
        %parallel_loop3A_409 = arith.addi %parallel_loop3A_408, %parallel_loop3A_312 : i32
        %parallel_loop3A_410 = arith.constant 4 : i32
        %parallel_loop3A_411 = arith.addi %parallel_loop3A_409, %parallel_loop3A_410 : i32
        %parallel_loop3A_412 = vector.broadcast %parallel_loop3A_411 : i32 to vector<16xi32>
        tpu.vector_store_idx %arg8[%iota3A, %parallel_loop3A_412], %parallel_loop3A_407 : memref<16x1024xf32, #tpu.memory_space<vmem>>[vector<16xi32>, vector<16xi32>], vector<16xf32>,
        %parallel_loop3A_413 = arith.constant 1280 : i32
        %parallel_loop3A_414 = arith.addi %parallel_loop3A_413, %parallel_loop3A_312 : i32
        %parallel_loop3A_415 = arith.constant 5 : i32
        %parallel_loop3A_416 = arith.addi %parallel_loop3A_414, %parallel_loop3A_415 : i32
        %parallel_loop3A_417 = arith.index_cast %parallel_loop3A_416 : i32 to index
        %parallel_loop3A_418 = arith.constant 0 : index
        %parallel_loop3A_419 = tpu.vector_load %arg7[%parallel_loop3A_417, %parallel_loop3A_418] {strides = array<i32>} : memref<2048x16xf32, #tpu.memory_space<vmem>>, vector<16xf32>,
        %parallel_loop3A_420 = arith.constant 1408 : i32
        %parallel_loop3A_421 = arith.addi %parallel_loop3A_420, %parallel_loop3A_312 : i32
        %parallel_loop3A_422 = arith.constant 5 : i32
        %parallel_loop3A_423 = arith.addi %parallel_loop3A_421, %parallel_loop3A_422 : i32
        %parallel_loop3A_424 = arith.index_cast %parallel_loop3A_423 : i32 to index
        %parallel_loop3A_425 = arith.constant 0 : index
        %parallel_loop3A_426 = tpu.vector_load %arg7[%parallel_loop3A_424, %parallel_loop3A_425] {strides = array<i32>} : memref<2048x16xf32, #tpu.memory_space<vmem>>, vector<16xf32>,
        %parallel_loop3A_427 = arith.addf %parallel_loop3A_419, %parallel_loop3A_426 : vector<16xf32>
        %parallel_loop3A_428 = arith.constant 640 : i32
        %parallel_loop3A_429 = arith.addi %parallel_loop3A_428, %parallel_loop3A_312 : i32
        %parallel_loop3A_430 = arith.constant 5 : i32
        %parallel_loop3A_431 = arith.addi %parallel_loop3A_429, %parallel_loop3A_430 : i32
        %parallel_loop3A_432 = vector.broadcast %parallel_loop3A_431 : i32 to vector<16xi32>
        tpu.vector_store_idx %arg8[%iota3A, %parallel_loop3A_432], %parallel_loop3A_427 : memref<16x1024xf32, #tpu.memory_space<vmem>>[vector<16xi32>, vector<16xi32>], vector<16xf32>,
        %parallel_loop3A_433 = arith.constant 1280 : i32
        %parallel_loop3A_434 = arith.addi %parallel_loop3A_433, %parallel_loop3A_312 : i32
        %parallel_loop3A_435 = arith.constant 6 : i32
        %parallel_loop3A_436 = arith.addi %parallel_loop3A_434, %parallel_loop3A_435 : i32
        %parallel_loop3A_437 = arith.index_cast %parallel_loop3A_436 : i32 to index
        %parallel_loop3A_438 = arith.constant 0 : index
        %parallel_loop3A_439 = tpu.vector_load %arg7[%parallel_loop3A_437, %parallel_loop3A_438] {strides = array<i32>} : memref<2048x16xf32, #tpu.memory_space<vmem>>, vector<16xf32>,
        %parallel_loop3A_440 = arith.constant 1408 : i32
        %parallel_loop3A_441 = arith.addi %parallel_loop3A_440, %parallel_loop3A_312 : i32
        %parallel_loop3A_442 = arith.constant 6 : i32
        %parallel_loop3A_443 = arith.addi %parallel_loop3A_441, %parallel_loop3A_442 : i32
        %parallel_loop3A_444 = arith.index_cast %parallel_loop3A_443 : i32 to index
        %parallel_loop3A_445 = arith.constant 0 : index
        %parallel_loop3A_446 = tpu.vector_load %arg7[%parallel_loop3A_444, %parallel_loop3A_445] {strides = array<i32>} : memref<2048x16xf32, #tpu.memory_space<vmem>>, vector<16xf32>,
        %parallel_loop3A_447 = arith.addf %parallel_loop3A_439, %parallel_loop3A_446 : vector<16xf32>
        %parallel_loop3A_448 = arith.constant 640 : i32
        %parallel_loop3A_449 = arith.addi %parallel_loop3A_448, %parallel_loop3A_312 : i32
        %parallel_loop3A_450 = arith.constant 6 : i32
        %parallel_loop3A_451 = arith.addi %parallel_loop3A_449, %parallel_loop3A_450 : i32
        %parallel_loop3A_452 = vector.broadcast %parallel_loop3A_451 : i32 to vector<16xi32>
        tpu.vector_store_idx %arg8[%iota3A, %parallel_loop3A_452], %parallel_loop3A_447 : memref<16x1024xf32, #tpu.memory_space<vmem>>[vector<16xi32>, vector<16xi32>], vector<16xf32>,
        %parallel_loop3A_453 = arith.constant 1280 : i32
        %parallel_loop3A_454 = arith.addi %parallel_loop3A_453, %parallel_loop3A_312 : i32
        %parallel_loop3A_455 = arith.constant 7 : i32
        %parallel_loop3A_456 = arith.addi %parallel_loop3A_454, %parallel_loop3A_455 : i32
        %parallel_loop3A_457 = arith.index_cast %parallel_loop3A_456 : i32 to index
        %parallel_loop3A_458 = arith.constant 0 : index
        %parallel_loop3A_459 = tpu.vector_load %arg7[%parallel_loop3A_457, %parallel_loop3A_458] {strides = array<i32>} : memref<2048x16xf32, #tpu.memory_space<vmem>>, vector<16xf32>,
        %parallel_loop3A_460 = arith.constant 1408 : i32
        %parallel_loop3A_461 = arith.addi %parallel_loop3A_460, %parallel_loop3A_312 : i32
        %parallel_loop3A_462 = arith.constant 7 : i32
        %parallel_loop3A_463 = arith.addi %parallel_loop3A_461, %parallel_loop3A_462 : i32
        %parallel_loop3A_464 = arith.index_cast %parallel_loop3A_463 : i32 to index
        %parallel_loop3A_465 = arith.constant 0 : index
        %parallel_loop3A_466 = tpu.vector_load %arg7[%parallel_loop3A_464, %parallel_loop3A_465] {strides = array<i32>} : memref<2048x16xf32, #tpu.memory_space<vmem>>, vector<16xf32>,
        %parallel_loop3A_467 = arith.addf %parallel_loop3A_459, %parallel_loop3A_466 : vector<16xf32>
        %parallel_loop3A_468 = arith.constant 640 : i32
        %parallel_loop3A_469 = arith.addi %parallel_loop3A_468, %parallel_loop3A_312 : i32
        %parallel_loop3A_470 = arith.constant 7 : i32
        %parallel_loop3A_471 = arith.addi %parallel_loop3A_469, %parallel_loop3A_470 : i32
        %parallel_loop3A_472 = vector.broadcast %parallel_loop3A_471 : i32 to vector<16xi32>
        tpu.vector_store_idx %arg8[%iota3A, %parallel_loop3A_472], %parallel_loop3A_467 : memref<16x1024xf32, #tpu.memory_space<vmem>>[vector<16xi32>, vector<16xi32>], vector<16xf32>,
      } {sc.loop_unroll_factor = 4 : i64, sc.parallel_access}
      %parallel_loop3A_303 = arith.constant 0 : i32
      %parallel_loop3A_304 = arith.constant 128 : i32
      %parallel_loop3A_305 = arith.constant 8 : i32
      scf.for %parallel_loop3A_312 = %parallel_loop3A_303 to %parallel_loop3A_304 step %parallel_loop3A_305  : i32 {
        %parallel_loop3A_313 = arith.constant 1536 : i32
        %parallel_loop3A_314 = arith.addi %parallel_loop3A_313, %parallel_loop3A_312 : i32
        %parallel_loop3A_315 = arith.constant 0 : i32
        %parallel_loop3A_316 = arith.addi %parallel_loop3A_314, %parallel_loop3A_315 : i32
        %parallel_loop3A_317 = arith.index_cast %parallel_loop3A_316 : i32 to index
        %parallel_loop3A_318 = arith.constant 0 : index
        %parallel_loop3A_319 = tpu.vector_load %arg7[%parallel_loop3A_317, %parallel_loop3A_318] {strides = array<i32>} : memref<2048x16xf32, #tpu.memory_space<vmem>>, vector<16xf32>,
        %parallel_loop3A_320 = arith.constant 1664 : i32
        %parallel_loop3A_321 = arith.addi %parallel_loop3A_320, %parallel_loop3A_312 : i32
        %parallel_loop3A_322 = arith.constant 0 : i32
        %parallel_loop3A_323 = arith.addi %parallel_loop3A_321, %parallel_loop3A_322 : i32
        %parallel_loop3A_324 = arith.index_cast %parallel_loop3A_323 : i32 to index
        %parallel_loop3A_325 = arith.constant 0 : index
        %parallel_loop3A_326 = tpu.vector_load %arg7[%parallel_loop3A_324, %parallel_loop3A_325] {strides = array<i32>} : memref<2048x16xf32, #tpu.memory_space<vmem>>, vector<16xf32>,
        %parallel_loop3A_327 = arith.addf %parallel_loop3A_319, %parallel_loop3A_326 : vector<16xf32>
        %parallel_loop3A_328 = arith.constant 768 : i32
        %parallel_loop3A_329 = arith.addi %parallel_loop3A_328, %parallel_loop3A_312 : i32
        %parallel_loop3A_330 = arith.constant 0 : i32
        %parallel_loop3A_331 = arith.addi %parallel_loop3A_329, %parallel_loop3A_330 : i32
        %parallel_loop3A_332 = vector.broadcast %parallel_loop3A_331 : i32 to vector<16xi32>
        tpu.vector_store_idx %arg8[%iota3A, %parallel_loop3A_332], %parallel_loop3A_327 : memref<16x1024xf32, #tpu.memory_space<vmem>>[vector<16xi32>, vector<16xi32>], vector<16xf32>,
        %parallel_loop3A_333 = arith.constant 1536 : i32
        %parallel_loop3A_334 = arith.addi %parallel_loop3A_333, %parallel_loop3A_312 : i32
        %parallel_loop3A_335 = arith.constant 1 : i32
        %parallel_loop3A_336 = arith.addi %parallel_loop3A_334, %parallel_loop3A_335 : i32
        %parallel_loop3A_337 = arith.index_cast %parallel_loop3A_336 : i32 to index
        %parallel_loop3A_338 = arith.constant 0 : index
        %parallel_loop3A_339 = tpu.vector_load %arg7[%parallel_loop3A_337, %parallel_loop3A_338] {strides = array<i32>} : memref<2048x16xf32, #tpu.memory_space<vmem>>, vector<16xf32>,
        %parallel_loop3A_340 = arith.constant 1664 : i32
        %parallel_loop3A_341 = arith.addi %parallel_loop3A_340, %parallel_loop3A_312 : i32
        %parallel_loop3A_342 = arith.constant 1 : i32
        %parallel_loop3A_343 = arith.addi %parallel_loop3A_341, %parallel_loop3A_342 : i32
        %parallel_loop3A_344 = arith.index_cast %parallel_loop3A_343 : i32 to index
        %parallel_loop3A_345 = arith.constant 0 : index
        %parallel_loop3A_346 = tpu.vector_load %arg7[%parallel_loop3A_344, %parallel_loop3A_345] {strides = array<i32>} : memref<2048x16xf32, #tpu.memory_space<vmem>>, vector<16xf32>,
        %parallel_loop3A_347 = arith.addf %parallel_loop3A_339, %parallel_loop3A_346 : vector<16xf32>
        %parallel_loop3A_348 = arith.constant 768 : i32
        %parallel_loop3A_349 = arith.addi %parallel_loop3A_348, %parallel_loop3A_312 : i32
        %parallel_loop3A_350 = arith.constant 1 : i32
        %parallel_loop3A_351 = arith.addi %parallel_loop3A_349, %parallel_loop3A_350 : i32
        %parallel_loop3A_352 = vector.broadcast %parallel_loop3A_351 : i32 to vector<16xi32>
        tpu.vector_store_idx %arg8[%iota3A, %parallel_loop3A_352], %parallel_loop3A_347 : memref<16x1024xf32, #tpu.memory_space<vmem>>[vector<16xi32>, vector<16xi32>], vector<16xf32>,
        %parallel_loop3A_353 = arith.constant 1536 : i32
        %parallel_loop3A_354 = arith.addi %parallel_loop3A_353, %parallel_loop3A_312 : i32
        %parallel_loop3A_355 = arith.constant 2 : i32
        %parallel_loop3A_356 = arith.addi %parallel_loop3A_354, %parallel_loop3A_355 : i32
        %parallel_loop3A_357 = arith.index_cast %parallel_loop3A_356 : i32 to index
        %parallel_loop3A_358 = arith.constant 0 : index
        %parallel_loop3A_359 = tpu.vector_load %arg7[%parallel_loop3A_357, %parallel_loop3A_358] {strides = array<i32>} : memref<2048x16xf32, #tpu.memory_space<vmem>>, vector<16xf32>,
        %parallel_loop3A_360 = arith.constant 1664 : i32
        %parallel_loop3A_361 = arith.addi %parallel_loop3A_360, %parallel_loop3A_312 : i32
        %parallel_loop3A_362 = arith.constant 2 : i32
        %parallel_loop3A_363 = arith.addi %parallel_loop3A_361, %parallel_loop3A_362 : i32
        %parallel_loop3A_364 = arith.index_cast %parallel_loop3A_363 : i32 to index
        %parallel_loop3A_365 = arith.constant 0 : index
        %parallel_loop3A_366 = tpu.vector_load %arg7[%parallel_loop3A_364, %parallel_loop3A_365] {strides = array<i32>} : memref<2048x16xf32, #tpu.memory_space<vmem>>, vector<16xf32>,
        %parallel_loop3A_367 = arith.addf %parallel_loop3A_359, %parallel_loop3A_366 : vector<16xf32>
        %parallel_loop3A_368 = arith.constant 768 : i32
        %parallel_loop3A_369 = arith.addi %parallel_loop3A_368, %parallel_loop3A_312 : i32
        %parallel_loop3A_370 = arith.constant 2 : i32
        %parallel_loop3A_371 = arith.addi %parallel_loop3A_369, %parallel_loop3A_370 : i32
        %parallel_loop3A_372 = vector.broadcast %parallel_loop3A_371 : i32 to vector<16xi32>
        tpu.vector_store_idx %arg8[%iota3A, %parallel_loop3A_372], %parallel_loop3A_367 : memref<16x1024xf32, #tpu.memory_space<vmem>>[vector<16xi32>, vector<16xi32>], vector<16xf32>,
        %parallel_loop3A_373 = arith.constant 1536 : i32
        %parallel_loop3A_374 = arith.addi %parallel_loop3A_373, %parallel_loop3A_312 : i32
        %parallel_loop3A_375 = arith.constant 3 : i32
        %parallel_loop3A_376 = arith.addi %parallel_loop3A_374, %parallel_loop3A_375 : i32
        %parallel_loop3A_377 = arith.index_cast %parallel_loop3A_376 : i32 to index
        %parallel_loop3A_378 = arith.constant 0 : index
        %parallel_loop3A_379 = tpu.vector_load %arg7[%parallel_loop3A_377, %parallel_loop3A_378] {strides = array<i32>} : memref<2048x16xf32, #tpu.memory_space<vmem>>, vector<16xf32>,
        %parallel_loop3A_380 = arith.constant 1664 : i32
        %parallel_loop3A_381 = arith.addi %parallel_loop3A_380, %parallel_loop3A_312 : i32
        %parallel_loop3A_382 = arith.constant 3 : i32
        %parallel_loop3A_383 = arith.addi %parallel_loop3A_381, %parallel_loop3A_382 : i32
        %parallel_loop3A_384 = arith.index_cast %parallel_loop3A_383 : i32 to index
        %parallel_loop3A_385 = arith.constant 0 : index
        %parallel_loop3A_386 = tpu.vector_load %arg7[%parallel_loop3A_384, %parallel_loop3A_385] {strides = array<i32>} : memref<2048x16xf32, #tpu.memory_space<vmem>>, vector<16xf32>,
        %parallel_loop3A_387 = arith.addf %parallel_loop3A_379, %parallel_loop3A_386 : vector<16xf32>
        %parallel_loop3A_388 = arith.constant 768 : i32
        %parallel_loop3A_389 = arith.addi %parallel_loop3A_388, %parallel_loop3A_312 : i32
        %parallel_loop3A_390 = arith.constant 3 : i32
        %parallel_loop3A_391 = arith.addi %parallel_loop3A_389, %parallel_loop3A_390 : i32
        %parallel_loop3A_392 = vector.broadcast %parallel_loop3A_391 : i32 to vector<16xi32>
        tpu.vector_store_idx %arg8[%iota3A, %parallel_loop3A_392], %parallel_loop3A_387 : memref<16x1024xf32, #tpu.memory_space<vmem>>[vector<16xi32>, vector<16xi32>], vector<16xf32>,
        %parallel_loop3A_393 = arith.constant 1536 : i32
        %parallel_loop3A_394 = arith.addi %parallel_loop3A_393, %parallel_loop3A_312 : i32
        %parallel_loop3A_395 = arith.constant 4 : i32
        %parallel_loop3A_396 = arith.addi %parallel_loop3A_394, %parallel_loop3A_395 : i32
        %parallel_loop3A_397 = arith.index_cast %parallel_loop3A_396 : i32 to index
        %parallel_loop3A_398 = arith.constant 0 : index
        %parallel_loop3A_399 = tpu.vector_load %arg7[%parallel_loop3A_397, %parallel_loop3A_398] {strides = array<i32>} : memref<2048x16xf32, #tpu.memory_space<vmem>>, vector<16xf32>,
        %parallel_loop3A_400 = arith.constant 1664 : i32
        %parallel_loop3A_401 = arith.addi %parallel_loop3A_400, %parallel_loop3A_312 : i32
        %parallel_loop3A_402 = arith.constant 4 : i32
        %parallel_loop3A_403 = arith.addi %parallel_loop3A_401, %parallel_loop3A_402 : i32
        %parallel_loop3A_404 = arith.index_cast %parallel_loop3A_403 : i32 to index
        %parallel_loop3A_405 = arith.constant 0 : index
        %parallel_loop3A_406 = tpu.vector_load %arg7[%parallel_loop3A_404, %parallel_loop3A_405] {strides = array<i32>} : memref<2048x16xf32, #tpu.memory_space<vmem>>, vector<16xf32>,
        %parallel_loop3A_407 = arith.addf %parallel_loop3A_399, %parallel_loop3A_406 : vector<16xf32>
        %parallel_loop3A_408 = arith.constant 768 : i32
        %parallel_loop3A_409 = arith.addi %parallel_loop3A_408, %parallel_loop3A_312 : i32
        %parallel_loop3A_410 = arith.constant 4 : i32
        %parallel_loop3A_411 = arith.addi %parallel_loop3A_409, %parallel_loop3A_410 : i32
        %parallel_loop3A_412 = vector.broadcast %parallel_loop3A_411 : i32 to vector<16xi32>
        tpu.vector_store_idx %arg8[%iota3A, %parallel_loop3A_412], %parallel_loop3A_407 : memref<16x1024xf32, #tpu.memory_space<vmem>>[vector<16xi32>, vector<16xi32>], vector<16xf32>,
        %parallel_loop3A_413 = arith.constant 1536 : i32
        %parallel_loop3A_414 = arith.addi %parallel_loop3A_413, %parallel_loop3A_312 : i32
        %parallel_loop3A_415 = arith.constant 5 : i32
        %parallel_loop3A_416 = arith.addi %parallel_loop3A_414, %parallel_loop3A_415 : i32
        %parallel_loop3A_417 = arith.index_cast %parallel_loop3A_416 : i32 to index
        %parallel_loop3A_418 = arith.constant 0 : index
        %parallel_loop3A_419 = tpu.vector_load %arg7[%parallel_loop3A_417, %parallel_loop3A_418] {strides = array<i32>} : memref<2048x16xf32, #tpu.memory_space<vmem>>, vector<16xf32>,
        %parallel_loop3A_420 = arith.constant 1664 : i32
        %parallel_loop3A_421 = arith.addi %parallel_loop3A_420, %parallel_loop3A_312 : i32
        %parallel_loop3A_422 = arith.constant 5 : i32
        %parallel_loop3A_423 = arith.addi %parallel_loop3A_421, %parallel_loop3A_422 : i32
        %parallel_loop3A_424 = arith.index_cast %parallel_loop3A_423 : i32 to index
        %parallel_loop3A_425 = arith.constant 0 : index
        %parallel_loop3A_426 = tpu.vector_load %arg7[%parallel_loop3A_424, %parallel_loop3A_425] {strides = array<i32>} : memref<2048x16xf32, #tpu.memory_space<vmem>>, vector<16xf32>,
        %parallel_loop3A_427 = arith.addf %parallel_loop3A_419, %parallel_loop3A_426 : vector<16xf32>
        %parallel_loop3A_428 = arith.constant 768 : i32
        %parallel_loop3A_429 = arith.addi %parallel_loop3A_428, %parallel_loop3A_312 : i32
        %parallel_loop3A_430 = arith.constant 5 : i32
        %parallel_loop3A_431 = arith.addi %parallel_loop3A_429, %parallel_loop3A_430 : i32
        %parallel_loop3A_432 = vector.broadcast %parallel_loop3A_431 : i32 to vector<16xi32>
        tpu.vector_store_idx %arg8[%iota3A, %parallel_loop3A_432], %parallel_loop3A_427 : memref<16x1024xf32, #tpu.memory_space<vmem>>[vector<16xi32>, vector<16xi32>], vector<16xf32>,
        %parallel_loop3A_433 = arith.constant 1536 : i32
        %parallel_loop3A_434 = arith.addi %parallel_loop3A_433, %parallel_loop3A_312 : i32
        %parallel_loop3A_435 = arith.constant 6 : i32
        %parallel_loop3A_436 = arith.addi %parallel_loop3A_434, %parallel_loop3A_435 : i32
        %parallel_loop3A_437 = arith.index_cast %parallel_loop3A_436 : i32 to index
        %parallel_loop3A_438 = arith.constant 0 : index
        %parallel_loop3A_439 = tpu.vector_load %arg7[%parallel_loop3A_437, %parallel_loop3A_438] {strides = array<i32>} : memref<2048x16xf32, #tpu.memory_space<vmem>>, vector<16xf32>,
        %parallel_loop3A_440 = arith.constant 1664 : i32
        %parallel_loop3A_441 = arith.addi %parallel_loop3A_440, %parallel_loop3A_312 : i32
        %parallel_loop3A_442 = arith.constant 6 : i32
        %parallel_loop3A_443 = arith.addi %parallel_loop3A_441, %parallel_loop3A_442 : i32
        %parallel_loop3A_444 = arith.index_cast %parallel_loop3A_443 : i32 to index
        %parallel_loop3A_445 = arith.constant 0 : index
        %parallel_loop3A_446 = tpu.vector_load %arg7[%parallel_loop3A_444, %parallel_loop3A_445] {strides = array<i32>} : memref<2048x16xf32, #tpu.memory_space<vmem>>, vector<16xf32>,
        %parallel_loop3A_447 = arith.addf %parallel_loop3A_439, %parallel_loop3A_446 : vector<16xf32>
        %parallel_loop3A_448 = arith.constant 768 : i32
        %parallel_loop3A_449 = arith.addi %parallel_loop3A_448, %parallel_loop3A_312 : i32
        %parallel_loop3A_450 = arith.constant 6 : i32
        %parallel_loop3A_451 = arith.addi %parallel_loop3A_449, %parallel_loop3A_450 : i32
        %parallel_loop3A_452 = vector.broadcast %parallel_loop3A_451 : i32 to vector<16xi32>
        tpu.vector_store_idx %arg8[%iota3A, %parallel_loop3A_452], %parallel_loop3A_447 : memref<16x1024xf32, #tpu.memory_space<vmem>>[vector<16xi32>, vector<16xi32>], vector<16xf32>,
        %parallel_loop3A_453 = arith.constant 1536 : i32
        %parallel_loop3A_454 = arith.addi %parallel_loop3A_453, %parallel_loop3A_312 : i32
        %parallel_loop3A_455 = arith.constant 7 : i32
        %parallel_loop3A_456 = arith.addi %parallel_loop3A_454, %parallel_loop3A_455 : i32
        %parallel_loop3A_457 = arith.index_cast %parallel_loop3A_456 : i32 to index
        %parallel_loop3A_458 = arith.constant 0 : index
        %parallel_loop3A_459 = tpu.vector_load %arg7[%parallel_loop3A_457, %parallel_loop3A_458] {strides = array<i32>} : memref<2048x16xf32, #tpu.memory_space<vmem>>, vector<16xf32>,
        %parallel_loop3A_460 = arith.constant 1664 : i32
        %parallel_loop3A_461 = arith.addi %parallel_loop3A_460, %parallel_loop3A_312 : i32
        %parallel_loop3A_462 = arith.constant 7 : i32
        %parallel_loop3A_463 = arith.addi %parallel_loop3A_461, %parallel_loop3A_462 : i32
        %parallel_loop3A_464 = arith.index_cast %parallel_loop3A_463 : i32 to index
        %parallel_loop3A_465 = arith.constant 0 : index
        %parallel_loop3A_466 = tpu.vector_load %arg7[%parallel_loop3A_464, %parallel_loop3A_465] {strides = array<i32>} : memref<2048x16xf32, #tpu.memory_space<vmem>>, vector<16xf32>,
        %parallel_loop3A_467 = arith.addf %parallel_loop3A_459, %parallel_loop3A_466 : vector<16xf32>
        %parallel_loop3A_468 = arith.constant 768 : i32
        %parallel_loop3A_469 = arith.addi %parallel_loop3A_468, %parallel_loop3A_312 : i32
        %parallel_loop3A_470 = arith.constant 7 : i32
        %parallel_loop3A_471 = arith.addi %parallel_loop3A_469, %parallel_loop3A_470 : i32
        %parallel_loop3A_472 = vector.broadcast %parallel_loop3A_471 : i32 to vector<16xi32>
        tpu.vector_store_idx %arg8[%iota3A, %parallel_loop3A_472], %parallel_loop3A_467 : memref<16x1024xf32, #tpu.memory_space<vmem>>[vector<16xi32>, vector<16xi32>], vector<16xf32>,
      } {sc.loop_unroll_factor = 4 : i64, sc.parallel_access}
      %parallel_loop3A_306 = arith.constant 0 : i32
      %parallel_loop3A_307 = arith.constant 128 : i32
      %parallel_loop3A_308 = arith.constant 8 : i32
      scf.for %parallel_loop3A_312 = %parallel_loop3A_306 to %parallel_loop3A_307 step %parallel_loop3A_308  : i32 {
        %parallel_loop3A_313 = arith.constant 1792 : i32
        %parallel_loop3A_314 = arith.addi %parallel_loop3A_313, %parallel_loop3A_312 : i32
        %parallel_loop3A_315 = arith.constant 0 : i32
        %parallel_loop3A_316 = arith.addi %parallel_loop3A_314, %parallel_loop3A_315 : i32
        %parallel_loop3A_317 = arith.index_cast %parallel_loop3A_316 : i32 to index
        %parallel_loop3A_318 = arith.constant 0 : index
        %parallel_loop3A_319 = tpu.vector_load %arg7[%parallel_loop3A_317, %parallel_loop3A_318] {strides = array<i32>} : memref<2048x16xf32, #tpu.memory_space<vmem>>, vector<16xf32>,
        %parallel_loop3A_320 = arith.constant 1920 : i32
        %parallel_loop3A_321 = arith.addi %parallel_loop3A_320, %parallel_loop3A_312 : i32
        %parallel_loop3A_322 = arith.constant 0 : i32
        %parallel_loop3A_323 = arith.addi %parallel_loop3A_321, %parallel_loop3A_322 : i32
        %parallel_loop3A_324 = arith.index_cast %parallel_loop3A_323 : i32 to index
        %parallel_loop3A_325 = arith.constant 0 : index
        %parallel_loop3A_326 = tpu.vector_load %arg7[%parallel_loop3A_324, %parallel_loop3A_325] {strides = array<i32>} : memref<2048x16xf32, #tpu.memory_space<vmem>>, vector<16xf32>,
        %parallel_loop3A_327 = arith.addf %parallel_loop3A_319, %parallel_loop3A_326 : vector<16xf32>
        %parallel_loop3A_328 = arith.constant 896 : i32
        %parallel_loop3A_329 = arith.addi %parallel_loop3A_328, %parallel_loop3A_312 : i32
        %parallel_loop3A_330 = arith.constant 0 : i32
        %parallel_loop3A_331 = arith.addi %parallel_loop3A_329, %parallel_loop3A_330 : i32
        %parallel_loop3A_332 = vector.broadcast %parallel_loop3A_331 : i32 to vector<16xi32>
        tpu.vector_store_idx %arg8[%iota3A, %parallel_loop3A_332], %parallel_loop3A_327 : memref<16x1024xf32, #tpu.memory_space<vmem>>[vector<16xi32>, vector<16xi32>], vector<16xf32>,
        %parallel_loop3A_333 = arith.constant 1792 : i32
        %parallel_loop3A_334 = arith.addi %parallel_loop3A_333, %parallel_loop3A_312 : i32
        %parallel_loop3A_335 = arith.constant 1 : i32
        %parallel_loop3A_336 = arith.addi %parallel_loop3A_334, %parallel_loop3A_335 : i32
        %parallel_loop3A_337 = arith.index_cast %parallel_loop3A_336 : i32 to index
        %parallel_loop3A_338 = arith.constant 0 : index
        %parallel_loop3A_339 = tpu.vector_load %arg7[%parallel_loop3A_337, %parallel_loop3A_338] {strides = array<i32>} : memref<2048x16xf32, #tpu.memory_space<vmem>>, vector<16xf32>,
        %parallel_loop3A_340 = arith.constant 1920 : i32
        %parallel_loop3A_341 = arith.addi %parallel_loop3A_340, %parallel_loop3A_312 : i32
        %parallel_loop3A_342 = arith.constant 1 : i32
        %parallel_loop3A_343 = arith.addi %parallel_loop3A_341, %parallel_loop3A_342 : i32
        %parallel_loop3A_344 = arith.index_cast %parallel_loop3A_343 : i32 to index
        %parallel_loop3A_345 = arith.constant 0 : index
        %parallel_loop3A_346 = tpu.vector_load %arg7[%parallel_loop3A_344, %parallel_loop3A_345] {strides = array<i32>} : memref<2048x16xf32, #tpu.memory_space<vmem>>, vector<16xf32>,
        %parallel_loop3A_347 = arith.addf %parallel_loop3A_339, %parallel_loop3A_346 : vector<16xf32>
        %parallel_loop3A_348 = arith.constant 896 : i32
        %parallel_loop3A_349 = arith.addi %parallel_loop3A_348, %parallel_loop3A_312 : i32
        %parallel_loop3A_350 = arith.constant 1 : i32
        %parallel_loop3A_351 = arith.addi %parallel_loop3A_349, %parallel_loop3A_350 : i32
        %parallel_loop3A_352 = vector.broadcast %parallel_loop3A_351 : i32 to vector<16xi32>
        tpu.vector_store_idx %arg8[%iota3A, %parallel_loop3A_352], %parallel_loop3A_347 : memref<16x1024xf32, #tpu.memory_space<vmem>>[vector<16xi32>, vector<16xi32>], vector<16xf32>,
        %parallel_loop3A_353 = arith.constant 1792 : i32
        %parallel_loop3A_354 = arith.addi %parallel_loop3A_353, %parallel_loop3A_312 : i32
        %parallel_loop3A_355 = arith.constant 2 : i32
        %parallel_loop3A_356 = arith.addi %parallel_loop3A_354, %parallel_loop3A_355 : i32
        %parallel_loop3A_357 = arith.index_cast %parallel_loop3A_356 : i32 to index
        %parallel_loop3A_358 = arith.constant 0 : index
        %parallel_loop3A_359 = tpu.vector_load %arg7[%parallel_loop3A_357, %parallel_loop3A_358] {strides = array<i32>} : memref<2048x16xf32, #tpu.memory_space<vmem>>, vector<16xf32>,
        %parallel_loop3A_360 = arith.constant 1920 : i32
        %parallel_loop3A_361 = arith.addi %parallel_loop3A_360, %parallel_loop3A_312 : i32
        %parallel_loop3A_362 = arith.constant 2 : i32
        %parallel_loop3A_363 = arith.addi %parallel_loop3A_361, %parallel_loop3A_362 : i32
        %parallel_loop3A_364 = arith.index_cast %parallel_loop3A_363 : i32 to index
        %parallel_loop3A_365 = arith.constant 0 : index
        %parallel_loop3A_366 = tpu.vector_load %arg7[%parallel_loop3A_364, %parallel_loop3A_365] {strides = array<i32>} : memref<2048x16xf32, #tpu.memory_space<vmem>>, vector<16xf32>,
        %parallel_loop3A_367 = arith.addf %parallel_loop3A_359, %parallel_loop3A_366 : vector<16xf32>
        %parallel_loop3A_368 = arith.constant 896 : i32
        %parallel_loop3A_369 = arith.addi %parallel_loop3A_368, %parallel_loop3A_312 : i32
        %parallel_loop3A_370 = arith.constant 2 : i32
        %parallel_loop3A_371 = arith.addi %parallel_loop3A_369, %parallel_loop3A_370 : i32
        %parallel_loop3A_372 = vector.broadcast %parallel_loop3A_371 : i32 to vector<16xi32>
        tpu.vector_store_idx %arg8[%iota3A, %parallel_loop3A_372], %parallel_loop3A_367 : memref<16x1024xf32, #tpu.memory_space<vmem>>[vector<16xi32>, vector<16xi32>], vector<16xf32>,
        %parallel_loop3A_373 = arith.constant 1792 : i32
        %parallel_loop3A_374 = arith.addi %parallel_loop3A_373, %parallel_loop3A_312 : i32
        %parallel_loop3A_375 = arith.constant 3 : i32
        %parallel_loop3A_376 = arith.addi %parallel_loop3A_374, %parallel_loop3A_375 : i32
        %parallel_loop3A_377 = arith.index_cast %parallel_loop3A_376 : i32 to index
        %parallel_loop3A_378 = arith.constant 0 : index
        %parallel_loop3A_379 = tpu.vector_load %arg7[%parallel_loop3A_377, %parallel_loop3A_378] {strides = array<i32>} : memref<2048x16xf32, #tpu.memory_space<vmem>>, vector<16xf32>,
        %parallel_loop3A_380 = arith.constant 1920 : i32
        %parallel_loop3A_381 = arith.addi %parallel_loop3A_380, %parallel_loop3A_312 : i32
        %parallel_loop3A_382 = arith.constant 3 : i32
        %parallel_loop3A_383 = arith.addi %parallel_loop3A_381, %parallel_loop3A_382 : i32
        %parallel_loop3A_384 = arith.index_cast %parallel_loop3A_383 : i32 to index
        %parallel_loop3A_385 = arith.constant 0 : index
        %parallel_loop3A_386 = tpu.vector_load %arg7[%parallel_loop3A_384, %parallel_loop3A_385] {strides = array<i32>} : memref<2048x16xf32, #tpu.memory_space<vmem>>, vector<16xf32>,
        %parallel_loop3A_387 = arith.addf %parallel_loop3A_379, %parallel_loop3A_386 : vector<16xf32>
        %parallel_loop3A_388 = arith.constant 896 : i32
        %parallel_loop3A_389 = arith.addi %parallel_loop3A_388, %parallel_loop3A_312 : i32
        %parallel_loop3A_390 = arith.constant 3 : i32
        %parallel_loop3A_391 = arith.addi %parallel_loop3A_389, %parallel_loop3A_390 : i32
        %parallel_loop3A_392 = vector.broadcast %parallel_loop3A_391 : i32 to vector<16xi32>
        tpu.vector_store_idx %arg8[%iota3A, %parallel_loop3A_392], %parallel_loop3A_387 : memref<16x1024xf32, #tpu.memory_space<vmem>>[vector<16xi32>, vector<16xi32>], vector<16xf32>,
        %parallel_loop3A_393 = arith.constant 1792 : i32
        %parallel_loop3A_394 = arith.addi %parallel_loop3A_393, %parallel_loop3A_312 : i32
        %parallel_loop3A_395 = arith.constant 4 : i32
        %parallel_loop3A_396 = arith.addi %parallel_loop3A_394, %parallel_loop3A_395 : i32
        %parallel_loop3A_397 = arith.index_cast %parallel_loop3A_396 : i32 to index
        %parallel_loop3A_398 = arith.constant 0 : index
        %parallel_loop3A_399 = tpu.vector_load %arg7[%parallel_loop3A_397, %parallel_loop3A_398] {strides = array<i32>} : memref<2048x16xf32, #tpu.memory_space<vmem>>, vector<16xf32>,
        %parallel_loop3A_400 = arith.constant 1920 : i32
        %parallel_loop3A_401 = arith.addi %parallel_loop3A_400, %parallel_loop3A_312 : i32
        %parallel_loop3A_402 = arith.constant 4 : i32
        %parallel_loop3A_403 = arith.addi %parallel_loop3A_401, %parallel_loop3A_402 : i32
        %parallel_loop3A_404 = arith.index_cast %parallel_loop3A_403 : i32 to index
        %parallel_loop3A_405 = arith.constant 0 : index
        %parallel_loop3A_406 = tpu.vector_load %arg7[%parallel_loop3A_404, %parallel_loop3A_405] {strides = array<i32>} : memref<2048x16xf32, #tpu.memory_space<vmem>>, vector<16xf32>,
        %parallel_loop3A_407 = arith.addf %parallel_loop3A_399, %parallel_loop3A_406 : vector<16xf32>
        %parallel_loop3A_408 = arith.constant 896 : i32
        %parallel_loop3A_409 = arith.addi %parallel_loop3A_408, %parallel_loop3A_312 : i32
        %parallel_loop3A_410 = arith.constant 4 : i32
        %parallel_loop3A_411 = arith.addi %parallel_loop3A_409, %parallel_loop3A_410 : i32
        %parallel_loop3A_412 = vector.broadcast %parallel_loop3A_411 : i32 to vector<16xi32>
        tpu.vector_store_idx %arg8[%iota3A, %parallel_loop3A_412], %parallel_loop3A_407 : memref<16x1024xf32, #tpu.memory_space<vmem>>[vector<16xi32>, vector<16xi32>], vector<16xf32>,
        %parallel_loop3A_413 = arith.constant 1792 : i32
        %parallel_loop3A_414 = arith.addi %parallel_loop3A_413, %parallel_loop3A_312 : i32
        %parallel_loop3A_415 = arith.constant 5 : i32
        %parallel_loop3A_416 = arith.addi %parallel_loop3A_414, %parallel_loop3A_415 : i32
        %parallel_loop3A_417 = arith.index_cast %parallel_loop3A_416 : i32 to index
        %parallel_loop3A_418 = arith.constant 0 : index
        %parallel_loop3A_419 = tpu.vector_load %arg7[%parallel_loop3A_417, %parallel_loop3A_418] {strides = array<i32>} : memref<2048x16xf32, #tpu.memory_space<vmem>>, vector<16xf32>,
        %parallel_loop3A_420 = arith.constant 1920 : i32
        %parallel_loop3A_421 = arith.addi %parallel_loop3A_420, %parallel_loop3A_312 : i32
        %parallel_loop3A_422 = arith.constant 5 : i32
        %parallel_loop3A_423 = arith.addi %parallel_loop3A_421, %parallel_loop3A_422 : i32
        %parallel_loop3A_424 = arith.index_cast %parallel_loop3A_423 : i32 to index
        %parallel_loop3A_425 = arith.constant 0 : index
        %parallel_loop3A_426 = tpu.vector_load %arg7[%parallel_loop3A_424, %parallel_loop3A_425] {strides = array<i32>} : memref<2048x16xf32, #tpu.memory_space<vmem>>, vector<16xf32>,
        %parallel_loop3A_427 = arith.addf %parallel_loop3A_419, %parallel_loop3A_426 : vector<16xf32>
        %parallel_loop3A_428 = arith.constant 896 : i32
        %parallel_loop3A_429 = arith.addi %parallel_loop3A_428, %parallel_loop3A_312 : i32
        %parallel_loop3A_430 = arith.constant 5 : i32
        %parallel_loop3A_431 = arith.addi %parallel_loop3A_429, %parallel_loop3A_430 : i32
        %parallel_loop3A_432 = vector.broadcast %parallel_loop3A_431 : i32 to vector<16xi32>
        tpu.vector_store_idx %arg8[%iota3A, %parallel_loop3A_432], %parallel_loop3A_427 : memref<16x1024xf32, #tpu.memory_space<vmem>>[vector<16xi32>, vector<16xi32>], vector<16xf32>,
        %parallel_loop3A_433 = arith.constant 1792 : i32
        %parallel_loop3A_434 = arith.addi %parallel_loop3A_433, %parallel_loop3A_312 : i32
        %parallel_loop3A_435 = arith.constant 6 : i32
        %parallel_loop3A_436 = arith.addi %parallel_loop3A_434, %parallel_loop3A_435 : i32
        %parallel_loop3A_437 = arith.index_cast %parallel_loop3A_436 : i32 to index
        %parallel_loop3A_438 = arith.constant 0 : index
        %parallel_loop3A_439 = tpu.vector_load %arg7[%parallel_loop3A_437, %parallel_loop3A_438] {strides = array<i32>} : memref<2048x16xf32, #tpu.memory_space<vmem>>, vector<16xf32>,
        %parallel_loop3A_440 = arith.constant 1920 : i32
        %parallel_loop3A_441 = arith.addi %parallel_loop3A_440, %parallel_loop3A_312 : i32
        %parallel_loop3A_442 = arith.constant 6 : i32
        %parallel_loop3A_443 = arith.addi %parallel_loop3A_441, %parallel_loop3A_442 : i32
        %parallel_loop3A_444 = arith.index_cast %parallel_loop3A_443 : i32 to index
        %parallel_loop3A_445 = arith.constant 0 : index
        %parallel_loop3A_446 = tpu.vector_load %arg7[%parallel_loop3A_444, %parallel_loop3A_445] {strides = array<i32>} : memref<2048x16xf32, #tpu.memory_space<vmem>>, vector<16xf32>,
        %parallel_loop3A_447 = arith.addf %parallel_loop3A_439, %parallel_loop3A_446 : vector<16xf32>
        %parallel_loop3A_448 = arith.constant 896 : i32
        %parallel_loop3A_449 = arith.addi %parallel_loop3A_448, %parallel_loop3A_312 : i32
        %parallel_loop3A_450 = arith.constant 6 : i32
        %parallel_loop3A_451 = arith.addi %parallel_loop3A_449, %parallel_loop3A_450 : i32
        %parallel_loop3A_452 = vector.broadcast %parallel_loop3A_451 : i32 to vector<16xi32>
        tpu.vector_store_idx %arg8[%iota3A, %parallel_loop3A_452], %parallel_loop3A_447 : memref<16x1024xf32, #tpu.memory_space<vmem>>[vector<16xi32>, vector<16xi32>], vector<16xf32>,
        %parallel_loop3A_453 = arith.constant 1792 : i32
        %parallel_loop3A_454 = arith.addi %parallel_loop3A_453, %parallel_loop3A_312 : i32
        %parallel_loop3A_455 = arith.constant 7 : i32
        %parallel_loop3A_456 = arith.addi %parallel_loop3A_454, %parallel_loop3A_455 : i32
        %parallel_loop3A_457 = arith.index_cast %parallel_loop3A_456 : i32 to index
        %parallel_loop3A_458 = arith.constant 0 : index
        %parallel_loop3A_459 = tpu.vector_load %arg7[%parallel_loop3A_457, %parallel_loop3A_458] {strides = array<i32>} : memref<2048x16xf32, #tpu.memory_space<vmem>>, vector<16xf32>,
        %parallel_loop3A_460 = arith.constant 1920 : i32
        %parallel_loop3A_461 = arith.addi %parallel_loop3A_460, %parallel_loop3A_312 : i32
        %parallel_loop3A_462 = arith.constant 7 : i32
        %parallel_loop3A_463 = arith.addi %parallel_loop3A_461, %parallel_loop3A_462 : i32
        %parallel_loop3A_464 = arith.index_cast %parallel_loop3A_463 : i32 to index
        %parallel_loop3A_465 = arith.constant 0 : index
        %parallel_loop3A_466 = tpu.vector_load %arg7[%parallel_loop3A_464, %parallel_loop3A_465] {strides = array<i32>} : memref<2048x16xf32, #tpu.memory_space<vmem>>, vector<16xf32>,
        %parallel_loop3A_467 = arith.addf %parallel_loop3A_459, %parallel_loop3A_466 : vector<16xf32>
        %parallel_loop3A_468 = arith.constant 896 : i32
        %parallel_loop3A_469 = arith.addi %parallel_loop3A_468, %parallel_loop3A_312 : i32
        %parallel_loop3A_470 = arith.constant 7 : i32
        %parallel_loop3A_471 = arith.addi %parallel_loop3A_469, %parallel_loop3A_470 : i32
        %parallel_loop3A_472 = vector.broadcast %parallel_loop3A_471 : i32 to vector<16xi32>
        tpu.vector_store_idx %arg8[%iota3A, %parallel_loop3A_472], %parallel_loop3A_467 : memref<16x1024xf32, #tpu.memory_space<vmem>>[vector<16xi32>, vector<16xi32>], vector<16xf32>,
      } {sc.loop_unroll_factor = 4 : i64, sc.parallel_access}
      %mul3A_309 = arith.constant 128 : i32
      %mul3A_310 = arith.muli %add3A_29, %mul3A_309 : i32
      "tpu.region"() ({
        %run_scoped3A = tpu.sem_alloc : memref<!tpu.dma_semaphore, #tpu.memory_space<semaphore_mem>>
        %dma_start3A_312 = arith.constant 0 : i32
        %dma_start3A_313 = arith.constant 0 : i32
        %dma_start3A_314 = tpu.memref_slice %arg8[%dma_start3A_312, %dma_start3A_313] : memref<16x1024xf32, #tpu.memory_space<vmem>> -> memref<16x1024xf32, #tpu.memory_space<vmem>>
        %dma_start3A_315 = arith.constant 0 : i32
        %dma_start3A_316 = tpu.memref_slice %arg5[%dma_start3A_315, %mul3A_310] : memref<16x320000xf32, #tpu.memory_space<hbm>> -> memref<16x1024xf32, #tpu.memory_space<hbm>>
        %dma_start3A_317 = arith.constant 0 : i32
        %dma_start3A_318 = tpu.memref_slice %arg5[%dma_start3A_317, %mul3A_310] : memref<16x320000xf32, #tpu.memory_space<hbm>> -> memref<16x1024xf32, #tpu.memory_space<hbm>>
        %dma_start3A_319 = arith.constant 0 : i32
        %dma_start3A_320 = arith.constant 0 : i32
        %dma_start3A_321 = tpu.memref_slice %arg8[%dma_start3A_319, %dma_start3A_320] : memref<16x1024xf32, #tpu.memory_space<vmem>> -> memref<16x1024xf32, #tpu.memory_space<vmem>>
        tpu.enqueue_dma source(%dma_start3A_321 : memref<16x1024xf32, #tpu.memory_space<vmem>>) target(%dma_start3A_318 : memref<16x1024xf32, #tpu.memory_space<hbm>>) target_semaphore(%run_scoped3A : memref<!tpu.dma_semaphore, #tpu.memory_space<semaphore_mem>>)
        %dma_wait3A_322 = arith.constant 0 : i32
        %dma_wait3A_323 = arith.constant 0 : i32
        %dma_wait3A_324 = tpu.memref_slice %arg8[%dma_wait3A_322, %dma_wait3A_323] : memref<16x1024xf32, #tpu.memory_space<vmem>> -> memref<16x1024xf32, #tpu.memory_space<vmem>>
        %dma_wait3A_325 = arith.constant 0 : i32
        %dma_wait3A_326 = tpu.memref_slice %arg5[%dma_wait3A_325, %mul3A_310] : memref<16x320000xf32, #tpu.memory_space<hbm>> -> memref<16x1024xf32, #tpu.memory_space<hbm>>
        %dma_wait3A_327 = arith.constant 0 : i32
        %dma_wait3A_328 = tpu.memref_slice %arg5[%dma_wait3A_327, %mul3A_310] : memref<16x320000xf32, #tpu.memory_space<hbm>> -> memref<16x1024xf32, #tpu.memory_space<hbm>>
        %dma_wait3A_329 = arith.constant 0 : i32
        %dma_wait3A_330 = arith.constant 0 : i32
        %dma_wait3A_331 = tpu.memref_slice %arg8[%dma_wait3A_329, %dma_wait3A_330] : memref<16x1024xf32, #tpu.memory_space<vmem>> -> memref<16x1024xf32, #tpu.memory_space<vmem>>
        tpu.wait_dma2 semaphore(%run_scoped3A : memref<!tpu.dma_semaphore, #tpu.memory_space<semaphore_mem>>) src(%dma_wait3A_331 : memref<16x1024xf32, #tpu.memory_space<vmem>>) dst(%dma_wait3A_328 : memref<16x1024xf32, #tpu.memory_space<hbm>>)
        tpu.yield
      }) : () -> ()
      %scan3A_311 = arith.constant 0 : i32
      scf.yield %scan3A_311 : i32
    }
    %scan3A_13 = arith.constant 9 : i32
    %while3A = arith.constant 0 : i32
    %while3A_14 = arith.constant 0 : i32
    %while3A_15 = arith.subi %add3A_7, %while3A : i32
    %while3A_16 = arith.addi %while3A, %while3A_15 : i32
    %while3A_17 = arith.constant 1 : i32
    %while3A_18 = arith.divsi %while3A_15, %while3A_17 : i32
    %while3A_19 = arith.muli %while3A_18, %while3A_17 : i32
    %while3A_20 = arith.addi %while3A, %while3A_19 : i32
    %while3A_21 = arith.constant 1 : i32
    %while3A_22 = scf.for %while3A_25 = %while3A to %while3A_20 step %while3A_21 iter_args(%while3A_26 = %while3A_14) -> (i32)  : i32 {
      %add3A_27 = arith.constant 72 : i32
      %add3A_28 = arith.addi %add3A_4, %add3A_27 : i32
      %add3A_29 = arith.addi %add3A_28, %while3A_25 : i32
      %mul3A_30 = arith.constant 256 : i32
      %mul3A_31 = arith.muli %add3A_29, %mul3A_30 : i32
      "tpu.region"() ({
        %run_scoped3A = tpu.sem_alloc : memref<!tpu.dma_semaphore, #tpu.memory_space<semaphore_mem>>
        %dma_start3A_67 = arith.constant 0 : i32
        %dma_start3A_68 = tpu.memref_slice %arg6[%dma_start3A_67] : memref<2048xi32, #tpu.memory_space<vmem>> -> memref<256xi32, #tpu.memory_space<vmem>>
        %dma_start3A_69 = tpu.memref_slice %arg4[%mul3A_31] : memref<640000xi32, #tpu.memory_space<hbm>> -> memref<256xi32, #tpu.memory_space<hbm>>
        %dma_start3A_70 = arith.constant 0 : i32
        %dma_start3A_71 = tpu.memref_slice %arg6[%dma_start3A_70] : memref<2048xi32, #tpu.memory_space<vmem>> -> memref<256xi32, #tpu.memory_space<vmem>>
        %dma_start3A_72 = tpu.memref_slice %arg4[%mul3A_31] : memref<640000xi32, #tpu.memory_space<hbm>> -> memref<256xi32, #tpu.memory_space<hbm>>
        tpu.enqueue_dma source(%dma_start3A_72 : memref<256xi32, #tpu.memory_space<hbm>>) target(%dma_start3A_71 : memref<256xi32, #tpu.memory_space<vmem>>) target_semaphore(%run_scoped3A : memref<!tpu.dma_semaphore, #tpu.memory_space<semaphore_mem>>)
        %dma_wait3A_73 = arith.constant 0 : i32
        %dma_wait3A_74 = tpu.memref_slice %arg6[%dma_wait3A_73] : memref<2048xi32, #tpu.memory_space<vmem>> -> memref<256xi32, #tpu.memory_space<vmem>>
        %dma_wait3A_75 = tpu.memref_slice %arg4[%mul3A_31] : memref<640000xi32, #tpu.memory_space<hbm>> -> memref<256xi32, #tpu.memory_space<hbm>>
        %dma_wait3A_76 = arith.constant 0 : i32
        %dma_wait3A_77 = tpu.memref_slice %arg6[%dma_wait3A_76] : memref<2048xi32, #tpu.memory_space<vmem>> -> memref<256xi32, #tpu.memory_space<vmem>>
        %dma_wait3A_78 = tpu.memref_slice %arg4[%mul3A_31] : memref<640000xi32, #tpu.memory_space<hbm>> -> memref<256xi32, #tpu.memory_space<hbm>>
        tpu.wait_dma2 semaphore(%run_scoped3A : memref<!tpu.dma_semaphore, #tpu.memory_space<semaphore_mem>>) src(%dma_wait3A_78 : memref<256xi32, #tpu.memory_space<hbm>>) dst(%dma_wait3A_77 : memref<256xi32, #tpu.memory_space<vmem>>)
        tpu.yield
      }) : () -> ()
      %dma_start3A = arith.constant 0 : i32
      %dma_start3A_32 = arith.constant 0 : i32
      %dma_start3A_33 = tpu.memref_slice %arg7[%dma_start3A, %dma_start3A_32] : memref<2048x16xf32, #tpu.memory_space<vmem>> -> memref<128x16xf32, #tpu.memory_space<vmem>>
      %dma_start3A_34 = arith.constant 0 : i32
      %dma_start3A_35 = tpu.memref_slice %arg6[%dma_start3A_34] : memref<2048xi32, #tpu.memory_space<vmem>> -> memref<128xi32, #tpu.memory_space<vmem>>
      %dma_start3A_36 = arith.constant 0 : i32
      %dma_start3A_37 = arith.constant 0 : i32
      %dma_start3A_38 = tpu.memref_slice %arg2[%dma_start3A_36, %dma_start3A_37] : memref<10000x16xf32, #tpu.memory_space<hbm>> -> memref<10000x16xf32, #tpu.memory_space<hbm>>
      tpu.enqueue_indirect_dma source(%dma_start3A_38 : memref<10000x16xf32, #tpu.memory_space<hbm>>) target(%dma_start3A_33 : memref<128x16xf32, #tpu.memory_space<vmem>>) offsets(%dma_start3A_35 : memref<128xi32, #tpu.memory_space<vmem>>) semaphore(%arg9 : memref<!tpu.dma_semaphore, #tpu.memory_space<semaphore_mem>>)
      %dma_start3A_39 = arith.constant 128 : i32
      %dma_start3A_40 = arith.constant 0 : i32
      %dma_start3A_41 = tpu.memref_slice %arg7[%dma_start3A_39, %dma_start3A_40] : memref<2048x16xf32, #tpu.memory_space<vmem>> -> memref<128x16xf32, #tpu.memory_space<vmem>>
      %dma_start3A_42 = arith.constant 128 : i32
      %dma_start3A_43 = tpu.memref_slice %arg6[%dma_start3A_42] : memref<2048xi32, #tpu.memory_space<vmem>> -> memref<128xi32, #tpu.memory_space<vmem>>
      %dma_start3A_44 = arith.constant 0 : i32
      %dma_start3A_45 = arith.constant 0 : i32
      %dma_start3A_46 = tpu.memref_slice %arg3[%dma_start3A_44, %dma_start3A_45] : memref<10000x16xf32, #tpu.memory_space<hbm>> -> memref<10000x16xf32, #tpu.memory_space<hbm>>
      tpu.enqueue_indirect_dma source(%dma_start3A_46 : memref<10000x16xf32, #tpu.memory_space<hbm>>) target(%dma_start3A_41 : memref<128x16xf32, #tpu.memory_space<vmem>>) offsets(%dma_start3A_43 : memref<128xi32, #tpu.memory_space<vmem>>) semaphore(%arg9 : memref<!tpu.dma_semaphore, #tpu.memory_space<semaphore_mem>>)
      %dma_wait3A = arith.constant 0 : i32
      %dma_wait3A_47 = arith.constant 0 : i32
      %dma_wait3A_48 = tpu.memref_slice %arg7[%dma_wait3A, %dma_wait3A_47] : memref<2048x16xf32, #tpu.memory_space<vmem>> -> memref<128x16xf32, #tpu.memory_space<vmem>>
      %dma_wait3A_49 = arith.constant 0 : i32
      %dma_wait3A_50 = tpu.memref_slice %arg6[%dma_wait3A_49] : memref<2048xi32, #tpu.memory_space<vmem>> -> memref<128xi32, #tpu.memory_space<vmem>>
      %dma_wait3A_51 = arith.constant 0 : i32
      %dma_wait3A_52 = arith.constant 0 : i32
      %dma_wait3A_53 = tpu.memref_slice %arg2[%dma_wait3A_51, %dma_wait3A_52] : memref<10000x16xf32, #tpu.memory_space<hbm>> -> memref<10000x16xf32, #tpu.memory_space<hbm>>
      tpu.wait_indirect_dma semaphore(%arg9 : memref<!tpu.dma_semaphore, #tpu.memory_space<semaphore_mem>>) src(%dma_wait3A_53 : memref<10000x16xf32, #tpu.memory_space<hbm>>) dst(%dma_wait3A_48 : memref<128x16xf32, #tpu.memory_space<vmem>>)
      %dma_wait3A_54 = arith.constant 128 : i32
      %dma_wait3A_55 = arith.constant 0 : i32
      %dma_wait3A_56 = tpu.memref_slice %arg7[%dma_wait3A_54, %dma_wait3A_55] : memref<2048x16xf32, #tpu.memory_space<vmem>> -> memref<128x16xf32, #tpu.memory_space<vmem>>
      %dma_wait3A_57 = arith.constant 128 : i32
      %dma_wait3A_58 = tpu.memref_slice %arg6[%dma_wait3A_57] : memref<2048xi32, #tpu.memory_space<vmem>> -> memref<128xi32, #tpu.memory_space<vmem>>
      %dma_wait3A_59 = arith.constant 0 : i32
      %dma_wait3A_60 = arith.constant 0 : i32
      %dma_wait3A_61 = tpu.memref_slice %arg3[%dma_wait3A_59, %dma_wait3A_60] : memref<10000x16xf32, #tpu.memory_space<hbm>> -> memref<10000x16xf32, #tpu.memory_space<hbm>>
      tpu.wait_indirect_dma semaphore(%arg9 : memref<!tpu.dma_semaphore, #tpu.memory_space<semaphore_mem>>) src(%dma_wait3A_61 : memref<10000x16xf32, #tpu.memory_space<hbm>>) dst(%dma_wait3A_56 : memref<128x16xf32, #tpu.memory_space<vmem>>)
      %parallel_loop3A = arith.constant 0 : i32
      %parallel_loop3A_62 = arith.constant 128 : i32
      %parallel_loop3A_63 = arith.constant 8 : i32
      scf.for %parallel_loop3A_67 = %parallel_loop3A to %parallel_loop3A_62 step %parallel_loop3A_63  : i32 {
        %parallel_loop3A_68 = arith.constant 0 : i32
        %parallel_loop3A_69 = arith.addi %parallel_loop3A_68, %parallel_loop3A_67 : i32
        %parallel_loop3A_70 = arith.constant 0 : i32
        %parallel_loop3A_71 = arith.addi %parallel_loop3A_69, %parallel_loop3A_70 : i32
        %parallel_loop3A_72 = arith.index_cast %parallel_loop3A_71 : i32 to index
        %parallel_loop3A_73 = arith.constant 0 : index
        %parallel_loop3A_74 = tpu.vector_load %arg7[%parallel_loop3A_72, %parallel_loop3A_73] {strides = array<i32>} : memref<2048x16xf32, #tpu.memory_space<vmem>>, vector<16xf32>,
        %parallel_loop3A_75 = arith.constant 128 : i32
        %parallel_loop3A_76 = arith.addi %parallel_loop3A_75, %parallel_loop3A_67 : i32
        %parallel_loop3A_77 = arith.constant 0 : i32
        %parallel_loop3A_78 = arith.addi %parallel_loop3A_76, %parallel_loop3A_77 : i32
        %parallel_loop3A_79 = arith.index_cast %parallel_loop3A_78 : i32 to index
        %parallel_loop3A_80 = arith.constant 0 : index
        %parallel_loop3A_81 = tpu.vector_load %arg7[%parallel_loop3A_79, %parallel_loop3A_80] {strides = array<i32>} : memref<2048x16xf32, #tpu.memory_space<vmem>>, vector<16xf32>,
        %parallel_loop3A_82 = arith.addf %parallel_loop3A_74, %parallel_loop3A_81 : vector<16xf32>
        %parallel_loop3A_83 = arith.constant 0 : i32
        %parallel_loop3A_84 = arith.addi %parallel_loop3A_83, %parallel_loop3A_67 : i32
        %parallel_loop3A_85 = arith.constant 0 : i32
        %parallel_loop3A_86 = arith.addi %parallel_loop3A_84, %parallel_loop3A_85 : i32
        %parallel_loop3A_87 = vector.broadcast %parallel_loop3A_86 : i32 to vector<16xi32>
        tpu.vector_store_idx %arg8[%iota3A, %parallel_loop3A_87], %parallel_loop3A_82 : memref<16x1024xf32, #tpu.memory_space<vmem>>[vector<16xi32>, vector<16xi32>], vector<16xf32>,
        %parallel_loop3A_88 = arith.constant 0 : i32
        %parallel_loop3A_89 = arith.addi %parallel_loop3A_88, %parallel_loop3A_67 : i32
        %parallel_loop3A_90 = arith.constant 1 : i32
        %parallel_loop3A_91 = arith.addi %parallel_loop3A_89, %parallel_loop3A_90 : i32
        %parallel_loop3A_92 = arith.index_cast %parallel_loop3A_91 : i32 to index
        %parallel_loop3A_93 = arith.constant 0 : index
        %parallel_loop3A_94 = tpu.vector_load %arg7[%parallel_loop3A_92, %parallel_loop3A_93] {strides = array<i32>} : memref<2048x16xf32, #tpu.memory_space<vmem>>, vector<16xf32>,
        %parallel_loop3A_95 = arith.constant 128 : i32
        %parallel_loop3A_96 = arith.addi %parallel_loop3A_95, %parallel_loop3A_67 : i32
        %parallel_loop3A_97 = arith.constant 1 : i32
        %parallel_loop3A_98 = arith.addi %parallel_loop3A_96, %parallel_loop3A_97 : i32
        %parallel_loop3A_99 = arith.index_cast %parallel_loop3A_98 : i32 to index
        %parallel_loop3A_100 = arith.constant 0 : index
        %parallel_loop3A_101 = tpu.vector_load %arg7[%parallel_loop3A_99, %parallel_loop3A_100] {strides = array<i32>} : memref<2048x16xf32, #tpu.memory_space<vmem>>, vector<16xf32>,
        %parallel_loop3A_102 = arith.addf %parallel_loop3A_94, %parallel_loop3A_101 : vector<16xf32>
        %parallel_loop3A_103 = arith.constant 0 : i32
        %parallel_loop3A_104 = arith.addi %parallel_loop3A_103, %parallel_loop3A_67 : i32
        %parallel_loop3A_105 = arith.constant 1 : i32
        %parallel_loop3A_106 = arith.addi %parallel_loop3A_104, %parallel_loop3A_105 : i32
        %parallel_loop3A_107 = vector.broadcast %parallel_loop3A_106 : i32 to vector<16xi32>
        tpu.vector_store_idx %arg8[%iota3A, %parallel_loop3A_107], %parallel_loop3A_102 : memref<16x1024xf32, #tpu.memory_space<vmem>>[vector<16xi32>, vector<16xi32>], vector<16xf32>,
        %parallel_loop3A_108 = arith.constant 0 : i32
        %parallel_loop3A_109 = arith.addi %parallel_loop3A_108, %parallel_loop3A_67 : i32
        %parallel_loop3A_110 = arith.constant 2 : i32
        %parallel_loop3A_111 = arith.addi %parallel_loop3A_109, %parallel_loop3A_110 : i32
        %parallel_loop3A_112 = arith.index_cast %parallel_loop3A_111 : i32 to index
        %parallel_loop3A_113 = arith.constant 0 : index
        %parallel_loop3A_114 = tpu.vector_load %arg7[%parallel_loop3A_112, %parallel_loop3A_113] {strides = array<i32>} : memref<2048x16xf32, #tpu.memory_space<vmem>>, vector<16xf32>,
        %parallel_loop3A_115 = arith.constant 128 : i32
        %parallel_loop3A_116 = arith.addi %parallel_loop3A_115, %parallel_loop3A_67 : i32
        %parallel_loop3A_117 = arith.constant 2 : i32
        %parallel_loop3A_118 = arith.addi %parallel_loop3A_116, %parallel_loop3A_117 : i32
        %parallel_loop3A_119 = arith.index_cast %parallel_loop3A_118 : i32 to index
        %parallel_loop3A_120 = arith.constant 0 : index
        %parallel_loop3A_121 = tpu.vector_load %arg7[%parallel_loop3A_119, %parallel_loop3A_120] {strides = array<i32>} : memref<2048x16xf32, #tpu.memory_space<vmem>>, vector<16xf32>,
        %parallel_loop3A_122 = arith.addf %parallel_loop3A_114, %parallel_loop3A_121 : vector<16xf32>
        %parallel_loop3A_123 = arith.constant 0 : i32
        %parallel_loop3A_124 = arith.addi %parallel_loop3A_123, %parallel_loop3A_67 : i32
        %parallel_loop3A_125 = arith.constant 2 : i32
        %parallel_loop3A_126 = arith.addi %parallel_loop3A_124, %parallel_loop3A_125 : i32
        %parallel_loop3A_127 = vector.broadcast %parallel_loop3A_126 : i32 to vector<16xi32>
        tpu.vector_store_idx %arg8[%iota3A, %parallel_loop3A_127], %parallel_loop3A_122 : memref<16x1024xf32, #tpu.memory_space<vmem>>[vector<16xi32>, vector<16xi32>], vector<16xf32>,
        %parallel_loop3A_128 = arith.constant 0 : i32
        %parallel_loop3A_129 = arith.addi %parallel_loop3A_128, %parallel_loop3A_67 : i32
        %parallel_loop3A_130 = arith.constant 3 : i32
        %parallel_loop3A_131 = arith.addi %parallel_loop3A_129, %parallel_loop3A_130 : i32
        %parallel_loop3A_132 = arith.index_cast %parallel_loop3A_131 : i32 to index
        %parallel_loop3A_133 = arith.constant 0 : index
        %parallel_loop3A_134 = tpu.vector_load %arg7[%parallel_loop3A_132, %parallel_loop3A_133] {strides = array<i32>} : memref<2048x16xf32, #tpu.memory_space<vmem>>, vector<16xf32>,
        %parallel_loop3A_135 = arith.constant 128 : i32
        %parallel_loop3A_136 = arith.addi %parallel_loop3A_135, %parallel_loop3A_67 : i32
        %parallel_loop3A_137 = arith.constant 3 : i32
        %parallel_loop3A_138 = arith.addi %parallel_loop3A_136, %parallel_loop3A_137 : i32
        %parallel_loop3A_139 = arith.index_cast %parallel_loop3A_138 : i32 to index
        %parallel_loop3A_140 = arith.constant 0 : index
        %parallel_loop3A_141 = tpu.vector_load %arg7[%parallel_loop3A_139, %parallel_loop3A_140] {strides = array<i32>} : memref<2048x16xf32, #tpu.memory_space<vmem>>, vector<16xf32>,
        %parallel_loop3A_142 = arith.addf %parallel_loop3A_134, %parallel_loop3A_141 : vector<16xf32>
        %parallel_loop3A_143 = arith.constant 0 : i32
        %parallel_loop3A_144 = arith.addi %parallel_loop3A_143, %parallel_loop3A_67 : i32
        %parallel_loop3A_145 = arith.constant 3 : i32
        %parallel_loop3A_146 = arith.addi %parallel_loop3A_144, %parallel_loop3A_145 : i32
        %parallel_loop3A_147 = vector.broadcast %parallel_loop3A_146 : i32 to vector<16xi32>
        tpu.vector_store_idx %arg8[%iota3A, %parallel_loop3A_147], %parallel_loop3A_142 : memref<16x1024xf32, #tpu.memory_space<vmem>>[vector<16xi32>, vector<16xi32>], vector<16xf32>,
        %parallel_loop3A_148 = arith.constant 0 : i32
        %parallel_loop3A_149 = arith.addi %parallel_loop3A_148, %parallel_loop3A_67 : i32
        %parallel_loop3A_150 = arith.constant 4 : i32
        %parallel_loop3A_151 = arith.addi %parallel_loop3A_149, %parallel_loop3A_150 : i32
        %parallel_loop3A_152 = arith.index_cast %parallel_loop3A_151 : i32 to index
        %parallel_loop3A_153 = arith.constant 0 : index
        %parallel_loop3A_154 = tpu.vector_load %arg7[%parallel_loop3A_152, %parallel_loop3A_153] {strides = array<i32>} : memref<2048x16xf32, #tpu.memory_space<vmem>>, vector<16xf32>,
        %parallel_loop3A_155 = arith.constant 128 : i32
        %parallel_loop3A_156 = arith.addi %parallel_loop3A_155, %parallel_loop3A_67 : i32
        %parallel_loop3A_157 = arith.constant 4 : i32
        %parallel_loop3A_158 = arith.addi %parallel_loop3A_156, %parallel_loop3A_157 : i32
        %parallel_loop3A_159 = arith.index_cast %parallel_loop3A_158 : i32 to index
        %parallel_loop3A_160 = arith.constant 0 : index
        %parallel_loop3A_161 = tpu.vector_load %arg7[%parallel_loop3A_159, %parallel_loop3A_160] {strides = array<i32>} : memref<2048x16xf32, #tpu.memory_space<vmem>>, vector<16xf32>,
        %parallel_loop3A_162 = arith.addf %parallel_loop3A_154, %parallel_loop3A_161 : vector<16xf32>
        %parallel_loop3A_163 = arith.constant 0 : i32
        %parallel_loop3A_164 = arith.addi %parallel_loop3A_163, %parallel_loop3A_67 : i32
        %parallel_loop3A_165 = arith.constant 4 : i32
        %parallel_loop3A_166 = arith.addi %parallel_loop3A_164, %parallel_loop3A_165 : i32
        %parallel_loop3A_167 = vector.broadcast %parallel_loop3A_166 : i32 to vector<16xi32>
        tpu.vector_store_idx %arg8[%iota3A, %parallel_loop3A_167], %parallel_loop3A_162 : memref<16x1024xf32, #tpu.memory_space<vmem>>[vector<16xi32>, vector<16xi32>], vector<16xf32>,
        %parallel_loop3A_168 = arith.constant 0 : i32
        %parallel_loop3A_169 = arith.addi %parallel_loop3A_168, %parallel_loop3A_67 : i32
        %parallel_loop3A_170 = arith.constant 5 : i32
        %parallel_loop3A_171 = arith.addi %parallel_loop3A_169, %parallel_loop3A_170 : i32
        %parallel_loop3A_172 = arith.index_cast %parallel_loop3A_171 : i32 to index
        %parallel_loop3A_173 = arith.constant 0 : index
        %parallel_loop3A_174 = tpu.vector_load %arg7[%parallel_loop3A_172, %parallel_loop3A_173] {strides = array<i32>} : memref<2048x16xf32, #tpu.memory_space<vmem>>, vector<16xf32>,
        %parallel_loop3A_175 = arith.constant 128 : i32
        %parallel_loop3A_176 = arith.addi %parallel_loop3A_175, %parallel_loop3A_67 : i32
        %parallel_loop3A_177 = arith.constant 5 : i32
        %parallel_loop3A_178 = arith.addi %parallel_loop3A_176, %parallel_loop3A_177 : i32
        %parallel_loop3A_179 = arith.index_cast %parallel_loop3A_178 : i32 to index
        %parallel_loop3A_180 = arith.constant 0 : index
        %parallel_loop3A_181 = tpu.vector_load %arg7[%parallel_loop3A_179, %parallel_loop3A_180] {strides = array<i32>} : memref<2048x16xf32, #tpu.memory_space<vmem>>, vector<16xf32>,
        %parallel_loop3A_182 = arith.addf %parallel_loop3A_174, %parallel_loop3A_181 : vector<16xf32>
        %parallel_loop3A_183 = arith.constant 0 : i32
        %parallel_loop3A_184 = arith.addi %parallel_loop3A_183, %parallel_loop3A_67 : i32
        %parallel_loop3A_185 = arith.constant 5 : i32
        %parallel_loop3A_186 = arith.addi %parallel_loop3A_184, %parallel_loop3A_185 : i32
        %parallel_loop3A_187 = vector.broadcast %parallel_loop3A_186 : i32 to vector<16xi32>
        tpu.vector_store_idx %arg8[%iota3A, %parallel_loop3A_187], %parallel_loop3A_182 : memref<16x1024xf32, #tpu.memory_space<vmem>>[vector<16xi32>, vector<16xi32>], vector<16xf32>,
        %parallel_loop3A_188 = arith.constant 0 : i32
        %parallel_loop3A_189 = arith.addi %parallel_loop3A_188, %parallel_loop3A_67 : i32
        %parallel_loop3A_190 = arith.constant 6 : i32
        %parallel_loop3A_191 = arith.addi %parallel_loop3A_189, %parallel_loop3A_190 : i32
        %parallel_loop3A_192 = arith.index_cast %parallel_loop3A_191 : i32 to index
        %parallel_loop3A_193 = arith.constant 0 : index
        %parallel_loop3A_194 = tpu.vector_load %arg7[%parallel_loop3A_192, %parallel_loop3A_193] {strides = array<i32>} : memref<2048x16xf32, #tpu.memory_space<vmem>>, vector<16xf32>,
        %parallel_loop3A_195 = arith.constant 128 : i32
        %parallel_loop3A_196 = arith.addi %parallel_loop3A_195, %parallel_loop3A_67 : i32
        %parallel_loop3A_197 = arith.constant 6 : i32
        %parallel_loop3A_198 = arith.addi %parallel_loop3A_196, %parallel_loop3A_197 : i32
        %parallel_loop3A_199 = arith.index_cast %parallel_loop3A_198 : i32 to index
        %parallel_loop3A_200 = arith.constant 0 : index
        %parallel_loop3A_201 = tpu.vector_load %arg7[%parallel_loop3A_199, %parallel_loop3A_200] {strides = array<i32>} : memref<2048x16xf32, #tpu.memory_space<vmem>>, vector<16xf32>,
        %parallel_loop3A_202 = arith.addf %parallel_loop3A_194, %parallel_loop3A_201 : vector<16xf32>
        %parallel_loop3A_203 = arith.constant 0 : i32
        %parallel_loop3A_204 = arith.addi %parallel_loop3A_203, %parallel_loop3A_67 : i32
        %parallel_loop3A_205 = arith.constant 6 : i32
        %parallel_loop3A_206 = arith.addi %parallel_loop3A_204, %parallel_loop3A_205 : i32
        %parallel_loop3A_207 = vector.broadcast %parallel_loop3A_206 : i32 to vector<16xi32>
        tpu.vector_store_idx %arg8[%iota3A, %parallel_loop3A_207], %parallel_loop3A_202 : memref<16x1024xf32, #tpu.memory_space<vmem>>[vector<16xi32>, vector<16xi32>], vector<16xf32>,
        %parallel_loop3A_208 = arith.constant 0 : i32
        %parallel_loop3A_209 = arith.addi %parallel_loop3A_208, %parallel_loop3A_67 : i32
        %parallel_loop3A_210 = arith.constant 7 : i32
        %parallel_loop3A_211 = arith.addi %parallel_loop3A_209, %parallel_loop3A_210 : i32
        %parallel_loop3A_212 = arith.index_cast %parallel_loop3A_211 : i32 to index
        %parallel_loop3A_213 = arith.constant 0 : index
        %parallel_loop3A_214 = tpu.vector_load %arg7[%parallel_loop3A_212, %parallel_loop3A_213] {strides = array<i32>} : memref<2048x16xf32, #tpu.memory_space<vmem>>, vector<16xf32>,
        %parallel_loop3A_215 = arith.constant 128 : i32
        %parallel_loop3A_216 = arith.addi %parallel_loop3A_215, %parallel_loop3A_67 : i32
        %parallel_loop3A_217 = arith.constant 7 : i32
        %parallel_loop3A_218 = arith.addi %parallel_loop3A_216, %parallel_loop3A_217 : i32
        %parallel_loop3A_219 = arith.index_cast %parallel_loop3A_218 : i32 to index
        %parallel_loop3A_220 = arith.constant 0 : index
        %parallel_loop3A_221 = tpu.vector_load %arg7[%parallel_loop3A_219, %parallel_loop3A_220] {strides = array<i32>} : memref<2048x16xf32, #tpu.memory_space<vmem>>, vector<16xf32>,
        %parallel_loop3A_222 = arith.addf %parallel_loop3A_214, %parallel_loop3A_221 : vector<16xf32>
        %parallel_loop3A_223 = arith.constant 0 : i32
        %parallel_loop3A_224 = arith.addi %parallel_loop3A_223, %parallel_loop3A_67 : i32
        %parallel_loop3A_225 = arith.constant 7 : i32
        %parallel_loop3A_226 = arith.addi %parallel_loop3A_224, %parallel_loop3A_225 : i32
        %parallel_loop3A_227 = vector.broadcast %parallel_loop3A_226 : i32 to vector<16xi32>
        tpu.vector_store_idx %arg8[%iota3A, %parallel_loop3A_227], %parallel_loop3A_222 : memref<16x1024xf32, #tpu.memory_space<vmem>>[vector<16xi32>, vector<16xi32>], vector<16xf32>,
      } {sc.loop_unroll_factor = 4 : i64, sc.parallel_access}
      %mul3A_64 = arith.constant 128 : i32
      %mul3A_65 = arith.muli %add3A_29, %mul3A_64 : i32
      "tpu.region"() ({
        %run_scoped3A = tpu.sem_alloc : memref<!tpu.dma_semaphore, #tpu.memory_space<semaphore_mem>>
        %dma_start3A_67 = arith.constant 0 : i32
        %dma_start3A_68 = arith.constant 0 : i32
        %dma_start3A_69 = tpu.memref_slice %arg8[%dma_start3A_67, %dma_start3A_68] : memref<16x1024xf32, #tpu.memory_space<vmem>> -> memref<16x128xf32, #tpu.memory_space<vmem>>
        %dma_start3A_70 = arith.constant 0 : i32
        %dma_start3A_71 = tpu.memref_slice %arg5[%dma_start3A_70, %mul3A_65] : memref<16x320000xf32, #tpu.memory_space<hbm>> -> memref<16x128xf32, #tpu.memory_space<hbm>>
        %dma_start3A_72 = arith.constant 0 : i32
        %dma_start3A_73 = tpu.memref_slice %arg5[%dma_start3A_72, %mul3A_65] : memref<16x320000xf32, #tpu.memory_space<hbm>> -> memref<16x128xf32, #tpu.memory_space<hbm>>
        %dma_start3A_74 = arith.constant 0 : i32
        %dma_start3A_75 = arith.constant 0 : i32
        %dma_start3A_76 = tpu.memref_slice %arg8[%dma_start3A_74, %dma_start3A_75] : memref<16x1024xf32, #tpu.memory_space<vmem>> -> memref<16x128xf32, #tpu.memory_space<vmem>>
        tpu.enqueue_dma source(%dma_start3A_76 : memref<16x128xf32, #tpu.memory_space<vmem>>) target(%dma_start3A_73 : memref<16x128xf32, #tpu.memory_space<hbm>>) target_semaphore(%run_scoped3A : memref<!tpu.dma_semaphore, #tpu.memory_space<semaphore_mem>>)
        %dma_wait3A_77 = arith.constant 0 : i32
        %dma_wait3A_78 = arith.constant 0 : i32
        %dma_wait3A_79 = tpu.memref_slice %arg8[%dma_wait3A_77, %dma_wait3A_78] : memref<16x1024xf32, #tpu.memory_space<vmem>> -> memref<16x128xf32, #tpu.memory_space<vmem>>
        %dma_wait3A_80 = arith.constant 0 : i32
        %dma_wait3A_81 = tpu.memref_slice %arg5[%dma_wait3A_80, %mul3A_65] : memref<16x320000xf32, #tpu.memory_space<hbm>> -> memref<16x128xf32, #tpu.memory_space<hbm>>
        %dma_wait3A_82 = arith.constant 0 : i32
        %dma_wait3A_83 = tpu.memref_slice %arg5[%dma_wait3A_82, %mul3A_65] : memref<16x320000xf32, #tpu.memory_space<hbm>> -> memref<16x128xf32, #tpu.memory_space<hbm>>
        %dma_wait3A_84 = arith.constant 0 : i32
        %dma_wait3A_85 = arith.constant 0 : i32
        %dma_wait3A_86 = tpu.memref_slice %arg8[%dma_wait3A_84, %dma_wait3A_85] : memref<16x1024xf32, #tpu.memory_space<vmem>> -> memref<16x128xf32, #tpu.memory_space<vmem>>
        tpu.wait_dma2 semaphore(%run_scoped3A : memref<!tpu.dma_semaphore, #tpu.memory_space<semaphore_mem>>) src(%dma_wait3A_86 : memref<16x128xf32, #tpu.memory_space<vmem>>) dst(%dma_wait3A_83 : memref<16x128xf32, #tpu.memory_space<hbm>>)
        tpu.yield
      }) : () -> ()
      %while3A_66 = arith.constant 0 : i32
      scf.yield %while3A_66 : i32
    }
    %while3A_23 = arith.constant 1 : i32
    %while3A_24 = scf.for %while3A_25 = %while3A_20 to %while3A_16 step %while3A_23 iter_args(%while3A_26 = %while3A_22) -> (i32)  : i32 {
      %add3A_27 = arith.constant 72 : i32
      %add3A_28 = arith.addi %add3A_4, %add3A_27 : i32
      %add3A_29 = arith.addi %add3A_28, %while3A_25 : i32
      %mul3A_30 = arith.constant 256 : i32
      %mul3A_31 = arith.muli %add3A_29, %mul3A_30 : i32
      "tpu.region"() ({
        %run_scoped3A = tpu.sem_alloc : memref<!tpu.dma_semaphore, #tpu.memory_space<semaphore_mem>>
        %dma_start3A_67 = arith.constant 0 : i32
        %dma_start3A_68 = tpu.memref_slice %arg6[%dma_start3A_67] : memref<2048xi32, #tpu.memory_space<vmem>> -> memref<256xi32, #tpu.memory_space<vmem>>
        %dma_start3A_69 = tpu.memref_slice %arg4[%mul3A_31] : memref<640000xi32, #tpu.memory_space<hbm>> -> memref<256xi32, #tpu.memory_space<hbm>>
        %dma_start3A_70 = arith.constant 0 : i32
        %dma_start3A_71 = tpu.memref_slice %arg6[%dma_start3A_70] : memref<2048xi32, #tpu.memory_space<vmem>> -> memref<256xi32, #tpu.memory_space<vmem>>
        %dma_start3A_72 = tpu.memref_slice %arg4[%mul3A_31] : memref<640000xi32, #tpu.memory_space<hbm>> -> memref<256xi32, #tpu.memory_space<hbm>>
        tpu.enqueue_dma source(%dma_start3A_72 : memref<256xi32, #tpu.memory_space<hbm>>) target(%dma_start3A_71 : memref<256xi32, #tpu.memory_space<vmem>>) target_semaphore(%run_scoped3A : memref<!tpu.dma_semaphore, #tpu.memory_space<semaphore_mem>>)
        %dma_wait3A_73 = arith.constant 0 : i32
        %dma_wait3A_74 = tpu.memref_slice %arg6[%dma_wait3A_73] : memref<2048xi32, #tpu.memory_space<vmem>> -> memref<256xi32, #tpu.memory_space<vmem>>
        %dma_wait3A_75 = tpu.memref_slice %arg4[%mul3A_31] : memref<640000xi32, #tpu.memory_space<hbm>> -> memref<256xi32, #tpu.memory_space<hbm>>
        %dma_wait3A_76 = arith.constant 0 : i32
        %dma_wait3A_77 = tpu.memref_slice %arg6[%dma_wait3A_76] : memref<2048xi32, #tpu.memory_space<vmem>> -> memref<256xi32, #tpu.memory_space<vmem>>
        %dma_wait3A_78 = tpu.memref_slice %arg4[%mul3A_31] : memref<640000xi32, #tpu.memory_space<hbm>> -> memref<256xi32, #tpu.memory_space<hbm>>
        tpu.wait_dma2 semaphore(%run_scoped3A : memref<!tpu.dma_semaphore, #tpu.memory_space<semaphore_mem>>) src(%dma_wait3A_78 : memref<256xi32, #tpu.memory_space<hbm>>) dst(%dma_wait3A_77 : memref<256xi32, #tpu.memory_space<vmem>>)
        tpu.yield
      }) : () -> ()
      %dma_start3A = arith.constant 0 : i32
      %dma_start3A_32 = arith.constant 0 : i32
      %dma_start3A_33 = tpu.memref_slice %arg7[%dma_start3A, %dma_start3A_32] : memref<2048x16xf32, #tpu.memory_space<vmem>> -> memref<128x16xf32, #tpu.memory_space<vmem>>
      %dma_start3A_34 = arith.constant 0 : i32
      %dma_start3A_35 = tpu.memref_slice %arg6[%dma_start3A_34] : memref<2048xi32, #tpu.memory_space<vmem>> -> memref<128xi32, #tpu.memory_space<vmem>>
      %dma_start3A_36 = arith.constant 0 : i32
      %dma_start3A_37 = arith.constant 0 : i32
      %dma_start3A_38 = tpu.memref_slice %arg2[%dma_start3A_36, %dma_start3A_37] : memref<10000x16xf32, #tpu.memory_space<hbm>> -> memref<10000x16xf32, #tpu.memory_space<hbm>>
      tpu.enqueue_indirect_dma source(%dma_start3A_38 : memref<10000x16xf32, #tpu.memory_space<hbm>>) target(%dma_start3A_33 : memref<128x16xf32, #tpu.memory_space<vmem>>) offsets(%dma_start3A_35 : memref<128xi32, #tpu.memory_space<vmem>>) semaphore(%arg9 : memref<!tpu.dma_semaphore, #tpu.memory_space<semaphore_mem>>)
      %dma_start3A_39 = arith.constant 128 : i32
      %dma_start3A_40 = arith.constant 0 : i32
      %dma_start3A_41 = tpu.memref_slice %arg7[%dma_start3A_39, %dma_start3A_40] : memref<2048x16xf32, #tpu.memory_space<vmem>> -> memref<128x16xf32, #tpu.memory_space<vmem>>
      %dma_start3A_42 = arith.constant 128 : i32
      %dma_start3A_43 = tpu.memref_slice %arg6[%dma_start3A_42] : memref<2048xi32, #tpu.memory_space<vmem>> -> memref<128xi32, #tpu.memory_space<vmem>>
      %dma_start3A_44 = arith.constant 0 : i32
      %dma_start3A_45 = arith.constant 0 : i32
      %dma_start3A_46 = tpu.memref_slice %arg3[%dma_start3A_44, %dma_start3A_45] : memref<10000x16xf32, #tpu.memory_space<hbm>> -> memref<10000x16xf32, #tpu.memory_space<hbm>>
      tpu.enqueue_indirect_dma source(%dma_start3A_46 : memref<10000x16xf32, #tpu.memory_space<hbm>>) target(%dma_start3A_41 : memref<128x16xf32, #tpu.memory_space<vmem>>) offsets(%dma_start3A_43 : memref<128xi32, #tpu.memory_space<vmem>>) semaphore(%arg9 : memref<!tpu.dma_semaphore, #tpu.memory_space<semaphore_mem>>)
      %dma_wait3A = arith.constant 0 : i32
      %dma_wait3A_47 = arith.constant 0 : i32
      %dma_wait3A_48 = tpu.memref_slice %arg7[%dma_wait3A, %dma_wait3A_47] : memref<2048x16xf32, #tpu.memory_space<vmem>> -> memref<128x16xf32, #tpu.memory_space<vmem>>
      %dma_wait3A_49 = arith.constant 0 : i32
      %dma_wait3A_50 = tpu.memref_slice %arg6[%dma_wait3A_49] : memref<2048xi32, #tpu.memory_space<vmem>> -> memref<128xi32, #tpu.memory_space<vmem>>
      %dma_wait3A_51 = arith.constant 0 : i32
      %dma_wait3A_52 = arith.constant 0 : i32
      %dma_wait3A_53 = tpu.memref_slice %arg2[%dma_wait3A_51, %dma_wait3A_52] : memref<10000x16xf32, #tpu.memory_space<hbm>> -> memref<10000x16xf32, #tpu.memory_space<hbm>>
      tpu.wait_indirect_dma semaphore(%arg9 : memref<!tpu.dma_semaphore, #tpu.memory_space<semaphore_mem>>) src(%dma_wait3A_53 : memref<10000x16xf32, #tpu.memory_space<hbm>>) dst(%dma_wait3A_48 : memref<128x16xf32, #tpu.memory_space<vmem>>)
      %dma_wait3A_54 = arith.constant 128 : i32
      %dma_wait3A_55 = arith.constant 0 : i32
      %dma_wait3A_56 = tpu.memref_slice %arg7[%dma_wait3A_54, %dma_wait3A_55] : memref<2048x16xf32, #tpu.memory_space<vmem>> -> memref<128x16xf32, #tpu.memory_space<vmem>>
      %dma_wait3A_57 = arith.constant 128 : i32
      %dma_wait3A_58 = tpu.memref_slice %arg6[%dma_wait3A_57] : memref<2048xi32, #tpu.memory_space<vmem>> -> memref<128xi32, #tpu.memory_space<vmem>>
      %dma_wait3A_59 = arith.constant 0 : i32
      %dma_wait3A_60 = arith.constant 0 : i32
      %dma_wait3A_61 = tpu.memref_slice %arg3[%dma_wait3A_59, %dma_wait3A_60] : memref<10000x16xf32, #tpu.memory_space<hbm>> -> memref<10000x16xf32, #tpu.memory_space<hbm>>
      tpu.wait_indirect_dma semaphore(%arg9 : memref<!tpu.dma_semaphore, #tpu.memory_space<semaphore_mem>>) src(%dma_wait3A_61 : memref<10000x16xf32, #tpu.memory_space<hbm>>) dst(%dma_wait3A_56 : memref<128x16xf32, #tpu.memory_space<vmem>>)
      %parallel_loop3A = arith.constant 0 : i32
      %parallel_loop3A_62 = arith.constant 128 : i32
      %parallel_loop3A_63 = arith.constant 8 : i32
      scf.for %parallel_loop3A_67 = %parallel_loop3A to %parallel_loop3A_62 step %parallel_loop3A_63  : i32 {
        %parallel_loop3A_68 = arith.constant 0 : i32
        %parallel_loop3A_69 = arith.addi %parallel_loop3A_68, %parallel_loop3A_67 : i32
        %parallel_loop3A_70 = arith.constant 0 : i32
        %parallel_loop3A_71 = arith.addi %parallel_loop3A_69, %parallel_loop3A_70 : i32
        %parallel_loop3A_72 = arith.index_cast %parallel_loop3A_71 : i32 to index
        %parallel_loop3A_73 = arith.constant 0 : index
        %parallel_loop3A_74 = tpu.vector_load %arg7[%parallel_loop3A_72, %parallel_loop3A_73] {strides = array<i32>} : memref<2048x16xf32, #tpu.memory_space<vmem>>, vector<16xf32>,
        %parallel_loop3A_75 = arith.constant 128 : i32
        %parallel_loop3A_76 = arith.addi %parallel_loop3A_75, %parallel_loop3A_67 : i32
        %parallel_loop3A_77 = arith.constant 0 : i32
        %parallel_loop3A_78 = arith.addi %parallel_loop3A_76, %parallel_loop3A_77 : i32
        %parallel_loop3A_79 = arith.index_cast %parallel_loop3A_78 : i32 to index
        %parallel_loop3A_80 = arith.constant 0 : index
        %parallel_loop3A_81 = tpu.vector_load %arg7[%parallel_loop3A_79, %parallel_loop3A_80] {strides = array<i32>} : memref<2048x16xf32, #tpu.memory_space<vmem>>, vector<16xf32>,
        %parallel_loop3A_82 = arith.addf %parallel_loop3A_74, %parallel_loop3A_81 : vector<16xf32>
        %parallel_loop3A_83 = arith.constant 0 : i32
        %parallel_loop3A_84 = arith.addi %parallel_loop3A_83, %parallel_loop3A_67 : i32
        %parallel_loop3A_85 = arith.constant 0 : i32
        %parallel_loop3A_86 = arith.addi %parallel_loop3A_84, %parallel_loop3A_85 : i32
        %parallel_loop3A_87 = vector.broadcast %parallel_loop3A_86 : i32 to vector<16xi32>
        tpu.vector_store_idx %arg8[%iota3A, %parallel_loop3A_87], %parallel_loop3A_82 : memref<16x1024xf32, #tpu.memory_space<vmem>>[vector<16xi32>, vector<16xi32>], vector<16xf32>,
        %parallel_loop3A_88 = arith.constant 0 : i32
        %parallel_loop3A_89 = arith.addi %parallel_loop3A_88, %parallel_loop3A_67 : i32
        %parallel_loop3A_90 = arith.constant 1 : i32
        %parallel_loop3A_91 = arith.addi %parallel_loop3A_89, %parallel_loop3A_90 : i32
        %parallel_loop3A_92 = arith.index_cast %parallel_loop3A_91 : i32 to index
        %parallel_loop3A_93 = arith.constant 0 : index
        %parallel_loop3A_94 = tpu.vector_load %arg7[%parallel_loop3A_92, %parallel_loop3A_93] {strides = array<i32>} : memref<2048x16xf32, #tpu.memory_space<vmem>>, vector<16xf32>,
        %parallel_loop3A_95 = arith.constant 128 : i32
        %parallel_loop3A_96 = arith.addi %parallel_loop3A_95, %parallel_loop3A_67 : i32
        %parallel_loop3A_97 = arith.constant 1 : i32
        %parallel_loop3A_98 = arith.addi %parallel_loop3A_96, %parallel_loop3A_97 : i32
        %parallel_loop3A_99 = arith.index_cast %parallel_loop3A_98 : i32 to index
        %parallel_loop3A_100 = arith.constant 0 : index
        %parallel_loop3A_101 = tpu.vector_load %arg7[%parallel_loop3A_99, %parallel_loop3A_100] {strides = array<i32>} : memref<2048x16xf32, #tpu.memory_space<vmem>>, vector<16xf32>,
        %parallel_loop3A_102 = arith.addf %parallel_loop3A_94, %parallel_loop3A_101 : vector<16xf32>
        %parallel_loop3A_103 = arith.constant 0 : i32
        %parallel_loop3A_104 = arith.addi %parallel_loop3A_103, %parallel_loop3A_67 : i32
        %parallel_loop3A_105 = arith.constant 1 : i32
        %parallel_loop3A_106 = arith.addi %parallel_loop3A_104, %parallel_loop3A_105 : i32
        %parallel_loop3A_107 = vector.broadcast %parallel_loop3A_106 : i32 to vector<16xi32>
        tpu.vector_store_idx %arg8[%iota3A, %parallel_loop3A_107], %parallel_loop3A_102 : memref<16x1024xf32, #tpu.memory_space<vmem>>[vector<16xi32>, vector<16xi32>], vector<16xf32>,
        %parallel_loop3A_108 = arith.constant 0 : i32
        %parallel_loop3A_109 = arith.addi %parallel_loop3A_108, %parallel_loop3A_67 : i32
        %parallel_loop3A_110 = arith.constant 2 : i32
        %parallel_loop3A_111 = arith.addi %parallel_loop3A_109, %parallel_loop3A_110 : i32
        %parallel_loop3A_112 = arith.index_cast %parallel_loop3A_111 : i32 to index
        %parallel_loop3A_113 = arith.constant 0 : index
        %parallel_loop3A_114 = tpu.vector_load %arg7[%parallel_loop3A_112, %parallel_loop3A_113] {strides = array<i32>} : memref<2048x16xf32, #tpu.memory_space<vmem>>, vector<16xf32>,
        %parallel_loop3A_115 = arith.constant 128 : i32
        %parallel_loop3A_116 = arith.addi %parallel_loop3A_115, %parallel_loop3A_67 : i32
        %parallel_loop3A_117 = arith.constant 2 : i32
        %parallel_loop3A_118 = arith.addi %parallel_loop3A_116, %parallel_loop3A_117 : i32
        %parallel_loop3A_119 = arith.index_cast %parallel_loop3A_118 : i32 to index
        %parallel_loop3A_120 = arith.constant 0 : index
        %parallel_loop3A_121 = tpu.vector_load %arg7[%parallel_loop3A_119, %parallel_loop3A_120] {strides = array<i32>} : memref<2048x16xf32, #tpu.memory_space<vmem>>, vector<16xf32>,
        %parallel_loop3A_122 = arith.addf %parallel_loop3A_114, %parallel_loop3A_121 : vector<16xf32>
        %parallel_loop3A_123 = arith.constant 0 : i32
        %parallel_loop3A_124 = arith.addi %parallel_loop3A_123, %parallel_loop3A_67 : i32
        %parallel_loop3A_125 = arith.constant 2 : i32
        %parallel_loop3A_126 = arith.addi %parallel_loop3A_124, %parallel_loop3A_125 : i32
        %parallel_loop3A_127 = vector.broadcast %parallel_loop3A_126 : i32 to vector<16xi32>
        tpu.vector_store_idx %arg8[%iota3A, %parallel_loop3A_127], %parallel_loop3A_122 : memref<16x1024xf32, #tpu.memory_space<vmem>>[vector<16xi32>, vector<16xi32>], vector<16xf32>,
        %parallel_loop3A_128 = arith.constant 0 : i32
        %parallel_loop3A_129 = arith.addi %parallel_loop3A_128, %parallel_loop3A_67 : i32
        %parallel_loop3A_130 = arith.constant 3 : i32
        %parallel_loop3A_131 = arith.addi %parallel_loop3A_129, %parallel_loop3A_130 : i32
        %parallel_loop3A_132 = arith.index_cast %parallel_loop3A_131 : i32 to index
        %parallel_loop3A_133 = arith.constant 0 : index
        %parallel_loop3A_134 = tpu.vector_load %arg7[%parallel_loop3A_132, %parallel_loop3A_133] {strides = array<i32>} : memref<2048x16xf32, #tpu.memory_space<vmem>>, vector<16xf32>,
        %parallel_loop3A_135 = arith.constant 128 : i32
        %parallel_loop3A_136 = arith.addi %parallel_loop3A_135, %parallel_loop3A_67 : i32
        %parallel_loop3A_137 = arith.constant 3 : i32
        %parallel_loop3A_138 = arith.addi %parallel_loop3A_136, %parallel_loop3A_137 : i32
        %parallel_loop3A_139 = arith.index_cast %parallel_loop3A_138 : i32 to index
        %parallel_loop3A_140 = arith.constant 0 : index
        %parallel_loop3A_141 = tpu.vector_load %arg7[%parallel_loop3A_139, %parallel_loop3A_140] {strides = array<i32>} : memref<2048x16xf32, #tpu.memory_space<vmem>>, vector<16xf32>,
        %parallel_loop3A_142 = arith.addf %parallel_loop3A_134, %parallel_loop3A_141 : vector<16xf32>
        %parallel_loop3A_143 = arith.constant 0 : i32
        %parallel_loop3A_144 = arith.addi %parallel_loop3A_143, %parallel_loop3A_67 : i32
        %parallel_loop3A_145 = arith.constant 3 : i32
        %parallel_loop3A_146 = arith.addi %parallel_loop3A_144, %parallel_loop3A_145 : i32
        %parallel_loop3A_147 = vector.broadcast %parallel_loop3A_146 : i32 to vector<16xi32>
        tpu.vector_store_idx %arg8[%iota3A, %parallel_loop3A_147], %parallel_loop3A_142 : memref<16x1024xf32, #tpu.memory_space<vmem>>[vector<16xi32>, vector<16xi32>], vector<16xf32>,
        %parallel_loop3A_148 = arith.constant 0 : i32
        %parallel_loop3A_149 = arith.addi %parallel_loop3A_148, %parallel_loop3A_67 : i32
        %parallel_loop3A_150 = arith.constant 4 : i32
        %parallel_loop3A_151 = arith.addi %parallel_loop3A_149, %parallel_loop3A_150 : i32
        %parallel_loop3A_152 = arith.index_cast %parallel_loop3A_151 : i32 to index
        %parallel_loop3A_153 = arith.constant 0 : index
        %parallel_loop3A_154 = tpu.vector_load %arg7[%parallel_loop3A_152, %parallel_loop3A_153] {strides = array<i32>} : memref<2048x16xf32, #tpu.memory_space<vmem>>, vector<16xf32>,
        %parallel_loop3A_155 = arith.constant 128 : i32
        %parallel_loop3A_156 = arith.addi %parallel_loop3A_155, %parallel_loop3A_67 : i32
        %parallel_loop3A_157 = arith.constant 4 : i32
        %parallel_loop3A_158 = arith.addi %parallel_loop3A_156, %parallel_loop3A_157 : i32
        %parallel_loop3A_159 = arith.index_cast %parallel_loop3A_158 : i32 to index
        %parallel_loop3A_160 = arith.constant 0 : index
        %parallel_loop3A_161 = tpu.vector_load %arg7[%parallel_loop3A_159, %parallel_loop3A_160] {strides = array<i32>} : memref<2048x16xf32, #tpu.memory_space<vmem>>, vector<16xf32>,
        %parallel_loop3A_162 = arith.addf %parallel_loop3A_154, %parallel_loop3A_161 : vector<16xf32>
        %parallel_loop3A_163 = arith.constant 0 : i32
        %parallel_loop3A_164 = arith.addi %parallel_loop3A_163, %parallel_loop3A_67 : i32
        %parallel_loop3A_165 = arith.constant 4 : i32
        %parallel_loop3A_166 = arith.addi %parallel_loop3A_164, %parallel_loop3A_165 : i32
        %parallel_loop3A_167 = vector.broadcast %parallel_loop3A_166 : i32 to vector<16xi32>
        tpu.vector_store_idx %arg8[%iota3A, %parallel_loop3A_167], %parallel_loop3A_162 : memref<16x1024xf32, #tpu.memory_space<vmem>>[vector<16xi32>, vector<16xi32>], vector<16xf32>,
        %parallel_loop3A_168 = arith.constant 0 : i32
        %parallel_loop3A_169 = arith.addi %parallel_loop3A_168, %parallel_loop3A_67 : i32
        %parallel_loop3A_170 = arith.constant 5 : i32
        %parallel_loop3A_171 = arith.addi %parallel_loop3A_169, %parallel_loop3A_170 : i32
        %parallel_loop3A_172 = arith.index_cast %parallel_loop3A_171 : i32 to index
        %parallel_loop3A_173 = arith.constant 0 : index
        %parallel_loop3A_174 = tpu.vector_load %arg7[%parallel_loop3A_172, %parallel_loop3A_173] {strides = array<i32>} : memref<2048x16xf32, #tpu.memory_space<vmem>>, vector<16xf32>,
        %parallel_loop3A_175 = arith.constant 128 : i32
        %parallel_loop3A_176 = arith.addi %parallel_loop3A_175, %parallel_loop3A_67 : i32
        %parallel_loop3A_177 = arith.constant 5 : i32
        %parallel_loop3A_178 = arith.addi %parallel_loop3A_176, %parallel_loop3A_177 : i32
        %parallel_loop3A_179 = arith.index_cast %parallel_loop3A_178 : i32 to index
        %parallel_loop3A_180 = arith.constant 0 : index
        %parallel_loop3A_181 = tpu.vector_load %arg7[%parallel_loop3A_179, %parallel_loop3A_180] {strides = array<i32>} : memref<2048x16xf32, #tpu.memory_space<vmem>>, vector<16xf32>,
        %parallel_loop3A_182 = arith.addf %parallel_loop3A_174, %parallel_loop3A_181 : vector<16xf32>
        %parallel_loop3A_183 = arith.constant 0 : i32
        %parallel_loop3A_184 = arith.addi %parallel_loop3A_183, %parallel_loop3A_67 : i32
        %parallel_loop3A_185 = arith.constant 5 : i32
        %parallel_loop3A_186 = arith.addi %parallel_loop3A_184, %parallel_loop3A_185 : i32
        %parallel_loop3A_187 = vector.broadcast %parallel_loop3A_186 : i32 to vector<16xi32>
        tpu.vector_store_idx %arg8[%iota3A, %parallel_loop3A_187], %parallel_loop3A_182 : memref<16x1024xf32, #tpu.memory_space<vmem>>[vector<16xi32>, vector<16xi32>], vector<16xf32>,
        %parallel_loop3A_188 = arith.constant 0 : i32
        %parallel_loop3A_189 = arith.addi %parallel_loop3A_188, %parallel_loop3A_67 : i32
        %parallel_loop3A_190 = arith.constant 6 : i32
        %parallel_loop3A_191 = arith.addi %parallel_loop3A_189, %parallel_loop3A_190 : i32
        %parallel_loop3A_192 = arith.index_cast %parallel_loop3A_191 : i32 to index
        %parallel_loop3A_193 = arith.constant 0 : index
        %parallel_loop3A_194 = tpu.vector_load %arg7[%parallel_loop3A_192, %parallel_loop3A_193] {strides = array<i32>} : memref<2048x16xf32, #tpu.memory_space<vmem>>, vector<16xf32>,
        %parallel_loop3A_195 = arith.constant 128 : i32
        %parallel_loop3A_196 = arith.addi %parallel_loop3A_195, %parallel_loop3A_67 : i32
        %parallel_loop3A_197 = arith.constant 6 : i32
        %parallel_loop3A_198 = arith.addi %parallel_loop3A_196, %parallel_loop3A_197 : i32
        %parallel_loop3A_199 = arith.index_cast %parallel_loop3A_198 : i32 to index
        %parallel_loop3A_200 = arith.constant 0 : index
        %parallel_loop3A_201 = tpu.vector_load %arg7[%parallel_loop3A_199, %parallel_loop3A_200] {strides = array<i32>} : memref<2048x16xf32, #tpu.memory_space<vmem>>, vector<16xf32>,
        %parallel_loop3A_202 = arith.addf %parallel_loop3A_194, %parallel_loop3A_201 : vector<16xf32>
        %parallel_loop3A_203 = arith.constant 0 : i32
        %parallel_loop3A_204 = arith.addi %parallel_loop3A_203, %parallel_loop3A_67 : i32
        %parallel_loop3A_205 = arith.constant 6 : i32
        %parallel_loop3A_206 = arith.addi %parallel_loop3A_204, %parallel_loop3A_205 : i32
        %parallel_loop3A_207 = vector.broadcast %parallel_loop3A_206 : i32 to vector<16xi32>
        tpu.vector_store_idx %arg8[%iota3A, %parallel_loop3A_207], %parallel_loop3A_202 : memref<16x1024xf32, #tpu.memory_space<vmem>>[vector<16xi32>, vector<16xi32>], vector<16xf32>,
        %parallel_loop3A_208 = arith.constant 0 : i32
        %parallel_loop3A_209 = arith.addi %parallel_loop3A_208, %parallel_loop3A_67 : i32
        %parallel_loop3A_210 = arith.constant 7 : i32
        %parallel_loop3A_211 = arith.addi %parallel_loop3A_209, %parallel_loop3A_210 : i32
        %parallel_loop3A_212 = arith.index_cast %parallel_loop3A_211 : i32 to index
        %parallel_loop3A_213 = arith.constant 0 : index
        %parallel_loop3A_214 = tpu.vector_load %arg7[%parallel_loop3A_212, %parallel_loop3A_213] {strides = array<i32>} : memref<2048x16xf32, #tpu.memory_space<vmem>>, vector<16xf32>,
        %parallel_loop3A_215 = arith.constant 128 : i32
        %parallel_loop3A_216 = arith.addi %parallel_loop3A_215, %parallel_loop3A_67 : i32
        %parallel_loop3A_217 = arith.constant 7 : i32
        %parallel_loop3A_218 = arith.addi %parallel_loop3A_216, %parallel_loop3A_217 : i32
        %parallel_loop3A_219 = arith.index_cast %parallel_loop3A_218 : i32 to index
        %parallel_loop3A_220 = arith.constant 0 : index
        %parallel_loop3A_221 = tpu.vector_load %arg7[%parallel_loop3A_219, %parallel_loop3A_220] {strides = array<i32>} : memref<2048x16xf32, #tpu.memory_space<vmem>>, vector<16xf32>,
        %parallel_loop3A_222 = arith.addf %parallel_loop3A_214, %parallel_loop3A_221 : vector<16xf32>
        %parallel_loop3A_223 = arith.constant 0 : i32
        %parallel_loop3A_224 = arith.addi %parallel_loop3A_223, %parallel_loop3A_67 : i32
        %parallel_loop3A_225 = arith.constant 7 : i32
        %parallel_loop3A_226 = arith.addi %parallel_loop3A_224, %parallel_loop3A_225 : i32
        %parallel_loop3A_227 = vector.broadcast %parallel_loop3A_226 : i32 to vector<16xi32>
        tpu.vector_store_idx %arg8[%iota3A, %parallel_loop3A_227], %parallel_loop3A_222 : memref<16x1024xf32, #tpu.memory_space<vmem>>[vector<16xi32>, vector<16xi32>], vector<16xf32>,
      } {sc.loop_unroll_factor = 4 : i64, sc.parallel_access}
      %mul3A_64 = arith.constant 128 : i32
      %mul3A_65 = arith.muli %add3A_29, %mul3A_64 : i32
      "tpu.region"() ({
        %run_scoped3A = tpu.sem_alloc : memref<!tpu.dma_semaphore, #tpu.memory_space<semaphore_mem>>
        %dma_start3A_67 = arith.constant 0 : i32
        %dma_start3A_68 = arith.constant 0 : i32
        %dma_start3A_69 = tpu.memref_slice %arg8[%dma_start3A_67, %dma_start3A_68] : memref<16x1024xf32, #tpu.memory_space<vmem>> -> memref<16x128xf32, #tpu.memory_space<vmem>>
        %dma_start3A_70 = arith.constant 0 : i32
        %dma_start3A_71 = tpu.memref_slice %arg5[%dma_start3A_70, %mul3A_65] : memref<16x320000xf32, #tpu.memory_space<hbm>> -> memref<16x128xf32, #tpu.memory_space<hbm>>
        %dma_start3A_72 = arith.constant 0 : i32
        %dma_start3A_73 = tpu.memref_slice %arg5[%dma_start3A_72, %mul3A_65] : memref<16x320000xf32, #tpu.memory_space<hbm>> -> memref<16x128xf32, #tpu.memory_space<hbm>>
        %dma_start3A_74 = arith.constant 0 : i32
        %dma_start3A_75 = arith.constant 0 : i32
        %dma_start3A_76 = tpu.memref_slice %arg8[%dma_start3A_74, %dma_start3A_75] : memref<16x1024xf32, #tpu.memory_space<vmem>> -> memref<16x128xf32, #tpu.memory_space<vmem>>
        tpu.enqueue_dma source(%dma_start3A_76 : memref<16x128xf32, #tpu.memory_space<vmem>>) target(%dma_start3A_73 : memref<16x128xf32, #tpu.memory_space<hbm>>) target_semaphore(%run_scoped3A : memref<!tpu.dma_semaphore, #tpu.memory_space<semaphore_mem>>)
        %dma_wait3A_77 = arith.constant 0 : i32
        %dma_wait3A_78 = arith.constant 0 : i32
        %dma_wait3A_79 = tpu.memref_slice %arg8[%dma_wait3A_77, %dma_wait3A_78] : memref<16x1024xf32, #tpu.memory_space<vmem>> -> memref<16x128xf32, #tpu.memory_space<vmem>>
        %dma_wait3A_80 = arith.constant 0 : i32
        %dma_wait3A_81 = tpu.memref_slice %arg5[%dma_wait3A_80, %mul3A_65] : memref<16x320000xf32, #tpu.memory_space<hbm>> -> memref<16x128xf32, #tpu.memory_space<hbm>>
        %dma_wait3A_82 = arith.constant 0 : i32
        %dma_wait3A_83 = tpu.memref_slice %arg5[%dma_wait3A_82, %mul3A_65] : memref<16x320000xf32, #tpu.memory_space<hbm>> -> memref<16x128xf32, #tpu.memory_space<hbm>>
        %dma_wait3A_84 = arith.constant 0 : i32
        %dma_wait3A_85 = arith.constant 0 : i32
        %dma_wait3A_86 = tpu.memref_slice %arg8[%dma_wait3A_84, %dma_wait3A_85] : memref<16x1024xf32, #tpu.memory_space<vmem>> -> memref<16x128xf32, #tpu.memory_space<vmem>>
        tpu.wait_dma2 semaphore(%run_scoped3A : memref<!tpu.dma_semaphore, #tpu.memory_space<semaphore_mem>>) src(%dma_wait3A_86 : memref<16x128xf32, #tpu.memory_space<vmem>>) dst(%dma_wait3A_83 : memref<16x128xf32, #tpu.memory_space<hbm>>)
        tpu.yield
      }) : () -> ()
      %while3A_66 = arith.constant 0 : i32
      scf.yield %while3A_66 : i32
    }
    return
  }
}

module attributes {stable_mosaic.version = 14 : i64} {
  func.func @_node_proj_body(%arg0: i32, %arg1: memref<2000x128xf32, #tpu.memory_space<vmem>>, %arg2: memref<128x32xf32, #tpu.memory_space<vmem>>, %arg3: memref<2000x16xf32, #tpu.memory_space<vmem>>, %arg4: memref<2000x16xf32, #tpu.memory_space<vmem>>) attributes {dimension_semantics = [#tpu.dimension_semantics<arbitrary>], iteration_bounds = array<i64: 5>, scalar_prefetch = 0 : i64, scratch_operands = 0 : i64, tpu.core_type = #tpu.core_type<tc>, window_params = [{transform_indices = @transform_0, window_bounds = array<i64: 2000, 128>}, {pipeline_mode = #tpu.pipeline_mode<synchronous>, transform_indices = @transform_1, window_bounds = array<i64: 128, 32>}, {transform_indices = @transform_2, window_bounds = array<i64: 2000, 16>}, {transform_indices = @transform_3, window_bounds = array<i64: 2000, 16>}]} {
    %get3A = arith.constant 0 : index
    %get3A_0 = arith.constant 0 : index
    %get3A_1 = vector.load %arg1[%get3A, %get3A_0] : memref<2000x128xf32, #tpu.memory_space<vmem>>, vector<2000x128xf32>
    %get3A_2 = arith.constant 0 : index
    %get3A_3 = arith.constant 0 : index
    %get3A_4 = vector.load %arg2[%get3A_2, %get3A_3] : memref<128x32xf32, #tpu.memory_space<vmem>>, vector<128x32xf32>
    %dot_general3A = arith.constant dense<0.000000e+00> : vector<2000x32xf32>
    %dot_general3A_5 = tpu.matmul %get3A_1, %get3A_4, %dot_general3A {dimension_numbers = #tpu.dot_dimension_numbers<[1], [0], [0], [1], [0, 0, 1, 1], [], []>, transpose_lhs_hint = false} : vector<2000x128xf32>, vector<128x32xf32>, vector<2000x32xf32> -> vector<2000x32xf32>
    %slice3A = vector.extract_strided_slice %dot_general3A_5 {offsets = [0, 0], sizes = [2000, 16], strides = [1, 1]} : vector<2000x32xf32> to vector<2000x16xf32>
    %swap3A = arith.constant 0 : index
    %swap3A_6 = arith.constant 0 : index
    %swap3A_7 = vector.load %arg3[%swap3A, %swap3A_6] : memref<2000x16xf32, #tpu.memory_space<vmem>>, vector<2000x16xf32>
    tpu.vector_store %arg3[%swap3A, %swap3A_6], %slice3A {strides = array<i32>} : memref<2000x16xf32, #tpu.memory_space<vmem>>, vector<2000x16xf32>,
    %slice3A_8 = vector.extract_strided_slice %dot_general3A_5 {offsets = [0, 16], sizes = [2000, 16], strides = [1, 1]} : vector<2000x32xf32> to vector<2000x16xf32>
    %swap3A_9 = arith.constant 0 : index
    %swap3A_10 = arith.constant 0 : index
    %swap3A_11 = vector.load %arg4[%swap3A_9, %swap3A_10] : memref<2000x16xf32, #tpu.memory_space<vmem>>, vector<2000x16xf32>
    tpu.vector_store %arg4[%swap3A_9, %swap3A_10], %slice3A_8 {strides = array<i32>} : memref<2000x16xf32, #tpu.memory_space<vmem>>, vector<2000x16xf32>,
    return
  }
  func.func @transform_0(%arg0: i32) -> (i32, i32) {
    %c0_i32 = arith.constant 0 : i32
    %c0_i32_0 = arith.constant 0 : i32
    return %arg0, %c0_i32 : i32, i32
  }
  func.func @transform_1(%arg0: i32) -> (i32, i32) {
    %c0_i32 = arith.constant 0 : i32
    %c0_i32_0 = arith.constant 0 : i32
    %c0_i32_1 = arith.constant 0 : i32
    return %c0_i32, %c0_i32_0 : i32, i32
  }
  func.func @transform_2(%arg0: i32) -> (i32, i32) {
    %c0_i32 = arith.constant 0 : i32
    %c0_i32_0 = arith.constant 0 : i32
    return %arg0, %c0_i32 : i32, i32
  }
  func.func @transform_3(%arg0: i32) -> (i32, i32) {
    %c0_i32 = arith.constant 0 : i32
    %c0_i32_0 = arith.constant 0 : i32
    return %arg0, %c0_i32 : i32, i32
  }
}

module attributes {stable_mosaic.version = 14 : i64} {
  func.func @_final_body(%arg0: i32, %arg1: memref<16x16xf32, #tpu.memory_space<vmem>>, %arg2: memref<16x12800xf32, #tpu.memory_space<vmem>>, %arg3: memref<16x12800xf32, #tpu.memory_space<vmem>>, %arg4: memref<16x12800xf32, #tpu.memory_space<vmem>>) attributes {dimension_semantics = [#tpu.dimension_semantics<arbitrary>], iteration_bounds = array<i64: 25>, scalar_prefetch = 0 : i64, scratch_operands = 0 : i64, tpu.core_type = #tpu.core_type<tc>, window_params = [{pipeline_mode = #tpu.pipeline_mode<synchronous>, transform_indices = @transform_0, window_bounds = array<i64: 16, 16>}, {transform_indices = @transform_1, window_bounds = array<i64: 16, 12800>}, {transform_indices = @transform_2, window_bounds = array<i64: 16, 12800>}, {transform_indices = @transform_3, window_bounds = array<i64: 16, 12800>}]} {
    %get3A = arith.constant 0 : index
    %get3A_0 = arith.constant 0 : index
    %get3A_1 = vector.load %arg1[%get3A, %get3A_0] : memref<16x16xf32, #tpu.memory_space<vmem>>, vector<16x16xf32>
    %get3A_2 = arith.constant 0 : index
    %get3A_3 = arith.constant 0 : index
    %get3A_4 = vector.load %arg2[%get3A_2, %get3A_3] : memref<16x12800xf32, #tpu.memory_space<vmem>>, vector<16x12800xf32>
    %dot_general3A = arith.constant dense<0.000000e+00> : vector<16x12800xf32>
    %dot_general3A_5 = tpu.matmul %get3A_1, %get3A_4, %dot_general3A {dimension_numbers = #tpu.dot_dimension_numbers<[1], [0], [0], [1], [0, 0, 1, 1], [], []>, transpose_lhs_hint = false} : vector<16x16xf32>, vector<16x12800xf32>, vector<16x12800xf32> -> vector<16x12800xf32>
    %get3A_6 = arith.constant 0 : index
    %get3A_7 = arith.constant 0 : index
    %get3A_8 = vector.load %arg3[%get3A_6, %get3A_7] : memref<16x12800xf32, #tpu.memory_space<vmem>>, vector<16x12800xf32>
    %add3A = arith.addf %dot_general3A_5, %get3A_8 : vector<16x12800xf32>
    %swap3A = arith.constant 0 : index
    %swap3A_9 = arith.constant 0 : index
    %swap3A_10 = vector.load %arg4[%swap3A, %swap3A_9] : memref<16x12800xf32, #tpu.memory_space<vmem>>, vector<16x12800xf32>
    tpu.vector_store %arg4[%swap3A, %swap3A_9], %add3A {strides = array<i32>} : memref<16x12800xf32, #tpu.memory_space<vmem>>, vector<16x12800xf32>,
    return
  }
  func.func @transform_0(%arg0: i32) -> (i32, i32) {
    %c0_i32 = arith.constant 0 : i32
    %c0_i32_0 = arith.constant 0 : i32
    %c0_i32_1 = arith.constant 0 : i32
    return %c0_i32, %c0_i32_0 : i32, i32
  }
  func.func @transform_1(%arg0: i32) -> (i32, i32) {
    %c0_i32 = arith.constant 0 : i32
    %c0_i32_0 = arith.constant 0 : i32
    return %c0_i32, %arg0 : i32, i32
  }
  func.func @transform_2(%arg0: i32) -> (i32, i32) {
    %c0_i32 = arith.constant 0 : i32
    %c0_i32_0 = arith.constant 0 : i32
    return %c0_i32, %arg0 : i32, i32
  }
  func.func @transform_3(%arg0: i32) -> (i32, i32) {
    %c0_i32 = arith.constant 0 : i32
    %c0_i32_0 = arith.constant 0 : i32
    return %c0_i32, %arg0 : i32, i32
  }
}

</mosaic_0001>

<sc_bundles>
// kernel: kernel.5.cloned.1.call-start
scs
__scs_entry_jumppad:
0x0: {  	(pc) =	sbr.rel $0x88, $3  }
0x1: {  	(tag) =	ssettag $0x0;
	lr =	simm.s32 $0x1  }
0x2: {  	[smem:$0x3F9D] =	sst lr;
	_ =	strace $0xD0000000  }
0x3: {  	_ = 	snop  }
0x4: {  	_ = 	snop  }
0x5: {  	_ = 	snop  }
0x6: {  	_ = 	snop  }
0x7: {  	_ = 	snop  }
__scs_overlays_trampoline_lowered:
0x8: {  	[smem:$0x3FAC] =	sst s0  }
0x9: {  	[smem:$0x3FAD] =	sst s1  }
0xa: {  	[smem:$0x3FAE] =	sst s2  }
0xb: {  	[smem:$0x3FAF] =	sst s3  }
0xc: {  	[smem:$0x3FB0] =	sst s4  }
0xd: {  	[smem:$0x3FB1] =	sst s5  }
0xe: {  	[smem:$0x3FB2] =	sst s6  }
0xf: {  	[smem:$0x3FB3] =	sst s7  }
0x10: {  	[smem:$0x3FB4] =	sst s8  }
0x11: {  	[smem:$0x3FB5] =	sst s9;
	s0 =	simm.s32 @!p0 $0x0  }
0x12: {  	s1 =	sld [smem:$0x3F9B];
	s0 =	simm.s32 @p0 $0x1  }
0x13: {  	[smem:$0x3FB6] =	sst s0;
	s0 =	simm.s32 @!p1 $0x0  }
0x14: {  	s2 =	sld [smem:$0x3F9A];
	s0 =	simm.s32 @p1 $0x1  }
0x15: {  	[smem:$0x3FB7] =	sst s0;
	s0 =	simm.s32 @!p2 $0x0  }
0x16: {  	s3 =	sld [smem:$0x3FDB];
	s0 =	simm.s32 @p2 $0x1  }
0x17: {  	s4 =	simm.s32 $0x1BF5;
	[smem:$0x3FB9] =	sst s0  }
0x18: {  	s0 =	sld [smem:$0x3F9C];
	_ =	swait.ge [sflag:s4], $0x0  }
0x19: {  	s7 =	sld [smem:$0x3F9D]  }
0x1a: {  	s8 =	sadd.s32 $0xFFFFE003, lr  }
0x1b: {  	s9 =	sadd.s32 $0xFFFFFEF7, lr;
	s5 =	simm.s32 $0xFFFFFFFF;
	p2 =	slt.u32 s8, $0xFFFFF086  }
0x1c: {  	p1 =	slt.u32 s9, $0xF7A;
	s5 =	simm.s32 @!p2 $0x0  }
0x1d: {  	s5 =	simm.s32 @p1 $0x1;
	p0 =	seq.s32 s7, s2  }
0x1e: {  	s7 =	smul.u32 @!p0 $0xF7A, s2;
	p2 =	seq.s32 @!p0 s5, $0x0  }
0x1f: {  	s9 =	smul.u32 $0xF7A, s1;
	s8 =	simm.s32 @!p0 $0x1BF5;
	p2 =	por !p2, p0  }
0x20: {  	[sflag:s8] =	ssyncset.s32 @!p0 $0xFFFFF086;
	s6 =	sadd.s32 @!p0 s3, s7;
	s7 =	simm.s32 @!p0 $0x108  }
0x21: {  	s3 =	sadd.s32 s3, s9;
	s6 =	sadd.s32 @!p0 $0x88, s6;
	s7 =	simm.s32 @p2 $0x1082  }
0x22: {  	[simem:s7], [sflag:s8] =	dma.local @!p0 [hbm:s6], $0xF7A  }
0x23: {  	s9 =	sor.u32 $0xD0000000, s2;
	s6 =	simm.s32 $0x108;
	_ =	swait.ge @!p0 [sflag:s8], $0x0  }
0x24: {  	s3 =	sadd.s32 $0x88, s3;
	s6 =	simm.s32 @!p1 $0x1082;
	[sflag:s4] =	ssyncset.s32 $0xFFFFF086  }
0x25: {  	[simem:s6], [sflag:s4] =	dma.local [hbm:s3], $0xF7A  }
0x26: {  	[smem:$0x3F9D] =	sst s1;
	(tag) =	ssettag s2;
	_ =	strace s9  }
0x27: {  	s1 =	sld [smem:$0x3FAD]  }
0x28: {  	s2 =	sld [smem:$0x3FAE]  }
0x29: {  	s4 =	sld [smem:$0x3FB0]  }
0x2a: {  	p0 =	seq.s32 s5, $0x0;
	s5 =	sld [smem:$0x3FB1]  }
0x2b: {  	s6 =	sld [smem:$0x3FB2]  }
0x2c: {  	s7 =	sld [smem:$0x3FB3]  }
0x2d: {  	s3 =	simm.s32 $0x108;
	s8 =	sld [smem:$0x3FB4]  }
0x2e: {  	s3 =	simm.s32 @!p0 $0x1082;
	s9 =	sld [smem:$0x3FB5]  }
0x2f: {  	lr =	sadd.s32 s0, s3;
	s0 =	sld [smem:$0x3FAC]  }
0x30: {  	s3 =	sld [smem:$0x3FAF]  }
0x31: {  	[smem:$0x3FB8] =	sst s10  }
0x32: {  	s10 =	sld [smem:$0x3FB6];
	_ =	sdelay $0x3  }
0x33: {  	p0 =	seq.s32 s10, $0x1;
	s10 =	sld [smem:$0x3FB8];
	_ =	sdelay $0x3  }
0x34: {  	[smem:$0x3FB8] =	sst s10  }
0x35: {  	s10 =	sld [smem:$0x3FB7];
	_ =	sdelay $0x3  }
0x36: {  	p1 =	seq.s32 s10, $0x1;
	s10 =	sld [smem:$0x3FB8];
	_ =	sdelay $0x3  }
0x37: {  	[smem:$0x3FB8] =	sst s10  }
0x38: {  	s10 =	sld [smem:$0x3FB9]  }
0x39: {  	_ = 	snop;
	(pc) =	sbr.ind lr, $3  }
0x3a: {  	_ = 	snop  }
0x3b: {  	_ = 	snop  }
0x3c: {  	p2 =	seq.s32 s10, $0x1;
	s10 =	sld [smem:$0x3FB8]  }
0x3d: {  	_ =	shalt  }
0x3e: {  	_ =	shalt  }
0x3f: {  	_ =	shalt  }
0x40: {  	_ =	shalt  }
0x41: {  	_ =	shalt  }
0x42: {  	_ =	shalt  }
0x43: {  	_ =	shalt  }
0x44: {  	_ =	shalt  }
0x45: {  	_ =	shalt  }
0x46: {  	_ =	shalt  }
0x47: {  	_ =	shalt  }
0x48: {  	_ =	shalt  }
0x49: {  	_ =	shalt  }
0x4a: {  	_ =	shalt  }
0x4b: {  	_ =	shalt  }
0x4c: {  	_ =	shalt  }
0x4d: {  	_ =	shalt  }
0x4e: {  	_ =	shalt  }
0x4f: {  	_ =	shalt  }
0x50: {  	_ =	shalt  }
0x51: {  	_ =	shalt  }
0x52: {  	_ =	shalt  }
0x53: {  	_ =	shalt  }
0x54: {  	_ =	shalt  }
0x55: {  	_ =	shalt  }
0x56: {  	_ =	shalt  }
0x57: {  	_ =	shalt  }
0x58: {  	_ =	shalt  }
0x59: {  	_ =	shalt  }
0x5a: {  	_ =	shalt  }
0x5b: {  	_ =	shalt  }
0x5c: {  	_ =	shalt  }
0x5d: {  	_ =	shalt  }
0x5e: {  	_ =	shalt  }
0x5f: {  	_ =	shalt  }
0x60: {  	_ =	shalt  }
0x61: {  	_ =	shalt  }
0x62: {  	_ =	shalt  }
0x63: {  	_ =	shalt  }
0x64: {  	_ =	shalt  }
0x65: {  	_ =	shalt  }
0x66: {  	_ =	shalt  }
0x67: {  	_ =	shalt  }
0x68: {  	_ =	shalt  }
0x69: {  	_ =	shalt  }
0x6a: {  	_ =	shalt  }
0x6b: {  	_ =	shalt  }
0x6c: {  	_ =	shalt  }
0x6d: {  	_ =	shalt  }
0x6e: {  	_ =	shalt  }
0x6f: {  	_ =	shalt  }
0x70: {  	_ =	shalt  }
0x71: {  	_ =	shalt  }
0x72: {  	_ =	shalt  }
0x73: {  	_ =	shalt  }
0x74: {  	_ =	shalt  }
0x75: {  	_ =	shalt  }
0x76: {  	_ =	shalt  }
0x77: {  	_ =	shalt  }
0x78: {  	_ =	shalt  }
0x79: {  	_ =	shalt  }
0x7a: {  	_ =	shalt  }
0x7b: {  	_ =	shalt  }
0x7c: {  	_ =	shalt  }
0x7d: {  	_ =	shalt  }
0x7e: {  	_ =	shalt  }
0x7f: {  	_ =	shalt  }
0x80: {  	_ =	shalt  }
0x81: {  	_ =	shalt  }
0x82: {  	_ =	shalt  }
0x83: {  	_ =	shalt  }
0x84: {  	_ =	shalt  }
0x85: {  	_ =	shalt  }
0x86: {  	_ =	shalt  }
0x87: {  	_ =	shalt  }
.Lfunc_end0:
.L_simem_size_0:
called_computation_lowered:
.L_overlay_start_0:
0x88: {  	s2 =	sld [smem:$0x3FD9]  }
0x89: {  	s3 =	sld [smem:$0x3FFE];
	_ =	sdelay $0x1  }
0x8a: {  	s1 =	srdreg.scid  }
0x8b: {  	s0 =	sand.u32 $0x1, s1  }
0x8c: {  	s17 =	sshll.u32 s0, $0xA;
	s2 =	sadd.s32 s3, s2  }
0x8d: {  	s2 =	sadd.s32 s2, s17  }
0x8e: {  	[smem:$0x3FC4] =	sst s2  }
0x8f: {  	_ = 	snop  }
0x90: {  	s2 =	sld [smem:$0x3FD0];
	(tm) =	ssettm $0x1  }
0x91: {  	s18 =	sld [smem:$0x3FFB];
	_ =	sdelay $0x3  }
0x92: {  	_ =	strace s18  }
0x93: {  	s3 =	sld [smem:$0x3FFC];
	_ =	sdelay $0x3  }
0x94: {  	_ =	strace s3  }
0x95: {  	s3 =	sld [smem:$0x3FFD];
	_ =	sdelay $0x3  }
0x96: {  	_ =	strace s3  }
0x97: {  	_ =	strace $0x8FFFFFFF  }
0x98: {  	s19 =	sld [smem:$0x3FDB];
	_ =	sdelay $0x1  }
0x99: {  	s4 =	simm.s32 $_scs_section_size  }
0x9a: {  	s5 =	simm.s32 $_size__tile_overlayer_lowered;
	s6 =	simm.s32 $_tile_overlayer_lowered  }
0x9b: {  	s22 =	simm.s32 $0x1BFF;
	s21 =	sshll.u32 s6, $0x1;
	s3 =	sadd.s32 s4, s19  }
0x9c: {  	s7 =	simm.s32 $0x0;
	s20 =	sshll.u32 s5, $0x1;
	s5 =	sadd.s32 s21, s3  }
0x9d: {  	[timem:s7], [sflag:s22] =	dma.local [hbm:s5], s20  }
0x9e: {  	_ =	swait.ge [sflag:s22], s20  }
0x9f: {  	s4 =	ssub.s32 $0x0, s20;
	[sflag:s22] =	ssyncset.done $0x0  }
0xa0: {  	[sflag:s22] =	ssyncadd.s32 s4;
	_ =	sdelay $0x1  }
0xa1: {  	s23 =	simm.s32 $0x1B8B  }
0xa2: {  	_ =	swait.ge [sflag:s23], $0x1  }
0xa3: {  	[sflag:s23] =	ssyncset.done $0x0  }
0xa4: {  	s25 =	simm.s32 $0x1B8E;
	s24 =	sld [smem:$0x3FFE];
	[sflag:s23] =	ssyncadd.s32 $0xFFFFFFFF  }
0xa5: {  	s26 =	simm.s32 $execute0_lowered;
	[smem:$0x3FD2] =	sst s25  }
0xa6: {  	s5 =	sshll.u32 s26, $0x1;
	_ =	strace $0x80000046;
	[dreg:$0x1] =	wrdreg $0xFFFFFFFF  }
0xa7: {  	s28 =	simm.s32 $_size_execute0_lowered;
	s3 =	sadd.s32 s3, s5;
	[dreg:$0x0] =	wrdreg $0x0  }
0xa8: {  	s5 =	sshll.u32 s28, $0x1;
	[dreg:$0x2] =	wrdreg s3  }
0xa9: {  	[dreg:$0x3] =	wrdreg s5  }
0xaa: {  	[dreg:$0x4] =	wrdreg $0xC0  }
0xab: {  	_ =	task [dreg:s7], $0x5FFFF  }
0xac: {  	[dreg:$0x1] =	wrdreg $0xFFFFFFFF  }
0xad: {  	[dreg:$0x0] =	wrdreg $0x60  }
0xae: {  	[dreg:$0x2] =	wrdreg s24  }
0xaf: {  	[dreg:$0x3] =	wrdreg s2  }
0xb0: {  	[dreg:$0x4] =	wrdreg $0x9  }
0xb1: {  	_ =	task.clear_ibuf [dreg:s7], $0x5FFFF;
	_ =	strace $0x90000046  }
0xb2: {  	s29 =	simm.s32 $0x9;
	_ =	strace $0x80000048  }
0xb3: {  	_ =	swait.ge [sflag:s29], $0x1  }
0xb4: {  	[sflag:s29] =	ssyncadd.s32 $0xFFFFFFFF  }
0xb5: {  	_ =	strace $0x90000048  }
0xb6: {  	_ =	sfence  }
0xb7: {  	s30 =	sld [smem:$0x0];
	_ =	sdelay $0x2  }
0xb8: {  	s31 =	sshll.u32 s1, $0xD;
	s1 =	sshrl.u32 s1, $0x2  }
0xb9: {  	s3 =	sand.u32 $0x4000, s31;
	s1 =	sadd.s32 s1, s30  }
0xba: {  	s0 =	sor.u32 s3, s0;
	s1 =	sshll.u32 s1, $0x11  }
0xbb: {  	s0 =	sor.u32 s1, s0  }
0xbc: {  	s0 =	sadd.s32 $0x8F2B, s0  }
0xbd: {  	[sflag:s0] =	ssyncadd.remote.s32 $0x1  }
0xbe: {  	_ =	sfence.sel $0xFFFF  }
0xbf: {  	[dreg:$0x0] =	wrdreg $0xFFFFFFFF;
	(pc) =	sbr.abs _section_cstart, $3  }
0xc0: {  	[dreg:$0x1] =	wrdreg $0xFFFFFFFF  }
0xc1: {  	_ =	task.clear_ibuf [dreg:s7], $0x2FFFF;
	_ =	strace $0x9FFFFFFF  }
0xc2: {  	(tm) =	ssettm $0x7FFFFFFF  }
0xc3: {  	_ =	shalt  }
tec
execute0_lowered:
.L_overlay_start_1:
0x0: {  	(tag) =	ssettag $0x1  }
0x1: {  	s0 =	rddreg [dreg:$0x0]  }
0x2: {  	s2 =	rddreg [dreg:$0x1]  }
0x3: {  	s3 =	simm.s32 $0x0;
	s1 =	srdreg.scid;
	s9 =	stileid.u32  }
0x4: {  	s11 =	simm.s32 $0x2;
	s12 =	simm.s32 $0x80;
	s13 =	simm.s32 $0x800  }
0x5: {  	s26 =	simm.s32 $0x400;
	s22 =	simm.s32 $0x1;
	s23 =	simm.s32 $0x8800  }
0x6: {  	s15 =	simm.s32 $0xB000;
	s16 =	simm.s32 $0xB400;
	s17 =	simm.s32 $0xB800  }
0x7: {  	s18 =	simm.s32 $0xBC00;
	s19 =	simm.s32 $0xC000;
	s20 =	simm.s32 $0xC400  }
0x8: {  	[smem:$0x7FF] =	sst s3;
	s1 =	sand.u32 $0x1, s1;
	s5 =	sshll.u32 s9, $0x1  }
0x9: {  	v0 =	vlaneseq.u32;
	s4 =	sadd.s32 $0x15E00, s0;
	s6 =	sadd.s32 $0x2400, s0;
	p0 =	slt.u32 s9, $0x2  }
0xa: {  	v0 =	vmul.u32 $0x400, v0;
	_ =	strace $0x80000047;
	s7 =	sor.u32 s1, s5;
	s1 =	ssub.s32 $0x2, s1  }
0xb: {  	v1 =	vimm.s32 $0x0;
	vm0 =	vcmask $0x300;
	s5 =	sadd.s32 $0x1AE00, s0;
	s8 =	smul.u32 $0x4E, s7;
	s31 =	sshrl.u32 s1, $0x1  }
0xc: {  	v1 =	vsel vm0, $0x3, v1;
	s7 =	smin.u32 s7, $0x4;
	v2 =	vor.u32 $0x1, v0;
	s0 =	ssub.s32 s1, s31;
	s1 =	simm.s32 $0x0  }
0xd: {  	v3 =	vor.u32 $0x2, v0;
	v4 =	vor.u32 $0x3, v0;
	v5 =	vor.u32 $0x4, v0;
	s7 =	sadd.s32 s7, s8;
	s8 =	simm.s32 $0x7;
	s0 =	smax.u32 s0, $0x1  }
0xe: {  	v6 =	vor.u32 $0x5, v0;
	v7 =	vor.u32 $0x6, v0;
	v8 =	vor.u32 $0x7, v0;
	s8 =	simm.s32 @!p0 $0x6;
	s9 =	sadd.s32 $0x48, s7;
	[dreg:$0x3] =	wrdreg s0  }
.LBB2_1:
0xf: {  	[dreg:$0x4] =	wrdreg s1;
	s21 =	simm.s32 $0x0  }
.LBB2_2:
0x10: {  	s0 =	sshll.u32 s21, $0x3  }
0x11: {  	s24 =	sadd.s32 s7, s0  }
0x12: {  	s0 =	sshll.u32 s24, $0x5  }
0x13: {  	s0 =	sand.u32 $0x1FFFFFE0, s0  }
0x14: {  	s29 =	simm.s32 $0x0;
	s0 =	sadd.s32 s6, s0  }
0x15: {  	[tilespmem:s29], [sflag:$0x2] =	stream.linear.gather [hbm4b:s0+s29], $0x800, $0x38;
	[tilespmem:$0xC800] =	vst v63  }
0x16: {  	_ =	swait.ge [sflag:s11], $0x800  }
0x17: {  	[sflag:s11] =	ssyncset.done $0x0  }
0x18: {  	[sflag:s11] =	ssyncadd.s32 $0xFFFFF800  }
0x19: {  	[tilespmem:s13], [sflag:$0x1] =	stream.indirect.gather [hbm4b:s4+s12], $0x10, s29, s12, $0xb8;
	[tilespmem:$0xC800] =	vst v63  }
0x1a: {  	s30 =	simm.s32 $0x1000  }
0x1b: {  	[tilespmem:s30], [sflag:$0x1] =	stream.indirect.gather [hbm4b:s5+s12], $0x10, s12, s12, $0xb8;
	[tilespmem:$0xC800] =	vst v63  }
0x1c: {  	s28 =	simm.s32 $0x100;
	s1 =	simm.s32 $0x1800  }
0x1d: {  	[tilespmem:s1], [sflag:$0x1] =	stream.indirect.gather [hbm4b:s4+s12], $0x10, s28, s12, $0xb8;
	[tilespmem:$0xC800] =	vst v63  }
0x1e: {  	s10 =	simm.s32 $0x180;
	s14 =	simm.s32 $0x2000  }
0x1f: {  	[tilespmem:s14], [sflag:$0x1] =	stream.indirect.gather [hbm4b:s5+s12], $0x10, s10, s12, $0xb8;
	[tilespmem:$0xC800] =	vst v63  }
0x20: {  	s25 =	simm.s32 $0x200;
	s28 =	simm.s32 $0x2800  }
0x21: {  	[tilespmem:s28], [sflag:$0x1] =	stream.indirect.gather [hbm4b:s4+s12], $0x10, s25, s12, $0xb8;
	[tilespmem:$0xC800] =	vst v63  }
0x22: {  	s10 =	simm.s32 $0x280;
	s14 =	simm.s32 $0x3000  }
0x23: {  	[tilespmem:s14], [sflag:$0x1] =	stream.indirect.gather [hbm4b:s5+s12], $0x10, s10, s12, $0xb8;
	[tilespmem:$0xC800] =	vst v63  }
0x24: {  	s25 =	simm.s32 $0x300;
	s28 =	simm.s32 $0x3800  }
0x25: {  	[tilespmem:s28], [sflag:$0x1] =	stream.indirect.gather [hbm4b:s4+s12], $0x10, s25, s12, $0xb8;
	[tilespmem:$0xC800] =	vst v63  }
0x26: {  	s1 =	simm.s32 $0x380;
	s10 =	simm.s32 $0x4000  }
0x27: {  	[tilespmem:s10], [sflag:$0x1] =	stream.indirect.gather [hbm4b:s5+s12], $0x10, s1, s12, $0xb8;
	[tilespmem:$0xC800] =	vst v63  }
0x28: {  	s14 =	simm.s32 $0x4800  }
0x29: {  	[tilespmem:s14], [sflag:$0x1] =	stream.indirect.gather [hbm4b:s4+s12], $0x10, s26, s12, $0xb8;
	[tilespmem:$0xC800] =	vst v63  }
0x2a: {  	s25 =	simm.s32 $0x480;
	s28 =	simm.s32 $0x5000  }
0x2b: {  	[tilespmem:s28], [sflag:$0x1] =	stream.indirect.gather [hbm4b:s5+s12], $0x10, s25, s12, $0xb8;
	[tilespmem:$0xC800] =	vst v63  }
0x2c: {  	s10 =	simm.s32 $0x500;
	s14 =	simm.s32 $0x5800  }
0x2d: {  	[tilespmem:s14], [sflag:$0x1] =	stream.indirect.gather [hbm4b:s4+s12], $0x10, s10, s12, $0xb8;
	[tilespmem:$0xC800] =	vst v63  }
0x2e: {  	s25 =	simm.s32 $0x580;
	s28 =	simm.s32 $0x6000  }
0x2f: {  	[tilespmem:s28], [sflag:$0x1] =	stream.indirect.gather [hbm4b:s5+s12], $0x10, s25, s12, $0xb8;
	[tilespmem:$0xC800] =	vst v63  }
0x30: {  	s10 =	simm.s32 $0x600;
	s14 =	simm.s32 $0x6800  }
0x31: {  	[tilespmem:s14], [sflag:$0x1] =	stream.indirect.gather [hbm4b:s4+s12], $0x10, s10, s12, $0xb8;
	[tilespmem:$0xC800] =	vst v63  }
0x32: {  	s25 =	simm.s32 $0x680;
	s28 =	simm.s32 $0x7000  }
0x33: {  	[tilespmem:s28], [sflag:$0x1] =	stream.indirect.gather [hbm4b:s5+s12], $0x10, s25, s12, $0xb8;
	[tilespmem:$0xC800] =	vst v63  }
0x34: {  	s1 =	simm.s32 $0x700;
	s10 =	simm.s32 $0x7800  }
0x35: {  	[tilespmem:s10], [sflag:$0x1] =	stream.indirect.gather [hbm4b:s4+s12], $0x10, s1, s12, $0xb8;
	[tilespmem:$0xC800] =	vst v63  }
0x36: {  	s14 =	simm.s32 $0x780;
	s25 =	simm.s32 $0x8000  }
0x37: {  	[tilespmem:s25], [sflag:$0x1] =	stream.indirect.gather [hbm4b:s5+s12], $0x10, s14, s12, $0xb8;
	[tilespmem:$0xC800] =	vst v63  }
0x38: {  	_ =	swait.ge [sflag:s22], $0x800  }
0x39: {  	[sflag:s22] =	ssyncset.done $0x0  }
0x3a: {  	[sflag:s22] =	ssyncadd.s32 $0xFFFFF800  }
0x3b: {  	_ =	swait.ge [sflag:s22], $0x800  }
0x3c: {  	[sflag:s22] =	ssyncset.done $0x0  }
0x3d: {  	[sflag:s22] =	ssyncadd.s32 $0xFFFFF800  }
0x3e: {  	_ =	swait.ge [sflag:s22], $0x800  }
0x3f: {  	[sflag:s22] =	ssyncset.done $0x0  }
0x40: {  	[sflag:s22] =	ssyncadd.s32 $0xFFFFF800  }
0x41: {  	_ =	swait.ge [sflag:s22], $0x800  }
0x42: {  	[sflag:s22] =	ssyncset.done $0x0  }
0x43: {  	[sflag:s22] =	ssyncadd.s32 $0xFFFFF800  }
0x44: {  	_ =	swait.ge [sflag:s22], $0x800  }
0x45: {  	[sflag:s22] =	ssyncset.done $0x0  }
0x46: {  	[sflag:s22] =	ssyncadd.s32 $0xFFFFF800  }
0x47: {  	_ =	swait.ge [sflag:s22], $0x800  }
0x48: {  	[sflag:s22] =	ssyncset.done $0x0  }
0x49: {  	[sflag:s22] =	ssyncadd.s32 $0xFFFFF800  }
0x4a: {  	_ =	swait.ge [sflag:s22], $0x800  }
0x4b: {  	[sflag:s22] =	ssyncset.done $0x0  }
0x4c: {  	[sflag:s22] =	ssyncadd.s32 $0xFFFFF800  }
0x4d: {  	_ =	swait.ge [sflag:s22], $0x800  }
0x4e: {  	[sflag:s22] =	ssyncset.done $0x0  }
0x4f: {  	[sflag:s22] =	ssyncadd.s32 $0xFFFFF800  }
0x50: {  	_ =	swait.ge [sflag:s22], $0x800  }
0x51: {  	[sflag:s22] =	ssyncset.done $0x0  }
0x52: {  	[sflag:s22] =	ssyncadd.s32 $0xFFFFF800  }
0x53: {  	_ =	swait.ge [sflag:s22], $0x800  }
0x54: {  	[sflag:s22] =	ssyncset.done $0x0  }
0x55: {  	[sflag:s22] =	ssyncadd.s32 $0xFFFFF800  }
0x56: {  	_ =	swait.ge [sflag:s22], $0x800  }
0x57: {  	[sflag:s22] =	ssyncset.done $0x0  }
0x58: {  	[sflag:s22] =	ssyncadd.s32 $0xFFFFF800  }
0x59: {  	_ =	swait.ge [sflag:s22], $0x800  }
0x5a: {  	[sflag:s22] =	ssyncset.done $0x0  }
0x5b: {  	[sflag:s22] =	ssyncadd.s32 $0xFFFFF800  }
0x5c: {  	_ =	swait.ge [sflag:s22], $0x800  }
0x5d: {  	[sflag:s22] =	ssyncset.done $0x0  }
0x5e: {  	[sflag:s22] =	ssyncadd.s32 $0xFFFFF800  }
0x5f: {  	_ =	swait.ge [sflag:s22], $0x800  }
0x60: {  	[sflag:s22] =	ssyncset.done $0x0  }
0x61: {  	[sflag:s22] =	ssyncadd.s32 $0xFFFFF800  }
0x62: {  	_ =	swait.ge [sflag:s22], $0x800  }
0x63: {  	[sflag:s22] =	ssyncset.done $0x0  }
0x64: {  	[sflag:s22] =	ssyncadd.s32 $0xFFFFF800  }
0x65: {  	s28 =	simm.s32 $0x18;
	_ =	swait.ge [sflag:s22], $0x800  }
0x66: {  	v9 =	vmov s28;
	[sflag:s22] =	ssyncset.done $0x0  }
0x67: {  	v9 =	vshrl.u32 v9, $0x3;
	s1 =	simm.s32 $0x8;
	[sflag:s22] =	ssyncadd.s32 $0xFFFFF800  }
0x68: {  	v9 =	vshll.u32 v9, v1;
	v11 =	vmov s1;
	v10 =	vld [tilespmem:s30+$0xFFFFF980]  }
0x69: {  	s10 =	simm.s32 $0x10;
	v9 =	vbroadcast v9, $0x0;
	v11 =	vshrl.u32 v11, $0x3;
	v12 =	vld [tilespmem:s30+$0x180]  }
0x6a: {  	v14 =	vmov s10;
	v11 =	vshll.u32 v11, v1;
	v13 =	vld [tilespmem:s30+$0xFFFFF880]  }
0x6b: {  	v14 =	vshrl.u32 v14, $0x3;
	v9 =	vor.u32 v0, v9;
	v11 =	vbroadcast v11, $0x0;
	v16 =	vld [tilespmem:s30+$0x80]  }
0x6c: {  	v15 =	vmov s29;
	v14 =	vshll.u32 v14, v1;
	v17 =	vld [tilespmem:s30+$0xFFFFF900]  }
0x6d: {  	v15 =	vshrl.u32 v15, $0x3;
	v14 =	vbroadcast v14, $0x0;
	v11 =	vor.u32 v0, v11;
	v18 =	vld [tilespmem:s30+$0x100]  }
0x6e: {  	v15 =	vshll.u32 v15, v1;
	v20 =	vld [tilespmem:s30+$0xFFFFF800];
	v10 =	vadd.f32 v12, v10  }
0x6f: {  	v15 =	vbroadcast v15, $0x0;
	s14 =	simm.s32 $0x19;
	v14 =	vor.u32 v0, v14;
	v12 =	vld [tilespmem:s30+$0x0]  }
0x70: {  	v19 =	vmov s14;
	[tilespmem:v9+s23+$0x0] =	vst.idx.msk $0xffff, v10;
	v10 =	vadd.f32 v16, v13  }
0x71: {  	v15 =	vor.u32 v0, v15;
	s25 =	simm.s32 $0x9;
	v9 =	vshrl.u32 v19, $0x3;
	v13 =	vld [tilespmem:s30+$0xFFFFF990]  }
0x72: {  	v16 =	vmov s25;
	v9 =	vshll.u32 v9, v1;
	v19 =	vld [tilespmem:s30+$0x190];
	[tilespmem:v11+s23+$0x0] =	vst.idx.msk $0xffff, v10;
	v11 =	vadd.f32 v18, v17  }
0x73: {  	s10 =	simm.s32 $0x11;
	v9 =	vbroadcast v9, $0x0;
	v10 =	vshrl.u32 v16, $0x3;
	v17 =	vld [tilespmem:s30+$0xFFFFF890]  }
0x74: {  	v16 =	vmov s10;
	v10 =	vshll.u32 v10, v1;
	v12 =	vadd.f32 v12, v20;
	v18 =	vld [tilespmem:s30+$0x90];
	[tilespmem:v14+s23+$0x0] =	vst.idx.msk $0xffff, v11  }
0x75: {  	s28 =	simm.s32 $0x1;
	v9 =	vor.u32 v2, v9;
	v10 =	vbroadcast v10, $0x0;
	v11 =	vshrl.u32 v16, $0x3;
	v16 =	vld [tilespmem:s30+$0xFFFFF910]  }
0x76: {  	v21 =	vmov s28;
	v11 =	vshll.u32 v11, v1;
	[tilespmem:v15+s23+$0x0] =	vst.idx.msk $0xffff, v12;
	v12 =	vld [tilespmem:s30+$0x110]  }
0x77: {  	v14 =	vshrl.u32 v21, $0x3;
	v10 =	vor.u32 v2, v10;
	v11 =	vbroadcast v11, $0x0;
	v15 =	vld [tilespmem:s30+$0xFFFFF810]  }
0x78: {  	s14 =	simm.s32 $0x1A;
	v14 =	vshll.u32 v14, v1;
	v13 =	vadd.f32 v19, v13;
	v20 =	vld [tilespmem:s30+$0x10]  }
0x79: {  	v19 =	vmov s14;
	v14 =	vbroadcast v14, $0x0;
	v11 =	vor.u32 v2, v11  }
0x7a: {  	s25 =	simm.s32 $0xA;
	[tilespmem:v9+s23+$0x0] =	vst.idx.msk $0xffff, v13;
	v9 =	vshrl.u32 v19, $0x3;
	v13 =	vadd.f32 v18, v17  }
0x7b: {  	v14 =	vor.u32 v2, v14;
	v18 =	vmov s25;
	v17 =	vld [tilespmem:s30+$0xFFFFF9A0];
	v9 =	vshll.u32 v9, v1  }
0x7c: {  	s10 =	simm.s32 $0x12;
	v19 =	vld [tilespmem:s30+$0x1A0];
	v12 =	vadd.f32 v12, v16;
	v9 =	vbroadcast v9, $0x0;
	[tilespmem:v10+s23+$0x0] =	vst.idx.msk $0xffff, v13;
	v10 =	vshrl.u32 v18, $0x3  }
0x7d: {  	v16 =	vmov s10;
	v15 =	vadd.f32 v20, v15;
	v13 =	vld [tilespmem:s30+$0xFFFFF8A0];
	v10 =	vshll.u32 v10, v1  }
0x7e: {  	s28 =	simm.s32 $0x2;
	v18 =	vld [tilespmem:s30+$0xA0];
	v9 =	vor.u32 v3, v9;
	v10 =	vbroadcast v10, $0x0;
	[tilespmem:v11+s23+$0x0] =	vst.idx.msk $0xffff, v12;
	v11 =	vshrl.u32 v16, $0x3  }
0x7f: {  	v21 =	vmov s28;
	v16 =	vld [tilespmem:s30+$0xFFFFF920];
	v11 =	vshll.u32 v11, v1  }
0x80: {  	v12 =	vshrl.u32 v21, $0x3;
	[tilespmem:v14+s23+$0x0] =	vst.idx.msk $0xffff, v15;
	v14 =	vld [tilespmem:s30+$0x120];
	v10 =	vor.u32 v3, v10;
	v11 =	vbroadcast v11, $0x0  }
0x81: {  	v12 =	vshll.u32 v12, v1;
	v20 =	vld [tilespmem:s30+$0x20];
	v15 =	vadd.f32 v19, v17  }
0x82: {  	s14 =	simm.s32 $0x1B;
	v17 =	vld [tilespmem:s30+$0xFFFFF820];
	v12 =	vbroadcast v12, $0x0;
	v11 =	vor.u32 v3, v11  }
0x83: {  	v19 =	vmov s14;
	v13 =	vadd.f32 v18, v13;
	[tilespmem:v9+s23+$0x0] =	vst.idx.msk $0xffff, v15  }
0x84: {  	s25 =	simm.s32 $0xB;
	v12 =	vor.u32 v3, v12;
	v9 =	vshrl.u32 v19, $0x3;
	v15 =	vld [tilespmem:s30+$0xFFFFF9B0]  }
0x85: {  	v18 =	vmov s25;
	v9 =	vshll.u32 v9, v1;
	v19 =	vld [tilespmem:s30+$0x1B0];
	[tilespmem:v10+s23+$0x0] =	vst.idx.msk $0xffff, v13;
	v13 =	vadd.f32 v14, v16  }
0x86: {  	s10 =	simm.s32 $0x13;
	v9 =	vbroadcast v9, $0x0;
	v10 =	vshrl.u32 v18, $0x3;
	v14 =	vld [tilespmem:s30+$0xFFFFF8B0]  }
0x87: {  	v16 =	vmov s10;
	v17 =	vadd.f32 v20, v17;
	v10 =	vshll.u32 v10, v1;
	v18 =	vld [tilespmem:s30+$0xB0];
	[tilespmem:v11+s23+$0x0] =	vst.idx.msk $0xffff, v13  }
0x88: {  	s28 =	simm.s32 $0x3;
	v9 =	vor.u32 v4, v9;
	v10 =	vbroadcast v10, $0x0;
	v11 =	vshrl.u32 v16, $0x3;
	v16 =	vld [tilespmem:s30+$0xFFFFF930]  }
0x89: {  	v21 =	vmov s28;
	[tilespmem:v12+s23+$0x0] =	vst.idx.msk $0xffff, v17;
	v11 =	vshll.u32 v11, v1;
	v12 =	vld [tilespmem:s30+$0x130]  }
0x8a: {  	v13 =	vshrl.u32 v21, $0x3;
	v17 =	vld [tilespmem:s30+$0xFFFFF830];
	v10 =	vor.u32 v4, v10;
	v11 =	vbroadcast v11, $0x0  }
0x8b: {  	s14 =	simm.s32 $0x1C;
	v13 =	vshll.u32 v13, v1;
	v20 =	vld [tilespmem:s30+$0x30];
	v15 =	vadd.f32 v19, v15  }
0x8c: {  	v19 =	vmov s14;
	v13 =	vbroadcast v13, $0x0;
	v11 =	vor.u32 v4, v11  }
0x8d: {  	v14 =	vadd.f32 v18, v14;
	[tilespmem:v9+s23+$0x0] =	vst.idx.msk $0xffff, v15;
	v9 =	vshrl.u32 v19, $0x3  }
0x8e: {  	s25 =	simm.s32 $0xC;
	v13 =	vor.u32 v4, v13;
	v15 =	vld [tilespmem:s30+$0xFFFFF9C0];
	v9 =	vshll.u32 v9, v1  }
0x8f: {  	s28 =	simm.s32 $0x4;
	v18 =	vmov s25;
	v19 =	vld [tilespmem:s30+$0x1C0];
	v12 =	vadd.f32 v12, v16;
	v9 =	vbroadcast v9, $0x0;
	[tilespmem:v10+s23+$0x0] =	vst.idx.msk $0xffff, v14  }
0x90: {  	s1 =	simm.s32 $0x14;
	v21 =	vmov s28;
	v17 =	vadd.f32 v20, v17;
	v10 =	vshrl.u32 v18, $0x3;
	v14 =	vld [tilespmem:s30+$0xFFFFF8C0]  }
0x91: {  	v16 =	vmov s1;
	v10 =	vshll.u32 v10, v1;
	v18 =	vld [tilespmem:s30+$0xC0];
	v9 =	vor.u32 v5, v9;
	[tilespmem:v11+s23+$0x0] =	vst.idx.msk $0xffff, v12  }
0x92: {  	v10 =	vbroadcast v10, $0x0;
	v11 =	vshrl.u32 v16, $0x3;
	v12 =	vshrl.u32 v21, $0x3;
	v16 =	vld [tilespmem:s30+$0xFFFFF940]  }
0x93: {  	[tilespmem:v13+s23+$0x0] =	vst.idx.msk $0xffff, v17;
	v11 =	vshll.u32 v11, v1;
	v13 =	vld [tilespmem:s30+$0x140];
	v12 =	vshll.u32 v12, v1  }
0x94: {  	s10 =	simm.s32 $0x1D;
	v17 =	vld [tilespmem:s30+$0xFFFFF840];
	v10 =	vor.u32 v5, v10;
	v11 =	vbroadcast v11, $0x0;
	v15 =	vadd.f32 v19, v15  }
0x95: {  	v20 =	vld [tilespmem:s30+$0x40];
	v19 =	vmov s10;
	v12 =	vbroadcast v12, $0x0  }
0x96: {  	v11 =	vor.u32 v5, v11;
	[tilespmem:v9+s23+$0x0] =	vst.idx.msk $0xffff, v15;
	v9 =	vshrl.u32 v19, $0x3  }
0x97: {  	s14 =	simm.s32 $0xD;
	v14 =	vadd.f32 v18, v14;
	v12 =	vor.u32 v5, v12;
	v15 =	vld [tilespmem:s30+$0xFFFFF9D0];
	v9 =	vshll.u32 v9, v1  }
0x98: {  	v18 =	vmov s14;
	v19 =	vld [tilespmem:s30+$0x1D0];
	v9 =	vbroadcast v9, $0x0  }
0x99: {  	v13 =	vadd.f32 v13, v16;
	[tilespmem:v10+s23+$0x0] =	vst.idx.msk $0xffff, v14;
	v10 =	vshrl.u32 v18, $0x3  }
0x9a: {  	s28 =	simm.s32 $0x15;
	s25 =	simm.s32 $0x5;
	v17 =	vadd.f32 v20, v17;
	v14 =	vld [tilespmem:s30+$0xFFFFF8D0];
	v10 =	vshll.u32 v10, v1;
	v9 =	vor.u32 v6, v9  }
0x9b: {  	v21 =	vmov s25;
	v16 =	vmov s28;
	v18 =	vld [tilespmem:s30+$0xD0];
	v10 =	vbroadcast v10, $0x0;
	[tilespmem:v11+s23+$0x0] =	vst.idx.msk $0xffff, v13  }
0x9c: {  	v11 =	vshrl.u32 v16, $0x3;
	v13 =	vshrl.u32 v21, $0x3;
	[tilespmem:v12+s23+$0x0] =	vst.idx.msk $0xffff, v17;
	v16 =	vld [tilespmem:s30+$0xFFFFF950]  }
0x9d: {  	s1 =	simm.s32 $0x1E;
	v11 =	vshll.u32 v11, v1;
	v12 =	vld [tilespmem:s30+$0x150];
	v10 =	vor.u32 v6, v10;
	v15 =	vadd.f32 v19, v15  }
0x9e: {  	v17 =	vld [tilespmem:s30+$0xFFFFF850];
	v13 =	vshll.u32 v13, v1;
	v11 =	vbroadcast v11, $0x0;
	v19 =	vmov s1  }
0x9f: {  	v20 =	vld [tilespmem:s30+$0x50];
	v13 =	vbroadcast v13, $0x0;
	[tilespmem:v9+s23+$0x0] =	vst.idx.msk $0xffff, v15;
	v9 =	vshrl.u32 v19, $0x3  }
0xa0: {  	v11 =	vor.u32 v6, v11;
	v14 =	vadd.f32 v18, v14;
	v15 =	vld [tilespmem:s30+$0xFFFFF9E0];
	v9 =	vshll.u32 v9, v1  }
0xa1: {  	v13 =	vor.u32 v6, v13;
	v18 =	vld [tilespmem:s30+$0x1E0];
	v9 =	vbroadcast v9, $0x0  }
0xa2: {  	s10 =	simm.s32 $0xE;
	[tilespmem:v10+s23+$0x0] =	vst.idx.msk $0xffff, v14  }
0xa3: {  	s14 =	simm.s32 $0x16;
	v10 =	vadd.f32 v12, v16;
	v12 =	vmov s10;
	v14 =	vld [tilespmem:s30+$0xFFFFF8E0];
	v19 =	vor.u32 v7, v9  }
0xa4: {  	s0 =	simm.s32 $0x1200;
	v16 =	vmov s14;
	v9 =	vshrl.u32 v12, $0x3;
	v12 =	vadd.f32 v20, v17;
	v17 =	vld [tilespmem:s30+$0xE0]  }
0xa5: {  	[tilespmem:v11+s23+$0x0] =	vst.idx.msk $0xffff, v10;
	v10 =	vshrl.u32 v16, $0x3;
	v16 =	vld [tilespmem:s0+$0xFFFFF980];
	v9 =	vshll.u32 v9, v1  }
0xa6: {  	v20 =	vld [tilespmem:s30+$0xFFFFF960];
	v10 =	vshll.u32 v10, v1;
	v11 =	vbroadcast v9, $0x0;
	[tilespmem:v13+s23+$0x0] =	vst.idx.msk $0xffff, v12;
	v13 =	vadd.f32 v18, v15  }
0xa7: {  	s25 =	simm.s32 $0x38;
	s10 =	simm.s32 $0x6;
	v12 =	vld [tilespmem:s30+$0x160];
	v10 =	vbroadcast v10, $0x0  }
0xa8: {  	s31 =	simm.s32 $0x20;
	v24 =	vmov s10;
	v18 =	vld [tilespmem:s0+$0x180];
	v22 =	vor.u32 v7, v11;
	v11 =	vmov s25;
	[tilespmem:v19+s23+$0x0] =	vst.idx.msk $0xffff, v13  }
0xa9: {  	s28 =	simm.s32 $0x21;
	v23 =	vor.u32 v7, v10;
	v19 =	vmov s31;
	v11 =	vshrl.u32 v11, $0x3;
	v10 =	vld [tilespmem:s30+$0xFFFFF9F0]  }
0xaa: {  	s14 =	simm.s32 $0x28;
	v13 =	vmov s28;
	v14 =	vadd.f32 v17, v14;
	v15 =	vshll.u32 v11, v1;
	v11 =	vld [tilespmem:s30+$0x1F0]  }
0xab: {  	v9 =	vld [tilespmem:s30+$0xFFFFF860];
	s25 =	simm.s32 $0x1F;
	v17 =	vmov s14;
	v21 =	vshrl.u32 v19, $0x3;
	v25 =	vbroadcast v15, $0x0  }
0xac: {  	s28 =	simm.s32 $0x30;
	v19 =	vshrl.u32 v17, $0x3;
	v17 =	vld [tilespmem:s0+$0xFFFFF880];
	v26 =	vadd.f32 v12, v20;
	v12 =	vor.u32 s25, v8  }
0xad: {  	v27 =	vmov s28;
	v15 =	vld [tilespmem:s0+$0x0];
	[tilespmem:v22+s23+$0x0] =	vst.idx.msk $0xffff, v14;
	v14 =	vshll.u32 v19, v1;
	v20 =	vor.u32 v0, v25  }
0xae: {  	s1 =	simm.s32 $0x40;
	[tilespmem:v23+s23+$0x0] =	vst.idx.msk $0xffff, v26;
	v19 =	vld [tilespmem:s0+$0x80];
	v23 =	vshrl.u32 v27, $0x3;
	v22 =	vbroadcast v14, $0x0;
	v14 =	vshrl.u32 v24, $0x3  }
.LBB2_3:
0xaf: {  	p0 =	slt.u32 s1, $0x60;
	v21 =	vshll.u32 v21, v1;
	v24 =	vld [tilespmem:s0+$0xFFFFF900];
	v23 =	vshll.u32 v23, v1;
	v10 =	vadd.f32 v11, v10  }
0xb0: {  	s25 =	sadd.s32 $0x19, s31;
	v11 =	vor.u32 v0, v22;
	v22 =	vld [tilespmem:s0+$0x100];
	v23 =	vbroadcast v23, $0x0;
	v16 =	vadd.f32 v18, v16  }
0xb1: {  	v14 =	vshll.u32 v14, v1;
	s28 =	simm.s32 $0x21F0;
	v21 =	vbroadcast v21, $0x0;
	v25 =	vmov s25;
	s25 =	simm.s32 $0xFFFFFFE0;
	v18 =	vld [tilespmem:s0+$0xFFFFF800];
	[tilespmem:v12+s23+$0x0] =	vst.idx.msk $0xffff, v10  }
0xb2: {  	v14 =	vbroadcast v14, $0x0;
	v12 =	vshrl.u32 v25, $0x3;
	v10 =	vor.u32 v0, v23;
	[tilespmem:v20+s23+$0x0] =	vst.idx.msk $0xffff, v16;
	v16 =	vld [tilespmem:s30+$0x60]  }
0xb3: {  	s10 =	sadd.s32 $0x9, s31;
	v20 =	vor.u32 v0, v21;
	v12 =	vshll.u32 v12, v1;
	v17 =	vadd.f32 v19, v17;
	v19 =	vld [tilespmem:s0+$0xFFFFF990]  }
0xb4: {  	v21 =	vmov s10;
	s10 =	sadd.s32 $0x11, s31;
	v14 =	vor.u32 v7, v14;
	v12 =	vbroadcast v12, $0x0;
	v23 =	vld [tilespmem:s0+$0x190]  }
0xb5: {  	[tilespmem:v11+s23+$0x0] =	vst.idx.msk $0xffff, v17;
	v11 =	vshrl.u32 v21, $0x3;
	v17 =	vadd.f32 v22, v24;
	v21 =	vmov s10;
	v22 =	vld [tilespmem:s30+$0xFFFFF8F0]  }
0xb6: {  	v12 =	vor.u32 v2, v12;
	v15 =	vadd.f32 v15, v18;
	v18 =	vld [tilespmem:s0+$0xFFFFF890];
	v11 =	vshll.u32 v11, v1  }
0xb7: {  	v24 =	vld [tilespmem:s0+$0x90];
	v11 =	vbroadcast v11, $0x0;
	[tilespmem:v10+s23+$0x0] =	vst.idx.msk $0xffff, v17;
	v10 =	vshrl.u32 v21, $0x3;
	v9 =	vadd.f32 v16, v9  }
0xb8: {  	v13 =	vshrl.u32 v13, $0x3;
	[tilespmem:v20+s23+$0x0] =	vst.idx.msk $0xffff, v15;
	v15 =	vld [tilespmem:s0+$0xFFFFF910];
	v10 =	vshll.u32 v10, v1  }
0xb9: {  	s10 =	sadd.s32 $0x1A, s31;
	v11 =	vor.u32 v2, v11;
	v16 =	vld [tilespmem:s0+$0x110];
	v10 =	vbroadcast v10, $0x0;
	v17 =	vadd.f32 v23, v19;
	[tilespmem:v14+s23+$0x0] =	vst.idx.msk $0xffff, v9  }
0xba: {  	v13 =	vshll.u32 v13, v1;
	v14 =	vmov s10;
	v9 =	vld [tilespmem:s0+$0xFFFFF810]  }
0xbb: {  	v13 =	vbroadcast v13, $0x0;
	s10 =	sadd.s32 $0xF, s29;
	v19 =	vld [tilespmem:s0+$0x10];
	v10 =	vor.u32 v2, v10;
	[tilespmem:v12+s23+$0x0] =	vst.idx.msk $0xffff, v17;
	v12 =	vshrl.u32 v14, $0x3  }
0xbc: {  	s14 =	sadd.s32 $0xA, s31;
	v14 =	vadd.f32 v24, v18;
	v17 =	vld [tilespmem:s0+$0xFFFFF9A0];
	v12 =	vshll.u32 v12, v1;
	v18 =	vor.u32 s10, v8  }
0xbd: {  	v13 =	vor.u32 v2, v13;
	v20 =	vmov s14;
	s10 =	sadd.s32 $0x2, s31;
	v21 =	vld [tilespmem:s0+$0x1A0];
	v12 =	vbroadcast v12, $0x0  }
0xbe: {  	v23 =	vmov s10;
	s10 =	sadd.s32 $0x12, s31;
	[tilespmem:v11+s23+$0x0] =	vst.idx.msk $0xffff, v14;
	v11 =	vshrl.u32 v20, $0x3;
	v14 =	vadd.f32 v16, v15;
	v15 =	vld [tilespmem:s30+$0xF0]  }
0xbf: {  	v20 =	vmov s10;
	v16 =	vld [tilespmem:s0+$0xFFFFF8A0];
	v11 =	vshll.u32 v11, v1;
	v12 =	vor.u32 v3, v12  }
0xc0: {  	v9 =	vadd.f32 v19, v9;
	v19 =	vld [tilespmem:s0+$0xA0];
	v11 =	vbroadcast v11, $0x0;
	[tilespmem:v10+s23+$0x0] =	vst.idx.msk $0xffff, v14;
	v10 =	vshrl.u32 v20, $0x3  }
0xc1: {  	v14 =	vshrl.u32 v23, $0x3;
	v20 =	vld [tilespmem:s0+$0xFFFFF920];
	v10 =	vshll.u32 v10, v1  }
0xc2: {  	s10 =	sadd.s32 $0x1B, s31;
	[tilespmem:v13+s23+$0x0] =	vst.idx.msk $0xffff, v9;
	v9 =	vor.u32 v3, v11;
	v11 =	vld [tilespmem:s0+$0x120];
	v10 =	vbroadcast v10, $0x0;
	v13 =	vadd.f32 v21, v17  }
0xc3: {  	v14 =	vshll.u32 v14, v1;
	v21 =	vmov s10;
	v17 =	vld [tilespmem:s0+$0xFFFFF820];
	v15 =	vadd.f32 v15, v22  }
0xc4: {  	v14 =	vbroadcast v14, $0x0;
	v22 =	vld [tilespmem:s0+$0x20];
	v10 =	vor.u32 v3, v10;
	[tilespmem:v12+s23+$0x0] =	vst.idx.msk $0xffff, v13;
	v12 =	vshrl.u32 v21, $0x3  }
0xc5: {  	s10 =	sadd.s32 $0xB, s31;
	v13 =	vadd.f32 v19, v16;
	v16 =	vld [tilespmem:s0+$0xFFFFF9B0];
	v12 =	vshll.u32 v12, v1;
	[tilespmem:v18+s23+$0x0] =	vst.idx.msk $0xffff, v15  }
0xc6: {  	s14 =	sadd.s32 $0x3, s31;
	v14 =	vor.u32 v3, v14;
	v15 =	vmov s10;
	v18 =	vld [tilespmem:s0+$0x1B0];
	v12 =	vbroadcast v12, $0x0  }
0xc7: {  	v19 =	vmov s14;
	s10 =	sadd.s32 $0x13, s31;
	[tilespmem:v9+s23+$0x0] =	vst.idx.msk $0xffff, v13;
	v9 =	vshrl.u32 v15, $0x3;
	v11 =	vadd.f32 v11, v20;
	v13 =	vld [tilespmem:s30+$0xFFFFF970]  }
0xc8: {  	v20 =	vmov s10;
	v15 =	vld [tilespmem:s0+$0xFFFFF8B0];
	v9 =	vshll.u32 v9, v1;
	v12 =	vor.u32 v4, v12  }
0xc9: {  	v17 =	vadd.f32 v22, v17;
	v21 =	vld [tilespmem:s0+$0xB0];
	v9 =	vbroadcast v9, $0x0;
	[tilespmem:v10+s23+$0x0] =	vst.idx.msk $0xffff, v11;
	v10 =	vshrl.u32 v20, $0x3  }
0xca: {  	v11 =	vshrl.u32 v19, $0x3;
	v19 =	vld [tilespmem:s0+$0xFFFFF930];
	v10 =	vshll.u32 v10, v1  }
0xcb: {  	s10 =	sadd.s32 $0x1C, s31;
	[tilespmem:v14+s23+$0x0] =	vst.idx.msk $0xffff, v17;
	v9 =	vor.u32 v4, v9;
	v14 =	vld [tilespmem:s0+$0x130];
	v10 =	vbroadcast v10, $0x0;
	v16 =	vadd.f32 v18, v16  }
0xcc: {  	v11 =	vshll.u32 v11, v1;
	v18 =	vmov s10;
	v17 =	vld [tilespmem:s0+$0xFFFFF830]  }
0xcd: {  	v11 =	vbroadcast v11, $0x0;
	s10 =	sadd.s32 $0x17, s29;
	v20 =	vld [tilespmem:s0+$0x30];
	v10 =	vor.u32 v4, v10;
	[tilespmem:v12+s23+$0x0] =	vst.idx.msk $0xffff, v16;
	v12 =	vshrl.u32 v18, $0x3  }
0xce: {  	s14 =	sadd.s32 $0xC, s31;
	v18 =	vor.u32 s10, v8;
	v15 =	vadd.f32 v21, v15;
	v16 =	vld [tilespmem:s0+$0xFFFFF9C0];
	v12 =	vshll.u32 v12, v1  }
0xcf: {  	v11 =	vor.u32 v4, v11;
	s10 =	sadd.s32 $0x4, s31;
	v21 =	vmov s14;
	v22 =	vld [tilespmem:s0+$0x1C0];
	v12 =	vbroadcast v12, $0x0  }
0xd0: {  	v23 =	vmov s10;
	s10 =	sadd.s32 $0x14, s31;
	[tilespmem:v9+s23+$0x0] =	vst.idx.msk $0xffff, v15;
	v9 =	vshrl.u32 v21, $0x3;
	v14 =	vadd.f32 v14, v19;
	v15 =	vld [tilespmem:s30+$0x170]  }
0xd1: {  	v21 =	vmov s10;
	v19 =	vld [tilespmem:s0+$0xFFFFF8C0];
	v9 =	vshll.u32 v9, v1;
	v12 =	vor.u32 v5, v12  }
0xd2: {  	v17 =	vadd.f32 v20, v17;
	v20 =	vld [tilespmem:s0+$0xC0];
	v9 =	vbroadcast v9, $0x0;
	[tilespmem:v10+s23+$0x0] =	vst.idx.msk $0xffff, v14;
	v10 =	vshrl.u32 v21, $0x3  }
0xd3: {  	v14 =	vshrl.u32 v23, $0x3;
	v21 =	vld [tilespmem:s0+$0xFFFFF940];
	v10 =	vshll.u32 v10, v1  }
0xd4: {  	s10 =	sadd.s32 $0x1D, s31;
	[tilespmem:v11+s23+$0x0] =	vst.idx.msk $0xffff, v17;
	v9 =	vor.u32 v5, v9;
	v11 =	vld [tilespmem:s0+$0x140];
	v10 =	vbroadcast v10, $0x0;
	v16 =	vadd.f32 v22, v16  }
0xd5: {  	v14 =	vshll.u32 v14, v1;
	v22 =	vmov s10;
	v17 =	vld [tilespmem:s0+$0xFFFFF840];
	v13 =	vadd.f32 v15, v13  }
0xd6: {  	v14 =	vbroadcast v14, $0x0;
	v15 =	vld [tilespmem:s0+$0x40];
	v10 =	vor.u32 v5, v10;
	[tilespmem:v12+s23+$0x0] =	vst.idx.msk $0xffff, v16;
	v12 =	vshrl.u32 v22, $0x3  }
0xd7: {  	s10 =	sadd.s32 $0xD, s31;
	v16 =	vadd.f32 v20, v19;
	v19 =	vld [tilespmem:s0+$0xFFFFF9D0];
	v12 =	vshll.u32 v12, v1;
	[tilespmem:v18+s23+$0x0] =	vst.idx.msk $0xffff, v13  }
0xd8: {  	s14 =	sadd.s32 $0x5, s31;
	v13 =	vor.u32 v5, v14;
	v14 =	vmov s10;
	v18 =	vld [tilespmem:s0+$0x1D0];
	v12 =	vbroadcast v12, $0x0  }
0xd9: {  	v20 =	vmov s14;
	s10 =	sadd.s32 $0x15, s31;
	[tilespmem:v9+s23+$0x0] =	vst.idx.msk $0xffff, v16;
	v9 =	vshrl.u32 v14, $0x3;
	v11 =	vadd.f32 v11, v21;
	v14 =	vld [tilespmem:s30+$0xFFFFF870]  }
0xda: {  	v21 =	vmov s10;
	v16 =	vld [tilespmem:s0+$0xFFFFF8D0];
	v9 =	vshll.u32 v9, v1;
	v12 =	vor.u32 v6, v12  }
0xdb: {  	v15 =	vadd.f32 v15, v17;
	v17 =	vld [tilespmem:s0+$0xD0];
	v9 =	vbroadcast v9, $0x0;
	[tilespmem:v10+s23+$0x0] =	vst.idx.msk $0xffff, v11;
	v10 =	vshrl.u32 v21, $0x3  }
0xdc: {  	v11 =	vshrl.u32 v20, $0x3;
	v20 =	vld [tilespmem:s0+$0xFFFFF950];
	v10 =	vshll.u32 v10, v1  }
0xdd: {  	s10 =	sadd.s32 $0x1E, s31;
	[tilespmem:v13+s23+$0x0] =	vst.idx.msk $0xffff, v15;
	v9 =	vor.u32 v6, v9;
	v13 =	vld [tilespmem:s0+$0x150];
	v10 =	vbroadcast v10, $0x0;
	v15 =	vadd.f32 v18, v19  }
0xde: {  	v11 =	vshll.u32 v11, v1;
	v19 =	vmov s10;
	v18 =	vld [tilespmem:s0+$0xFFFFF850]  }
0xdf: {  	v11 =	vbroadcast v11, $0x0;
	v21 =	vld [tilespmem:s0+$0x50];
	v10 =	vor.u32 v6, v10;
	[tilespmem:v12+s23+$0x0] =	vst.idx.msk $0xffff, v15;
	v12 =	vshrl.u32 v19, $0x3  }
0xe0: {  	s10 =	sadd.s32 $0xE, s31;
	v15 =	vadd.f32 v17, v16;
	v16 =	vld [tilespmem:s0+$0xFFFFF9E0];
	v12 =	vshll.u32 v12, v1  }
0xe1: {  	v11 =	vor.u32 v6, v11;
	v17 =	vmov s10;
	s10 =	sadd.s32 $0x7, s29;
	s29 =	smov.u32 s31;
	s31 =	smov.u32 s1;
	v19 =	vld [tilespmem:s0+$0x1E0];
	v12 =	vbroadcast v12, $0x0  }
0xe2: {  	s14 =	sadd.s32 $0x16, s29;
	[tilespmem:v9+s23+$0x0] =	vst.idx.msk $0xffff, v15;
	v9 =	vshrl.u32 v17, $0x3;
	v13 =	vadd.f32 v13, v20;
	v15 =	vld [tilespmem:s30+$0x70];
	v17 =	vor.u32 s10, v8;
	s30 =	smov.u32 s0  }
0xe3: {  	v22 =	vmov s14;
	v20 =	vld [tilespmem:s0+$0xFFFFF8E0];
	v9 =	vshll.u32 v9, v1;
	v12 =	vor.u32 v7, v12  }
0xe4: {  	v18 =	vadd.f32 v21, v18;
	v21 =	vld [tilespmem:s0+$0xE0];
	v9 =	vbroadcast v9, $0x0;
	[tilespmem:v10+s23+$0x0] =	vst.idx.msk $0xffff, v13;
	v10 =	vshrl.u32 v22, $0x3  }
0xe5: {  	v22 =	vld [tilespmem:s0+$0xFFFFF960];
	v10 =	vshll.u32 v10, v1  }
0xe6: {  	[tilespmem:v11+s23+$0x0] =	vst.idx.msk $0xffff, v18;
	v23 =	vor.u32 v7, v9;
	v24 =	vld [tilespmem:s0+$0x160];
	v10 =	vbroadcast v10, $0x0;
	v11 =	vadd.f32 v19, v16  }
0xe7: {  	s10 =	sadd.s32 $0x18, s1;
	s0 =	sadd.s32 $0x200, s0;
	v9 =	vld [tilespmem:s30+$0xFFFFF860];
	v13 =	vadd.f32 v15, v14  }
0xe8: {  	v14 =	vmov s10;
	v16 =	vld [tilespmem:s0+$0xFFFFF980];
	v19 =	vor.u32 v7, v10;
	[tilespmem:v12+s23+$0x0] =	vst.idx.msk $0xffff, v11  }
0xe9: {  	s14 =	sadd.s32 $0x6, s29;
	s10 =	sadd.s32 $0x1, s1;
	v12 =	vmov s1;
	v11 =	vshrl.u32 v14, $0x3;
	v14 =	vadd.f32 v21, v20;
	v10 =	vld [tilespmem:s30+$0xFFFFF9F0];
	[tilespmem:v17+s23+$0x0] =	vst.idx.msk $0xffff, v13  }
.Ltmp0:
0xea: {  	v25 =	vmov s14;
	v13 =	vmov s10;
	s10 =	sadd.s32 $0x8, s1;
	v15 =	vshll.u32 v11, v1;
	v11 =	vld [tilespmem:s30+$0x1F0];
	(pc) =	sbr.rel @p0 .LBB2_3-.Ltmp0, $4  }
0xeb: {  	v17 =	vmov s10;
	v20 =	vbroadcast v15, $0x0;
	s10 =	sadd.s32 $0x1F, s29;
	v18 =	vld [tilespmem:s0+$0x180];
	[tilespmem:v23+s23+$0x0] =	vst.idx.msk $0xffff, v14;
	v14 =	vadd.f32 v24, v22  }
0xec: {  	s14 =	sadd.s32 $0x10, s1;
	v21 =	vshrl.u32 v12, $0x3;
	v22 =	vshrl.u32 v17, $0x3;
	v12 =	vor.u32 s10, v8;
	v15 =	vld [tilespmem:s0+$0x0]  }
0xed: {  	v23 =	vmov s14;
	v22 =	vshll.u32 v22, v1;
	v20 =	vor.u32 v0, v20;
	v17 =	vld [tilespmem:s0+$0xFFFFF880];
	[tilespmem:v19+s23+$0x0] =	vst.idx.msk $0xffff, v14  }
0xee: {  	s1 =	sadd.s32 $0x20, s1;
	v23 =	vshrl.u32 v23, $0x3;
	v22 =	vbroadcast v22, $0x0;
	v14 =	vshrl.u32 v25, $0x3;
	v19 =	vld [tilespmem:s0+$0x80]  }
0xef: {  	v24 =	vld [tilespmem:s0+$0xFFFFF900];
	v23 =	vshll.u32 v23, v1  }
0xf0: {  	v25 =	vld [tilespmem:s0+$0x100];
	v22 =	vor.u32 v0, v22;
	v23 =	vbroadcast v23, $0x0  }
0xf1: {  	v21 =	vshll.u32 v21, v1;
	s1 =	sadd.s32 $0x19, s31;
	v16 =	vadd.f32 v18, v16;
	v18 =	vld [tilespmem:s0+$0xFFFFF800]  }
0xf2: {  	v21 =	vbroadcast v21, $0x0;
	v26 =	vmov s1;
	v23 =	vor.u32 v0, v23  }
0xf3: {  	s10 =	sadd.s32 $0x9, s31;
	[tilespmem:v20+s23+$0x0] =	vst.idx.msk $0xffff, v16;
	v16 =	vshrl.u32 v26, $0x3;
	v17 =	vadd.f32 v19, v17  }
0xf4: {  	v63 =	vmov s10;
	v19 =	vor.u32 v0, v21;
	v20 =	vld [tilespmem:s0+$0xFFFFF990];
	v16 =	vshll.u32 v16, v1  }
0xf5: {  	s14 =	sadd.s32 $0x11, s31;
	v28 =	vld [tilespmem:s0+$0x190];
	v16 =	vbroadcast v16, $0x0;
	v29 =	vadd.f32 v25, v24;
	[tilespmem:v22+s23+$0x0] =	vst.idx.msk $0xffff, v17;
	v17 =	vshrl.u32 v63, $0x3  }
0xf6: {  	v30 =	vmov s14;
	v15 =	vadd.f32 v15, v18;
	v18 =	vld [tilespmem:s0+$0xFFFFF890];
	v17 =	vshll.u32 v17, v1  }
0xf7: {  	v32 =	vshrl.u32 v30, $0x3;
	v16 =	vor.u32 v2, v16;
	v31 =	vld [tilespmem:s0+$0x90];
	v17 =	vbroadcast v17, $0x0;
	[tilespmem:v23+s23+$0x0] =	vst.idx.msk $0xffff, v29  }
0xf8: {  	v21 =	vshll.u32 v32, v1;
	v33 =	vld [tilespmem:s0+$0xFFFFF910]  }
0xf9: {  	v13 =	vshrl.u32 v13, $0x3;
	s10 =	sadd.s32 $0x1A, s31;
	[tilespmem:v19+s23+$0x0] =	vst.idx.msk $0xffff, v15;
	v19 =	vld [tilespmem:s0+$0x110];
	v15 =	vbroadcast v21, $0x0;
	v17 =	vor.u32 v2, v17  }
0xfa: {  	v13 =	vshll.u32 v13, v1;
	v35 =	vmov s10;
	v20 =	vadd.f32 v28, v20;
	v34 =	vld [tilespmem:s0+$0xFFFFF810]  }
0xfb: {  	v13 =	vbroadcast v13, $0x0;
	v23 =	vshrl.u32 v35, $0x3;
	v36 =	vld [tilespmem:s0+$0x10];
	v37 =	vor.u32 v2, v15  }
0xfc: {  	s14 =	sadd.s32 $0xA, s31;
	[tilespmem:v16+s23+$0x0] =	vst.idx.msk $0xffff, v20;
	v16 =	vadd.f32 v31, v18;
	v18 =	vshll.u32 v23, v1  }
0xfd: {  	v38 =	vmov s14;
	v13 =	vor.u32 v2, v13;
	v20 =	vld [tilespmem:s0+$0xFFFFF9A0];
	v18 =	vbroadcast v18, $0x0  }
0xfe: {  	s10 =	sadd.s32 $0x12, s31;
	v39 =	vld [tilespmem:s0+$0x1A0];
	[tilespmem:v17+s23+$0x0] =	vst.idx.msk $0xffff, v16;
	v16 =	vshrl.u32 v38, $0x3;
	v17 =	vadd.f32 v19, v33  }
0xff: {  	v40 =	vmov s10;
	v18 =	vor.u32 v3, v18;
	v19 =	vld [tilespmem:s0+$0xFFFFF8A0];
	v16 =	vshll.u32 v16, v1  }
0x100: {  	s14 =	sadd.s32 $0x2, s31;
	v21 =	vadd.f32 v36, v34;
	v41 =	vld [tilespmem:s0+$0xA0];
	v16 =	vbroadcast v16, $0x0;
	[tilespmem:v37+s23+$0x0] =	vst.idx.msk $0xffff, v17;
	v17 =	vshrl.u32 v40, $0x3  }
0x101: {  	v42 =	vmov s14;
	v43 =	vld [tilespmem:s0+$0xFFFFF920];
	v17 =	vshll.u32 v17, v1  }
0x102: {  	v22 =	vshrl.u32 v42, $0x3;
	[tilespmem:v13+s23+$0x0] =	vst.idx.msk $0xffff, v21;
	v44 =	vld [tilespmem:s0+$0x120];
	v16 =	vor.u32 v3, v16;
	v13 =	vbroadcast v17, $0x0  }
0x103: {  	v22 =	vshll.u32 v22, v1;
	v46 =	vld [tilespmem:s0+$0x20];
	v17 =	vadd.f32 v39, v20  }
0x104: {  	s10 =	sadd.s32 $0x1B, s31;
	v22 =	vbroadcast v22, $0x0;
	v20 =	vld [tilespmem:s0+$0xFFFFF820];
	v27 =	vor.u32 v3, v13  }
0x105: {  	v45 =	vmov s10;
	[tilespmem:v18+s23+$0x0] =	vst.idx.msk $0xffff, v17;
	v17 =	vadd.f32 v41, v19  }
0x106: {  	s14 =	sadd.s32 $0xB, s31;
	v24 =	vshrl.u32 v45, $0x3;
	v22 =	vor.u32 v3, v22;
	v19 =	vld [tilespmem:s0+$0xFFFFF9B0]  }
0x107: {  	v47 =	vmov s14;
	s10 =	sadd.s32 $0x13, s31;
	v18 =	vshll.u32 v24, v1;
	v48 =	vld [tilespmem:s0+$0x1B0];
	[tilespmem:v16+s23+$0x0] =	vst.idx.msk $0xffff, v17;
	v17 =	vadd.f32 v44, v43  }
0x108: {  	s14 =	sadd.s32 $0x3, s31;
	v50 =	vmov s10;
	v18 =	vbroadcast v18, $0x0;
	v16 =	vshrl.u32 v47, $0x3;
	v49 =	vld [tilespmem:s0+$0xFFFFF8B0]  }
0x109: {  	v52 =	vmov s14;
	v20 =	vadd.f32 v46, v20;
	v16 =	vshll.u32 v16, v1;
	v51 =	vld [tilespmem:s0+$0xB0];
	[tilespmem:v27+s23+$0x0] =	vst.idx.msk $0xffff, v17  }
0x10a: {  	v18 =	vor.u32 v4, v18;
	v16 =	vbroadcast v16, $0x0;
	v17 =	vshrl.u32 v50, $0x3;
	v53 =	vld [tilespmem:s0+$0xFFFFF930]  }
0x10b: {  	v23 =	vshrl.u32 v52, $0x3;
	[tilespmem:v22+s23+$0x0] =	vst.idx.msk $0xffff, v20;
	v17 =	vshll.u32 v17, v1;
	v54 =	vld [tilespmem:s0+$0x130]  }
0x10c: {  	v23 =	vshll.u32 v23, v1;
	v55 =	vld [tilespmem:s0+$0x30];
	v20 =	vor.u32 v4, v16;
	v16 =	vbroadcast v17, $0x0  }
0x10d: {  	v23 =	vbroadcast v23, $0x0;
	v17 =	vadd.f32 v48, v19;
	v19 =	vld [tilespmem:s0+$0xFFFFF830]  }
0x10e: {  	s10 =	sadd.s32 $0x1C, s31;
	v56 =	vor.u32 v4, v16  }
0x10f: {  	v28 =	vmov s10;
	v15 =	vld [tilespmem:s30+$0x60];
	v23 =	vor.u32 v4, v23;
	[tilespmem:v18+s23+$0x0] =	vst.idx.msk $0xffff, v17;
	v17 =	vadd.f32 v51, v49  }
0x110: {  	v18 =	vshrl.u32 v28, $0x3;
	v57 =	vld [tilespmem:s0+$0xFFFFF9C0]  }
0x111: {  	s14 =	sadd.s32 $0xC, s31;
	v18 =	vshll.u32 v18, v1;
	v59 =	vld [tilespmem:s0+$0x1C0];
	[tilespmem:v20+s23+$0x0] =	vst.idx.msk $0xffff, v17;
	v17 =	vadd.f32 v54, v53  }
0x112: {  	v58 =	vmov s14;
	s14 =	sadd.s32 $0x4, s31;
	s10 =	sadd.s32 $0x14, s31;
	v18 =	vbroadcast v18, $0x0;
	v19 =	vadd.f32 v55, v19;
	v60 =	vld [tilespmem:s0+$0xFFFFF8C0]  }
0x113: {  	v30 =	vmov s14;
	v61 =	vmov s10;
	v20 =	vshrl.u32 v58, $0x3;
	v62 =	vld [tilespmem:s0+$0xC0];
	[tilespmem:v56+s23+$0x0] =	vst.idx.msk $0xffff, v17  }
0x114: {  	v31 =	vshrl.u32 v30, $0x3;
	v20 =	vshll.u32 v20, v1;
	v17 =	vor.u32 v5, v18;
	[tilespmem:v23+s23+$0x0] =	vst.idx.msk $0xffff, v19;
	v63 =	vld [tilespmem:s0+$0xFFFFF940]  }
0x115: {  	v18 =	vbroadcast v20, $0x0;
	v20 =	vshrl.u32 v61, $0x3;
	v23 =	vshll.u32 v31, v1;
	v32 =	vld [tilespmem:s0+$0xFFFFF840]  }
0x116: {  	v20 =	vshll.u32 v20, v1;
	v33 =	vld [tilespmem:s0+$0x40];
	v23 =	vbroadcast v23, $0x0  }
0x117: {  	v19 =	vld [tilespmem:s0+$0x140];
	v18 =	vor.u32 v5, v18;
	v20 =	vbroadcast v20, $0x0  }
0x118: {  	v34 =	vld [tilespmem:s30+$0xFFFFF970];
	v21 =	vadd.f32 v59, v57;
	v23 =	vor.u32 v5, v23  }
0x119: {  	s10 =	sadd.s32 $0x1D, s31;
	v13 =	vld [tilespmem:s30+$0xFFFFF8F0];
	v20 =	vor.u32 v5, v20  }
0x11a: {  	v14 =	vshll.u32 v14, v1;
	v29 =	vmov s10;
	v16 =	vld [tilespmem:s30+$0xF0];
	v22 =	vadd.f32 v62, v60;
	[tilespmem:v17+s23+$0x0] =	vst.idx.msk $0xffff, v21  }
0x11b: {  	v14 =	vbroadcast v14, $0x0;
	s14 =	sadd.s32 $0xD, s31;
	v35 =	vshrl.u32 v29, $0x3;
	v36 =	vld [tilespmem:s0+$0xFFFFF9D0];
	v26 =	vadd.f32 v33, v32  }
0x11c: {  	v37 =	vmov s14;
	v21 =	vshll.u32 v35, v1;
	v19 =	vadd.f32 v19, v63;
	[tilespmem:v18+s23+$0x0] =	vst.idx.msk $0xffff, v22;
	v18 =	vld [tilespmem:s0+$0x1D0]  }
0x11d: {  	v14 =	vor.u32 v7, v14;
	s10 =	sadd.s32 $0x15, s31;
	v38 =	vshrl.u32 v37, $0x3;
	v21 =	vbroadcast v21, $0x0;
	v39 =	vld [tilespmem:s0+$0xFFFFF8D0];
	[tilespmem:v23+s23+$0x0] =	vst.idx.msk $0xffff, v26  }
0x11e: {  	v40 =	vmov s10;
	v22 =	vshll.u32 v38, v1;
	[tilespmem:v20+s23+$0x0] =	vst.idx.msk $0xffff, v19;
	v19 =	vld [tilespmem:s0+$0xD0]  }
0x11f: {  	s14 =	sadd.s32 $0x5, s31;
	v41 =	vshrl.u32 v40, $0x3;
	v21 =	vor.u32 v6, v21;
	v20 =	vbroadcast v22, $0x0;
	v44 =	vld [tilespmem:s0+$0xFFFFF850]  }
0x120: {  	v9 =	vadd.f32 v15, v9;
	v15 =	vmov s14;
	v22 =	vshll.u32 v41, v1;
	v42 =	vld [tilespmem:s0+$0xFFFFF950]  }
0x121: {  	v15 =	vshrl.u32 v15, $0x3;
	v43 =	vld [tilespmem:s0+$0x150];
	v22 =	vbroadcast v22, $0x0;
	v20 =	vor.u32 v6, v20  }
0x122: {  	s10 =	sadd.s32 $0x1E, s31;
	[tilespmem:v14+s23+$0x0] =	vst.idx.msk $0xffff, v9;
	v15 =	vshll.u32 v15, v1;
	v9 =	vld [tilespmem:s0+$0x50];
	v18 =	vadd.f32 v18, v36  }
0x123: {  	v45 =	vmov s10;
	v14 =	vbroadcast v15, $0x0;
	v17 =	vld [tilespmem:s30+$0x170];
	v15 =	vor.u32 v6, v22  }
0x124: {  	s14 =	sadd.s32 $0xE, s31;
	v46 =	vshrl.u32 v45, $0x3;
	[tilespmem:v21+s23+$0x0] =	vst.idx.msk $0xffff, v18;
	v18 =	vld [tilespmem:s30+$0xFFFFF870];
	v19 =	vadd.f32 v19, v39  }
0x125: {  	v14 =	vor.u32 v6, v14;
	v47 =	vshll.u32 v46, v1;
	v49 =	vmov s14;
	v48 =	vld [tilespmem:s0+$0xFFFFF9E0]  }
0x126: {  	s10 =	sadd.s32 $0x16, s31;
	v21 =	vbroadcast v47, $0x0;
	v23 =	vadd.f32 v43, v42;
	[tilespmem:v20+s23+$0x0] =	vst.idx.msk $0xffff, v19;
	v19 =	vld [tilespmem:s0+$0x1E0];
	v20 =	vshrl.u32 v49, $0x3  }
0x127: {  	v51 =	vmov s10;
	v9 =	vadd.f32 v9, v44;
	v50 =	vld [tilespmem:s0+$0xFFFFF8E0];
	v20 =	vshll.u32 v20, v1  }
0x128: {  	s14 =	sadd.s32 $0x6, s31;
	v21 =	vor.u32 v7, v21;
	v52 =	vld [tilespmem:s0+$0xE0];
	[tilespmem:v15+s23+$0x0] =	vst.idx.msk $0xffff, v23;
	v15 =	vshrl.u32 v51, $0x3;
	v20 =	vbroadcast v20, $0x0  }
0x129: {  	v53 =	vmov s14;
	v23 =	vld [tilespmem:s0+$0xFFFFF960];
	v15 =	vshll.u32 v15, v1  }
0x12a: {  	[tilespmem:v14+s23+$0x0] =	vst.idx.msk $0xffff, v9;
	v14 =	vld [tilespmem:s0+$0x160];
	v15 =	vbroadcast v15, $0x0;
	v9 =	vor.u32 v7, v20;
	v20 =	vshrl.u32 v53, $0x3  }
0x12b: {  	v54 =	vld [tilespmem:s0+$0xFFFFF860];
	v19 =	vadd.f32 v19, v48;
	v20 =	vshll.u32 v20, v1  }
0x12c: {  	v55 =	vld [tilespmem:s0+$0x60];
	v15 =	vor.u32 v7, v15;
	v20 =	vbroadcast v20, $0x0  }
0x12d: {  	v56 =	vadd.f32 v52, v50;
	[tilespmem:v21+s23+$0x0] =	vst.idx.msk $0xffff, v19;
	v19 =	vld [tilespmem:s30+$0x70]  }
0x12e: {  	v57 =	vld [tilespmem:s0+$0xFFFFF9F0];
	v20 =	vor.u32 v7, v20  }
0x12f: {  	v14 =	vadd.f32 v14, v23;
	[tilespmem:v9+s23+$0x0] =	vst.idx.msk $0xffff, v56;
	v9 =	vld [tilespmem:s0+$0x1F0]  }
0x130: {  	s10 =	sadd.s32 $0xF, s29;
	v21 =	vld [tilespmem:s0+$0xFFFFF8F0]  }
0x131: {  	v58 =	vor.u32 s10, v8;
	s14 =	sadd.s32 $0x17, s29;
	[tilespmem:v15+s23+$0x0] =	vst.idx.msk $0xffff, v14;
	v14 =	vadd.f32 v55, v54;
	v15 =	vld [tilespmem:s0+$0xF0]  }
0x132: {  	s29 =	sadd.s32 $0x7, s29;
	v59 =	vor.u32 s14, v8;
	v60 =	vld [tilespmem:s0+$0xFFFFF970]  }
0x133: {  	v10 =	vadd.f32 v11, v10;
	s10 =	sadd.s32 $0x1F, s31;
	v11 =	vor.u32 s29, v8;
	[tilespmem:v20+s23+$0x0] =	vst.idx.msk $0xffff, v14;
	v14 =	vld [tilespmem:s0+$0x170]  }
0x134: {  	v13 =	vadd.f32 v16, v13;
	v16 =	vor.u32 s10, v8;
	s14 =	sadd.s32 $0xF, s31;
	v20 =	vld [tilespmem:s0+$0xFFFFF870]  }
0x135: {  	[tilespmem:v12+s23+$0x0] =	vst.idx.msk $0xffff, v10;
	s29 =	sadd.s32 $0x17, s31;
	v12 =	vor.u32 s14, v8;
	v10 =	vadd.f32 v17, v34;
	v17 =	vld [tilespmem:s0+$0x70]  }
0x136: {  	s10 =	sadd.s32 $0x7, s31;
	[tilespmem:v58+s23+$0x0] =	vst.idx.msk $0xffff, v13;
	v13 =	vadd.f32 v19, v18;
	v18 =	vor.u32 s29, v8  }
0x137: {  	[tilespmem:v59+s23+$0x0] =	vst.idx.msk $0xffff, v10;
	v10 =	vor.u32 s10, v8;
	v9 =	vadd.f32 v9, v57  }
0x138: {  	[tilespmem:v11+s23+$0x0] =	vst.idx.msk $0xffff, v13;
	v11 =	vadd.f32 v15, v21  }
0x139: {  	[tilespmem:v16+s23+$0x0] =	vst.idx.msk $0xffff, v9;
	v9 =	vadd.f32 v14, v60  }
0x13a: {  	s14 =	simm.s32 $0x98;
	[tilespmem:v12+s23+$0x0] =	vst.idx.msk $0xffff, v11;
	v11 =	vadd.f32 v17, v20  }
0x13b: {  	[tilespmem:v18+s23+$0x0] =	vst.idx.msk $0xffff, v9;
	v9 =	vmov s14  }
0x13c: {  	[tilespmem:v10+s23+$0x0] =	vst.idx.msk $0xffff, v11;
	v9 =	vshrl.u32 v9, $0x3  }
0x13d: {  	s29 =	simm.s32 $0x88;
	v10 =	vld [tilespmem:s28+$0xFFFFF790];
	v9 =	vshll.u32 v9, v1  }
0x13e: {  	s31 =	simm.s32 $0x80;
	v11 =	vmov s29;
	v12 =	vld [tilespmem:s28+$0xFFFFFF90];
	v9 =	vbroadcast v9, $0x0  }
0x13f: {  	s1 =	simm.s32 $0x90;
	v13 =	vmov s31;
	v14 =	vld [tilespmem:s28+$0xFFFFFE10];
	v11 =	vshrl.u32 v11, $0x3  }
0x140: {  	v16 =	vmov s1;
	v15 =	vld [tilespmem:s28+$0xFFFFF690];
	v11 =	vshll.u32 v11, v1;
	v9 =	vor.u32 v0, v9  }
0x141: {  	v13 =	vshrl.u32 v13, $0x3;
	v16 =	vshrl.u32 v16, $0x3;
	v17 =	vld [tilespmem:s28+$0xFFFFFE90];
	v11 =	vbroadcast v11, $0x0  }
0x142: {  	v13 =	vshll.u32 v13, v1;
	v16 =	vshll.u32 v16, v1;
	v18 =	vld [tilespmem:s28+$0xFFFFF710]  }
0x143: {  	s10 =	simm.s32 $0x99;
	v16 =	vbroadcast v16, $0x0;
	v19 =	vld [tilespmem:s28+$0xFFFFFF10];
	v11 =	vor.u32 v0, v11;
	v10 =	vadd.f32 v12, v10  }
0x144: {  	v13 =	vbroadcast v13, $0x0;
	v20 =	vmov s10;
	v12 =	vld [tilespmem:s28+$0xFFFFF610]  }
0x145: {  	v16 =	vor.u32 v0, v16;
	[tilespmem:v9+s23+$0x0] =	vst.idx.msk $0xffff, v10;
	v9 =	vshrl.u32 v20, $0x3  }
0x146: {  	s14 =	simm.s32 $0x89;
	v10 =	vor.u32 v0, v13;
	v13 =	vadd.f32 v17, v15;
	v15 =	vld [tilespmem:s28+$0xFFFFF7A0];
	v9 =	vshll.u32 v9, v1  }
0x147: {  	s29 =	simm.s32 $0x81;
	v17 =	vmov s14;
	v20 =	vld [tilespmem:s28+$0xFFFFFFA0];
	v9 =	vbroadcast v9, $0x0  }
0x148: {  	v61 =	vmov s29;
	[tilespmem:v11+s23+$0x0] =	vst.idx.msk $0xffff, v13;
	v11 =	vshrl.u32 v17, $0x3;
	v13 =	vadd.f32 v19, v18  }
0x149: {  	v12 =	vadd.f32 v14, v12;
	v14 =	vld [tilespmem:s28+$0xFFFFF6A0];
	v11 =	vshll.u32 v11, v1;
	v9 =	vor.u32 v2, v9  }
0x14a: {  	s31 =	simm.s32 $0x91;
	v17 =	vshrl.u32 v61, $0x3;
	v18 =	vld [tilespmem:s28+$0xFFFFFEA0];
	v11 =	vbroadcast v11, $0x0;
	[tilespmem:v16+s23+$0x0] =	vst.idx.msk $0xffff, v13  }
0x14b: {  	v13 =	vmov s31;
	[tilespmem:v10+s23+$0x0] =	vst.idx.msk $0xffff, v12;
	v10 =	vshll.u32 v17, v1;
	v12 =	vld [tilespmem:s28+$0xFFFFF720]  }
0x14c: {  	s1 =	simm.s32 $0x9A;
	v13 =	vshrl.u32 v13, $0x3;
	v16 =	vld [tilespmem:s28+$0xFFFFF620];
	v11 =	vor.u32 v2, v11;
	v15 =	vadd.f32 v20, v15  }
0x14d: {  	v19 =	vmov s1;
	v10 =	vbroadcast v10, $0x0;
	v17 =	vld [tilespmem:s28+$0xFFFFFE20];
	v13 =	vshll.u32 v13, v1  }
0x14e: {  	v20 =	vld [tilespmem:s28+$0xFFFFFF20];
	v13 =	vbroadcast v13, $0x0;
	[tilespmem:v9+s23+$0x0] =	vst.idx.msk $0xffff, v15;
	v9 =	vshrl.u32 v19, $0x3  }
0x14f: {  	s10 =	simm.s32 $0x8A;
	v10 =	vor.u32 v2, v10;
	v14 =	vadd.f32 v18, v14;
	v15 =	vld [tilespmem:s28+$0xFFFFF7B0];
	v9 =	vshll.u32 v9, v1  }
0x150: {  	v18 =	vmov s10;
	v19 =	vld [tilespmem:s28+$0xFFFFFFB0];
	v9 =	vbroadcast v9, $0x0  }
0x151: {  	v13 =	vor.u32 v2, v13;
	[tilespmem:v11+s23+$0x0] =	vst.idx.msk $0xffff, v14;
	v11 =	vshrl.u32 v18, $0x3  }
0x152: {  	s14 =	simm.s32 $0x82;
	v14 =	vadd.f32 v17, v16;
	v16 =	vld [tilespmem:s28+$0xFFFFF6B0];
	v11 =	vshll.u32 v11, v1;
	v9 =	vor.u32 v3, v9  }
0x153: {  	v17 =	vmov s14;
	v18 =	vld [tilespmem:s28+$0xFFFFFEB0];
	v11 =	vbroadcast v11, $0x0  }
0x154: {  	v12 =	vadd.f32 v20, v12;
	v17 =	vshrl.u32 v17, $0x3;
	[tilespmem:v10+s23+$0x0] =	vst.idx.msk $0xffff, v14  }
0x155: {  	s29 =	simm.s32 $0x92;
	s31 =	simm.s32 $0x9B;
	v10 =	vshll.u32 v17, v1;
	v14 =	vld [tilespmem:s28+$0xFFFFF630];
	v11 =	vor.u32 v3, v11;
	v15 =	vadd.f32 v19, v15  }
0x156: {  	v17 =	vmov s31;
	[tilespmem:v13+s23+$0x0] =	vst.idx.msk $0xffff, v12;
	v12 =	vld [tilespmem:s28+$0xFFFFFE30];
	v10 =	vbroadcast v10, $0x0;
	v13 =	vmov s29  }
0x157: {  	v19 =	vld [tilespmem:s28+$0xFFFFF730];
	v13 =	vshrl.u32 v13, $0x3;
	[tilespmem:v9+s23+$0x0] =	vst.idx.msk $0xffff, v15;
	v9 =	vshrl.u32 v17, $0x3  }
0x158: {  	s1 =	simm.s32 $0x8B;
	v10 =	vor.u32 v3, v10;
	v15 =	vadd.f32 v18, v16;
	v16 =	vld [tilespmem:s28+$0xFFFFF7C0];
	v9 =	vshll.u32 v9, v1  }
0x159: {  	v13 =	vshll.u32 v13, v1;
	v17 =	vmov s1;
	v18 =	vld [tilespmem:s28+$0xFFFFFFC0];
	v9 =	vbroadcast v9, $0x0  }
0x15a: {  	s10 =	simm.s32 $0x83;
	v13 =	vbroadcast v13, $0x0;
	v17 =	vshrl.u32 v17, $0x3;
	[tilespmem:v11+s23+$0x0] =	vst.idx.msk $0xffff, v15;
	v11 =	vld [tilespmem:s28+$0xFFFFFF30]  }
0x15b: {  	v12 =	vadd.f32 v12, v14;
	v14 =	vmov s10;
	v15 =	vld [tilespmem:s28+$0xFFFFF6C0];
	v9 =	vor.u32 v4, v9  }
0x15c: {  	v17 =	vshll.u32 v17, v1;
	v14 =	vshrl.u32 v14, $0x3;
	v20 =	vld [tilespmem:s28+$0xFFFFFEC0]  }
0x15d: {  	v13 =	vor.u32 v3, v13;
	v17 =	vbroadcast v17, $0x0;
	[tilespmem:v10+s23+$0x0] =	vst.idx.msk $0xffff, v12;
	v10 =	vshll.u32 v14, v1  }
0x15e: {  	s14 =	simm.s32 $0x9C;
	v12 =	vld [tilespmem:s28+$0xFFFFF640];
	v10 =	vbroadcast v10, $0x0;
	v14 =	vadd.f32 v18, v16  }
0x15f: {  	v16 =	vor.u32 v4, v17;
	v17 =	vld [tilespmem:s28+$0xFFFFFE40];
	v18 =	vmov s14  }
0x160: {  	s29 =	simm.s32 $0x93;
	v10 =	vor.u32 v4, v10;
	v11 =	vadd.f32 v11, v19;
	[tilespmem:v9+s23+$0x0] =	vst.idx.msk $0xffff, v14;
	v9 =	vshrl.u32 v18, $0x3  }
0x161: {  	s31 =	simm.s32 $0x8C;
	v14 =	vadd.f32 v20, v15;
	v15 =	vmov s29;
	v18 =	vld [tilespmem:s28+$0xFFFFF7D0];
	v9 =	vshll.u32 v9, v1  }
0x162: {  	[tilespmem:v13+s23+$0x0] =	vst.idx.msk $0xffff, v11;
	v11 =	vmov s31;
	v13 =	vshrl.u32 v15, $0x3;
	v15 =	vld [tilespmem:s28+$0xFFFFFFD0];
	v9 =	vbroadcast v9, $0x0  }
0x163: {  	v11 =	vshrl.u32 v11, $0x3;
	v19 =	vld [tilespmem:s28+$0xFFFFF740];
	v13 =	vshll.u32 v13, v1  }
0x164: {  	s10 =	simm.s32 $0x84;
	[tilespmem:v16+s23+$0x0] =	vst.idx.msk $0xffff, v14;
	v12 =	vadd.f32 v17, v12;
	v14 =	vld [tilespmem:s28+$0xFFFFFF40];
	v13 =	vbroadcast v13, $0x0;
	v9 =	vor.u32 v5, v9  }
0x165: {  	v16 =	vmov s10;
	v11 =	vshll.u32 v11, v1;
	v17 =	vld [tilespmem:s28+$0xFFFFF6D0]  }
0x166: {  	v11 =	vbroadcast v11, $0x0;
	[tilespmem:v10+s23+$0x0] =	vst.idx.msk $0xffff, v12;
	v10 =	vshrl.u32 v16, $0x3;
	v12 =	vld [tilespmem:s28+$0xFFFFFED0];
	v13 =	vor.u32 v4, v13  }
0x167: {  	v16 =	vld [tilespmem:s28+$0xFFFFF650];
	v10 =	vshll.u32 v10, v1;
	v15 =	vadd.f32 v15, v18  }
0x168: {  	s14 =	simm.s32 $0x9D;
	v11 =	vor.u32 v5, v11;
	v18 =	vld [tilespmem:s28+$0xFFFFFE50];
	v10 =	vbroadcast v10, $0x0  }
0x169: {  	v20 =	vmov s14;
	v14 =	vadd.f32 v14, v19;
	[tilespmem:v9+s23+$0x0] =	vst.idx.msk $0xffff, v15  }
0x16a: {  	s31 =	simm.s32 $0x94;
	v10 =	vor.u32 v5, v10;
	v9 =	vshrl.u32 v20, $0x3;
	v19 =	vld [tilespmem:s28+$0xFFFFF7E0]  }
0x16b: {  	s29 =	simm.s32 $0x8D;
	v15 =	vmov s31;
	v12 =	vadd.f32 v12, v17;
	v9 =	vshll.u32 v9, v1;
	[tilespmem:v13+s23+$0x0] =	vst.idx.msk $0xffff, v14;
	v14 =	vld [tilespmem:s28+$0xFFFFFFE0]  }
0x16c: {  	v62 =	vmov s29;
	v13 =	vshrl.u32 v15, $0x3;
	v9 =	vbroadcast v9, $0x0;
	v17 =	vld [tilespmem:s28+$0xFFFFF750]  }
0x16d: {  	s1 =	simm.s32 $0x85;
	v15 =	vshrl.u32 v62, $0x3;
	v13 =	vshll.u32 v13, v1;
	v16 =	vadd.f32 v18, v16;
	[tilespmem:v11+s23+$0x0] =	vst.idx.msk $0xffff, v12;
	v11 =	vld [tilespmem:s28+$0xFFFFFF50]  }
0x16e: {  	v12 =	vbroadcast v13, $0x0;
	v13 =	vmov s1;
	v18 =	vld [tilespmem:s28+$0xFFFFF6E0];
	v9 =	vor.u32 v6, v9  }
0x16f: {  	v15 =	vshll.u32 v15, v1;
	[tilespmem:v10+s23+$0x0] =	vst.idx.msk $0xffff, v16;
	v10 =	vshrl.u32 v13, $0x3;
	v13 =	vld [tilespmem:s28+$0xFFFFFEE0]  }
0x170: {  	v15 =	vbroadcast v15, $0x0;
	v12 =	vor.u32 v5, v12;
	v10 =	vshll.u32 v10, v1  }
0x171: {  	s10 =	simm.s32 $0x9E;
	v16 =	vld [tilespmem:s28+$0xFFFFF660];
	v14 =	vadd.f32 v14, v19;
	v10 =	vbroadcast v10, $0x0  }
0x172: {  	v20 =	vmov s10;
	v15 =	vor.u32 v6, v15;
	v19 =	vld [tilespmem:s28+$0xFFFFFE60]  }
0x173: {  	s14 =	simm.s32 $0x95;
	v11 =	vadd.f32 v11, v17;
	v17 =	vor.u32 v6, v10;
	[tilespmem:v9+s23+$0x0] =	vst.idx.msk $0xffff, v14;
	v9 =	vshrl.u32 v20, $0x3  }
0x174: {  	s29 =	simm.s32 $0x8E;
	v10 =	vmov s14;
	v13 =	vadd.f32 v13, v18;
	v20 =	vld [tilespmem:s28+$0xFFFFF7F0];
	v9 =	vshll.u32 v9, v1  }
0x175: {  	[tilespmem:v12+s23+$0x0] =	vst.idx.msk $0xffff, v11;
	v63 =	vld [tilespmem:s28+$0xFFFFFFF0];
	v11 =	vmov s29;
	v12 =	vshrl.u32 v10, $0x3;
	v18 =	vbroadcast v9, $0x0  }
0x176: {  	v10 =	vld [tilespmem:s28+$0xFFFFF760];
	v11 =	vshrl.u32 v11, $0x3;
	v9 =	vshll.u32 v12, v1  }
0x177: {  	s31 =	simm.s32 $0x86;
	v12 =	vadd.f32 v19, v16;
	[tilespmem:v15+s23+$0x0] =	vst.idx.msk $0xffff, v13;
	v14 =	vld [tilespmem:s28+$0xFFFFFF60];
	v15 =	vbroadcast v9, $0x0;
	v13 =	vor.u32 v7, v18  }
0x178: {  	v16 =	vmov s31;
	v9 =	vld [tilespmem:s28+$0xFFFFF6F0];
	v11 =	vshll.u32 v11, v1  }
0x179: {  	v16 =	vshrl.u32 v16, $0x3;
	[tilespmem:v17+s23+$0x0] =	vst.idx.msk $0xffff, v12;
	v12 =	vld [tilespmem:s28+$0xFFFFFEF0];
	v17 =	vbroadcast v11, $0x0;
	v15 =	vor.u32 v6, v15  }
0x17a: {  	s30 =	simm.s32 $0x0;
	s0 =	simm.s32 $0xFFFFFFE0;
	s1 =	simm.s32 $0x21F0;
	v18 =	vshll.u32 v16, v1;
	v11 =	vld [tilespmem:s28+$0xFFFFF670];
	v16 =	vadd.f32 v63, v20  }
.LBB2_5:
0x17b: {  	s10 =	sadd.s32 $0xB8, s30;
	v19 =	vld [tilespmem:s28+$0xFFFFFE70];
	v18 =	vbroadcast v18, $0x0;
	v17 =	vor.u32 v7, v17;
	s1 =	sadd.s32 $0x200, s1;
	s31 =	smov.u32 s30  }
0x17c: {  	v20 =	vld [tilespmem:s1+$0xFFFFF790];
	v21 =	vmov s10;
	v10 =	vadd.f32 v14, v10;
	s10 =	sadd.s32 $0xB6, s0;
	[tilespmem:v13+s23+$0x0] =	vst.idx.msk $0xffff, v16  }
0x17d: {  	s14 =	sadd.s32 $0xA1, s30;
	v13 =	vshrl.u32 v21, $0x3;
	v14 =	vor.u32 v7, v18;
	v16 =	vmov s10;
	v18 =	vld [tilespmem:s28+$0xFFFFF800]  }
0x17e: {  	s10 =	sadd.s32 $0xA0, s30;
	v21 =	vmov s14;
	s14 =	sadd.s32 $0xA8, s30;
	v13 =	vshll.u32 v13, v1;
	v9 =	vadd.f32 v12, v9;
	[tilespmem:v15+s23+$0x0] =	vst.idx.msk $0xffff, v10;
	v10 =	vld [tilespmem:s28+$0x0]  }
0x17f: {  	v12 =	vmov s10;
	v15 =	vmov s14;
	s10 =	sadd.s32 $0xBF, s0;
	v22 =	vld [tilespmem:s1+$0xFFFFFF90];
	v13 =	vbroadcast v13, $0x0  }
0x180: {  	s14 =	sadd.s32 $0xB0, s30;
	v15 =	vshrl.u32 v15, $0x3;
	v23 =	vld [tilespmem:s1+$0xFFFFFE10];
	v11 =	vadd.f32 v19, v11;
	[tilespmem:v17+s23+$0x0] =	vst.idx.msk $0xffff, v9;
	v9 =	vor.u32 s10, v8  }
0x181: {  	v15 =	vshll.u32 v15, v1;
	v19 =	vmov s14;
	v17 =	vld [tilespmem:s1+$0xFFFFF690];
	v13 =	vor.u32 v0, v13  }
0x182: {  	s30 =	sadd.s32 $0x20, s30;
	v12 =	vshrl.u32 v12, $0x3;
	v15 =	vbroadcast v15, $0x0;
	v19 =	vshrl.u32 v19, $0x3;
	v24 =	vld [tilespmem:s1+$0xFFFFFE90];
	[tilespmem:v14+s23+$0x0] =	vst.idx.msk $0xffff, v11  }
0x183: {  	p0 =	slt.u32 s30, $0x60;
	v11 =	vshll.u32 v12, v1;
	v14 =	vshll.u32 v19, v1;
	v12 =	vld [tilespmem:s1+$0xFFFFF710];
	v10 =	vadd.f32 v10, v18  }
0x184: {  	s10 =	sadd.s32 $0xA9, s31;
	s14 =	sadd.s32 $0xB9, s31;
	v15 =	vor.u32 v0, v15;
	v14 =	vbroadcast v14, $0x0;
	v18 =	vld [tilespmem:s1+$0xFFFFFF10];
	v19 =	vadd.f32 v22, v20  }
0x185: {  	s29 =	simm.s32 $0x31F0;
	v25 =	vmov s14;
	v11 =	vbroadcast v11, $0x0;
	v22 =	vmov s10;
	v20 =	vld [tilespmem:s1+$0xFFFFF610];
	[tilespmem:v9+s23+$0x0] =	vst.idx.msk $0xffff, v10  }
0x186: {  	v9 =	vor.u32 v0, v14;
	v10 =	vshrl.u32 v25, $0x3;
	v14 =	vshrl.u32 v16, $0x3;
	[tilespmem:v13+s23+$0x0] =	vst.idx.msk $0xffff, v19;
	v13 =	vld [tilespmem:s28+$0xFFFFF770]  }
0x187: {  	s10 =	sadd.s32 $0xB1, s31;
	v11 =	vor.u32 v0, v11;
	v10 =	vshll.u32 v10, v1;
	v16 =	vadd.f32 v24, v17;
	v17 =	vld [tilespmem:s1+$0xFFFFF7A0]  }
0x188: {  	v19 =	vmov s10;
	v14 =	vshll.u32 v14, v1;
	v10 =	vbroadcast v10, $0x0;
	v24 =	vld [tilespmem:s1+$0xFFFFFFA0]  }
0x189: {  	v14 =	vbroadcast v14, $0x0;
	[tilespmem:v15+s23+$0x0] =	vst.idx.msk $0xffff, v16;
	v15 =	vshrl.u32 v22, $0x3;
	v12 =	vadd.f32 v18, v12;
	v16 =	vld [tilespmem:s28+$0xFFFFFF70]  }
0x18a: {  	v10 =	vor.u32 v2, v10;
	v18 =	vadd.f32 v23, v20;
	v20 =	vld [tilespmem:s1+$0xFFFFF6A0];
	v15 =	vshll.u32 v15, v1  }
0x18b: {  	v21 =	vshrl.u32 v21, $0x3;
	v22 =	vld [tilespmem:s1+$0xFFFFFEA0];
	v15 =	vbroadcast v15, $0x0;
	[tilespmem:v9+s23+$0x0] =	vst.idx.msk $0xffff, v12;
	v9 =	vor.u32 v7, v14  }
0x18c: {  	v14 =	vshrl.u32 v19, $0x3;
	[tilespmem:v11+s23+$0x0] =	vst.idx.msk $0xffff, v18;
	v11 =	vshll.u32 v21, v1;
	v12 =	vld [tilespmem:s1+$0xFFFFF720]  }
0x18d: {  	s10 =	sadd.s32 $0xBA, s31;
	v18 =	vld [tilespmem:s1+$0xFFFFF620];
	v11 =	vbroadcast v11, $0x0;
	v15 =	vor.u32 v2, v15;
	v17 =	vadd.f32 v24, v17  }
0x18e: {  	v14 =	vshll.u32 v14, v1;
	v21 =	vmov s10;
	v19 =	vld [tilespmem:s1+$0xFFFFFE20];
	v13 =	vadd.f32 v16, v13  }
0x18f: {  	v14 =	vbroadcast v14, $0x0;
	v11 =	vor.u32 v2, v11;
	v16 =	vld [tilespmem:s1+$0xFFFFFF20];
	[tilespmem:v10+s23+$0x0] =	vst.idx.msk $0xffff, v17;
	v10 =	vshrl.u32 v21, $0x3  }
0x190: {  	s10 =	sadd.s32 $0xAA, s31;
	v17 =	vadd.f32 v22, v20;
	v20 =	vld [tilespmem:s1+$0xFFFFF7B0];
	v10 =	vshll.u32 v10, v1;
	[tilespmem:v9+s23+$0x0] =	vst.idx.msk $0xffff, v13  }
0x191: {  	s14 =	sadd.s32 $0xA2, s31;
	v9 =	vmov s10;
	v13 =	vor.u32 v2, v14;
	v14 =	vld [tilespmem:s1+$0xFFFFFFB0];
	v10 =	vbroadcast v10, $0x0  }
0x192: {  	v21 =	vmov s14;
	v9 =	vshrl.u32 v9, $0x3;
	[tilespmem:v15+s23+$0x0] =	vst.idx.msk $0xffff, v17;
	v15 =	vld [tilespmem:s28+$0xFFFFF680]  }
0x193: {  	v9 =	vshll.u32 v9, v1;
	v17 =	vadd.f32 v19, v18;
	v18 =	vld [tilespmem:s1+$0xFFFFF6B0];
	v10 =	vor.u32 v3, v10  }
0x194: {  	s10 =	sadd.s32 $0xA7, s0;
	v19 =	vshrl.u32 v21, $0x3;
	v9 =	vbroadcast v9, $0x0;
	v21 =	vld [tilespmem:s1+$0xFFFFFEB0];
	v12 =	vadd.f32 v16, v12  }
0x195: {  	s14 =	sadd.s32 $0xAB, s31;
	[tilespmem:v11+s23+$0x0] =	vst.idx.msk $0xffff, v17;
	v11 =	vshll.u32 v19, v1;
	v16 =	vld [tilespmem:s28+$0xFFFFFE80];
	v17 =	vor.u32 s10, v8  }
0x196: {  	v22 =	vmov s14;
	s14 =	sadd.s32 $0xBB, s31;
	v9 =	vor.u32 v3, v9;
	s10 =	sadd.s32 $0xB2, s31;
	v19 =	vld [tilespmem:s1+$0xFFFFF630];
	[tilespmem:v13+s23+$0x0] =	vst.idx.msk $0xffff, v12;
	v12 =	vadd.f32 v14, v20  }
0x197: {  	v11 =	vbroadcast v11, $0x0;
	v14 =	vmov s10;
	v20 =	vmov s14;
	v13 =	vld [tilespmem:s1+$0xFFFFFE30]  }
0x198: {  	v22 =	vshrl.u32 v22, $0x3;
	v14 =	vshrl.u32 v14, $0x3;
	v23 =	vld [tilespmem:s1+$0xFFFFF730];
	[tilespmem:v10+s23+$0x0] =	vst.idx.msk $0xffff, v12;
	v10 =	vshrl.u32 v20, $0x3  }
0x199: {  	v11 =	vor.u32 v3, v11;
	v12 =	vadd.f32 v21, v18;
	v18 =	vld [tilespmem:s1+$0xFFFFF7C0];
	v10 =	vshll.u32 v10, v1  }
0x19a: {  	v14 =	vshll.u32 v14, v1;
	v20 =	vld [tilespmem:s1+$0xFFFFFFC0];
	v10 =	vbroadcast v10, $0x0;
	v15 =	vadd.f32 v16, v15  }
0x19b: {  	s10 =	sadd.s32 $0xA3, s31;
	v14 =	vbroadcast v14, $0x0;
	[tilespmem:v9+s23+$0x0] =	vst.idx.msk $0xffff, v12;
	v9 =	vshll.u32 v22, v1;
	v12 =	vld [tilespmem:s1+$0xFFFFFF30]  }
0x19c: {  	v16 =	vmov s10;
	v13 =	vadd.f32 v13, v19;
	v19 =	vld [tilespmem:s1+$0xFFFFF6C0];
	v10 =	vor.u32 v4, v10;
	[tilespmem:v17+s23+$0x0] =	vst.idx.msk $0xffff, v15  }
0x19d: {  	v14 =	vor.u32 v3, v14;
	v15 =	vshrl.u32 v16, $0x3;
	v9 =	vbroadcast v9, $0x0;
	v16 =	vld [tilespmem:s1+$0xFFFFFEC0]  }
0x19e: {  	[tilespmem:v11+s23+$0x0] =	vst.idx.msk $0xffff, v13;
	v11 =	vshll.u32 v15, v1;
	v13 =	vld [tilespmem:s28+$0xFFFFF700]  }
0x19f: {  	s10 =	sadd.s32 $0xBC, s31;
	v9 =	vor.u32 v4, v9;
	v15 =	vld [tilespmem:s1+$0xFFFFF640];
	v11 =	vbroadcast v11, $0x0;
	v17 =	vadd.f32 v20, v18  }
0x1a0: {  	v20 =	vmov s10;
	s10 =	sadd.s32 $0xAF, s0;
	v18 =	vld [tilespmem:s1+$0xFFFFFE40];
	v12 =	vadd.f32 v12, v23  }
0x1a1: {  	s14 =	sadd.s32 $0xB3, s31;
	v11 =	vor.u32 v4, v11;
	[tilespmem:v10+s23+$0x0] =	vst.idx.msk $0xffff, v17;
	v10 =	vshrl.u32 v20, $0x3;
	v17 =	vld [tilespmem:s28+$0xFFFFFF00];
	v20 =	vor.u32 s10, v8  }
0x1a2: {  	s10 =	sadd.s32 $0xAC, s31;
	v16 =	vadd.f32 v16, v19;
	[tilespmem:v14+s23+$0x0] =	vst.idx.msk $0xffff, v12;
	v12 =	vmov s14;
	v14 =	vld [tilespmem:s1+$0xFFFFF7D0];
	v10 =	vshll.u32 v10, v1  }
0x1a3: {  	v19 =	vmov s10;
	v12 =	vshrl.u32 v12, $0x3;
	v21 =	vld [tilespmem:s1+$0xFFFFFFD0];
	v10 =	vbroadcast v10, $0x0  }
0x1a4: {  	[tilespmem:v9+s23+$0x0] =	vst.idx.msk $0xffff, v16;
	v9 =	vshrl.u32 v19, $0x3;
	v16 =	vld [tilespmem:s1+$0xFFFFF740];
	v12 =	vshll.u32 v12, v1  }
0x1a5: {  	s10 =	sadd.s32 $0xA4, s31;
	v15 =	vadd.f32 v18, v15;
	v18 =	vld [tilespmem:s1+$0xFFFFFF40];
	v12 =	vbroadcast v12, $0x0;
	v10 =	vor.u32 v5, v10  }
0x1a6: {  	v19 =	vmov s10;
	v9 =	vshll.u32 v9, v1;
	v22 =	vld [tilespmem:s1+$0xFFFFF6D0];
	v13 =	vadd.f32 v17, v13  }
0x1a7: {  	v9 =	vbroadcast v9, $0x0;
	[tilespmem:v11+s23+$0x0] =	vst.idx.msk $0xffff, v15;
	v11 =	vshrl.u32 v19, $0x3;
	v15 =	vld [tilespmem:s1+$0xFFFFFED0];
	v12 =	vor.u32 v4, v12  }
0x1a8: {  	s10 =	sadd.s32 $0xBD, s31;
	v17 =	vld [tilespmem:s1+$0xFFFFF650];
	v11 =	vshll.u32 v11, v1;
	v14 =	vadd.f32 v21, v14;
	[tilespmem:v20+s23+$0x0] =	vst.idx.msk $0xffff, v13  }
0x1a9: {  	s14 =	sadd.s32 $0xAD, s31;
	v19 =	vmov s10;
	v9 =	vor.u32 v5, v9;
	v13 =	vld [tilespmem:s1+$0xFFFFFE50];
	v11 =	vbroadcast v11, $0x0  }
0x1aa: {  	s10 =	sadd.s32 $0xB4, s31;
	v20 =	vmov s14;
	v16 =	vadd.f32 v18, v16;
	[tilespmem:v10+s23+$0x0] =	vst.idx.msk $0xffff, v14;
	v10 =	vshrl.u32 v19, $0x3;
	v18 =	vld [tilespmem:s28+$0xFFFFF780]  }
0x1ab: {  	v14 =	vmov s10;
	v11 =	vor.u32 v5, v11;
	v19 =	vld [tilespmem:s1+$0xFFFFF7E0];
	v10 =	vshll.u32 v10, v1  }
0x1ac: {  	v15 =	vadd.f32 v15, v22;
	[tilespmem:v12+s23+$0x0] =	vst.idx.msk $0xffff, v16;
	v12 =	vshrl.u32 v14, $0x3;
	v14 =	vld [tilespmem:s1+$0xFFFFFFE0];
	v10 =	vbroadcast v10, $0x0  }
0x1ad: {  	v16 =	vshrl.u32 v20, $0x3;
	v20 =	vld [tilespmem:s1+$0xFFFFF750];
	v12 =	vshll.u32 v12, v1  }
0x1ae: {  	s10 =	sadd.s32 $0xA5, s31;
	v13 =	vadd.f32 v13, v17;
	[tilespmem:v9+s23+$0x0] =	vst.idx.msk $0xffff, v15;
	v9 =	vld [tilespmem:s1+$0xFFFFFF50];
	v12 =	vbroadcast v12, $0x0;
	v10 =	vor.u32 v6, v10  }
0x1af: {  	v16 =	vshll.u32 v16, v1;
	v15 =	vmov s10;
	v17 =	vld [tilespmem:s1+$0xFFFFF6E0]  }
0x1b0: {  	s10 =	sadd.s32 $0xB7, s0;
	s0 =	smov.u32 s31;
	[tilespmem:v11+s23+$0x0] =	vst.idx.msk $0xffff, v13;
	v11 =	vshrl.u32 v15, $0x3;
	v13 =	vld [tilespmem:s1+$0xFFFFFEE0];
	v15 =	vbroadcast v16, $0x0;
	v12 =	vor.u32 v5, v12  }
0x1b1: {  	s14 =	sadd.s32 $0xBE, s0;
	v16 =	vld [tilespmem:s1+$0xFFFFF660];
	v11 =	vshll.u32 v11, v1;
	v14 =	vadd.f32 v14, v19;
	v19 =	vor.u32 s10, v8  }
0x1b2: {  	v22 =	vmov s14;
	s10 =	sadd.s32 $0xAE, s0;
	v21 =	vld [tilespmem:s1+$0xFFFFFE60];
	v11 =	vbroadcast v11, $0x0;
	v15 =	vor.u32 v6, v15  }
0x1b3: {  	v23 =	vmov s10;
	s10 =	sadd.s32 $0xB5, s0;
	v9 =	vadd.f32 v9, v20;
	[tilespmem:v10+s23+$0x0] =	vst.idx.msk $0xffff, v14;
	v10 =	vshrl.u32 v22, $0x3;
	v20 =	vld [tilespmem:s28+$0xFFFFFF80];
	s28 =	smov.u32 s1  }
0x1b4: {  	v14 =	vmov s10;
	v11 =	vor.u32 v6, v11;
	v22 =	vld [tilespmem:s1+$0xFFFFF7F0];
	v10 =	vshll.u32 v10, v1  }
0x1b5: {  	v13 =	vadd.f32 v13, v17;
	[tilespmem:v12+s23+$0x0] =	vst.idx.msk $0xffff, v9;
	v9 =	vshrl.u32 v14, $0x3;
	v24 =	vld [tilespmem:s1+$0xFFFFFFF0];
	v12 =	vbroadcast v10, $0x0  }
.Ltmp1:
0x1b6: {  	v17 =	vshrl.u32 v23, $0x3;
	v10 =	vld [tilespmem:s1+$0xFFFFF760];
	v9 =	vshll.u32 v9, v1;
	(pc) =	sbr.rel @p0 .LBB2_5-.Ltmp1, $4  }
0x1b7: {  	s10 =	sadd.s32 $0xA6, s0;
	v16 =	vadd.f32 v21, v16;
	[tilespmem:v15+s23+$0x0] =	vst.idx.msk $0xffff, v13;
	v14 =	vld [tilespmem:s1+$0xFFFFFF60];
	v15 =	vbroadcast v9, $0x0;
	v13 =	vor.u32 v7, v12  }
0x1b8: {  	v17 =	vshll.u32 v17, v1;
	v12 =	vmov s10;
	v9 =	vld [tilespmem:s1+$0xFFFFF6F0];
	v20 =	vadd.f32 v20, v18  }
0x1b9: {  	v17 =	vbroadcast v17, $0x0;
	[tilespmem:v11+s23+$0x0] =	vst.idx.msk $0xffff, v16;
	v16 =	vshrl.u32 v12, $0x3;
	v12 =	vld [tilespmem:s1+$0xFFFFFEF0];
	v15 =	vor.u32 v6, v15  }
0x1ba: {  	v11 =	vld [tilespmem:s1+$0xFFFFF670];
	v18 =	vshll.u32 v16, v1;
	v16 =	vadd.f32 v24, v22;
	[tilespmem:v19+s23+$0x0] =	vst.idx.msk $0xffff, v20  }
0x1bb: {  	_ =	sdelay $0x1  }
0x1bc: {  	v19 =	vld [tilespmem:s28+$0xFFFFFE70];
	v18 =	vbroadcast v18, $0x0;
	s1 =	sadd.s32 $0xB6, s0;
	v10 =	vadd.f32 v14, v10  }
0x1bd: {  	v14 =	vmov s1  }
0x1be: {  	v18 =	vor.u32 v7, v18;
	[tilespmem:v15+s23+$0x0] =	vst.idx.msk $0xffff, v10;
	v10 =	vshrl.u32 v14, $0x3  }
0x1bf: {  	v14 =	vld [tilespmem:s28+$0xFFFFF770];
	v10 =	vshll.u32 v10, v1  }
0x1c0: {  	v15 =	vor.u32 v7, v17;
	v17 =	vld [tilespmem:s28+$0xFFFFFF70];
	v10 =	vbroadcast v10, $0x0  }
0x1c1: {  	[tilespmem:v13+s23+$0x0] =	vst.idx.msk $0xffff, v16;
	v11 =	vadd.f32 v19, v11  }
0x1c2: {  	v13 =	vld [tilespmem:s28+$0xFFFFF800];
	v10 =	vor.u32 v7, v10  }
0x1c3: {  	v9 =	vadd.f32 v12, v9;
	v12 =	vld [tilespmem:s28+$0x0];
	[tilespmem:v18+s23+$0x0] =	vst.idx.msk $0xffff, v11  }
0x1c4: {  	v11 =	vld [tilespmem:s28+$0xFFFFF680]  }
0x1c5: {  	[tilespmem:v15+s23+$0x0] =	vst.idx.msk $0xffff, v9;
	v9 =	vadd.f32 v17, v14;
	v14 =	vld [tilespmem:s28+$0xFFFFFE80]  }
0x1c6: {  	v15 =	vld [tilespmem:s28+$0xFFFFF700]  }
0x1c7: {  	s31 =	sadd.s32 $0xA7, s0;
	[tilespmem:v10+s23+$0x0] =	vst.idx.msk $0xffff, v9;
	v9 =	vld [tilespmem:s28+$0xFFFFFF00]  }
0x1c8: {  	s30 =	sadd.s32 $0xBF, s0;
	v17 =	vor.u32 s31, v8;
	v16 =	vld [tilespmem:s28+$0xFFFFF780]  }
0x1c9: {  	s10 =	sadd.s32 $0xAF, s0;
	v10 =	vor.u32 s30, v8;
	v18 =	vld [tilespmem:s28+$0xFFFFFF80]  }
0x1ca: {  	s14 =	sadd.s32 $0xB7, s0;
	v19 =	vor.u32 s10, v8  }
0x1cb: {  	v12 =	vadd.f32 v12, v13;
	v13 =	vor.u32 s14, v8;
	v11 =	vadd.f32 v14, v11;
	_ =	sdelay $0x1  }
0x1cc: {  	[tilespmem:v17+s23+$0x0] =	vst.idx.msk $0xffff, v11;
	v9 =	vadd.f32 v9, v15  }
0x1cd: {  	s28 =	simm.s32 $0x118;
	[tilespmem:v10+s23+$0x0] =	vst.idx.msk $0xffff, v12;
	v10 =	vadd.f32 v18, v16  }
0x1ce: {  	[tilespmem:v19+s23+$0x0] =	vst.idx.msk $0xffff, v9;
	v9 =	vmov s28  }
0x1cf: {  	s30 =	simm.s32 $0x108;
	[tilespmem:v13+s23+$0x0] =	vst.idx.msk $0xffff, v10;
	v9 =	vshrl.u32 v9, $0x3  }
0x1d0: {  	v11 =	vmov s30;
	v10 =	vld [tilespmem:s29+$0xFFFFF790];
	v9 =	vshll.u32 v9, v1  }
0x1d1: {  	v11 =	vshrl.u32 v11, $0x3;
	v12 =	vld [tilespmem:s29+$0xFFFFFF90];
	v9 =	vbroadcast v9, $0x0  }
0x1d2: {  	s1 =	simm.s32 $0x110;
	v11 =	vshll.u32 v11, v1;
	v14 =	vld [tilespmem:s29+$0xFFFFFE10]  }
0x1d3: {  	s31 =	simm.s32 $0x100;
	v16 =	vmov s1;
	v11 =	vbroadcast v11, $0x0;
	v15 =	vld [tilespmem:s29+$0xFFFFF690];
	v9 =	vor.u32 v0, v9  }
0x1d4: {  	v16 =	vshrl.u32 v16, $0x3;
	v13 =	vmov s31;
	v17 =	vld [tilespmem:s29+$0xFFFFFE90]  }
0x1d5: {  	v16 =	vshll.u32 v16, v1;
	v13 =	vshrl.u32 v13, $0x3;
	v18 =	vld [tilespmem:s29+$0xFFFFF710];
	v11 =	vor.u32 v0, v11  }
0x1d6: {  	s10 =	simm.s32 $0x119;
	v19 =	vld [tilespmem:s29+$0xFFFFFF10];
	v16 =	vbroadcast v16, $0x0;
	v13 =	vshll.u32 v13, v1;
	v10 =	vadd.f32 v12, v10  }
0x1d7: {  	v20 =	vmov s10;
	v13 =	vbroadcast v13, $0x0;
	v12 =	vld [tilespmem:s29+$0xFFFFF610]  }
0x1d8: {  	v16 =	vor.u32 v0, v16;
	[tilespmem:v9+s23+$0x0] =	vst.idx.msk $0xffff, v10;
	v9 =	vshrl.u32 v20, $0x3  }
0x1d9: {  	s14 =	simm.s32 $0x109;
	v10 =	vor.u32 v0, v13;
	v13 =	vadd.f32 v17, v15;
	v15 =	vld [tilespmem:s29+$0xFFFFF7A0];
	v9 =	vshll.u32 v9, v1  }
0x1da: {  	s28 =	simm.s32 $0x101;
	v17 =	vmov s14;
	v20 =	vld [tilespmem:s29+$0xFFFFFFA0];
	v9 =	vbroadcast v9, $0x0  }
0x1db: {  	v21 =	vmov s28;
	[tilespmem:v11+s23+$0x0] =	vst.idx.msk $0xffff, v13;
	v11 =	vshrl.u32 v17, $0x3;
	v13 =	vadd.f32 v19, v18  }
0x1dc: {  	v12 =	vadd.f32 v14, v12;
	v14 =	vld [tilespmem:s29+$0xFFFFF6A0];
	v11 =	vshll.u32 v11, v1;
	v9 =	vor.u32 v2, v9  }
0x1dd: {  	s30 =	simm.s32 $0x111;
	v17 =	vshrl.u32 v21, $0x3;
	v18 =	vld [tilespmem:s29+$0xFFFFFEA0];
	v11 =	vbroadcast v11, $0x0;
	[tilespmem:v16+s23+$0x0] =	vst.idx.msk $0xffff, v13  }
0x1de: {  	v13 =	vmov s30;
	[tilespmem:v10+s23+$0x0] =	vst.idx.msk $0xffff, v12;
	v10 =	vshll.u32 v17, v1;
	v12 =	vld [tilespmem:s29+$0xFFFFF720]  }
0x1df: {  	s31 =	simm.s32 $0x11A;
	v13 =	vshrl.u32 v13, $0x3;
	v16 =	vld [tilespmem:s29+$0xFFFFF620];
	v11 =	vor.u32 v2, v11;
	v15 =	vadd.f32 v20, v15  }
0x1e0: {  	v19 =	vmov s31;
	v10 =	vbroadcast v10, $0x0;
	v17 =	vld [tilespmem:s29+$0xFFFFFE20];
	v13 =	vshll.u32 v13, v1  }
0x1e1: {  	v20 =	vld [tilespmem:s29+$0xFFFFFF20];
	v13 =	vbroadcast v13, $0x0;
	[tilespmem:v9+s23+$0x0] =	vst.idx.msk $0xffff, v15;
	v9 =	vshrl.u32 v19, $0x3  }
0x1e2: {  	s1 =	simm.s32 $0x10A;
	v10 =	vor.u32 v2, v10;
	v14 =	vadd.f32 v18, v14;
	v15 =	vld [tilespmem:s29+$0xFFFFF7B0];
	v9 =	vshll.u32 v9, v1  }
0x1e3: {  	v18 =	vmov s1;
	v19 =	vld [tilespmem:s29+$0xFFFFFFB0];
	v9 =	vbroadcast v9, $0x0  }
0x1e4: {  	v13 =	vor.u32 v2, v13;
	[tilespmem:v11+s23+$0x0] =	vst.idx.msk $0xffff, v14;
	v11 =	vshrl.u32 v18, $0x3  }
0x1e5: {  	s10 =	simm.s32 $0x102;
	v14 =	vadd.f32 v17, v16;
	v16 =	vld [tilespmem:s29+$0xFFFFF6B0];
	v11 =	vshll.u32 v11, v1;
	v9 =	vor.u32 v3, v9  }
0x1e6: {  	v17 =	vmov s10;
	v18 =	vld [tilespmem:s29+$0xFFFFFEB0];
	v11 =	vbroadcast v11, $0x0  }
0x1e7: {  	v12 =	vadd.f32 v20, v12;
	v17 =	vshrl.u32 v17, $0x3;
	[tilespmem:v10+s23+$0x0] =	vst.idx.msk $0xffff, v14  }
0x1e8: {  	s28 =	simm.s32 $0x11B;
	s14 =	simm.s32 $0x112;
	v10 =	vshll.u32 v17, v1;
	v14 =	vld [tilespmem:s29+$0xFFFFF630];
	v11 =	vor.u32 v3, v11;
	v15 =	vadd.f32 v19, v15  }
0x1e9: {  	v17 =	vmov s28;
	[tilespmem:v13+s23+$0x0] =	vst.idx.msk $0xffff, v12;
	v12 =	vld [tilespmem:s29+$0xFFFFFE30];
	v10 =	vbroadcast v10, $0x0;
	v13 =	vmov s14  }
0x1ea: {  	v19 =	vld [tilespmem:s29+$0xFFFFF730];
	v13 =	vshrl.u32 v13, $0x3;
	[tilespmem:v9+s23+$0x0] =	vst.idx.msk $0xffff, v15;
	v9 =	vshrl.u32 v17, $0x3  }
0x1eb: {  	s30 =	simm.s32 $0x10B;
	v10 =	vor.u32 v3, v10;
	v15 =	vadd.f32 v18, v16;
	v16 =	vld [tilespmem:s29+$0xFFFFF7C0];
	v9 =	vshll.u32 v9, v1  }
0x1ec: {  	v13 =	vshll.u32 v13, v1;
	v17 =	vmov s30;
	v18 =	vld [tilespmem:s29+$0xFFFFFFC0];
	v9 =	vbroadcast v9, $0x0  }
0x1ed: {  	s31 =	simm.s32 $0x103;
	v13 =	vbroadcast v13, $0x0;
	v17 =	vshrl.u32 v17, $0x3;
	[tilespmem:v11+s23+$0x0] =	vst.idx.msk $0xffff, v15;
	v11 =	vld [tilespmem:s29+$0xFFFFFF30]  }
0x1ee: {  	v12 =	vadd.f32 v12, v14;
	v14 =	vmov s31;
	v15 =	vld [tilespmem:s29+$0xFFFFF6C0];
	v9 =	vor.u32 v4, v9  }
0x1ef: {  	v17 =	vshll.u32 v17, v1;
	v14 =	vshrl.u32 v14, $0x3;
	v20 =	vld [tilespmem:s29+$0xFFFFFEC0]  }
0x1f0: {  	v13 =	vor.u32 v3, v13;
	v17 =	vbroadcast v17, $0x0;
	[tilespmem:v10+s23+$0x0] =	vst.idx.msk $0xffff, v12;
	v10 =	vshll.u32 v14, v1  }
0x1f1: {  	s1 =	simm.s32 $0x11C;
	v12 =	vld [tilespmem:s29+$0xFFFFF640];
	v10 =	vbroadcast v10, $0x0;
	v14 =	vadd.f32 v18, v16  }
0x1f2: {  	v16 =	vor.u32 v4, v17;
	v17 =	vld [tilespmem:s29+$0xFFFFFE40];
	v18 =	vmov s1  }
0x1f3: {  	s10 =	simm.s32 $0x113;
	v10 =	vor.u32 v4, v10;
	v11 =	vadd.f32 v11, v19;
	[tilespmem:v9+s23+$0x0] =	vst.idx.msk $0xffff, v14;
	v9 =	vshrl.u32 v18, $0x3  }
0x1f4: {  	s14 =	simm.s32 $0x10C;
	v14 =	vadd.f32 v20, v15;
	v15 =	vmov s10;
	v18 =	vld [tilespmem:s29+$0xFFFFF7D0];
	v9 =	vshll.u32 v9, v1  }
0x1f5: {  	[tilespmem:v13+s23+$0x0] =	vst.idx.msk $0xffff, v11;
	v11 =	vmov s14;
	v13 =	vshrl.u32 v15, $0x3;
	v15 =	vld [tilespmem:s29+$0xFFFFFFD0];
	v9 =	vbroadcast v9, $0x0  }
0x1f6: {  	v11 =	vshrl.u32 v11, $0x3;
	v19 =	vld [tilespmem:s29+$0xFFFFF740];
	v13 =	vshll.u32 v13, v1  }
0x1f7: {  	s28 =	simm.s32 $0x104;
	[tilespmem:v16+s23+$0x0] =	vst.idx.msk $0xffff, v14;
	v12 =	vadd.f32 v17, v12;
	v14 =	vld [tilespmem:s29+$0xFFFFFF40];
	v13 =	vbroadcast v13, $0x0;
	v9 =	vor.u32 v5, v9  }
0x1f8: {  	v16 =	vmov s28;
	v11 =	vshll.u32 v11, v1;
	v17 =	vld [tilespmem:s29+$0xFFFFF6D0]  }
0x1f9: {  	v11 =	vbroadcast v11, $0x0;
	[tilespmem:v10+s23+$0x0] =	vst.idx.msk $0xffff, v12;
	v10 =	vshrl.u32 v16, $0x3;
	v12 =	vld [tilespmem:s29+$0xFFFFFED0];
	v13 =	vor.u32 v4, v13  }
0x1fa: {  	v16 =	vld [tilespmem:s29+$0xFFFFF650];
	v10 =	vshll.u32 v10, v1;
	v15 =	vadd.f32 v15, v18  }
0x1fb: {  	s30 =	simm.s32 $0x11D;
	v11 =	vor.u32 v5, v11;
	v18 =	vld [tilespmem:s29+$0xFFFFFE50];
	v10 =	vbroadcast v10, $0x0  }
0x1fc: {  	v20 =	vmov s30;
	v14 =	vadd.f32 v14, v19;
	[tilespmem:v9+s23+$0x0] =	vst.idx.msk $0xffff, v15  }
0x1fd: {  	s1 =	simm.s32 $0x114;
	v10 =	vor.u32 v5, v10;
	v9 =	vshrl.u32 v20, $0x3;
	v19 =	vld [tilespmem:s29+$0xFFFFF7E0]  }
0x1fe: {  	s31 =	simm.s32 $0x10D;
	v15 =	vmov s1;
	v12 =	vadd.f32 v12, v17;
	v9 =	vshll.u32 v9, v1;
	[tilespmem:v13+s23+$0x0] =	vst.idx.msk $0xffff, v14;
	v14 =	vld [tilespmem:s29+$0xFFFFFFE0]  }
0x1ff: {  	v62 =	vmov s31;
	v13 =	vshrl.u32 v15, $0x3;
	v9 =	vbroadcast v9, $0x0;
	v17 =	vld [tilespmem:s29+$0xFFFFF750]  }
0x200: {  	s10 =	simm.s32 $0x105;
	v15 =	vshrl.u32 v62, $0x3;
	v13 =	vshll.u32 v13, v1;
	v16 =	vadd.f32 v18, v16;
	[tilespmem:v11+s23+$0x0] =	vst.idx.msk $0xffff, v12;
	v11 =	vld [tilespmem:s29+$0xFFFFFF50]  }
0x201: {  	v12 =	vbroadcast v13, $0x0;
	v13 =	vmov s10;
	v18 =	vld [tilespmem:s29+$0xFFFFF6E0];
	v9 =	vor.u32 v6, v9  }
0x202: {  	v15 =	vshll.u32 v15, v1;
	[tilespmem:v10+s23+$0x0] =	vst.idx.msk $0xffff, v16;
	v10 =	vshrl.u32 v13, $0x3;
	v13 =	vld [tilespmem:s29+$0xFFFFFEE0]  }
0x203: {  	v15 =	vbroadcast v15, $0x0;
	v12 =	vor.u32 v5, v12;
	v10 =	vshll.u32 v10, v1  }
0x204: {  	s14 =	simm.s32 $0x11E;
	v16 =	vld [tilespmem:s29+$0xFFFFF660];
	v14 =	vadd.f32 v14, v19;
	v10 =	vbroadcast v10, $0x0  }
0x205: {  	v20 =	vmov s14;
	v15 =	vor.u32 v6, v15;
	v19 =	vld [tilespmem:s29+$0xFFFFFE60]  }
0x206: {  	s28 =	simm.s32 $0x115;
	v11 =	vadd.f32 v11, v17;
	v17 =	vor.u32 v6, v10;
	[tilespmem:v9+s23+$0x0] =	vst.idx.msk $0xffff, v14;
	v9 =	vshrl.u32 v20, $0x3  }
0x207: {  	s30 =	simm.s32 $0x10E;
	v10 =	vmov s28;
	v13 =	vadd.f32 v13, v18;
	v20 =	vld [tilespmem:s29+$0xFFFFF7F0];
	v9 =	vshll.u32 v9, v1  }
0x208: {  	[tilespmem:v12+s23+$0x0] =	vst.idx.msk $0xffff, v11;
	v63 =	vld [tilespmem:s29+$0xFFFFFFF0];
	v11 =	vmov s30;
	v12 =	vshrl.u32 v10, $0x3;
	v18 =	vbroadcast v9, $0x0  }
0x209: {  	v10 =	vld [tilespmem:s29+$0xFFFFF760];
	v11 =	vshrl.u32 v11, $0x3;
	v9 =	vshll.u32 v12, v1  }
0x20a: {  	s31 =	simm.s32 $0x106;
	v12 =	vadd.f32 v19, v16;
	[tilespmem:v15+s23+$0x0] =	vst.idx.msk $0xffff, v13;
	v14 =	vld [tilespmem:s29+$0xFFFFFF60];
	v15 =	vbroadcast v9, $0x0;
	v13 =	vor.u32 v7, v18  }
0x20b: {  	v16 =	vmov s31;
	v9 =	vld [tilespmem:s29+$0xFFFFF6F0];
	v11 =	vshll.u32 v11, v1  }
0x20c: {  	v16 =	vshrl.u32 v16, $0x3;
	[tilespmem:v17+s23+$0x0] =	vst.idx.msk $0xffff, v12;
	v12 =	vld [tilespmem:s29+$0xFFFFFEF0];
	v17 =	vbroadcast v11, $0x0;
	v15 =	vor.u32 v6, v15  }
0x20d: {  	s0 =	simm.s32 $0x0;
	s1 =	simm.s32 $0x31F0;
	v18 =	vshll.u32 v16, v1;
	v11 =	vld [tilespmem:s29+$0xFFFFF670];
	v16 =	vadd.f32 v63, v20  }
.LBB2_7:
0x20e: {  	s10 =	sadd.s32 $0x138, s0;
	v19 =	vld [tilespmem:s29+$0xFFFFFE70];
	v18 =	vbroadcast v18, $0x0;
	v17 =	vor.u32 v7, v17;
	s1 =	sadd.s32 $0x200, s1;
	s30 =	smov.u32 s0  }
0x20f: {  	v20 =	vld [tilespmem:s1+$0xFFFFF790];
	v21 =	vmov s10;
	v10 =	vadd.f32 v14, v10;
	s10 =	sadd.s32 $0x136, s25;
	[tilespmem:v13+s23+$0x0] =	vst.idx.msk $0xffff, v16  }
0x210: {  	s14 =	sadd.s32 $0x121, s0;
	v13 =	vshrl.u32 v21, $0x3;
	v14 =	vor.u32 v7, v18;
	v16 =	vmov s10;
	v18 =	vld [tilespmem:s29+$0xFFFFF800]  }
0x211: {  	s10 =	sadd.s32 $0x120, s0;
	v21 =	vmov s14;
	s14 =	sadd.s32 $0x128, s0;
	v13 =	vshll.u32 v13, v1;
	v9 =	vadd.f32 v12, v9;
	[tilespmem:v15+s23+$0x0] =	vst.idx.msk $0xffff, v10;
	v10 =	vld [tilespmem:s29+$0x0]  }
0x212: {  	v12 =	vmov s10;
	v15 =	vmov s14;
	s10 =	sadd.s32 $0x13F, s25;
	v22 =	vld [tilespmem:s1+$0xFFFFFF90];
	v13 =	vbroadcast v13, $0x0  }
0x213: {  	s14 =	sadd.s32 $0x130, s0;
	v15 =	vshrl.u32 v15, $0x3;
	v23 =	vld [tilespmem:s1+$0xFFFFFE10];
	v11 =	vadd.f32 v19, v11;
	[tilespmem:v17+s23+$0x0] =	vst.idx.msk $0xffff, v9;
	v9 =	vor.u32 s10, v8  }
0x214: {  	v15 =	vshll.u32 v15, v1;
	v19 =	vmov s14;
	v17 =	vld [tilespmem:s1+$0xFFFFF690];
	v13 =	vor.u32 v0, v13  }
0x215: {  	s0 =	sadd.s32 $0x20, s0;
	v12 =	vshrl.u32 v12, $0x3;
	v15 =	vbroadcast v15, $0x0;
	v19 =	vshrl.u32 v19, $0x3;
	v24 =	vld [tilespmem:s1+$0xFFFFFE90];
	[tilespmem:v14+s23+$0x0] =	vst.idx.msk $0xffff, v11  }
0x216: {  	p0 =	slt.u32 s0, $0x60;
	v11 =	vshll.u32 v12, v1;
	v14 =	vshll.u32 v19, v1;
	v12 =	vld [tilespmem:s1+$0xFFFFF710];
	v10 =	vadd.f32 v10, v18  }
0x217: {  	s10 =	sadd.s32 $0x129, s30;
	s14 =	sadd.s32 $0x139, s30;
	v15 =	vor.u32 v0, v15;
	v14 =	vbroadcast v14, $0x0;
	v18 =	vld [tilespmem:s1+$0xFFFFFF10];
	v19 =	vadd.f32 v22, v20  }
0x218: {  	s28 =	simm.s32 $0x41F0;
	v25 =	vmov s14;
	v11 =	vbroadcast v11, $0x0;
	v22 =	vmov s10;
	v20 =	vld [tilespmem:s1+$0xFFFFF610];
	[tilespmem:v9+s23+$0x0] =	vst.idx.msk $0xffff, v10  }
0x219: {  	v9 =	vor.u32 v0, v14;
	v10 =	vshrl.u32 v25, $0x3;
	v14 =	vshrl.u32 v16, $0x3;
	[tilespmem:v13+s23+$0x0] =	vst.idx.msk $0xffff, v19;
	v13 =	vld [tilespmem:s29+$0xFFFFF770]  }
0x21a: {  	s10 =	sadd.s32 $0x131, s30;
	v11 =	vor.u32 v0, v11;
	v10 =	vshll.u32 v10, v1;
	v16 =	vadd.f32 v24, v17;
	v17 =	vld [tilespmem:s1+$0xFFFFF7A0]  }
0x21b: {  	v19 =	vmov s10;
	v14 =	vshll.u32 v14, v1;
	v10 =	vbroadcast v10, $0x0;
	v24 =	vld [tilespmem:s1+$0xFFFFFFA0]  }
0x21c: {  	v14 =	vbroadcast v14, $0x0;
	[tilespmem:v15+s23+$0x0] =	vst.idx.msk $0xffff, v16;
	v15 =	vshrl.u32 v22, $0x3;
	v12 =	vadd.f32 v18, v12;
	v16 =	vld [tilespmem:s29+$0xFFFFFF70]  }
0x21d: {  	v10 =	vor.u32 v2, v10;
	v18 =	vadd.f32 v23, v20;
	v20 =	vld [tilespmem:s1+$0xFFFFF6A0];
	v15 =	vshll.u32 v15, v1  }
0x21e: {  	v21 =	vshrl.u32 v21, $0x3;
	v22 =	vld [tilespmem:s1+$0xFFFFFEA0];
	v15 =	vbroadcast v15, $0x0;
	[tilespmem:v9+s23+$0x0] =	vst.idx.msk $0xffff, v12;
	v9 =	vor.u32 v7, v14  }
0x21f: {  	v14 =	vshrl.u32 v19, $0x3;
	[tilespmem:v11+s23+$0x0] =	vst.idx.msk $0xffff, v18;
	v11 =	vshll.u32 v21, v1;
	v12 =	vld [tilespmem:s1+$0xFFFFF720]  }
0x220: {  	s10 =	sadd.s32 $0x13A, s30;
	v18 =	vld [tilespmem:s1+$0xFFFFF620];
	v11 =	vbroadcast v11, $0x0;
	v15 =	vor.u32 v2, v15;
	v17 =	vadd.f32 v24, v17  }
0x221: {  	v14 =	vshll.u32 v14, v1;
	v21 =	vmov s10;
	v19 =	vld [tilespmem:s1+$0xFFFFFE20];
	v13 =	vadd.f32 v16, v13  }
0x222: {  	v14 =	vbroadcast v14, $0x0;
	v11 =	vor.u32 v2, v11;
	v16 =	vld [tilespmem:s1+$0xFFFFFF20];
	[tilespmem:v10+s23+$0x0] =	vst.idx.msk $0xffff, v17;
	v10 =	vshrl.u32 v21, $0x3  }
0x223: {  	s10 =	sadd.s32 $0x12A, s30;
	v17 =	vadd.f32 v22, v20;
	v20 =	vld [tilespmem:s1+$0xFFFFF7B0];
	v10 =	vshll.u32 v10, v1;
	[tilespmem:v9+s23+$0x0] =	vst.idx.msk $0xffff, v13  }
0x224: {  	s14 =	sadd.s32 $0x122, s30;
	v9 =	vmov s10;
	v13 =	vor.u32 v2, v14;
	v14 =	vld [tilespmem:s1+$0xFFFFFFB0];
	v10 =	vbroadcast v10, $0x0  }
0x225: {  	v21 =	vmov s14;
	v9 =	vshrl.u32 v9, $0x3;
	[tilespmem:v15+s23+$0x0] =	vst.idx.msk $0xffff, v17;
	v15 =	vld [tilespmem:s29+$0xFFFFF680]  }
0x226: {  	v9 =	vshll.u32 v9, v1;
	v17 =	vadd.f32 v19, v18;
	v18 =	vld [tilespmem:s1+$0xFFFFF6B0];
	v10 =	vor.u32 v3, v10  }
0x227: {  	s10 =	sadd.s32 $0x127, s25;
	v19 =	vshrl.u32 v21, $0x3;
	v9 =	vbroadcast v9, $0x0;
	v21 =	vld [tilespmem:s1+$0xFFFFFEB0];
	v12 =	vadd.f32 v16, v12  }
0x228: {  	s14 =	sadd.s32 $0x12B, s30;
	[tilespmem:v11+s23+$0x0] =	vst.idx.msk $0xffff, v17;
	v11 =	vshll.u32 v19, v1;
	v16 =	vld [tilespmem:s29+$0xFFFFFE80];
	v17 =	vor.u32 s10, v8  }
0x229: {  	v22 =	vmov s14;
	s14 =	sadd.s32 $0x13B, s30;
	v9 =	vor.u32 v3, v9;
	s10 =	sadd.s32 $0x132, s30;
	v19 =	vld [tilespmem:s1+$0xFFFFF630];
	[tilespmem:v13+s23+$0x0] =	vst.idx.msk $0xffff, v12;
	v12 =	vadd.f32 v14, v20  }
0x22a: {  	v11 =	vbroadcast v11, $0x0;
	v14 =	vmov s10;
	v20 =	vmov s14;
	v13 =	vld [tilespmem:s1+$0xFFFFFE30]  }
0x22b: {  	v22 =	vshrl.u32 v22, $0x3;
	v14 =	vshrl.u32 v14, $0x3;
	v23 =	vld [tilespmem:s1+$0xFFFFF730];
	[tilespmem:v10+s23+$0x0] =	vst.idx.msk $0xffff, v12;
	v10 =	vshrl.u32 v20, $0x3  }
0x22c: {  	v11 =	vor.u32 v3, v11;
	v12 =	vadd.f32 v21, v18;
	v18 =	vld [tilespmem:s1+$0xFFFFF7C0];
	v10 =	vshll.u32 v10, v1  }
0x22d: {  	v14 =	vshll.u32 v14, v1;
	v20 =	vld [tilespmem:s1+$0xFFFFFFC0];
	v10 =	vbroadcast v10, $0x0;
	v15 =	vadd.f32 v16, v15  }
0x22e: {  	s10 =	sadd.s32 $0x123, s30;
	v14 =	vbroadcast v14, $0x0;
	[tilespmem:v9+s23+$0x0] =	vst.idx.msk $0xffff, v12;
	v9 =	vshll.u32 v22, v1;
	v12 =	vld [tilespmem:s1+$0xFFFFFF30]  }
0x22f: {  	v16 =	vmov s10;
	v13 =	vadd.f32 v13, v19;
	v19 =	vld [tilespmem:s1+$0xFFFFF6C0];
	v10 =	vor.u32 v4, v10;
	[tilespmem:v17+s23+$0x0] =	vst.idx.msk $0xffff, v15  }
0x230: {  	v14 =	vor.u32 v3, v14;
	v15 =	vshrl.u32 v16, $0x3;
	v9 =	vbroadcast v9, $0x0;
	v16 =	vld [tilespmem:s1+$0xFFFFFEC0]  }
0x231: {  	[tilespmem:v11+s23+$0x0] =	vst.idx.msk $0xffff, v13;
	v11 =	vshll.u32 v15, v1;
	v13 =	vld [tilespmem:s29+$0xFFFFF700]  }
0x232: {  	s10 =	sadd.s32 $0x13C, s30;
	v9 =	vor.u32 v4, v9;
	v15 =	vld [tilespmem:s1+$0xFFFFF640];
	v11 =	vbroadcast v11, $0x0;
	v17 =	vadd.f32 v20, v18  }
0x233: {  	v20 =	vmov s10;
	s10 =	sadd.s32 $0x12F, s25;
	v18 =	vld [tilespmem:s1+$0xFFFFFE40];
	v12 =	vadd.f32 v12, v23  }
0x234: {  	s14 =	sadd.s32 $0x133, s30;
	v11 =	vor.u32 v4, v11;
	[tilespmem:v10+s23+$0x0] =	vst.idx.msk $0xffff, v17;
	v10 =	vshrl.u32 v20, $0x3;
	v17 =	vld [tilespmem:s29+$0xFFFFFF00];
	v20 =	vor.u32 s10, v8  }
0x235: {  	s10 =	sadd.s32 $0x12C, s30;
	v16 =	vadd.f32 v16, v19;
	[tilespmem:v14+s23+$0x0] =	vst.idx.msk $0xffff, v12;
	v12 =	vmov s14;
	v14 =	vld [tilespmem:s1+$0xFFFFF7D0];
	v10 =	vshll.u32 v10, v1  }
0x236: {  	v19 =	vmov s10;
	v12 =	vshrl.u32 v12, $0x3;
	v21 =	vld [tilespmem:s1+$0xFFFFFFD0];
	v10 =	vbroadcast v10, $0x0  }
0x237: {  	[tilespmem:v9+s23+$0x0] =	vst.idx.msk $0xffff, v16;
	v9 =	vshrl.u32 v19, $0x3;
	v16 =	vld [tilespmem:s1+$0xFFFFF740];
	v12 =	vshll.u32 v12, v1  }
0x238: {  	s10 =	sadd.s32 $0x124, s30;
	v15 =	vadd.f32 v18, v15;
	v18 =	vld [tilespmem:s1+$0xFFFFFF40];
	v12 =	vbroadcast v12, $0x0;
	v10 =	vor.u32 v5, v10  }
0x239: {  	v19 =	vmov s10;
	v9 =	vshll.u32 v9, v1;
	v22 =	vld [tilespmem:s1+$0xFFFFF6D0];
	v13 =	vadd.f32 v17, v13  }
0x23a: {  	v9 =	vbroadcast v9, $0x0;
	[tilespmem:v11+s23+$0x0] =	vst.idx.msk $0xffff, v15;
	v11 =	vshrl.u32 v19, $0x3;
	v15 =	vld [tilespmem:s1+$0xFFFFFED0];
	v12 =	vor.u32 v4, v12  }
0x23b: {  	s10 =	sadd.s32 $0x13D, s30;
	v17 =	vld [tilespmem:s1+$0xFFFFF650];
	v11 =	vshll.u32 v11, v1;
	v14 =	vadd.f32 v21, v14;
	[tilespmem:v20+s23+$0x0] =	vst.idx.msk $0xffff, v13  }
0x23c: {  	s14 =	sadd.s32 $0x12D, s30;
	v19 =	vmov s10;
	v9 =	vor.u32 v5, v9;
	v13 =	vld [tilespmem:s1+$0xFFFFFE50];
	v11 =	vbroadcast v11, $0x0  }
0x23d: {  	s10 =	sadd.s32 $0x134, s30;
	v20 =	vmov s14;
	v16 =	vadd.f32 v18, v16;
	[tilespmem:v10+s23+$0x0] =	vst.idx.msk $0xffff, v14;
	v10 =	vshrl.u32 v19, $0x3;
	v18 =	vld [tilespmem:s29+$0xFFFFF780]  }
0x23e: {  	v14 =	vmov s10;
	v11 =	vor.u32 v5, v11;
	v19 =	vld [tilespmem:s1+$0xFFFFF7E0];
	v10 =	vshll.u32 v10, v1  }
0x23f: {  	v15 =	vadd.f32 v15, v22;
	[tilespmem:v12+s23+$0x0] =	vst.idx.msk $0xffff, v16;
	v12 =	vshrl.u32 v14, $0x3;
	v14 =	vld [tilespmem:s1+$0xFFFFFFE0];
	v10 =	vbroadcast v10, $0x0  }
0x240: {  	v16 =	vshrl.u32 v20, $0x3;
	v20 =	vld [tilespmem:s1+$0xFFFFF750];
	v12 =	vshll.u32 v12, v1  }
0x241: {  	s10 =	sadd.s32 $0x125, s30;
	v13 =	vadd.f32 v13, v17;
	[tilespmem:v9+s23+$0x0] =	vst.idx.msk $0xffff, v15;
	v9 =	vld [tilespmem:s1+$0xFFFFFF50];
	v12 =	vbroadcast v12, $0x0;
	v10 =	vor.u32 v6, v10  }
0x242: {  	v16 =	vshll.u32 v16, v1;
	v15 =	vmov s10;
	v17 =	vld [tilespmem:s1+$0xFFFFF6E0]  }
0x243: {  	s10 =	sadd.s32 $0x137, s25;
	s25 =	smov.u32 s30;
	[tilespmem:v11+s23+$0x0] =	vst.idx.msk $0xffff, v13;
	v11 =	vshrl.u32 v15, $0x3;
	v13 =	vld [tilespmem:s1+$0xFFFFFEE0];
	v15 =	vbroadcast v16, $0x0;
	v12 =	vor.u32 v5, v12  }
0x244: {  	s14 =	sadd.s32 $0x13E, s25;
	v16 =	vld [tilespmem:s1+$0xFFFFF660];
	v11 =	vshll.u32 v11, v1;
	v14 =	vadd.f32 v14, v19;
	v19 =	vor.u32 s10, v8  }
0x245: {  	v22 =	vmov s14;
	s10 =	sadd.s32 $0x12E, s25;
	v21 =	vld [tilespmem:s1+$0xFFFFFE60];
	v11 =	vbroadcast v11, $0x0;
	v15 =	vor.u32 v6, v15  }
0x246: {  	v23 =	vmov s10;
	s10 =	sadd.s32 $0x135, s25;
	v9 =	vadd.f32 v9, v20;
	[tilespmem:v10+s23+$0x0] =	vst.idx.msk $0xffff, v14;
	v10 =	vshrl.u32 v22, $0x3;
	v20 =	vld [tilespmem:s29+$0xFFFFFF80];
	s29 =	smov.u32 s1  }
0x247: {  	v14 =	vmov s10;
	v11 =	vor.u32 v6, v11;
	v22 =	vld [tilespmem:s1+$0xFFFFF7F0];
	v10 =	vshll.u32 v10, v1  }
0x248: {  	v13 =	vadd.f32 v13, v17;
	[tilespmem:v12+s23+$0x0] =	vst.idx.msk $0xffff, v9;
	v9 =	vshrl.u32 v14, $0x3;
	v24 =	vld [tilespmem:s1+$0xFFFFFFF0];
	v12 =	vbroadcast v10, $0x0  }
.Ltmp2:
0x249: {  	v17 =	vshrl.u32 v23, $0x3;
	v10 =	vld [tilespmem:s1+$0xFFFFF760];
	v9 =	vshll.u32 v9, v1;
	(pc) =	sbr.rel @p0 .LBB2_7-.Ltmp2, $4  }
0x24a: {  	s10 =	sadd.s32 $0x126, s25;
	v16 =	vadd.f32 v21, v16;
	[tilespmem:v15+s23+$0x0] =	vst.idx.msk $0xffff, v13;
	v14 =	vld [tilespmem:s1+$0xFFFFFF60];
	v15 =	vbroadcast v9, $0x0;
	v13 =	vor.u32 v7, v12  }
0x24b: {  	v17 =	vshll.u32 v17, v1;
	v12 =	vmov s10;
	v9 =	vld [tilespmem:s1+$0xFFFFF6F0];
	v20 =	vadd.f32 v20, v18  }
0x24c: {  	v17 =	vbroadcast v17, $0x0;
	[tilespmem:v11+s23+$0x0] =	vst.idx.msk $0xffff, v16;
	v16 =	vshrl.u32 v12, $0x3;
	v12 =	vld [tilespmem:s1+$0xFFFFFEF0];
	v15 =	vor.u32 v6, v15  }
0x24d: {  	v11 =	vld [tilespmem:s1+$0xFFFFF670];
	v18 =	vshll.u32 v16, v1;
	v16 =	vadd.f32 v24, v22;
	[tilespmem:v19+s23+$0x0] =	vst.idx.msk $0xffff, v20  }
0x24e: {  	_ =	sdelay $0x1  }
0x24f: {  	v19 =	vld [tilespmem:s29+$0xFFFFFE70];
	v18 =	vbroadcast v18, $0x0;
	s0 =	sadd.s32 $0x136, s25;
	v10 =	vadd.f32 v14, v10  }
0x250: {  	v14 =	vmov s0  }
0x251: {  	v18 =	vor.u32 v7, v18;
	[tilespmem:v15+s23+$0x0] =	vst.idx.msk $0xffff, v10;
	v10 =	vshrl.u32 v14, $0x3  }
0x252: {  	v14 =	vld [tilespmem:s29+$0xFFFFF770];
	v10 =	vshll.u32 v10, v1  }
0x253: {  	v15 =	vor.u32 v7, v17;
	v17 =	vld [tilespmem:s29+$0xFFFFFF70];
	v10 =	vbroadcast v10, $0x0  }
0x254: {  	[tilespmem:v13+s23+$0x0] =	vst.idx.msk $0xffff, v16;
	v11 =	vadd.f32 v19, v11  }
0x255: {  	v13 =	vld [tilespmem:s29+$0xFFFFF800];
	v10 =	vor.u32 v7, v10  }
0x256: {  	v9 =	vadd.f32 v12, v9;
	v12 =	vld [tilespmem:s29+$0x0];
	[tilespmem:v18+s23+$0x0] =	vst.idx.msk $0xffff, v11  }
0x257: {  	v11 =	vld [tilespmem:s29+$0xFFFFF680]  }
0x258: {  	[tilespmem:v15+s23+$0x0] =	vst.idx.msk $0xffff, v9;
	v9 =	vadd.f32 v17, v14;
	v14 =	vld [tilespmem:s29+$0xFFFFFE80]  }
0x259: {  	v15 =	vld [tilespmem:s29+$0xFFFFF700]  }
0x25a: {  	s10 =	sadd.s32 $0x127, s25;
	[tilespmem:v10+s23+$0x0] =	vst.idx.msk $0xffff, v9;
	v9 =	vld [tilespmem:s29+$0xFFFFFF00]  }
0x25b: {  	s1 =	sadd.s32 $0x13F, s25;
	v17 =	vor.u32 s10, v8;
	v16 =	vld [tilespmem:s29+$0xFFFFF780]  }
0x25c: {  	s14 =	sadd.s32 $0x12F, s25;
	v10 =	vor.u32 s1, v8;
	v18 =	vld [tilespmem:s29+$0xFFFFFF80]  }
0x25d: {  	s25 =	sadd.s32 $0x137, s25;
	v19 =	vor.u32 s14, v8  }
0x25e: {  	v12 =	vadd.f32 v12, v13;
	v13 =	vor.u32 s25, v8;
	v11 =	vadd.f32 v14, v11;
	_ =	sdelay $0x1  }
0x25f: {  	[tilespmem:v17+s23+$0x0] =	vst.idx.msk $0xffff, v11;
	v9 =	vadd.f32 v9, v15  }
0x260: {  	s29 =	simm.s32 $0x198;
	[tilespmem:v10+s23+$0x0] =	vst.idx.msk $0xffff, v12;
	v10 =	vadd.f32 v18, v16  }
0x261: {  	[tilespmem:v19+s23+$0x0] =	vst.idx.msk $0xffff, v9;
	v9 =	vmov s29  }
0x262: {  	s31 =	simm.s32 $0x188;
	[tilespmem:v13+s23+$0x0] =	vst.idx.msk $0xffff, v10;
	v9 =	vshrl.u32 v9, $0x3  }
0x263: {  	v11 =	vmov s31;
	v10 =	vld [tilespmem:s28+$0xFFFFF790];
	v9 =	vshll.u32 v9, v1  }
0x264: {  	s1 =	simm.s32 $0x180;
	v11 =	vshrl.u32 v11, $0x3;
	v12 =	vld [tilespmem:s28+$0xFFFFFF90];
	v9 =	vbroadcast v9, $0x0  }
0x265: {  	v11 =	vshll.u32 v11, v1;
	v13 =	vmov s1;
	s1 =	simm.s32 $0x190;
	v14 =	vld [tilespmem:s28+$0xFFFFFE10]  }
0x266: {  	v11 =	vbroadcast v11, $0x0;
	v15 =	vld [tilespmem:s28+$0xFFFFF690];
	v16 =	vmov s1;
	v9 =	vor.u32 v0, v9  }
0x267: {  	v17 =	vld [tilespmem:s28+$0xFFFFFE90];
	v16 =	vshrl.u32 v16, $0x3  }
0x268: {  	v13 =	vshrl.u32 v13, $0x3;
	v18 =	vld [tilespmem:s28+$0xFFFFF710];
	v11 =	vor.u32 v0, v11;
	v16 =	vshll.u32 v16, v1  }
0x269: {  	s10 =	simm.s32 $0x199;
	v19 =	vld [tilespmem:s28+$0xFFFFFF10];
	v13 =	vshll.u32 v13, v1;
	v16 =	vbroadcast v16, $0x0;
	v10 =	vadd.f32 v12, v10  }
0x26a: {  	v20 =	vmov s10;
	v13 =	vbroadcast v13, $0x0;
	v12 =	vld [tilespmem:s28+$0xFFFFF610]  }
0x26b: {  	v16 =	vor.u32 v0, v16;
	[tilespmem:v9+s23+$0x0] =	vst.idx.msk $0xffff, v10;
	v9 =	vshrl.u32 v20, $0x3  }
0x26c: {  	s14 =	simm.s32 $0x189;
	v10 =	vor.u32 v0, v13;
	v13 =	vadd.f32 v17, v15;
	v15 =	vld [tilespmem:s28+$0xFFFFF7A0];
	v9 =	vshll.u32 v9, v1  }
0x26d: {  	s25 =	simm.s32 $0x181;
	v17 =	vmov s14;
	v20 =	vld [tilespmem:s28+$0xFFFFFFA0];
	v9 =	vbroadcast v9, $0x0  }
0x26e: {  	v21 =	vmov s25;
	[tilespmem:v11+s23+$0x0] =	vst.idx.msk $0xffff, v13;
	v11 =	vshrl.u32 v17, $0x3;
	v13 =	vadd.f32 v19, v18  }
0x26f: {  	v12 =	vadd.f32 v14, v12;
	v14 =	vld [tilespmem:s28+$0xFFFFF6A0];
	v11 =	vshll.u32 v11, v1;
	v9 =	vor.u32 v2, v9  }
0x270: {  	s29 =	simm.s32 $0x191;
	v17 =	vshrl.u32 v21, $0x3;
	v18 =	vld [tilespmem:s28+$0xFFFFFEA0];
	v11 =	vbroadcast v11, $0x0;
	[tilespmem:v16+s23+$0x0] =	vst.idx.msk $0xffff, v13  }
0x271: {  	v13 =	vmov s29;
	[tilespmem:v10+s23+$0x0] =	vst.idx.msk $0xffff, v12;
	v10 =	vshll.u32 v17, v1;
	v12 =	vld [tilespmem:s28+$0xFFFFF720]  }
0x272: {  	s31 =	simm.s32 $0x19A;
	v13 =	vshrl.u32 v13, $0x3;
	v16 =	vld [tilespmem:s28+$0xFFFFF620];
	v11 =	vor.u32 v2, v11;
	v15 =	vadd.f32 v20, v15  }
0x273: {  	v19 =	vmov s31;
	v10 =	vbroadcast v10, $0x0;
	v17 =	vld [tilespmem:s28+$0xFFFFFE20];
	v13 =	vshll.u32 v13, v1  }
0x274: {  	v20 =	vld [tilespmem:s28+$0xFFFFFF20];
	v13 =	vbroadcast v13, $0x0;
	[tilespmem:v9+s23+$0x0] =	vst.idx.msk $0xffff, v15;
	v9 =	vshrl.u32 v19, $0x3  }
0x275: {  	s1 =	simm.s32 $0x18A;
	v10 =	vor.u32 v2, v10;
	v14 =	vadd.f32 v18, v14;
	v15 =	vld [tilespmem:s28+$0xFFFFF7B0];
	v9 =	vshll.u32 v9, v1  }
0x276: {  	v18 =	vmov s1;
	v19 =	vld [tilespmem:s28+$0xFFFFFFB0];
	v9 =	vbroadcast v9, $0x0  }
0x277: {  	v13 =	vor.u32 v2, v13;
	[tilespmem:v11+s23+$0x0] =	vst.idx.msk $0xffff, v14;
	v11 =	vshrl.u32 v18, $0x3  }
0x278: {  	s10 =	simm.s32 $0x182;
	v14 =	vadd.f32 v17, v16;
	v16 =	vld [tilespmem:s28+$0xFFFFF6B0];
	v11 =	vshll.u32 v11, v1;
	v9 =	vor.u32 v3, v9  }
0x279: {  	v17 =	vmov s10;
	v18 =	vld [tilespmem:s28+$0xFFFFFEB0];
	v11 =	vbroadcast v11, $0x0  }
0x27a: {  	v12 =	vadd.f32 v20, v12;
	v17 =	vshrl.u32 v17, $0x3;
	[tilespmem:v10+s23+$0x0] =	vst.idx.msk $0xffff, v14  }
0x27b: {  	s25 =	simm.s32 $0x19B;
	s14 =	simm.s32 $0x192;
	v10 =	vshll.u32 v17, v1;
	v14 =	vld [tilespmem:s28+$0xFFFFF630];
	v11 =	vor.u32 v3, v11;
	v15 =	vadd.f32 v19, v15  }
0x27c: {  	v17 =	vmov s25;
	[tilespmem:v13+s23+$0x0] =	vst.idx.msk $0xffff, v12;
	v12 =	vld [tilespmem:s28+$0xFFFFFE30];
	v10 =	vbroadcast v10, $0x0;
	v13 =	vmov s14  }
0x27d: {  	v19 =	vld [tilespmem:s28+$0xFFFFF730];
	v13 =	vshrl.u32 v13, $0x3;
	[tilespmem:v9+s23+$0x0] =	vst.idx.msk $0xffff, v15;
	v9 =	vshrl.u32 v17, $0x3  }
0x27e: {  	s29 =	simm.s32 $0x18B;
	v10 =	vor.u32 v3, v10;
	v15 =	vadd.f32 v18, v16;
	v16 =	vld [tilespmem:s28+$0xFFFFF7C0];
	v9 =	vshll.u32 v9, v1  }
0x27f: {  	v13 =	vshll.u32 v13, v1;
	v17 =	vmov s29;
	v18 =	vld [tilespmem:s28+$0xFFFFFFC0];
	v9 =	vbroadcast v9, $0x0  }
0x280: {  	s31 =	simm.s32 $0x183;
	v13 =	vbroadcast v13, $0x0;
	v17 =	vshrl.u32 v17, $0x3;
	[tilespmem:v11+s23+$0x0] =	vst.idx.msk $0xffff, v15;
	v11 =	vld [tilespmem:s28+$0xFFFFFF30]  }
0x281: {  	v12 =	vadd.f32 v12, v14;
	v14 =	vmov s31;
	v15 =	vld [tilespmem:s28+$0xFFFFF6C0];
	v9 =	vor.u32 v4, v9  }
0x282: {  	v17 =	vshll.u32 v17, v1;
	v14 =	vshrl.u32 v14, $0x3;
	v20 =	vld [tilespmem:s28+$0xFFFFFEC0]  }
0x283: {  	v13 =	vor.u32 v3, v13;
	v17 =	vbroadcast v17, $0x0;
	[tilespmem:v10+s23+$0x0] =	vst.idx.msk $0xffff, v12;
	v10 =	vshll.u32 v14, v1  }
0x284: {  	s1 =	simm.s32 $0x19C;
	v12 =	vld [tilespmem:s28+$0xFFFFF640];
	v10 =	vbroadcast v10, $0x0;
	v14 =	vadd.f32 v18, v16  }
0x285: {  	v16 =	vor.u32 v4, v17;
	v17 =	vld [tilespmem:s28+$0xFFFFFE40];
	v18 =	vmov s1  }
0x286: {  	s10 =	simm.s32 $0x193;
	v10 =	vor.u32 v4, v10;
	v11 =	vadd.f32 v11, v19;
	[tilespmem:v9+s23+$0x0] =	vst.idx.msk $0xffff, v14;
	v9 =	vshrl.u32 v18, $0x3  }
0x287: {  	s14 =	simm.s32 $0x18C;
	v14 =	vadd.f32 v20, v15;
	v15 =	vmov s10;
	v18 =	vld [tilespmem:s28+$0xFFFFF7D0];
	v9 =	vshll.u32 v9, v1  }
0x288: {  	[tilespmem:v13+s23+$0x0] =	vst.idx.msk $0xffff, v11;
	v11 =	vmov s14;
	v13 =	vshrl.u32 v15, $0x3;
	v15 =	vld [tilespmem:s28+$0xFFFFFFD0];
	v9 =	vbroadcast v9, $0x0  }
0x289: {  	v11 =	vshrl.u32 v11, $0x3;
	v19 =	vld [tilespmem:s28+$0xFFFFF740];
	v13 =	vshll.u32 v13, v1  }
0x28a: {  	s25 =	simm.s32 $0x184;
	[tilespmem:v16+s23+$0x0] =	vst.idx.msk $0xffff, v14;
	v12 =	vadd.f32 v17, v12;
	v14 =	vld [tilespmem:s28+$0xFFFFFF40];
	v13 =	vbroadcast v13, $0x0;
	v9 =	vor.u32 v5, v9  }
0x28b: {  	v16 =	vmov s25;
	v11 =	vshll.u32 v11, v1;
	v17 =	vld [tilespmem:s28+$0xFFFFF6D0]  }
0x28c: {  	v11 =	vbroadcast v11, $0x0;
	[tilespmem:v10+s23+$0x0] =	vst.idx.msk $0xffff, v12;
	v10 =	vshrl.u32 v16, $0x3;
	v12 =	vld [tilespmem:s28+$0xFFFFFED0];
	v13 =	vor.u32 v4, v13  }
0x28d: {  	v16 =	vld [tilespmem:s28+$0xFFFFF650];
	v10 =	vshll.u32 v10, v1;
	v15 =	vadd.f32 v15, v18  }
0x28e: {  	s29 =	simm.s32 $0x19D;
	v11 =	vor.u32 v5, v11;
	v18 =	vld [tilespmem:s28+$0xFFFFFE50];
	v10 =	vbroadcast v10, $0x0  }
0x28f: {  	v20 =	vmov s29;
	v14 =	vadd.f32 v14, v19;
	[tilespmem:v9+s23+$0x0] =	vst.idx.msk $0xffff, v15  }
0x290: {  	s1 =	simm.s32 $0x194;
	v10 =	vor.u32 v5, v10;
	v9 =	vshrl.u32 v20, $0x3;
	v19 =	vld [tilespmem:s28+$0xFFFFF7E0]  }
0x291: {  	s31 =	simm.s32 $0x18D;
	v15 =	vmov s1;
	v12 =	vadd.f32 v12, v17;
	v9 =	vshll.u32 v9, v1;
	[tilespmem:v13+s23+$0x0] =	vst.idx.msk $0xffff, v14;
	v14 =	vld [tilespmem:s28+$0xFFFFFFE0]  }
0x292: {  	v62 =	vmov s31;
	v13 =	vshrl.u32 v15, $0x3;
	v9 =	vbroadcast v9, $0x0;
	v17 =	vld [tilespmem:s28+$0xFFFFF750]  }
0x293: {  	s10 =	simm.s32 $0x185;
	v15 =	vshrl.u32 v62, $0x3;
	v13 =	vshll.u32 v13, v1;
	v16 =	vadd.f32 v18, v16;
	[tilespmem:v11+s23+$0x0] =	vst.idx.msk $0xffff, v12;
	v11 =	vld [tilespmem:s28+$0xFFFFFF50]  }
0x294: {  	v12 =	vbroadcast v13, $0x0;
	v13 =	vmov s10;
	v18 =	vld [tilespmem:s28+$0xFFFFF6E0];
	v9 =	vor.u32 v6, v9  }
0x295: {  	v15 =	vshll.u32 v15, v1;
	[tilespmem:v10+s23+$0x0] =	vst.idx.msk $0xffff, v16;
	v10 =	vshrl.u32 v13, $0x3;
	v13 =	vld [tilespmem:s28+$0xFFFFFEE0]  }
0x296: {  	v15 =	vbroadcast v15, $0x0;
	v12 =	vor.u32 v5, v12;
	v10 =	vshll.u32 v10, v1  }
0x297: {  	s14 =	simm.s32 $0x19E;
	v16 =	vld [tilespmem:s28+$0xFFFFF660];
	v14 =	vadd.f32 v14, v19;
	v10 =	vbroadcast v10, $0x0  }
0x298: {  	v20 =	vmov s14;
	v15 =	vor.u32 v6, v15;
	v19 =	vld [tilespmem:s28+$0xFFFFFE60]  }
0x299: {  	s25 =	simm.s32 $0x195;
	v11 =	vadd.f32 v11, v17;
	v17 =	vor.u32 v6, v10;
	[tilespmem:v9+s23+$0x0] =	vst.idx.msk $0xffff, v14;
	v9 =	vshrl.u32 v20, $0x3  }
0x29a: {  	s29 =	simm.s32 $0x18E;
	v10 =	vmov s25;
	v13 =	vadd.f32 v13, v18;
	v20 =	vld [tilespmem:s28+$0xFFFFF7F0];
	v9 =	vshll.u32 v9, v1  }
0x29b: {  	[tilespmem:v12+s23+$0x0] =	vst.idx.msk $0xffff, v11;
	v63 =	vld [tilespmem:s28+$0xFFFFFFF0];
	v11 =	vmov s29;
	v12 =	vshrl.u32 v10, $0x3;
	v18 =	vbroadcast v9, $0x0  }
0x29c: {  	v10 =	vld [tilespmem:s28+$0xFFFFF760];
	v11 =	vshrl.u32 v11, $0x3;
	v9 =	vshll.u32 v12, v1  }
0x29d: {  	s31 =	simm.s32 $0x186;
	v12 =	vadd.f32 v19, v16;
	[tilespmem:v15+s23+$0x0] =	vst.idx.msk $0xffff, v13;
	v14 =	vld [tilespmem:s28+$0xFFFFFF60];
	v15 =	vbroadcast v9, $0x0;
	v13 =	vor.u32 v7, v18  }
0x29e: {  	v16 =	vmov s31;
	v9 =	vld [tilespmem:s28+$0xFFFFF6F0];
	v11 =	vshll.u32 v11, v1  }
0x29f: {  	s30 =	simm.s32 $0x0;
	v16 =	vshrl.u32 v16, $0x3;
	[tilespmem:v17+s23+$0x0] =	vst.idx.msk $0xffff, v12;
	v12 =	vld [tilespmem:s28+$0xFFFFFEF0];
	v17 =	vbroadcast v11, $0x0;
	v15 =	vor.u32 v6, v15  }
0x2a0: {  	s0 =	simm.s32 $0xFFFFFFE0;
	s1 =	simm.s32 $0x41F0;
	s25 =	simm.s32 $0xFFFFFFE0;
	v18 =	vshll.u32 v16, v1;
	v11 =	vld [tilespmem:s28+$0xFFFFF670];
	v16 =	vadd.f32 v63, v20  }
.LBB2_9:
0x2a1: {  	s10 =	sadd.s32 $0x1B8, s30;
	v19 =	vld [tilespmem:s28+$0xFFFFFE70];
	v18 =	vbroadcast v18, $0x0;
	v17 =	vor.u32 v7, v17;
	s1 =	sadd.s32 $0x200, s1;
	s31 =	smov.u32 s30  }
0x2a2: {  	v20 =	vld [tilespmem:s1+$0xFFFFF790];
	v21 =	vmov s10;
	v10 =	vadd.f32 v14, v10;
	s10 =	sadd.s32 $0x1B6, s0;
	[tilespmem:v13+s23+$0x0] =	vst.idx.msk $0xffff, v16  }
0x2a3: {  	s14 =	sadd.s32 $0x1A1, s30;
	v13 =	vshrl.u32 v21, $0x3;
	v14 =	vor.u32 v7, v18;
	v16 =	vmov s10;
	v18 =	vld [tilespmem:s28+$0xFFFFF800]  }
0x2a4: {  	s10 =	sadd.s32 $0x1A0, s30;
	v21 =	vmov s14;
	s14 =	sadd.s32 $0x1A8, s30;
	v13 =	vshll.u32 v13, v1;
	v9 =	vadd.f32 v12, v9;
	[tilespmem:v15+s23+$0x0] =	vst.idx.msk $0xffff, v10;
	v10 =	vld [tilespmem:s28+$0x0]  }
0x2a5: {  	v12 =	vmov s10;
	v15 =	vmov s14;
	s10 =	sadd.s32 $0x1BF, s0;
	v22 =	vld [tilespmem:s1+$0xFFFFFF90];
	v13 =	vbroadcast v13, $0x0  }
0x2a6: {  	s14 =	sadd.s32 $0x1B0, s30;
	v15 =	vshrl.u32 v15, $0x3;
	v23 =	vld [tilespmem:s1+$0xFFFFFE10];
	v11 =	vadd.f32 v19, v11;
	[tilespmem:v17+s23+$0x0] =	vst.idx.msk $0xffff, v9;
	v9 =	vor.u32 s10, v8  }
0x2a7: {  	v15 =	vshll.u32 v15, v1;
	v19 =	vmov s14;
	v17 =	vld [tilespmem:s1+$0xFFFFF690];
	v13 =	vor.u32 v0, v13  }
0x2a8: {  	s30 =	sadd.s32 $0x20, s30;
	v12 =	vshrl.u32 v12, $0x3;
	v15 =	vbroadcast v15, $0x0;
	v19 =	vshrl.u32 v19, $0x3;
	v24 =	vld [tilespmem:s1+$0xFFFFFE90];
	[tilespmem:v14+s23+$0x0] =	vst.idx.msk $0xffff, v11  }
0x2a9: {  	p0 =	slt.u32 s30, $0x60;
	v11 =	vshll.u32 v12, v1;
	v14 =	vshll.u32 v19, v1;
	v12 =	vld [tilespmem:s1+$0xFFFFF710];
	v10 =	vadd.f32 v10, v18  }
0x2aa: {  	s10 =	sadd.s32 $0x1A9, s31;
	s14 =	sadd.s32 $0x1B9, s31;
	v15 =	vor.u32 v0, v15;
	v14 =	vbroadcast v14, $0x0;
	v18 =	vld [tilespmem:s1+$0xFFFFFF10];
	v19 =	vadd.f32 v22, v20  }
0x2ab: {  	s29 =	simm.s32 $0x51F0;
	v25 =	vmov s14;
	v11 =	vbroadcast v11, $0x0;
	v22 =	vmov s10;
	v20 =	vld [tilespmem:s1+$0xFFFFF610];
	[tilespmem:v9+s23+$0x0] =	vst.idx.msk $0xffff, v10  }
0x2ac: {  	v9 =	vor.u32 v0, v14;
	v10 =	vshrl.u32 v25, $0x3;
	v14 =	vshrl.u32 v16, $0x3;
	[tilespmem:v13+s23+$0x0] =	vst.idx.msk $0xffff, v19;
	v13 =	vld [tilespmem:s28+$0xFFFFF770]  }
0x2ad: {  	s10 =	sadd.s32 $0x1B1, s31;
	v11 =	vor.u32 v0, v11;
	v10 =	vshll.u32 v10, v1;
	v16 =	vadd.f32 v24, v17;
	v17 =	vld [tilespmem:s1+$0xFFFFF7A0]  }
0x2ae: {  	v19 =	vmov s10;
	v14 =	vshll.u32 v14, v1;
	v10 =	vbroadcast v10, $0x0;
	v24 =	vld [tilespmem:s1+$0xFFFFFFA0]  }
0x2af: {  	v14 =	vbroadcast v14, $0x0;
	[tilespmem:v15+s23+$0x0] =	vst.idx.msk $0xffff, v16;
	v15 =	vshrl.u32 v22, $0x3;
	v12 =	vadd.f32 v18, v12;
	v16 =	vld [tilespmem:s28+$0xFFFFFF70]  }
0x2b0: {  	v10 =	vor.u32 v2, v10;
	v18 =	vadd.f32 v23, v20;
	v20 =	vld [tilespmem:s1+$0xFFFFF6A0];
	v15 =	vshll.u32 v15, v1  }
0x2b1: {  	v21 =	vshrl.u32 v21, $0x3;
	v22 =	vld [tilespmem:s1+$0xFFFFFEA0];
	v15 =	vbroadcast v15, $0x0;
	[tilespmem:v9+s23+$0x0] =	vst.idx.msk $0xffff, v12;
	v9 =	vor.u32 v7, v14  }
0x2b2: {  	v14 =	vshrl.u32 v19, $0x3;
	[tilespmem:v11+s23+$0x0] =	vst.idx.msk $0xffff, v18;
	v11 =	vshll.u32 v21, v1;
	v12 =	vld [tilespmem:s1+$0xFFFFF720]  }
0x2b3: {  	s10 =	sadd.s32 $0x1BA, s31;
	v18 =	vld [tilespmem:s1+$0xFFFFF620];
	v11 =	vbroadcast v11, $0x0;
	v15 =	vor.u32 v2, v15;
	v17 =	vadd.f32 v24, v17  }
0x2b4: {  	v14 =	vshll.u32 v14, v1;
	v21 =	vmov s10;
	v19 =	vld [tilespmem:s1+$0xFFFFFE20];
	v13 =	vadd.f32 v16, v13  }
0x2b5: {  	v14 =	vbroadcast v14, $0x0;
	v11 =	vor.u32 v2, v11;
	v16 =	vld [tilespmem:s1+$0xFFFFFF20];
	[tilespmem:v10+s23+$0x0] =	vst.idx.msk $0xffff, v17;
	v10 =	vshrl.u32 v21, $0x3  }
0x2b6: {  	s10 =	sadd.s32 $0x1AA, s31;
	v17 =	vadd.f32 v22, v20;
	v20 =	vld [tilespmem:s1+$0xFFFFF7B0];
	v10 =	vshll.u32 v10, v1;
	[tilespmem:v9+s23+$0x0] =	vst.idx.msk $0xffff, v13  }
0x2b7: {  	s14 =	sadd.s32 $0x1A2, s31;
	v9 =	vmov s10;
	v13 =	vor.u32 v2, v14;
	v14 =	vld [tilespmem:s1+$0xFFFFFFB0];
	v10 =	vbroadcast v10, $0x0  }
0x2b8: {  	v21 =	vmov s14;
	v9 =	vshrl.u32 v9, $0x3;
	[tilespmem:v15+s23+$0x0] =	vst.idx.msk $0xffff, v17;
	v15 =	vld [tilespmem:s28+$0xFFFFF680]  }
0x2b9: {  	v9 =	vshll.u32 v9, v1;
	v17 =	vadd.f32 v19, v18;
	v18 =	vld [tilespmem:s1+$0xFFFFF6B0];
	v10 =	vor.u32 v3, v10  }
0x2ba: {  	s10 =	sadd.s32 $0x1A7, s0;
	v19 =	vshrl.u32 v21, $0x3;
	v9 =	vbroadcast v9, $0x0;
	v21 =	vld [tilespmem:s1+$0xFFFFFEB0];
	v12 =	vadd.f32 v16, v12  }
0x2bb: {  	s14 =	sadd.s32 $0x1AB, s31;
	[tilespmem:v11+s23+$0x0] =	vst.idx.msk $0xffff, v17;
	v11 =	vshll.u32 v19, v1;
	v16 =	vld [tilespmem:s28+$0xFFFFFE80];
	v17 =	vor.u32 s10, v8  }
0x2bc: {  	v22 =	vmov s14;
	s14 =	sadd.s32 $0x1BB, s31;
	v9 =	vor.u32 v3, v9;
	s10 =	sadd.s32 $0x1B2, s31;
	v19 =	vld [tilespmem:s1+$0xFFFFF630];
	[tilespmem:v13+s23+$0x0] =	vst.idx.msk $0xffff, v12;
	v12 =	vadd.f32 v14, v20  }
0x2bd: {  	v11 =	vbroadcast v11, $0x0;
	v14 =	vmov s10;
	v20 =	vmov s14;
	v13 =	vld [tilespmem:s1+$0xFFFFFE30]  }
0x2be: {  	v22 =	vshrl.u32 v22, $0x3;
	v14 =	vshrl.u32 v14, $0x3;
	v23 =	vld [tilespmem:s1+$0xFFFFF730];
	[tilespmem:v10+s23+$0x0] =	vst.idx.msk $0xffff, v12;
	v10 =	vshrl.u32 v20, $0x3  }
0x2bf: {  	v11 =	vor.u32 v3, v11;
	v12 =	vadd.f32 v21, v18;
	v18 =	vld [tilespmem:s1+$0xFFFFF7C0];
	v10 =	vshll.u32 v10, v1  }
0x2c0: {  	v14 =	vshll.u32 v14, v1;
	v20 =	vld [tilespmem:s1+$0xFFFFFFC0];
	v10 =	vbroadcast v10, $0x0;
	v15 =	vadd.f32 v16, v15  }
0x2c1: {  	s10 =	sadd.s32 $0x1A3, s31;
	v14 =	vbroadcast v14, $0x0;
	[tilespmem:v9+s23+$0x0] =	vst.idx.msk $0xffff, v12;
	v9 =	vshll.u32 v22, v1;
	v12 =	vld [tilespmem:s1+$0xFFFFFF30]  }
0x2c2: {  	v16 =	vmov s10;
	v13 =	vadd.f32 v13, v19;
	v19 =	vld [tilespmem:s1+$0xFFFFF6C0];
	v10 =	vor.u32 v4, v10;
	[tilespmem:v17+s23+$0x0] =	vst.idx.msk $0xffff, v15  }
0x2c3: {  	v14 =	vor.u32 v3, v14;
	v15 =	vshrl.u32 v16, $0x3;
	v9 =	vbroadcast v9, $0x0;
	v16 =	vld [tilespmem:s1+$0xFFFFFEC0]  }
0x2c4: {  	[tilespmem:v11+s23+$0x0] =	vst.idx.msk $0xffff, v13;
	v11 =	vshll.u32 v15, v1;
	v13 =	vld [tilespmem:s28+$0xFFFFF700]  }
0x2c5: {  	s10 =	sadd.s32 $0x1BC, s31;
	v9 =	vor.u32 v4, v9;
	v15 =	vld [tilespmem:s1+$0xFFFFF640];
	v11 =	vbroadcast v11, $0x0;
	v17 =	vadd.f32 v20, v18  }
0x2c6: {  	v20 =	vmov s10;
	s10 =	sadd.s32 $0x1AF, s0;
	v18 =	vld [tilespmem:s1+$0xFFFFFE40];
	v12 =	vadd.f32 v12, v23  }
0x2c7: {  	s14 =	sadd.s32 $0x1B3, s31;
	v11 =	vor.u32 v4, v11;
	[tilespmem:v10+s23+$0x0] =	vst.idx.msk $0xffff, v17;
	v10 =	vshrl.u32 v20, $0x3;
	v17 =	vld [tilespmem:s28+$0xFFFFFF00];
	v20 =	vor.u32 s10, v8  }
0x2c8: {  	s10 =	sadd.s32 $0x1AC, s31;
	v16 =	vadd.f32 v16, v19;
	[tilespmem:v14+s23+$0x0] =	vst.idx.msk $0xffff, v12;
	v12 =	vmov s14;
	v14 =	vld [tilespmem:s1+$0xFFFFF7D0];
	v10 =	vshll.u32 v10, v1  }
0x2c9: {  	v19 =	vmov s10;
	v12 =	vshrl.u32 v12, $0x3;
	v21 =	vld [tilespmem:s1+$0xFFFFFFD0];
	v10 =	vbroadcast v10, $0x0  }
0x2ca: {  	[tilespmem:v9+s23+$0x0] =	vst.idx.msk $0xffff, v16;
	v9 =	vshrl.u32 v19, $0x3;
	v16 =	vld [tilespmem:s1+$0xFFFFF740];
	v12 =	vshll.u32 v12, v1  }
0x2cb: {  	s10 =	sadd.s32 $0x1A4, s31;
	v15 =	vadd.f32 v18, v15;
	v18 =	vld [tilespmem:s1+$0xFFFFFF40];
	v12 =	vbroadcast v12, $0x0;
	v10 =	vor.u32 v5, v10  }
0x2cc: {  	v19 =	vmov s10;
	v9 =	vshll.u32 v9, v1;
	v22 =	vld [tilespmem:s1+$0xFFFFF6D0];
	v13 =	vadd.f32 v17, v13  }
0x2cd: {  	v9 =	vbroadcast v9, $0x0;
	[tilespmem:v11+s23+$0x0] =	vst.idx.msk $0xffff, v15;
	v11 =	vshrl.u32 v19, $0x3;
	v15 =	vld [tilespmem:s1+$0xFFFFFED0];
	v12 =	vor.u32 v4, v12  }
0x2ce: {  	s10 =	sadd.s32 $0x1BD, s31;
	v17 =	vld [tilespmem:s1+$0xFFFFF650];
	v11 =	vshll.u32 v11, v1;
	v14 =	vadd.f32 v21, v14;
	[tilespmem:v20+s23+$0x0] =	vst.idx.msk $0xffff, v13  }
0x2cf: {  	s14 =	sadd.s32 $0x1AD, s31;
	v19 =	vmov s10;
	v9 =	vor.u32 v5, v9;
	v13 =	vld [tilespmem:s1+$0xFFFFFE50];
	v11 =	vbroadcast v11, $0x0  }
0x2d0: {  	s10 =	sadd.s32 $0x1B4, s31;
	v20 =	vmov s14;
	v16 =	vadd.f32 v18, v16;
	[tilespmem:v10+s23+$0x0] =	vst.idx.msk $0xffff, v14;
	v10 =	vshrl.u32 v19, $0x3;
	v18 =	vld [tilespmem:s28+$0xFFFFF780]  }
0x2d1: {  	v14 =	vmov s10;
	v11 =	vor.u32 v5, v11;
	v19 =	vld [tilespmem:s1+$0xFFFFF7E0];
	v10 =	vshll.u32 v10, v1  }
0x2d2: {  	v15 =	vadd.f32 v15, v22;
	[tilespmem:v12+s23+$0x0] =	vst.idx.msk $0xffff, v16;
	v12 =	vshrl.u32 v14, $0x3;
	v14 =	vld [tilespmem:s1+$0xFFFFFFE0];
	v10 =	vbroadcast v10, $0x0  }
0x2d3: {  	v16 =	vshrl.u32 v20, $0x3;
	v20 =	vld [tilespmem:s1+$0xFFFFF750];
	v12 =	vshll.u32 v12, v1  }
0x2d4: {  	s10 =	sadd.s32 $0x1A5, s31;
	v13 =	vadd.f32 v13, v17;
	[tilespmem:v9+s23+$0x0] =	vst.idx.msk $0xffff, v15;
	v9 =	vld [tilespmem:s1+$0xFFFFFF50];
	v12 =	vbroadcast v12, $0x0;
	v10 =	vor.u32 v6, v10  }
0x2d5: {  	v16 =	vshll.u32 v16, v1;
	v15 =	vmov s10;
	v17 =	vld [tilespmem:s1+$0xFFFFF6E0]  }
0x2d6: {  	s10 =	sadd.s32 $0x1B7, s0;
	s0 =	smov.u32 s31;
	[tilespmem:v11+s23+$0x0] =	vst.idx.msk $0xffff, v13;
	v11 =	vshrl.u32 v15, $0x3;
	v13 =	vld [tilespmem:s1+$0xFFFFFEE0];
	v15 =	vbroadcast v16, $0x0;
	v12 =	vor.u32 v5, v12  }
0x2d7: {  	s14 =	sadd.s32 $0x1BE, s0;
	v16 =	vld [tilespmem:s1+$0xFFFFF660];
	v11 =	vshll.u32 v11, v1;
	v14 =	vadd.f32 v14, v19;
	v19 =	vor.u32 s10, v8  }
0x2d8: {  	v22 =	vmov s14;
	s10 =	sadd.s32 $0x1AE, s0;
	v21 =	vld [tilespmem:s1+$0xFFFFFE60];
	v11 =	vbroadcast v11, $0x0;
	v15 =	vor.u32 v6, v15  }
0x2d9: {  	v23 =	vmov s10;
	s10 =	sadd.s32 $0x1B5, s0;
	v9 =	vadd.f32 v9, v20;
	[tilespmem:v10+s23+$0x0] =	vst.idx.msk $0xffff, v14;
	v10 =	vshrl.u32 v22, $0x3;
	v20 =	vld [tilespmem:s28+$0xFFFFFF80];
	s28 =	smov.u32 s1  }
0x2da: {  	v14 =	vmov s10;
	v11 =	vor.u32 v6, v11;
	v22 =	vld [tilespmem:s1+$0xFFFFF7F0];
	v10 =	vshll.u32 v10, v1  }
0x2db: {  	v13 =	vadd.f32 v13, v17;
	[tilespmem:v12+s23+$0x0] =	vst.idx.msk $0xffff, v9;
	v9 =	vshrl.u32 v14, $0x3;
	v24 =	vld [tilespmem:s1+$0xFFFFFFF0];
	v12 =	vbroadcast v10, $0x0  }
.Ltmp3:
0x2dc: {  	v17 =	vshrl.u32 v23, $0x3;
	v10 =	vld [tilespmem:s1+$0xFFFFF760];
	v9 =	vshll.u32 v9, v1;
	(pc) =	sbr.rel @p0 .LBB2_9-.Ltmp3, $4  }
0x2dd: {  	s10 =	sadd.s32 $0x1A6, s0;
	v16 =	vadd.f32 v21, v16;
	[tilespmem:v15+s23+$0x0] =	vst.idx.msk $0xffff, v13;
	v14 =	vld [tilespmem:s1+$0xFFFFFF60];
	v15 =	vbroadcast v9, $0x0;
	v13 =	vor.u32 v7, v12  }
0x2de: {  	v17 =	vshll.u32 v17, v1;
	v12 =	vmov s10;
	v9 =	vld [tilespmem:s1+$0xFFFFF6F0];
	v20 =	vadd.f32 v20, v18  }
0x2df: {  	v17 =	vbroadcast v17, $0x0;
	[tilespmem:v11+s23+$0x0] =	vst.idx.msk $0xffff, v16;
	v16 =	vshrl.u32 v12, $0x3;
	v12 =	vld [tilespmem:s1+$0xFFFFFEF0];
	v15 =	vor.u32 v6, v15  }
0x2e0: {  	v11 =	vld [tilespmem:s1+$0xFFFFF670];
	v18 =	vshll.u32 v16, v1;
	v16 =	vadd.f32 v24, v22;
	[tilespmem:v19+s23+$0x0] =	vst.idx.msk $0xffff, v20  }
0x2e1: {  	_ =	sdelay $0x1  }
0x2e2: {  	v19 =	vld [tilespmem:s28+$0xFFFFFE70];
	v18 =	vbroadcast v18, $0x0;
	s1 =	sadd.s32 $0x1B6, s0;
	v10 =	vadd.f32 v14, v10  }
0x2e3: {  	v14 =	vmov s1  }
0x2e4: {  	v18 =	vor.u32 v7, v18;
	[tilespmem:v15+s23+$0x0] =	vst.idx.msk $0xffff, v10;
	v10 =	vshrl.u32 v14, $0x3  }
0x2e5: {  	v14 =	vld [tilespmem:s28+$0xFFFFF770];
	v10 =	vshll.u32 v10, v1  }
0x2e6: {  	v15 =	vor.u32 v7, v17;
	v17 =	vld [tilespmem:s28+$0xFFFFFF70];
	v10 =	vbroadcast v10, $0x0  }
0x2e7: {  	[tilespmem:v13+s23+$0x0] =	vst.idx.msk $0xffff, v16;
	v11 =	vadd.f32 v19, v11  }
0x2e8: {  	v13 =	vld [tilespmem:s28+$0xFFFFF800];
	v10 =	vor.u32 v7, v10  }
0x2e9: {  	v9 =	vadd.f32 v12, v9;
	v12 =	vld [tilespmem:s28+$0x0];
	[tilespmem:v18+s23+$0x0] =	vst.idx.msk $0xffff, v11  }
0x2ea: {  	v11 =	vld [tilespmem:s28+$0xFFFFF680]  }
0x2eb: {  	[tilespmem:v15+s23+$0x0] =	vst.idx.msk $0xffff, v9;
	v9 =	vadd.f32 v17, v14;
	v14 =	vld [tilespmem:s28+$0xFFFFFE80]  }
0x2ec: {  	v15 =	vld [tilespmem:s28+$0xFFFFF700]  }
0x2ed: {  	s31 =	sadd.s32 $0x1A7, s0;
	[tilespmem:v10+s23+$0x0] =	vst.idx.msk $0xffff, v9;
	v9 =	vld [tilespmem:s28+$0xFFFFFF00]  }
0x2ee: {  	s30 =	sadd.s32 $0x1BF, s0;
	v17 =	vor.u32 s31, v8;
	v16 =	vld [tilespmem:s28+$0xFFFFF780]  }
0x2ef: {  	s10 =	sadd.s32 $0x1AF, s0;
	v10 =	vor.u32 s30, v8;
	v18 =	vld [tilespmem:s28+$0xFFFFFF80]  }
0x2f0: {  	s14 =	sadd.s32 $0x1B7, s0;
	v19 =	vor.u32 s10, v8  }
0x2f1: {  	v12 =	vadd.f32 v12, v13;
	v13 =	vor.u32 s14, v8;
	v11 =	vadd.f32 v14, v11;
	_ =	sdelay $0x1  }
0x2f2: {  	[tilespmem:v17+s23+$0x0] =	vst.idx.msk $0xffff, v11;
	v9 =	vadd.f32 v9, v15  }
0x2f3: {  	s28 =	simm.s32 $0x218;
	[tilespmem:v10+s23+$0x0] =	vst.idx.msk $0xffff, v12;
	v10 =	vadd.f32 v18, v16  }
0x2f4: {  	[tilespmem:v19+s23+$0x0] =	vst.idx.msk $0xffff, v9;
	v9 =	vmov s28  }
0x2f5: {  	s30 =	simm.s32 $0x208;
	[tilespmem:v13+s23+$0x0] =	vst.idx.msk $0xffff, v10;
	v9 =	vshrl.u32 v9, $0x3  }
0x2f6: {  	v11 =	vmov s30;
	v10 =	vld [tilespmem:s29+$0xFFFFF790];
	v9 =	vshll.u32 v9, v1  }
0x2f7: {  	v11 =	vshrl.u32 v11, $0x3;
	v12 =	vld [tilespmem:s29+$0xFFFFFF90];
	v9 =	vbroadcast v9, $0x0  }
0x2f8: {  	s1 =	simm.s32 $0x210;
	v11 =	vshll.u32 v11, v1;
	v14 =	vld [tilespmem:s29+$0xFFFFFE10]  }
0x2f9: {  	s31 =	simm.s32 $0x200;
	v16 =	vmov s1;
	v11 =	vbroadcast v11, $0x0;
	v15 =	vld [tilespmem:s29+$0xFFFFF690];
	v9 =	vor.u32 v0, v9  }
0x2fa: {  	v16 =	vshrl.u32 v16, $0x3;
	v13 =	vmov s31;
	v17 =	vld [tilespmem:s29+$0xFFFFFE90]  }
0x2fb: {  	v16 =	vshll.u32 v16, v1;
	v13 =	vshrl.u32 v13, $0x3;
	v18 =	vld [tilespmem:s29+$0xFFFFF710];
	v11 =	vor.u32 v0, v11  }
0x2fc: {  	s10 =	simm.s32 $0x219;
	v19 =	vld [tilespmem:s29+$0xFFFFFF10];
	v16 =	vbroadcast v16, $0x0;
	v13 =	vshll.u32 v13, v1;
	v10 =	vadd.f32 v12, v10  }
0x2fd: {  	v20 =	vmov s10;
	v13 =	vbroadcast v13, $0x0;
	v12 =	vld [tilespmem:s29+$0xFFFFF610]  }
0x2fe: {  	v16 =	vor.u32 v0, v16;
	[tilespmem:v9+s23+$0x0] =	vst.idx.msk $0xffff, v10;
	v9 =	vshrl.u32 v20, $0x3  }
0x2ff: {  	s14 =	simm.s32 $0x209;
	v10 =	vor.u32 v0, v13;
	v13 =	vadd.f32 v17, v15;
	v15 =	vld [tilespmem:s29+$0xFFFFF7A0];
	v9 =	vshll.u32 v9, v1  }
0x300: {  	s28 =	simm.s32 $0x201;
	v17 =	vmov s14;
	v20 =	vld [tilespmem:s29+$0xFFFFFFA0];
	v9 =	vbroadcast v9, $0x0  }
0x301: {  	v21 =	vmov s28;
	[tilespmem:v11+s23+$0x0] =	vst.idx.msk $0xffff, v13;
	v11 =	vshrl.u32 v17, $0x3;
	v13 =	vadd.f32 v19, v18  }
0x302: {  	v12 =	vadd.f32 v14, v12;
	v14 =	vld [tilespmem:s29+$0xFFFFF6A0];
	v11 =	vshll.u32 v11, v1;
	v9 =	vor.u32 v2, v9  }
0x303: {  	s30 =	simm.s32 $0x211;
	v17 =	vshrl.u32 v21, $0x3;
	v18 =	vld [tilespmem:s29+$0xFFFFFEA0];
	v11 =	vbroadcast v11, $0x0;
	[tilespmem:v16+s23+$0x0] =	vst.idx.msk $0xffff, v13  }
0x304: {  	v13 =	vmov s30;
	[tilespmem:v10+s23+$0x0] =	vst.idx.msk $0xffff, v12;
	v10 =	vshll.u32 v17, v1;
	v12 =	vld [tilespmem:s29+$0xFFFFF720]  }
0x305: {  	s31 =	simm.s32 $0x21A;
	v13 =	vshrl.u32 v13, $0x3;
	v16 =	vld [tilespmem:s29+$0xFFFFF620];
	v11 =	vor.u32 v2, v11;
	v15 =	vadd.f32 v20, v15  }
0x306: {  	v19 =	vmov s31;
	v10 =	vbroadcast v10, $0x0;
	v17 =	vld [tilespmem:s29+$0xFFFFFE20];
	v13 =	vshll.u32 v13, v1  }
0x307: {  	v20 =	vld [tilespmem:s29+$0xFFFFFF20];
	v13 =	vbroadcast v13, $0x0;
	[tilespmem:v9+s23+$0x0] =	vst.idx.msk $0xffff, v15;
	v9 =	vshrl.u32 v19, $0x3  }
0x308: {  	s1 =	simm.s32 $0x20A;
	v10 =	vor.u32 v2, v10;
	v14 =	vadd.f32 v18, v14;
	v15 =	vld [tilespmem:s29+$0xFFFFF7B0];
	v9 =	vshll.u32 v9, v1  }
0x309: {  	v18 =	vmov s1;
	v19 =	vld [tilespmem:s29+$0xFFFFFFB0];
	v9 =	vbroadcast v9, $0x0  }
0x30a: {  	v13 =	vor.u32 v2, v13;
	[tilespmem:v11+s23+$0x0] =	vst.idx.msk $0xffff, v14;
	v11 =	vshrl.u32 v18, $0x3  }
0x30b: {  	s10 =	simm.s32 $0x202;
	v14 =	vadd.f32 v17, v16;
	v16 =	vld [tilespmem:s29+$0xFFFFF6B0];
	v11 =	vshll.u32 v11, v1;
	v9 =	vor.u32 v3, v9  }
0x30c: {  	v17 =	vmov s10;
	v18 =	vld [tilespmem:s29+$0xFFFFFEB0];
	v11 =	vbroadcast v11, $0x0  }
0x30d: {  	v12 =	vadd.f32 v20, v12;
	v17 =	vshrl.u32 v17, $0x3;
	[tilespmem:v10+s23+$0x0] =	vst.idx.msk $0xffff, v14  }
0x30e: {  	s28 =	simm.s32 $0x21B;
	s14 =	simm.s32 $0x212;
	v10 =	vshll.u32 v17, v1;
	v14 =	vld [tilespmem:s29+$0xFFFFF630];
	v11 =	vor.u32 v3, v11;
	v15 =	vadd.f32 v19, v15  }
0x30f: {  	v17 =	vmov s28;
	[tilespmem:v13+s23+$0x0] =	vst.idx.msk $0xffff, v12;
	v12 =	vld [tilespmem:s29+$0xFFFFFE30];
	v10 =	vbroadcast v10, $0x0;
	v13 =	vmov s14  }
0x310: {  	v19 =	vld [tilespmem:s29+$0xFFFFF730];
	v13 =	vshrl.u32 v13, $0x3;
	[tilespmem:v9+s23+$0x0] =	vst.idx.msk $0xffff, v15;
	v9 =	vshrl.u32 v17, $0x3  }
0x311: {  	s30 =	simm.s32 $0x20B;
	v10 =	vor.u32 v3, v10;
	v15 =	vadd.f32 v18, v16;
	v16 =	vld [tilespmem:s29+$0xFFFFF7C0];
	v9 =	vshll.u32 v9, v1  }
0x312: {  	v13 =	vshll.u32 v13, v1;
	v17 =	vmov s30;
	v18 =	vld [tilespmem:s29+$0xFFFFFFC0];
	v9 =	vbroadcast v9, $0x0  }
0x313: {  	s31 =	simm.s32 $0x203;
	v13 =	vbroadcast v13, $0x0;
	v17 =	vshrl.u32 v17, $0x3;
	[tilespmem:v11+s23+$0x0] =	vst.idx.msk $0xffff, v15;
	v11 =	vld [tilespmem:s29+$0xFFFFFF30]  }
0x314: {  	v12 =	vadd.f32 v12, v14;
	v14 =	vmov s31;
	v15 =	vld [tilespmem:s29+$0xFFFFF6C0];
	v9 =	vor.u32 v4, v9  }
0x315: {  	v17 =	vshll.u32 v17, v1;
	v14 =	vshrl.u32 v14, $0x3;
	v20 =	vld [tilespmem:s29+$0xFFFFFEC0]  }
0x316: {  	v13 =	vor.u32 v3, v13;
	v17 =	vbroadcast v17, $0x0;
	[tilespmem:v10+s23+$0x0] =	vst.idx.msk $0xffff, v12;
	v10 =	vshll.u32 v14, v1  }
0x317: {  	s1 =	simm.s32 $0x21C;
	v12 =	vld [tilespmem:s29+$0xFFFFF640];
	v10 =	vbroadcast v10, $0x0;
	v14 =	vadd.f32 v18, v16  }
0x318: {  	v16 =	vor.u32 v4, v17;
	v17 =	vld [tilespmem:s29+$0xFFFFFE40];
	v18 =	vmov s1  }
0x319: {  	s10 =	simm.s32 $0x213;
	v10 =	vor.u32 v4, v10;
	v11 =	vadd.f32 v11, v19;
	[tilespmem:v9+s23+$0x0] =	vst.idx.msk $0xffff, v14;
	v9 =	vshrl.u32 v18, $0x3  }
0x31a: {  	s14 =	simm.s32 $0x20C;
	v14 =	vadd.f32 v20, v15;
	v15 =	vmov s10;
	v18 =	vld [tilespmem:s29+$0xFFFFF7D0];
	v9 =	vshll.u32 v9, v1  }
0x31b: {  	[tilespmem:v13+s23+$0x0] =	vst.idx.msk $0xffff, v11;
	v11 =	vmov s14;
	v13 =	vshrl.u32 v15, $0x3;
	v15 =	vld [tilespmem:s29+$0xFFFFFFD0];
	v9 =	vbroadcast v9, $0x0  }
0x31c: {  	v11 =	vshrl.u32 v11, $0x3;
	v19 =	vld [tilespmem:s29+$0xFFFFF740];
	v13 =	vshll.u32 v13, v1  }
0x31d: {  	s28 =	simm.s32 $0x204;
	[tilespmem:v16+s23+$0x0] =	vst.idx.msk $0xffff, v14;
	v12 =	vadd.f32 v17, v12;
	v14 =	vld [tilespmem:s29+$0xFFFFFF40];
	v13 =	vbroadcast v13, $0x0;
	v9 =	vor.u32 v5, v9  }
0x31e: {  	v16 =	vmov s28;
	v11 =	vshll.u32 v11, v1;
	v17 =	vld [tilespmem:s29+$0xFFFFF6D0]  }
0x31f: {  	v11 =	vbroadcast v11, $0x0;
	[tilespmem:v10+s23+$0x0] =	vst.idx.msk $0xffff, v12;
	v10 =	vshrl.u32 v16, $0x3;
	v12 =	vld [tilespmem:s29+$0xFFFFFED0];
	v13 =	vor.u32 v4, v13  }
0x320: {  	v16 =	vld [tilespmem:s29+$0xFFFFF650];
	v10 =	vshll.u32 v10, v1;
	v15 =	vadd.f32 v15, v18  }
0x321: {  	s30 =	simm.s32 $0x21D;
	v11 =	vor.u32 v5, v11;
	v18 =	vld [tilespmem:s29+$0xFFFFFE50];
	v10 =	vbroadcast v10, $0x0  }
0x322: {  	v20 =	vmov s30;
	v14 =	vadd.f32 v14, v19;
	[tilespmem:v9+s23+$0x0] =	vst.idx.msk $0xffff, v15  }
0x323: {  	s1 =	simm.s32 $0x214;
	v10 =	vor.u32 v5, v10;
	v9 =	vshrl.u32 v20, $0x3;
	v19 =	vld [tilespmem:s29+$0xFFFFF7E0]  }
0x324: {  	s31 =	simm.s32 $0x20D;
	v15 =	vmov s1;
	v12 =	vadd.f32 v12, v17;
	v9 =	vshll.u32 v9, v1;
	[tilespmem:v13+s23+$0x0] =	vst.idx.msk $0xffff, v14;
	v14 =	vld [tilespmem:s29+$0xFFFFFFE0]  }
0x325: {  	v62 =	vmov s31;
	v13 =	vshrl.u32 v15, $0x3;
	v9 =	vbroadcast v9, $0x0;
	v17 =	vld [tilespmem:s29+$0xFFFFF750]  }
0x326: {  	s10 =	simm.s32 $0x205;
	v15 =	vshrl.u32 v62, $0x3;
	v13 =	vshll.u32 v13, v1;
	v16 =	vadd.f32 v18, v16;
	[tilespmem:v11+s23+$0x0] =	vst.idx.msk $0xffff, v12;
	v11 =	vld [tilespmem:s29+$0xFFFFFF50]  }
0x327: {  	v12 =	vbroadcast v13, $0x0;
	v13 =	vmov s10;
	v18 =	vld [tilespmem:s29+$0xFFFFF6E0];
	v9 =	vor.u32 v6, v9  }
0x328: {  	v15 =	vshll.u32 v15, v1;
	[tilespmem:v10+s23+$0x0] =	vst.idx.msk $0xffff, v16;
	v10 =	vshrl.u32 v13, $0x3;
	v13 =	vld [tilespmem:s29+$0xFFFFFEE0]  }
0x329: {  	v15 =	vbroadcast v15, $0x0;
	v12 =	vor.u32 v5, v12;
	v10 =	vshll.u32 v10, v1  }
0x32a: {  	s14 =	simm.s32 $0x21E;
	v16 =	vld [tilespmem:s29+$0xFFFFF660];
	v14 =	vadd.f32 v14, v19;
	v10 =	vbroadcast v10, $0x0  }
0x32b: {  	v20 =	vmov s14;
	v15 =	vor.u32 v6, v15;
	v19 =	vld [tilespmem:s29+$0xFFFFFE60]  }
0x32c: {  	s28 =	simm.s32 $0x215;
	v11 =	vadd.f32 v11, v17;
	v17 =	vor.u32 v6, v10;
	[tilespmem:v9+s23+$0x0] =	vst.idx.msk $0xffff, v14;
	v9 =	vshrl.u32 v20, $0x3  }
0x32d: {  	s30 =	simm.s32 $0x20E;
	v10 =	vmov s28;
	v13 =	vadd.f32 v13, v18;
	v20 =	vld [tilespmem:s29+$0xFFFFF7F0];
	v9 =	vshll.u32 v9, v1  }
0x32e: {  	[tilespmem:v12+s23+$0x0] =	vst.idx.msk $0xffff, v11;
	v63 =	vld [tilespmem:s29+$0xFFFFFFF0];
	v11 =	vmov s30;
	v12 =	vshrl.u32 v10, $0x3;
	v18 =	vbroadcast v9, $0x0  }
0x32f: {  	v10 =	vld [tilespmem:s29+$0xFFFFF760];
	v11 =	vshrl.u32 v11, $0x3;
	v9 =	vshll.u32 v12, v1  }
0x330: {  	s31 =	simm.s32 $0x206;
	v12 =	vadd.f32 v19, v16;
	[tilespmem:v15+s23+$0x0] =	vst.idx.msk $0xffff, v13;
	v14 =	vld [tilespmem:s29+$0xFFFFFF60];
	v15 =	vbroadcast v9, $0x0;
	v13 =	vor.u32 v7, v18  }
0x331: {  	v16 =	vmov s31;
	v9 =	vld [tilespmem:s29+$0xFFFFF6F0];
	v11 =	vshll.u32 v11, v1  }
0x332: {  	v16 =	vshrl.u32 v16, $0x3;
	[tilespmem:v17+s23+$0x0] =	vst.idx.msk $0xffff, v12;
	v12 =	vld [tilespmem:s29+$0xFFFFFEF0];
	v17 =	vbroadcast v11, $0x0;
	v15 =	vor.u32 v6, v15  }
0x333: {  	s0 =	simm.s32 $0x0;
	s1 =	simm.s32 $0x51F0;
	v18 =	vshll.u32 v16, v1;
	v11 =	vld [tilespmem:s29+$0xFFFFF670];
	v16 =	vadd.f32 v63, v20  }
.LBB2_11:
0x334: {  	s10 =	sadd.s32 $0x238, s0;
	v19 =	vld [tilespmem:s29+$0xFFFFFE70];
	v18 =	vbroadcast v18, $0x0;
	v17 =	vor.u32 v7, v17;
	s1 =	sadd.s32 $0x200, s1;
	s30 =	smov.u32 s0  }
0x335: {  	v20 =	vld [tilespmem:s1+$0xFFFFF790];
	v21 =	vmov s10;
	v10 =	vadd.f32 v14, v10;
	s10 =	sadd.s32 $0x236, s25;
	[tilespmem:v13+s23+$0x0] =	vst.idx.msk $0xffff, v16  }
0x336: {  	s14 =	sadd.s32 $0x221, s0;
	v13 =	vshrl.u32 v21, $0x3;
	v14 =	vor.u32 v7, v18;
	v16 =	vmov s10;
	v18 =	vld [tilespmem:s29+$0xFFFFF800]  }
0x337: {  	s10 =	sadd.s32 $0x220, s0;
	v21 =	vmov s14;
	s14 =	sadd.s32 $0x228, s0;
	v13 =	vshll.u32 v13, v1;
	v9 =	vadd.f32 v12, v9;
	[tilespmem:v15+s23+$0x0] =	vst.idx.msk $0xffff, v10;
	v10 =	vld [tilespmem:s29+$0x0]  }
0x338: {  	v12 =	vmov s10;
	v15 =	vmov s14;
	s10 =	sadd.s32 $0x23F, s25;
	v22 =	vld [tilespmem:s1+$0xFFFFFF90];
	v13 =	vbroadcast v13, $0x0  }
0x339: {  	s14 =	sadd.s32 $0x230, s0;
	v15 =	vshrl.u32 v15, $0x3;
	v23 =	vld [tilespmem:s1+$0xFFFFFE10];
	v11 =	vadd.f32 v19, v11;
	[tilespmem:v17+s23+$0x0] =	vst.idx.msk $0xffff, v9;
	v9 =	vor.u32 s10, v8  }
0x33a: {  	v15 =	vshll.u32 v15, v1;
	v19 =	vmov s14;
	v17 =	vld [tilespmem:s1+$0xFFFFF690];
	v13 =	vor.u32 v0, v13  }
0x33b: {  	s0 =	sadd.s32 $0x20, s0;
	v12 =	vshrl.u32 v12, $0x3;
	v15 =	vbroadcast v15, $0x0;
	v19 =	vshrl.u32 v19, $0x3;
	v24 =	vld [tilespmem:s1+$0xFFFFFE90];
	[tilespmem:v14+s23+$0x0] =	vst.idx.msk $0xffff, v11  }
0x33c: {  	p0 =	slt.u32 s0, $0x60;
	v11 =	vshll.u32 v12, v1;
	v14 =	vshll.u32 v19, v1;
	v12 =	vld [tilespmem:s1+$0xFFFFF710];
	v10 =	vadd.f32 v10, v18  }
0x33d: {  	s10 =	sadd.s32 $0x229, s30;
	s14 =	sadd.s32 $0x239, s30;
	v15 =	vor.u32 v0, v15;
	v14 =	vbroadcast v14, $0x0;
	v18 =	vld [tilespmem:s1+$0xFFFFFF10];
	v19 =	vadd.f32 v22, v20  }
0x33e: {  	s28 =	simm.s32 $0x61F0;
	v25 =	vmov s14;
	v11 =	vbroadcast v11, $0x0;
	v22 =	vmov s10;
	v20 =	vld [tilespmem:s1+$0xFFFFF610];
	[tilespmem:v9+s23+$0x0] =	vst.idx.msk $0xffff, v10  }
0x33f: {  	v9 =	vor.u32 v0, v14;
	v10 =	vshrl.u32 v25, $0x3;
	v14 =	vshrl.u32 v16, $0x3;
	[tilespmem:v13+s23+$0x0] =	vst.idx.msk $0xffff, v19;
	v13 =	vld [tilespmem:s29+$0xFFFFF770]  }
0x340: {  	s10 =	sadd.s32 $0x231, s30;
	v11 =	vor.u32 v0, v11;
	v10 =	vshll.u32 v10, v1;
	v16 =	vadd.f32 v24, v17;
	v17 =	vld [tilespmem:s1+$0xFFFFF7A0]  }
0x341: {  	v19 =	vmov s10;
	v14 =	vshll.u32 v14, v1;
	v10 =	vbroadcast v10, $0x0;
	v24 =	vld [tilespmem:s1+$0xFFFFFFA0]  }
0x342: {  	v14 =	vbroadcast v14, $0x0;
	[tilespmem:v15+s23+$0x0] =	vst.idx.msk $0xffff, v16;
	v15 =	vshrl.u32 v22, $0x3;
	v12 =	vadd.f32 v18, v12;
	v16 =	vld [tilespmem:s29+$0xFFFFFF70]  }
0x343: {  	v10 =	vor.u32 v2, v10;
	v18 =	vadd.f32 v23, v20;
	v20 =	vld [tilespmem:s1+$0xFFFFF6A0];
	v15 =	vshll.u32 v15, v1  }
0x344: {  	v21 =	vshrl.u32 v21, $0x3;
	v22 =	vld [tilespmem:s1+$0xFFFFFEA0];
	v15 =	vbroadcast v15, $0x0;
	[tilespmem:v9+s23+$0x0] =	vst.idx.msk $0xffff, v12;
	v9 =	vor.u32 v7, v14  }
0x345: {  	v14 =	vshrl.u32 v19, $0x3;
	[tilespmem:v11+s23+$0x0] =	vst.idx.msk $0xffff, v18;
	v11 =	vshll.u32 v21, v1;
	v12 =	vld [tilespmem:s1+$0xFFFFF720]  }
0x346: {  	s10 =	sadd.s32 $0x23A, s30;
	v18 =	vld [tilespmem:s1+$0xFFFFF620];
	v11 =	vbroadcast v11, $0x0;
	v15 =	vor.u32 v2, v15;
	v17 =	vadd.f32 v24, v17  }
0x347: {  	v14 =	vshll.u32 v14, v1;
	v21 =	vmov s10;
	v19 =	vld [tilespmem:s1+$0xFFFFFE20];
	v13 =	vadd.f32 v16, v13  }
0x348: {  	v14 =	vbroadcast v14, $0x0;
	v11 =	vor.u32 v2, v11;
	v16 =	vld [tilespmem:s1+$0xFFFFFF20];
	[tilespmem:v10+s23+$0x0] =	vst.idx.msk $0xffff, v17;
	v10 =	vshrl.u32 v21, $0x3  }
0x349: {  	s10 =	sadd.s32 $0x22A, s30;
	v17 =	vadd.f32 v22, v20;
	v20 =	vld [tilespmem:s1+$0xFFFFF7B0];
	v10 =	vshll.u32 v10, v1;
	[tilespmem:v9+s23+$0x0] =	vst.idx.msk $0xffff, v13  }
0x34a: {  	s14 =	sadd.s32 $0x222, s30;
	v9 =	vmov s10;
	v13 =	vor.u32 v2, v14;
	v14 =	vld [tilespmem:s1+$0xFFFFFFB0];
	v10 =	vbroadcast v10, $0x0  }
0x34b: {  	v21 =	vmov s14;
	v9 =	vshrl.u32 v9, $0x3;
	[tilespmem:v15+s23+$0x0] =	vst.idx.msk $0xffff, v17;
	v15 =	vld [tilespmem:s29+$0xFFFFF680]  }
0x34c: {  	v9 =	vshll.u32 v9, v1;
	v17 =	vadd.f32 v19, v18;
	v18 =	vld [tilespmem:s1+$0xFFFFF6B0];
	v10 =	vor.u32 v3, v10  }
0x34d: {  	s10 =	sadd.s32 $0x227, s25;
	v19 =	vshrl.u32 v21, $0x3;
	v9 =	vbroadcast v9, $0x0;
	v21 =	vld [tilespmem:s1+$0xFFFFFEB0];
	v12 =	vadd.f32 v16, v12  }
0x34e: {  	s14 =	sadd.s32 $0x22B, s30;
	[tilespmem:v11+s23+$0x0] =	vst.idx.msk $0xffff, v17;
	v11 =	vshll.u32 v19, v1;
	v16 =	vld [tilespmem:s29+$0xFFFFFE80];
	v17 =	vor.u32 s10, v8  }
0x34f: {  	v22 =	vmov s14;
	s14 =	sadd.s32 $0x23B, s30;
	v9 =	vor.u32 v3, v9;
	s10 =	sadd.s32 $0x232, s30;
	v19 =	vld [tilespmem:s1+$0xFFFFF630];
	[tilespmem:v13+s23+$0x0] =	vst.idx.msk $0xffff, v12;
	v12 =	vadd.f32 v14, v20  }
0x350: {  	v11 =	vbroadcast v11, $0x0;
	v14 =	vmov s10;
	v20 =	vmov s14;
	v13 =	vld [tilespmem:s1+$0xFFFFFE30]  }
0x351: {  	v22 =	vshrl.u32 v22, $0x3;
	v14 =	vshrl.u32 v14, $0x3;
	v23 =	vld [tilespmem:s1+$0xFFFFF730];
	[tilespmem:v10+s23+$0x0] =	vst.idx.msk $0xffff, v12;
	v10 =	vshrl.u32 v20, $0x3  }
0x352: {  	v11 =	vor.u32 v3, v11;
	v12 =	vadd.f32 v21, v18;
	v18 =	vld [tilespmem:s1+$0xFFFFF7C0];
	v10 =	vshll.u32 v10, v1  }
0x353: {  	v14 =	vshll.u32 v14, v1;
	v20 =	vld [tilespmem:s1+$0xFFFFFFC0];
	v10 =	vbroadcast v10, $0x0;
	v15 =	vadd.f32 v16, v15  }
0x354: {  	s10 =	sadd.s32 $0x223, s30;
	v14 =	vbroadcast v14, $0x0;
	[tilespmem:v9+s23+$0x0] =	vst.idx.msk $0xffff, v12;
	v9 =	vshll.u32 v22, v1;
	v12 =	vld [tilespmem:s1+$0xFFFFFF30]  }
0x355: {  	v16 =	vmov s10;
	v13 =	vadd.f32 v13, v19;
	v19 =	vld [tilespmem:s1+$0xFFFFF6C0];
	v10 =	vor.u32 v4, v10;
	[tilespmem:v17+s23+$0x0] =	vst.idx.msk $0xffff, v15  }
0x356: {  	v14 =	vor.u32 v3, v14;
	v15 =	vshrl.u32 v16, $0x3;
	v9 =	vbroadcast v9, $0x0;
	v16 =	vld [tilespmem:s1+$0xFFFFFEC0]  }
0x357: {  	[tilespmem:v11+s23+$0x0] =	vst.idx.msk $0xffff, v13;
	v11 =	vshll.u32 v15, v1;
	v13 =	vld [tilespmem:s29+$0xFFFFF700]  }
0x358: {  	s10 =	sadd.s32 $0x23C, s30;
	v9 =	vor.u32 v4, v9;
	v15 =	vld [tilespmem:s1+$0xFFFFF640];
	v11 =	vbroadcast v11, $0x0;
	v17 =	vadd.f32 v20, v18  }
0x359: {  	v20 =	vmov s10;
	s10 =	sadd.s32 $0x22F, s25;
	v18 =	vld [tilespmem:s1+$0xFFFFFE40];
	v12 =	vadd.f32 v12, v23  }
0x35a: {  	s14 =	sadd.s32 $0x233, s30;
	v11 =	vor.u32 v4, v11;
	[tilespmem:v10+s23+$0x0] =	vst.idx.msk $0xffff, v17;
	v10 =	vshrl.u32 v20, $0x3;
	v17 =	vld [tilespmem:s29+$0xFFFFFF00];
	v20 =	vor.u32 s10, v8  }
0x35b: {  	s10 =	sadd.s32 $0x22C, s30;
	v16 =	vadd.f32 v16, v19;
	[tilespmem:v14+s23+$0x0] =	vst.idx.msk $0xffff, v12;
	v12 =	vmov s14;
	v14 =	vld [tilespmem:s1+$0xFFFFF7D0];
	v10 =	vshll.u32 v10, v1  }
0x35c: {  	v19 =	vmov s10;
	v12 =	vshrl.u32 v12, $0x3;
	v21 =	vld [tilespmem:s1+$0xFFFFFFD0];
	v10 =	vbroadcast v10, $0x0  }
0x35d: {  	[tilespmem:v9+s23+$0x0] =	vst.idx.msk $0xffff, v16;
	v9 =	vshrl.u32 v19, $0x3;
	v16 =	vld [tilespmem:s1+$0xFFFFF740];
	v12 =	vshll.u32 v12, v1  }
0x35e: {  	s10 =	sadd.s32 $0x224, s30;
	v15 =	vadd.f32 v18, v15;
	v18 =	vld [tilespmem:s1+$0xFFFFFF40];
	v12 =	vbroadcast v12, $0x0;
	v10 =	vor.u32 v5, v10  }
0x35f: {  	v19 =	vmov s10;
	v9 =	vshll.u32 v9, v1;
	v22 =	vld [tilespmem:s1+$0xFFFFF6D0];
	v13 =	vadd.f32 v17, v13  }
0x360: {  	v9 =	vbroadcast v9, $0x0;
	[tilespmem:v11+s23+$0x0] =	vst.idx.msk $0xffff, v15;
	v11 =	vshrl.u32 v19, $0x3;
	v15 =	vld [tilespmem:s1+$0xFFFFFED0];
	v12 =	vor.u32 v4, v12  }
0x361: {  	s10 =	sadd.s32 $0x23D, s30;
	v17 =	vld [tilespmem:s1+$0xFFFFF650];
	v11 =	vshll.u32 v11, v1;
	v14 =	vadd.f32 v21, v14;
	[tilespmem:v20+s23+$0x0] =	vst.idx.msk $0xffff, v13  }
0x362: {  	s14 =	sadd.s32 $0x22D, s30;
	v19 =	vmov s10;
	v9 =	vor.u32 v5, v9;
	v13 =	vld [tilespmem:s1+$0xFFFFFE50];
	v11 =	vbroadcast v11, $0x0  }
0x363: {  	s10 =	sadd.s32 $0x234, s30;
	v20 =	vmov s14;
	v16 =	vadd.f32 v18, v16;
	[tilespmem:v10+s23+$0x0] =	vst.idx.msk $0xffff, v14;
	v10 =	vshrl.u32 v19, $0x3;
	v18 =	vld [tilespmem:s29+$0xFFFFF780]  }
0x364: {  	v14 =	vmov s10;
	v11 =	vor.u32 v5, v11;
	v19 =	vld [tilespmem:s1+$0xFFFFF7E0];
	v10 =	vshll.u32 v10, v1  }
0x365: {  	v15 =	vadd.f32 v15, v22;
	[tilespmem:v12+s23+$0x0] =	vst.idx.msk $0xffff, v16;
	v12 =	vshrl.u32 v14, $0x3;
	v14 =	vld [tilespmem:s1+$0xFFFFFFE0];
	v10 =	vbroadcast v10, $0x0  }
0x366: {  	v16 =	vshrl.u32 v20, $0x3;
	v20 =	vld [tilespmem:s1+$0xFFFFF750];
	v12 =	vshll.u32 v12, v1  }
0x367: {  	s10 =	sadd.s32 $0x225, s30;
	v13 =	vadd.f32 v13, v17;
	[tilespmem:v9+s23+$0x0] =	vst.idx.msk $0xffff, v15;
	v9 =	vld [tilespmem:s1+$0xFFFFFF50];
	v12 =	vbroadcast v12, $0x0;
	v10 =	vor.u32 v6, v10  }
0x368: {  	v16 =	vshll.u32 v16, v1;
	v15 =	vmov s10;
	v17 =	vld [tilespmem:s1+$0xFFFFF6E0]  }
0x369: {  	s10 =	sadd.s32 $0x237, s25;
	s25 =	smov.u32 s30;
	[tilespmem:v11+s23+$0x0] =	vst.idx.msk $0xffff, v13;
	v11 =	vshrl.u32 v15, $0x3;
	v13 =	vld [tilespmem:s1+$0xFFFFFEE0];
	v15 =	vbroadcast v16, $0x0;
	v12 =	vor.u32 v5, v12  }
0x36a: {  	s14 =	sadd.s32 $0x23E, s25;
	v16 =	vld [tilespmem:s1+$0xFFFFF660];
	v11 =	vshll.u32 v11, v1;
	v14 =	vadd.f32 v14, v19;
	v19 =	vor.u32 s10, v8  }
0x36b: {  	v22 =	vmov s14;
	s10 =	sadd.s32 $0x22E, s25;
	v21 =	vld [tilespmem:s1+$0xFFFFFE60];
	v11 =	vbroadcast v11, $0x0;
	v15 =	vor.u32 v6, v15  }
0x36c: {  	v23 =	vmov s10;
	s10 =	sadd.s32 $0x235, s25;
	v9 =	vadd.f32 v9, v20;
	[tilespmem:v10+s23+$0x0] =	vst.idx.msk $0xffff, v14;
	v10 =	vshrl.u32 v22, $0x3;
	v20 =	vld [tilespmem:s29+$0xFFFFFF80];
	s29 =	smov.u32 s1  }
0x36d: {  	v14 =	vmov s10;
	v11 =	vor.u32 v6, v11;
	v22 =	vld [tilespmem:s1+$0xFFFFF7F0];
	v10 =	vshll.u32 v10, v1  }
0x36e: {  	v13 =	vadd.f32 v13, v17;
	[tilespmem:v12+s23+$0x0] =	vst.idx.msk $0xffff, v9;
	v9 =	vshrl.u32 v14, $0x3;
	v24 =	vld [tilespmem:s1+$0xFFFFFFF0];
	v12 =	vbroadcast v10, $0x0  }
.Ltmp4:
0x36f: {  	v17 =	vshrl.u32 v23, $0x3;
	v10 =	vld [tilespmem:s1+$0xFFFFF760];
	v9 =	vshll.u32 v9, v1;
	(pc) =	sbr.rel @p0 .LBB2_11-.Ltmp4, $4  }
0x370: {  	s10 =	sadd.s32 $0x226, s25;
	v16 =	vadd.f32 v21, v16;
	[tilespmem:v15+s23+$0x0] =	vst.idx.msk $0xffff, v13;
	v14 =	vld [tilespmem:s1+$0xFFFFFF60];
	v15 =	vbroadcast v9, $0x0;
	v13 =	vor.u32 v7, v12  }
0x371: {  	v17 =	vshll.u32 v17, v1;
	v12 =	vmov s10;
	v9 =	vld [tilespmem:s1+$0xFFFFF6F0];
	v20 =	vadd.f32 v20, v18  }
0x372: {  	v17 =	vbroadcast v17, $0x0;
	[tilespmem:v11+s23+$0x0] =	vst.idx.msk $0xffff, v16;
	v16 =	vshrl.u32 v12, $0x3;
	v12 =	vld [tilespmem:s1+$0xFFFFFEF0];
	v15 =	vor.u32 v6, v15  }
0x373: {  	v11 =	vld [tilespmem:s1+$0xFFFFF670];
	v18 =	vshll.u32 v16, v1;
	v16 =	vadd.f32 v24, v22;
	[tilespmem:v19+s23+$0x0] =	vst.idx.msk $0xffff, v20  }
0x374: {  	_ =	sdelay $0x1  }
0x375: {  	v19 =	vld [tilespmem:s29+$0xFFFFFE70];
	v18 =	vbroadcast v18, $0x0;
	s0 =	sadd.s32 $0x236, s25;
	v10 =	vadd.f32 v14, v10  }
0x376: {  	v14 =	vmov s0  }
0x377: {  	v18 =	vor.u32 v7, v18;
	[tilespmem:v15+s23+$0x0] =	vst.idx.msk $0xffff, v10;
	v10 =	vshrl.u32 v14, $0x3  }
0x378: {  	v14 =	vld [tilespmem:s29+$0xFFFFF770];
	v10 =	vshll.u32 v10, v1  }
0x379: {  	v15 =	vor.u32 v7, v17;
	v17 =	vld [tilespmem:s29+$0xFFFFFF70];
	v10 =	vbroadcast v10, $0x0  }
0x37a: {  	[tilespmem:v13+s23+$0x0] =	vst.idx.msk $0xffff, v16;
	v11 =	vadd.f32 v19, v11  }
0x37b: {  	v13 =	vld [tilespmem:s29+$0xFFFFF800];
	v10 =	vor.u32 v7, v10  }
0x37c: {  	v9 =	vadd.f32 v12, v9;
	v12 =	vld [tilespmem:s29+$0x0];
	[tilespmem:v18+s23+$0x0] =	vst.idx.msk $0xffff, v11  }
0x37d: {  	v11 =	vld [tilespmem:s29+$0xFFFFF680]  }
0x37e: {  	[tilespmem:v15+s23+$0x0] =	vst.idx.msk $0xffff, v9;
	v9 =	vadd.f32 v17, v14;
	v14 =	vld [tilespmem:s29+$0xFFFFFE80]  }
0x37f: {  	v15 =	vld [tilespmem:s29+$0xFFFFF700]  }
0x380: {  	s10 =	sadd.s32 $0x227, s25;
	[tilespmem:v10+s23+$0x0] =	vst.idx.msk $0xffff, v9;
	v9 =	vld [tilespmem:s29+$0xFFFFFF00]  }
0x381: {  	s1 =	sadd.s32 $0x23F, s25;
	v17 =	vor.u32 s10, v8;
	v16 =	vld [tilespmem:s29+$0xFFFFF780]  }
0x382: {  	s14 =	sadd.s32 $0x22F, s25;
	v10 =	vor.u32 s1, v8;
	v18 =	vld [tilespmem:s29+$0xFFFFFF80]  }
0x383: {  	s25 =	sadd.s32 $0x237, s25;
	v19 =	vor.u32 s14, v8  }
0x384: {  	v12 =	vadd.f32 v12, v13;
	v13 =	vor.u32 s25, v8;
	v11 =	vadd.f32 v14, v11;
	_ =	sdelay $0x1  }
0x385: {  	[tilespmem:v17+s23+$0x0] =	vst.idx.msk $0xffff, v11;
	v9 =	vadd.f32 v9, v15  }
0x386: {  	s29 =	simm.s32 $0x298;
	[tilespmem:v10+s23+$0x0] =	vst.idx.msk $0xffff, v12;
	v10 =	vadd.f32 v18, v16  }
0x387: {  	[tilespmem:v19+s23+$0x0] =	vst.idx.msk $0xffff, v9;
	v9 =	vmov s29  }
0x388: {  	s31 =	simm.s32 $0x288;
	[tilespmem:v13+s23+$0x0] =	vst.idx.msk $0xffff, v10;
	v9 =	vshrl.u32 v9, $0x3  }
0x389: {  	v11 =	vmov s31;
	v10 =	vld [tilespmem:s28+$0xFFFFF790];
	v9 =	vshll.u32 v9, v1  }
0x38a: {  	s1 =	simm.s32 $0x280;
	v11 =	vshrl.u32 v11, $0x3;
	v12 =	vld [tilespmem:s28+$0xFFFFFF90];
	v9 =	vbroadcast v9, $0x0  }
0x38b: {  	v11 =	vshll.u32 v11, v1;
	v13 =	vmov s1;
	s1 =	simm.s32 $0x290;
	v14 =	vld [tilespmem:s28+$0xFFFFFE10]  }
0x38c: {  	v11 =	vbroadcast v11, $0x0;
	v15 =	vld [tilespmem:s28+$0xFFFFF690];
	v16 =	vmov s1;
	v9 =	vor.u32 v0, v9  }
0x38d: {  	v17 =	vld [tilespmem:s28+$0xFFFFFE90];
	v16 =	vshrl.u32 v16, $0x3  }
0x38e: {  	v13 =	vshrl.u32 v13, $0x3;
	v18 =	vld [tilespmem:s28+$0xFFFFF710];
	v11 =	vor.u32 v0, v11;
	v16 =	vshll.u32 v16, v1  }
0x38f: {  	s10 =	simm.s32 $0x299;
	v19 =	vld [tilespmem:s28+$0xFFFFFF10];
	v13 =	vshll.u32 v13, v1;
	v16 =	vbroadcast v16, $0x0;
	v10 =	vadd.f32 v12, v10  }
0x390: {  	v20 =	vmov s10;
	v13 =	vbroadcast v13, $0x0;
	v12 =	vld [tilespmem:s28+$0xFFFFF610]  }
0x391: {  	v16 =	vor.u32 v0, v16;
	[tilespmem:v9+s23+$0x0] =	vst.idx.msk $0xffff, v10;
	v9 =	vshrl.u32 v20, $0x3  }
0x392: {  	s14 =	simm.s32 $0x289;
	v10 =	vor.u32 v0, v13;
	v13 =	vadd.f32 v17, v15;
	v15 =	vld [tilespmem:s28+$0xFFFFF7A0];
	v9 =	vshll.u32 v9, v1  }
0x393: {  	s25 =	simm.s32 $0x281;
	v17 =	vmov s14;
	v20 =	vld [tilespmem:s28+$0xFFFFFFA0];
	v9 =	vbroadcast v9, $0x0  }
0x394: {  	v21 =	vmov s25;
	[tilespmem:v11+s23+$0x0] =	vst.idx.msk $0xffff, v13;
	v11 =	vshrl.u32 v17, $0x3;
	v13 =	vadd.f32 v19, v18  }
0x395: {  	v12 =	vadd.f32 v14, v12;
	v14 =	vld [tilespmem:s28+$0xFFFFF6A0];
	v11 =	vshll.u32 v11, v1;
	v9 =	vor.u32 v2, v9  }
0x396: {  	s29 =	simm.s32 $0x291;
	v17 =	vshrl.u32 v21, $0x3;
	v18 =	vld [tilespmem:s28+$0xFFFFFEA0];
	v11 =	vbroadcast v11, $0x0;
	[tilespmem:v16+s23+$0x0] =	vst.idx.msk $0xffff, v13  }
0x397: {  	v13 =	vmov s29;
	[tilespmem:v10+s23+$0x0] =	vst.idx.msk $0xffff, v12;
	v10 =	vshll.u32 v17, v1;
	v12 =	vld [tilespmem:s28+$0xFFFFF720]  }
0x398: {  	s31 =	simm.s32 $0x29A;
	v13 =	vshrl.u32 v13, $0x3;
	v16 =	vld [tilespmem:s28+$0xFFFFF620];
	v11 =	vor.u32 v2, v11;
	v15 =	vadd.f32 v20, v15  }
0x399: {  	v19 =	vmov s31;
	v10 =	vbroadcast v10, $0x0;
	v17 =	vld [tilespmem:s28+$0xFFFFFE20];
	v13 =	vshll.u32 v13, v1  }
0x39a: {  	v20 =	vld [tilespmem:s28+$0xFFFFFF20];
	v13 =	vbroadcast v13, $0x0;
	[tilespmem:v9+s23+$0x0] =	vst.idx.msk $0xffff, v15;
	v9 =	vshrl.u32 v19, $0x3  }
0x39b: {  	s1 =	simm.s32 $0x28A;
	v10 =	vor.u32 v2, v10;
	v14 =	vadd.f32 v18, v14;
	v15 =	vld [tilespmem:s28+$0xFFFFF7B0];
	v9 =	vshll.u32 v9, v1  }
0x39c: {  	v18 =	vmov s1;
	v19 =	vld [tilespmem:s28+$0xFFFFFFB0];
	v9 =	vbroadcast v9, $0x0  }
0x39d: {  	v13 =	vor.u32 v2, v13;
	[tilespmem:v11+s23+$0x0] =	vst.idx.msk $0xffff, v14;
	v11 =	vshrl.u32 v18, $0x3  }
0x39e: {  	s10 =	simm.s32 $0x282;
	v14 =	vadd.f32 v17, v16;
	v16 =	vld [tilespmem:s28+$0xFFFFF6B0];
	v11 =	vshll.u32 v11, v1;
	v9 =	vor.u32 v3, v9  }
0x39f: {  	v17 =	vmov s10;
	v18 =	vld [tilespmem:s28+$0xFFFFFEB0];
	v11 =	vbroadcast v11, $0x0  }
0x3a0: {  	v12 =	vadd.f32 v20, v12;
	v17 =	vshrl.u32 v17, $0x3;
	[tilespmem:v10+s23+$0x0] =	vst.idx.msk $0xffff, v14  }
0x3a1: {  	s25 =	simm.s32 $0x29B;
	s14 =	simm.s32 $0x292;
	v10 =	vshll.u32 v17, v1;
	v14 =	vld [tilespmem:s28+$0xFFFFF630];
	v11 =	vor.u32 v3, v11;
	v15 =	vadd.f32 v19, v15  }
0x3a2: {  	v17 =	vmov s25;
	[tilespmem:v13+s23+$0x0] =	vst.idx.msk $0xffff, v12;
	v12 =	vld [tilespmem:s28+$0xFFFFFE30];
	v10 =	vbroadcast v10, $0x0;
	v13 =	vmov s14  }
0x3a3: {  	v19 =	vld [tilespmem:s28+$0xFFFFF730];
	v13 =	vshrl.u32 v13, $0x3;
	[tilespmem:v9+s23+$0x0] =	vst.idx.msk $0xffff, v15;
	v9 =	vshrl.u32 v17, $0x3  }
0x3a4: {  	s29 =	simm.s32 $0x28B;
	v10 =	vor.u32 v3, v10;
	v15 =	vadd.f32 v18, v16;
	v16 =	vld [tilespmem:s28+$0xFFFFF7C0];
	v9 =	vshll.u32 v9, v1  }
0x3a5: {  	v13 =	vshll.u32 v13, v1;
	v17 =	vmov s29;
	v18 =	vld [tilespmem:s28+$0xFFFFFFC0];
	v9 =	vbroadcast v9, $0x0  }
0x3a6: {  	s31 =	simm.s32 $0x283;
	v13 =	vbroadcast v13, $0x0;
	v17 =	vshrl.u32 v17, $0x3;
	[tilespmem:v11+s23+$0x0] =	vst.idx.msk $0xffff, v15;
	v11 =	vld [tilespmem:s28+$0xFFFFFF30]  }
0x3a7: {  	v12 =	vadd.f32 v12, v14;
	v14 =	vmov s31;
	v15 =	vld [tilespmem:s28+$0xFFFFF6C0];
	v9 =	vor.u32 v4, v9  }
0x3a8: {  	v17 =	vshll.u32 v17, v1;
	v14 =	vshrl.u32 v14, $0x3;
	v20 =	vld [tilespmem:s28+$0xFFFFFEC0]  }
0x3a9: {  	v13 =	vor.u32 v3, v13;
	v17 =	vbroadcast v17, $0x0;
	[tilespmem:v10+s23+$0x0] =	vst.idx.msk $0xffff, v12;
	v10 =	vshll.u32 v14, v1  }
0x3aa: {  	s1 =	simm.s32 $0x29C;
	v12 =	vld [tilespmem:s28+$0xFFFFF640];
	v10 =	vbroadcast v10, $0x0;
	v14 =	vadd.f32 v18, v16  }
0x3ab: {  	v16 =	vor.u32 v4, v17;
	v17 =	vld [tilespmem:s28+$0xFFFFFE40];
	v18 =	vmov s1  }
0x3ac: {  	s10 =	simm.s32 $0x293;
	v10 =	vor.u32 v4, v10;
	v11 =	vadd.f32 v11, v19;
	[tilespmem:v9+s23+$0x0] =	vst.idx.msk $0xffff, v14;
	v9 =	vshrl.u32 v18, $0x3  }
0x3ad: {  	s14 =	simm.s32 $0x28C;
	v14 =	vadd.f32 v20, v15;
	v15 =	vmov s10;
	v18 =	vld [tilespmem:s28+$0xFFFFF7D0];
	v9 =	vshll.u32 v9, v1  }
0x3ae: {  	[tilespmem:v13+s23+$0x0] =	vst.idx.msk $0xffff, v11;
	v11 =	vmov s14;
	v13 =	vshrl.u32 v15, $0x3;
	v15 =	vld [tilespmem:s28+$0xFFFFFFD0];
	v9 =	vbroadcast v9, $0x0  }
0x3af: {  	v11 =	vshrl.u32 v11, $0x3;
	v19 =	vld [tilespmem:s28+$0xFFFFF740];
	v13 =	vshll.u32 v13, v1  }
0x3b0: {  	s25 =	simm.s32 $0x284;
	[tilespmem:v16+s23+$0x0] =	vst.idx.msk $0xffff, v14;
	v12 =	vadd.f32 v17, v12;
	v14 =	vld [tilespmem:s28+$0xFFFFFF40];
	v13 =	vbroadcast v13, $0x0;
	v9 =	vor.u32 v5, v9  }
0x3b1: {  	v16 =	vmov s25;
	v11 =	vshll.u32 v11, v1;
	v17 =	vld [tilespmem:s28+$0xFFFFF6D0]  }
0x3b2: {  	v11 =	vbroadcast v11, $0x0;
	[tilespmem:v10+s23+$0x0] =	vst.idx.msk $0xffff, v12;
	v10 =	vshrl.u32 v16, $0x3;
	v12 =	vld [tilespmem:s28+$0xFFFFFED0];
	v13 =	vor.u32 v4, v13  }
0x3b3: {  	v16 =	vld [tilespmem:s28+$0xFFFFF650];
	v10 =	vshll.u32 v10, v1;
	v15 =	vadd.f32 v15, v18  }
0x3b4: {  	s29 =	simm.s32 $0x29D;
	v11 =	vor.u32 v5, v11;
	v18 =	vld [tilespmem:s28+$0xFFFFFE50];
	v10 =	vbroadcast v10, $0x0  }
0x3b5: {  	v20 =	vmov s29;
	v14 =	vadd.f32 v14, v19;
	[tilespmem:v9+s23+$0x0] =	vst.idx.msk $0xffff, v15  }
0x3b6: {  	s1 =	simm.s32 $0x294;
	v10 =	vor.u32 v5, v10;
	v9 =	vshrl.u32 v20, $0x3;
	v19 =	vld [tilespmem:s28+$0xFFFFF7E0]  }
0x3b7: {  	s31 =	simm.s32 $0x28D;
	v15 =	vmov s1;
	v12 =	vadd.f32 v12, v17;
	v9 =	vshll.u32 v9, v1;
	[tilespmem:v13+s23+$0x0] =	vst.idx.msk $0xffff, v14;
	v14 =	vld [tilespmem:s28+$0xFFFFFFE0]  }
0x3b8: {  	v62 =	vmov s31;
	v13 =	vshrl.u32 v15, $0x3;
	v9 =	vbroadcast v9, $0x0;
	v17 =	vld [tilespmem:s28+$0xFFFFF750]  }
0x3b9: {  	s10 =	simm.s32 $0x285;
	v15 =	vshrl.u32 v62, $0x3;
	v13 =	vshll.u32 v13, v1;
	v16 =	vadd.f32 v18, v16;
	[tilespmem:v11+s23+$0x0] =	vst.idx.msk $0xffff, v12;
	v11 =	vld [tilespmem:s28+$0xFFFFFF50]  }
0x3ba: {  	v12 =	vbroadcast v13, $0x0;
	v13 =	vmov s10;
	v18 =	vld [tilespmem:s28+$0xFFFFF6E0];
	v9 =	vor.u32 v6, v9  }
0x3bb: {  	v15 =	vshll.u32 v15, v1;
	[tilespmem:v10+s23+$0x0] =	vst.idx.msk $0xffff, v16;
	v10 =	vshrl.u32 v13, $0x3;
	v13 =	vld [tilespmem:s28+$0xFFFFFEE0]  }
0x3bc: {  	v15 =	vbroadcast v15, $0x0;
	v12 =	vor.u32 v5, v12;
	v10 =	vshll.u32 v10, v1  }
0x3bd: {  	s14 =	simm.s32 $0x29E;
	v16 =	vld [tilespmem:s28+$0xFFFFF660];
	v14 =	vadd.f32 v14, v19;
	v10 =	vbroadcast v10, $0x0  }
0x3be: {  	v20 =	vmov s14;
	v15 =	vor.u32 v6, v15;
	v19 =	vld [tilespmem:s28+$0xFFFFFE60]  }
0x3bf: {  	s25 =	simm.s32 $0x295;
	v11 =	vadd.f32 v11, v17;
	v17 =	vor.u32 v6, v10;
	[tilespmem:v9+s23+$0x0] =	vst.idx.msk $0xffff, v14;
	v9 =	vshrl.u32 v20, $0x3  }
0x3c0: {  	s29 =	simm.s32 $0x28E;
	v10 =	vmov s25;
	v13 =	vadd.f32 v13, v18;
	v20 =	vld [tilespmem:s28+$0xFFFFF7F0];
	v9 =	vshll.u32 v9, v1  }
0x3c1: {  	[tilespmem:v12+s23+$0x0] =	vst.idx.msk $0xffff, v11;
	v63 =	vld [tilespmem:s28+$0xFFFFFFF0];
	v11 =	vmov s29;
	v12 =	vshrl.u32 v10, $0x3;
	v18 =	vbroadcast v9, $0x0  }
0x3c2: {  	v10 =	vld [tilespmem:s28+$0xFFFFF760];
	v11 =	vshrl.u32 v11, $0x3;
	v9 =	vshll.u32 v12, v1  }
0x3c3: {  	s31 =	simm.s32 $0x286;
	v12 =	vadd.f32 v19, v16;
	[tilespmem:v15+s23+$0x0] =	vst.idx.msk $0xffff, v13;
	v14 =	vld [tilespmem:s28+$0xFFFFFF60];
	v15 =	vbroadcast v9, $0x0;
	v13 =	vor.u32 v7, v18  }
0x3c4: {  	v16 =	vmov s31;
	v9 =	vld [tilespmem:s28+$0xFFFFF6F0];
	v11 =	vshll.u32 v11, v1  }
0x3c5: {  	s30 =	simm.s32 $0x0;
	v16 =	vshrl.u32 v16, $0x3;
	[tilespmem:v17+s23+$0x0] =	vst.idx.msk $0xffff, v12;
	v12 =	vld [tilespmem:s28+$0xFFFFFEF0];
	v17 =	vbroadcast v11, $0x0;
	v15 =	vor.u32 v6, v15  }
0x3c6: {  	s0 =	simm.s32 $0xFFFFFFE0;
	s1 =	simm.s32 $0x61F0;
	s25 =	simm.s32 $0xFFFFFFE0;
	v18 =	vshll.u32 v16, v1;
	v11 =	vld [tilespmem:s28+$0xFFFFF670];
	v16 =	vadd.f32 v63, v20  }
.LBB2_13:
0x3c7: {  	s10 =	sadd.s32 $0x2B8, s30;
	v19 =	vld [tilespmem:s28+$0xFFFFFE70];
	v18 =	vbroadcast v18, $0x0;
	v17 =	vor.u32 v7, v17;
	s1 =	sadd.s32 $0x200, s1;
	s31 =	smov.u32 s30  }
0x3c8: {  	v20 =	vld [tilespmem:s1+$0xFFFFF790];
	v21 =	vmov s10;
	v10 =	vadd.f32 v14, v10;
	s10 =	sadd.s32 $0x2B6, s0;
	[tilespmem:v13+s23+$0x0] =	vst.idx.msk $0xffff, v16  }
0x3c9: {  	s14 =	sadd.s32 $0x2A1, s30;
	v13 =	vshrl.u32 v21, $0x3;
	v14 =	vor.u32 v7, v18;
	v16 =	vmov s10;
	v18 =	vld [tilespmem:s28+$0xFFFFF800]  }
0x3ca: {  	s10 =	sadd.s32 $0x2A0, s30;
	v21 =	vmov s14;
	s14 =	sadd.s32 $0x2A8, s30;
	v13 =	vshll.u32 v13, v1;
	v9 =	vadd.f32 v12, v9;
	[tilespmem:v15+s23+$0x0] =	vst.idx.msk $0xffff, v10;
	v10 =	vld [tilespmem:s28+$0x0]  }
0x3cb: {  	v12 =	vmov s10;
	v15 =	vmov s14;
	s10 =	sadd.s32 $0x2BF, s0;
	v22 =	vld [tilespmem:s1+$0xFFFFFF90];
	v13 =	vbroadcast v13, $0x0  }
0x3cc: {  	s14 =	sadd.s32 $0x2B0, s30;
	v15 =	vshrl.u32 v15, $0x3;
	v23 =	vld [tilespmem:s1+$0xFFFFFE10];
	v11 =	vadd.f32 v19, v11;
	[tilespmem:v17+s23+$0x0] =	vst.idx.msk $0xffff, v9;
	v9 =	vor.u32 s10, v8  }
0x3cd: {  	v15 =	vshll.u32 v15, v1;
	v19 =	vmov s14;
	v17 =	vld [tilespmem:s1+$0xFFFFF690];
	v13 =	vor.u32 v0, v13  }
0x3ce: {  	s30 =	sadd.s32 $0x20, s30;
	v12 =	vshrl.u32 v12, $0x3;
	v15 =	vbroadcast v15, $0x0;
	v19 =	vshrl.u32 v19, $0x3;
	v24 =	vld [tilespmem:s1+$0xFFFFFE90];
	[tilespmem:v14+s23+$0x0] =	vst.idx.msk $0xffff, v11  }
0x3cf: {  	p0 =	slt.u32 s30, $0x60;
	v11 =	vshll.u32 v12, v1;
	v14 =	vshll.u32 v19, v1;
	v12 =	vld [tilespmem:s1+$0xFFFFF710];
	v10 =	vadd.f32 v10, v18  }
0x3d0: {  	s10 =	sadd.s32 $0x2A9, s31;
	s14 =	sadd.s32 $0x2B9, s31;
	v15 =	vor.u32 v0, v15;
	v14 =	vbroadcast v14, $0x0;
	v18 =	vld [tilespmem:s1+$0xFFFFFF10];
	v19 =	vadd.f32 v22, v20  }
0x3d1: {  	s29 =	simm.s32 $0x71F0;
	v25 =	vmov s14;
	v11 =	vbroadcast v11, $0x0;
	v22 =	vmov s10;
	v20 =	vld [tilespmem:s1+$0xFFFFF610];
	[tilespmem:v9+s23+$0x0] =	vst.idx.msk $0xffff, v10  }
0x3d2: {  	v9 =	vor.u32 v0, v14;
	v10 =	vshrl.u32 v25, $0x3;
	v14 =	vshrl.u32 v16, $0x3;
	[tilespmem:v13+s23+$0x0] =	vst.idx.msk $0xffff, v19;
	v13 =	vld [tilespmem:s28+$0xFFFFF770]  }
0x3d3: {  	s10 =	sadd.s32 $0x2B1, s31;
	v11 =	vor.u32 v0, v11;
	v10 =	vshll.u32 v10, v1;
	v16 =	vadd.f32 v24, v17;
	v17 =	vld [tilespmem:s1+$0xFFFFF7A0]  }
0x3d4: {  	v19 =	vmov s10;
	v14 =	vshll.u32 v14, v1;
	v10 =	vbroadcast v10, $0x0;
	v24 =	vld [tilespmem:s1+$0xFFFFFFA0]  }
0x3d5: {  	v14 =	vbroadcast v14, $0x0;
	[tilespmem:v15+s23+$0x0] =	vst.idx.msk $0xffff, v16;
	v15 =	vshrl.u32 v22, $0x3;
	v12 =	vadd.f32 v18, v12;
	v16 =	vld [tilespmem:s28+$0xFFFFFF70]  }
0x3d6: {  	v10 =	vor.u32 v2, v10;
	v18 =	vadd.f32 v23, v20;
	v20 =	vld [tilespmem:s1+$0xFFFFF6A0];
	v15 =	vshll.u32 v15, v1  }
0x3d7: {  	v21 =	vshrl.u32 v21, $0x3;
	v22 =	vld [tilespmem:s1+$0xFFFFFEA0];
	v15 =	vbroadcast v15, $0x0;
	[tilespmem:v9+s23+$0x0] =	vst.idx.msk $0xffff, v12;
	v9 =	vor.u32 v7, v14  }
0x3d8: {  	v14 =	vshrl.u32 v19, $0x3;
	[tilespmem:v11+s23+$0x0] =	vst.idx.msk $0xffff, v18;
	v11 =	vshll.u32 v21, v1;
	v12 =	vld [tilespmem:s1+$0xFFFFF720]  }
0x3d9: {  	s10 =	sadd.s32 $0x2BA, s31;
	v18 =	vld [tilespmem:s1+$0xFFFFF620];
	v11 =	vbroadcast v11, $0x0;
	v15 =	vor.u32 v2, v15;
	v17 =	vadd.f32 v24, v17  }
0x3da: {  	v14 =	vshll.u32 v14, v1;
	v21 =	vmov s10;
	v19 =	vld [tilespmem:s1+$0xFFFFFE20];
	v13 =	vadd.f32 v16, v13  }
0x3db: {  	v14 =	vbroadcast v14, $0x0;
	v11 =	vor.u32 v2, v11;
	v16 =	vld [tilespmem:s1+$0xFFFFFF20];
	[tilespmem:v10+s23+$0x0] =	vst.idx.msk $0xffff, v17;
	v10 =	vshrl.u32 v21, $0x3  }
0x3dc: {  	s10 =	sadd.s32 $0x2AA, s31;
	v17 =	vadd.f32 v22, v20;
	v20 =	vld [tilespmem:s1+$0xFFFFF7B0];
	v10 =	vshll.u32 v10, v1;
	[tilespmem:v9+s23+$0x0] =	vst.idx.msk $0xffff, v13  }
0x3dd: {  	s14 =	sadd.s32 $0x2A2, s31;
	v9 =	vmov s10;
	v13 =	vor.u32 v2, v14;
	v14 =	vld [tilespmem:s1+$0xFFFFFFB0];
	v10 =	vbroadcast v10, $0x0  }
0x3de: {  	v21 =	vmov s14;
	v9 =	vshrl.u32 v9, $0x3;
	[tilespmem:v15+s23+$0x0] =	vst.idx.msk $0xffff, v17;
	v15 =	vld [tilespmem:s28+$0xFFFFF680]  }
0x3df: {  	v9 =	vshll.u32 v9, v1;
	v17 =	vadd.f32 v19, v18;
	v18 =	vld [tilespmem:s1+$0xFFFFF6B0];
	v10 =	vor.u32 v3, v10  }
0x3e0: {  	s10 =	sadd.s32 $0x2A7, s0;
	v19 =	vshrl.u32 v21, $0x3;
	v9 =	vbroadcast v9, $0x0;
	v21 =	vld [tilespmem:s1+$0xFFFFFEB0];
	v12 =	vadd.f32 v16, v12  }
0x3e1: {  	s14 =	sadd.s32 $0x2AB, s31;
	[tilespmem:v11+s23+$0x0] =	vst.idx.msk $0xffff, v17;
	v11 =	vshll.u32 v19, v1;
	v16 =	vld [tilespmem:s28+$0xFFFFFE80];
	v17 =	vor.u32 s10, v8  }
0x3e2: {  	v22 =	vmov s14;
	s14 =	sadd.s32 $0x2BB, s31;
	v9 =	vor.u32 v3, v9;
	s10 =	sadd.s32 $0x2B2, s31;
	v19 =	vld [tilespmem:s1+$0xFFFFF630];
	[tilespmem:v13+s23+$0x0] =	vst.idx.msk $0xffff, v12;
	v12 =	vadd.f32 v14, v20  }
0x3e3: {  	v11 =	vbroadcast v11, $0x0;
	v14 =	vmov s10;
	v20 =	vmov s14;
	v13 =	vld [tilespmem:s1+$0xFFFFFE30]  }
0x3e4: {  	v22 =	vshrl.u32 v22, $0x3;
	v14 =	vshrl.u32 v14, $0x3;
	v23 =	vld [tilespmem:s1+$0xFFFFF730];
	[tilespmem:v10+s23+$0x0] =	vst.idx.msk $0xffff, v12;
	v10 =	vshrl.u32 v20, $0x3  }
0x3e5: {  	v11 =	vor.u32 v3, v11;
	v12 =	vadd.f32 v21, v18;
	v18 =	vld [tilespmem:s1+$0xFFFFF7C0];
	v10 =	vshll.u32 v10, v1  }
0x3e6: {  	v14 =	vshll.u32 v14, v1;
	v20 =	vld [tilespmem:s1+$0xFFFFFFC0];
	v10 =	vbroadcast v10, $0x0;
	v15 =	vadd.f32 v16, v15  }
0x3e7: {  	s10 =	sadd.s32 $0x2A3, s31;
	v14 =	vbroadcast v14, $0x0;
	[tilespmem:v9+s23+$0x0] =	vst.idx.msk $0xffff, v12;
	v9 =	vshll.u32 v22, v1;
	v12 =	vld [tilespmem:s1+$0xFFFFFF30]  }
0x3e8: {  	v16 =	vmov s10;
	v13 =	vadd.f32 v13, v19;
	v19 =	vld [tilespmem:s1+$0xFFFFF6C0];
	v10 =	vor.u32 v4, v10;
	[tilespmem:v17+s23+$0x0] =	vst.idx.msk $0xffff, v15  }
0x3e9: {  	v14 =	vor.u32 v3, v14;
	v15 =	vshrl.u32 v16, $0x3;
	v9 =	vbroadcast v9, $0x0;
	v16 =	vld [tilespmem:s1+$0xFFFFFEC0]  }
0x3ea: {  	[tilespmem:v11+s23+$0x0] =	vst.idx.msk $0xffff, v13;
	v11 =	vshll.u32 v15, v1;
	v13 =	vld [tilespmem:s28+$0xFFFFF700]  }
0x3eb: {  	s10 =	sadd.s32 $0x2BC, s31;
	v9 =	vor.u32 v4, v9;
	v15 =	vld [tilespmem:s1+$0xFFFFF640];
	v11 =	vbroadcast v11, $0x0;
	v17 =	vadd.f32 v20, v18  }
0x3ec: {  	v20 =	vmov s10;
	s10 =	sadd.s32 $0x2AF, s0;
	v18 =	vld [tilespmem:s1+$0xFFFFFE40];
	v12 =	vadd.f32 v12, v23  }
0x3ed: {  	s14 =	sadd.s32 $0x2B3, s31;
	v11 =	vor.u32 v4, v11;
	[tilespmem:v10+s23+$0x0] =	vst.idx.msk $0xffff, v17;
	v10 =	vshrl.u32 v20, $0x3;
	v17 =	vld [tilespmem:s28+$0xFFFFFF00];
	v20 =	vor.u32 s10, v8  }
0x3ee: {  	s10 =	sadd.s32 $0x2AC, s31;
	v16 =	vadd.f32 v16, v19;
	[tilespmem:v14+s23+$0x0] =	vst.idx.msk $0xffff, v12;
	v12 =	vmov s14;
	v14 =	vld [tilespmem:s1+$0xFFFFF7D0];
	v10 =	vshll.u32 v10, v1  }
0x3ef: {  	v19 =	vmov s10;
	v12 =	vshrl.u32 v12, $0x3;
	v21 =	vld [tilespmem:s1+$0xFFFFFFD0];
	v10 =	vbroadcast v10, $0x0  }
0x3f0: {  	[tilespmem:v9+s23+$0x0] =	vst.idx.msk $0xffff, v16;
	v9 =	vshrl.u32 v19, $0x3;
	v16 =	vld [tilespmem:s1+$0xFFFFF740];
	v12 =	vshll.u32 v12, v1  }
0x3f1: {  	s10 =	sadd.s32 $0x2A4, s31;
	v15 =	vadd.f32 v18, v15;
	v18 =	vld [tilespmem:s1+$0xFFFFFF40];
	v12 =	vbroadcast v12, $0x0;
	v10 =	vor.u32 v5, v10  }
0x3f2: {  	v19 =	vmov s10;
	v9 =	vshll.u32 v9, v1;
	v22 =	vld [tilespmem:s1+$0xFFFFF6D0];
	v13 =	vadd.f32 v17, v13  }
0x3f3: {  	v9 =	vbroadcast v9, $0x0;
	[tilespmem:v11+s23+$0x0] =	vst.idx.msk $0xffff, v15;
	v11 =	vshrl.u32 v19, $0x3;
	v15 =	vld [tilespmem:s1+$0xFFFFFED0];
	v12 =	vor.u32 v4, v12  }
0x3f4: {  	s10 =	sadd.s32 $0x2BD, s31;
	v17 =	vld [tilespmem:s1+$0xFFFFF650];
	v11 =	vshll.u32 v11, v1;
	v14 =	vadd.f32 v21, v14;
	[tilespmem:v20+s23+$0x0] =	vst.idx.msk $0xffff, v13  }
0x3f5: {  	s14 =	sadd.s32 $0x2AD, s31;
	v19 =	vmov s10;
	v9 =	vor.u32 v5, v9;
	v13 =	vld [tilespmem:s1+$0xFFFFFE50];
	v11 =	vbroadcast v11, $0x0  }
0x3f6: {  	s10 =	sadd.s32 $0x2B4, s31;
	v20 =	vmov s14;
	v16 =	vadd.f32 v18, v16;
	[tilespmem:v10+s23+$0x0] =	vst.idx.msk $0xffff, v14;
	v10 =	vshrl.u32 v19, $0x3;
	v18 =	vld [tilespmem:s28+$0xFFFFF780]  }
0x3f7: {  	v14 =	vmov s10;
	v11 =	vor.u32 v5, v11;
	v19 =	vld [tilespmem:s1+$0xFFFFF7E0];
	v10 =	vshll.u32 v10, v1  }
0x3f8: {  	v15 =	vadd.f32 v15, v22;
	[tilespmem:v12+s23+$0x0] =	vst.idx.msk $0xffff, v16;
	v12 =	vshrl.u32 v14, $0x3;
	v14 =	vld [tilespmem:s1+$0xFFFFFFE0];
	v10 =	vbroadcast v10, $0x0  }
0x3f9: {  	v16 =	vshrl.u32 v20, $0x3;
	v20 =	vld [tilespmem:s1+$0xFFFFF750];
	v12 =	vshll.u32 v12, v1  }
0x3fa: {  	s10 =	sadd.s32 $0x2A5, s31;
	v13 =	vadd.f32 v13, v17;
	[tilespmem:v9+s23+$0x0] =	vst.idx.msk $0xffff, v15;
	v9 =	vld [tilespmem:s1+$0xFFFFFF50];
	v12 =	vbroadcast v12, $0x0;
	v10 =	vor.u32 v6, v10  }
0x3fb: {  	v16 =	vshll.u32 v16, v1;
	v15 =	vmov s10;
	v17 =	vld [tilespmem:s1+$0xFFFFF6E0]  }
0x3fc: {  	s10 =	sadd.s32 $0x2B7, s0;
	s0 =	smov.u32 s31;
	[tilespmem:v11+s23+$0x0] =	vst.idx.msk $0xffff, v13;
	v11 =	vshrl.u32 v15, $0x3;
	v13 =	vld [tilespmem:s1+$0xFFFFFEE0];
	v15 =	vbroadcast v16, $0x0;
	v12 =	vor.u32 v5, v12  }
0x3fd: {  	s14 =	sadd.s32 $0x2BE, s0;
	v16 =	vld [tilespmem:s1+$0xFFFFF660];
	v11 =	vshll.u32 v11, v1;
	v14 =	vadd.f32 v14, v19;
	v19 =	vor.u32 s10, v8  }
0x3fe: {  	v22 =	vmov s14;
	s10 =	sadd.s32 $0x2AE, s0;
	v21 =	vld [tilespmem:s1+$0xFFFFFE60];
	v11 =	vbroadcast v11, $0x0;
	v15 =	vor.u32 v6, v15  }
0x3ff: {  	v23 =	vmov s10;
	s10 =	sadd.s32 $0x2B5, s0;
	v9 =	vadd.f32 v9, v20;
	[tilespmem:v10+s23+$0x0] =	vst.idx.msk $0xffff, v14;
	v10 =	vshrl.u32 v22, $0x3;
	v20 =	vld [tilespmem:s28+$0xFFFFFF80];
	s28 =	smov.u32 s1  }
0x400: {  	v14 =	vmov s10;
	v11 =	vor.u32 v6, v11;
	v22 =	vld [tilespmem:s1+$0xFFFFF7F0];
	v10 =	vshll.u32 v10, v1  }
0x401: {  	v13 =	vadd.f32 v13, v17;
	[tilespmem:v12+s23+$0x0] =	vst.idx.msk $0xffff, v9;
	v9 =	vshrl.u32 v14, $0x3;
	v24 =	vld [tilespmem:s1+$0xFFFFFFF0];
	v12 =	vbroadcast v10, $0x0  }
.Ltmp5:
0x402: {  	v17 =	vshrl.u32 v23, $0x3;
	v10 =	vld [tilespmem:s1+$0xFFFFF760];
	v9 =	vshll.u32 v9, v1;
	(pc) =	sbr.rel @p0 .LBB2_13-.Ltmp5, $4  }
0x403: {  	s10 =	sadd.s32 $0x2A6, s0;
	v16 =	vadd.f32 v21, v16;
	[tilespmem:v15+s23+$0x0] =	vst.idx.msk $0xffff, v13;
	v14 =	vld [tilespmem:s1+$0xFFFFFF60];
	v15 =	vbroadcast v9, $0x0;
	v13 =	vor.u32 v7, v12  }
0x404: {  	v17 =	vshll.u32 v17, v1;
	v12 =	vmov s10;
	v9 =	vld [tilespmem:s1+$0xFFFFF6F0];
	v20 =	vadd.f32 v20, v18  }
0x405: {  	v17 =	vbroadcast v17, $0x0;
	[tilespmem:v11+s23+$0x0] =	vst.idx.msk $0xffff, v16;
	v16 =	vshrl.u32 v12, $0x3;
	v12 =	vld [tilespmem:s1+$0xFFFFFEF0];
	v15 =	vor.u32 v6, v15  }
0x406: {  	v11 =	vld [tilespmem:s1+$0xFFFFF670];
	v18 =	vshll.u32 v16, v1;
	v16 =	vadd.f32 v24, v22;
	[tilespmem:v19+s23+$0x0] =	vst.idx.msk $0xffff, v20  }
0x407: {  	_ =	sdelay $0x1  }
0x408: {  	v19 =	vld [tilespmem:s28+$0xFFFFFE70];
	v18 =	vbroadcast v18, $0x0;
	s1 =	sadd.s32 $0x2B6, s0;
	v10 =	vadd.f32 v14, v10  }
0x409: {  	v14 =	vmov s1  }
0x40a: {  	v18 =	vor.u32 v7, v18;
	[tilespmem:v15+s23+$0x0] =	vst.idx.msk $0xffff, v10;
	v10 =	vshrl.u32 v14, $0x3  }
0x40b: {  	v14 =	vld [tilespmem:s28+$0xFFFFF770];
	v10 =	vshll.u32 v10, v1  }
0x40c: {  	v15 =	vor.u32 v7, v17;
	v17 =	vld [tilespmem:s28+$0xFFFFFF70];
	v10 =	vbroadcast v10, $0x0  }
0x40d: {  	[tilespmem:v13+s23+$0x0] =	vst.idx.msk $0xffff, v16;
	v11 =	vadd.f32 v19, v11  }
0x40e: {  	v13 =	vld [tilespmem:s28+$0xFFFFF800];
	v10 =	vor.u32 v7, v10  }
0x40f: {  	v9 =	vadd.f32 v12, v9;
	v12 =	vld [tilespmem:s28+$0x0];
	[tilespmem:v18+s23+$0x0] =	vst.idx.msk $0xffff, v11  }
0x410: {  	v11 =	vld [tilespmem:s28+$0xFFFFF680]  }
0x411: {  	[tilespmem:v15+s23+$0x0] =	vst.idx.msk $0xffff, v9;
	v9 =	vadd.f32 v17, v14;
	v14 =	vld [tilespmem:s28+$0xFFFFFE80]  }
0x412: {  	v15 =	vld [tilespmem:s28+$0xFFFFF700]  }
0x413: {  	s31 =	sadd.s32 $0x2A7, s0;
	[tilespmem:v10+s23+$0x0] =	vst.idx.msk $0xffff, v9;
	v9 =	vld [tilespmem:s28+$0xFFFFFF00]  }
0x414: {  	s30 =	sadd.s32 $0x2BF, s0;
	v17 =	vor.u32 s31, v8;
	v16 =	vld [tilespmem:s28+$0xFFFFF780]  }
0x415: {  	s10 =	sadd.s32 $0x2AF, s0;
	v10 =	vor.u32 s30, v8;
	v18 =	vld [tilespmem:s28+$0xFFFFFF80]  }
0x416: {  	s14 =	sadd.s32 $0x2B7, s0;
	v19 =	vor.u32 s10, v8  }
0x417: {  	v12 =	vadd.f32 v12, v13;
	v13 =	vor.u32 s14, v8;
	v11 =	vadd.f32 v14, v11;
	_ =	sdelay $0x1  }
0x418: {  	[tilespmem:v17+s23+$0x0] =	vst.idx.msk $0xffff, v11;
	v9 =	vadd.f32 v9, v15  }
0x419: {  	s28 =	simm.s32 $0x318;
	[tilespmem:v10+s23+$0x0] =	vst.idx.msk $0xffff, v12;
	v10 =	vadd.f32 v18, v16  }
0x41a: {  	[tilespmem:v19+s23+$0x0] =	vst.idx.msk $0xffff, v9;
	v9 =	vmov s28  }
0x41b: {  	s30 =	simm.s32 $0x308;
	[tilespmem:v13+s23+$0x0] =	vst.idx.msk $0xffff, v10;
	v9 =	vshrl.u32 v9, $0x3  }
0x41c: {  	v11 =	vmov s30;
	v10 =	vld [tilespmem:s29+$0xFFFFF790];
	v9 =	vshll.u32 v9, v1  }
0x41d: {  	v11 =	vshrl.u32 v11, $0x3;
	v12 =	vld [tilespmem:s29+$0xFFFFFF90];
	v9 =	vbroadcast v9, $0x0  }
0x41e: {  	s1 =	simm.s32 $0x310;
	v11 =	vshll.u32 v11, v1;
	v14 =	vld [tilespmem:s29+$0xFFFFFE10]  }
0x41f: {  	s31 =	simm.s32 $0x300;
	v16 =	vmov s1;
	v11 =	vbroadcast v11, $0x0;
	v15 =	vld [tilespmem:s29+$0xFFFFF690];
	v9 =	vor.u32 v0, v9  }
0x420: {  	v16 =	vshrl.u32 v16, $0x3;
	v13 =	vmov s31;
	v17 =	vld [tilespmem:s29+$0xFFFFFE90]  }
0x421: {  	v16 =	vshll.u32 v16, v1;
	v13 =	vshrl.u32 v13, $0x3;
	v18 =	vld [tilespmem:s29+$0xFFFFF710];
	v11 =	vor.u32 v0, v11  }
0x422: {  	s10 =	simm.s32 $0x319;
	v19 =	vld [tilespmem:s29+$0xFFFFFF10];
	v16 =	vbroadcast v16, $0x0;
	v13 =	vshll.u32 v13, v1;
	v10 =	vadd.f32 v12, v10  }
0x423: {  	v20 =	vmov s10;
	v13 =	vbroadcast v13, $0x0;
	v12 =	vld [tilespmem:s29+$0xFFFFF610]  }
0x424: {  	v16 =	vor.u32 v0, v16;
	[tilespmem:v9+s23+$0x0] =	vst.idx.msk $0xffff, v10;
	v9 =	vshrl.u32 v20, $0x3  }
0x425: {  	s14 =	simm.s32 $0x309;
	v10 =	vor.u32 v0, v13;
	v13 =	vadd.f32 v17, v15;
	v15 =	vld [tilespmem:s29+$0xFFFFF7A0];
	v9 =	vshll.u32 v9, v1  }
0x426: {  	s28 =	simm.s32 $0x301;
	v17 =	vmov s14;
	v20 =	vld [tilespmem:s29+$0xFFFFFFA0];
	v9 =	vbroadcast v9, $0x0  }
0x427: {  	v21 =	vmov s28;
	[tilespmem:v11+s23+$0x0] =	vst.idx.msk $0xffff, v13;
	v11 =	vshrl.u32 v17, $0x3;
	v13 =	vadd.f32 v19, v18  }
0x428: {  	v12 =	vadd.f32 v14, v12;
	v14 =	vld [tilespmem:s29+$0xFFFFF6A0];
	v11 =	vshll.u32 v11, v1;
	v9 =	vor.u32 v2, v9  }
0x429: {  	s30 =	simm.s32 $0x311;
	v17 =	vshrl.u32 v21, $0x3;
	v18 =	vld [tilespmem:s29+$0xFFFFFEA0];
	v11 =	vbroadcast v11, $0x0;
	[tilespmem:v16+s23+$0x0] =	vst.idx.msk $0xffff, v13  }
0x42a: {  	v13 =	vmov s30;
	[tilespmem:v10+s23+$0x0] =	vst.idx.msk $0xffff, v12;
	v10 =	vshll.u32 v17, v1;
	v12 =	vld [tilespmem:s29+$0xFFFFF720]  }
0x42b: {  	s31 =	simm.s32 $0x31A;
	v13 =	vshrl.u32 v13, $0x3;
	v16 =	vld [tilespmem:s29+$0xFFFFF620];
	v11 =	vor.u32 v2, v11;
	v15 =	vadd.f32 v20, v15  }
0x42c: {  	v19 =	vmov s31;
	v10 =	vbroadcast v10, $0x0;
	v17 =	vld [tilespmem:s29+$0xFFFFFE20];
	v13 =	vshll.u32 v13, v1  }
0x42d: {  	v20 =	vld [tilespmem:s29+$0xFFFFFF20];
	v13 =	vbroadcast v13, $0x0;
	[tilespmem:v9+s23+$0x0] =	vst.idx.msk $0xffff, v15;
	v9 =	vshrl.u32 v19, $0x3  }
0x42e: {  	s1 =	simm.s32 $0x30A;
	v10 =	vor.u32 v2, v10;
	v14 =	vadd.f32 v18, v14;
	v15 =	vld [tilespmem:s29+$0xFFFFF7B0];
	v9 =	vshll.u32 v9, v1  }
0x42f: {  	v18 =	vmov s1;
	v19 =	vld [tilespmem:s29+$0xFFFFFFB0];
	v9 =	vbroadcast v9, $0x0  }
0x430: {  	v13 =	vor.u32 v2, v13;
	[tilespmem:v11+s23+$0x0] =	vst.idx.msk $0xffff, v14;
	v11 =	vshrl.u32 v18, $0x3  }
0x431: {  	s10 =	simm.s32 $0x302;
	v14 =	vadd.f32 v17, v16;
	v16 =	vld [tilespmem:s29+$0xFFFFF6B0];
	v11 =	vshll.u32 v11, v1;
	v9 =	vor.u32 v3, v9  }
0x432: {  	v17 =	vmov s10;
	v18 =	vld [tilespmem:s29+$0xFFFFFEB0];
	v11 =	vbroadcast v11, $0x0  }
0x433: {  	v12 =	vadd.f32 v20, v12;
	v17 =	vshrl.u32 v17, $0x3;
	[tilespmem:v10+s23+$0x0] =	vst.idx.msk $0xffff, v14  }
0x434: {  	s28 =	simm.s32 $0x31B;
	s14 =	simm.s32 $0x312;
	v10 =	vshll.u32 v17, v1;
	v14 =	vld [tilespmem:s29+$0xFFFFF630];
	v11 =	vor.u32 v3, v11;
	v15 =	vadd.f32 v19, v15  }
0x435: {  	v17 =	vmov s28;
	[tilespmem:v13+s23+$0x0] =	vst.idx.msk $0xffff, v12;
	v12 =	vld [tilespmem:s29+$0xFFFFFE30];
	v10 =	vbroadcast v10, $0x0;
	v13 =	vmov s14  }
0x436: {  	v19 =	vld [tilespmem:s29+$0xFFFFF730];
	v13 =	vshrl.u32 v13, $0x3;
	[tilespmem:v9+s23+$0x0] =	vst.idx.msk $0xffff, v15;
	v9 =	vshrl.u32 v17, $0x3  }
0x437: {  	s30 =	simm.s32 $0x30B;
	v10 =	vor.u32 v3, v10;
	v15 =	vadd.f32 v18, v16;
	v16 =	vld [tilespmem:s29+$0xFFFFF7C0];
	v9 =	vshll.u32 v9, v1  }
0x438: {  	v13 =	vshll.u32 v13, v1;
	v17 =	vmov s30;
	v18 =	vld [tilespmem:s29+$0xFFFFFFC0];
	v9 =	vbroadcast v9, $0x0  }
0x439: {  	s31 =	simm.s32 $0x303;
	v13 =	vbroadcast v13, $0x0;
	v17 =	vshrl.u32 v17, $0x3;
	[tilespmem:v11+s23+$0x0] =	vst.idx.msk $0xffff, v15;
	v11 =	vld [tilespmem:s29+$0xFFFFFF30]  }
0x43a: {  	v12 =	vadd.f32 v12, v14;
	v14 =	vmov s31;
	v15 =	vld [tilespmem:s29+$0xFFFFF6C0];
	v9 =	vor.u32 v4, v9  }
0x43b: {  	v17 =	vshll.u32 v17, v1;
	v14 =	vshrl.u32 v14, $0x3;
	v20 =	vld [tilespmem:s29+$0xFFFFFEC0]  }
0x43c: {  	v13 =	vor.u32 v3, v13;
	v17 =	vbroadcast v17, $0x0;
	[tilespmem:v10+s23+$0x0] =	vst.idx.msk $0xffff, v12;
	v10 =	vshll.u32 v14, v1  }
0x43d: {  	s1 =	simm.s32 $0x31C;
	v12 =	vld [tilespmem:s29+$0xFFFFF640];
	v10 =	vbroadcast v10, $0x0;
	v14 =	vadd.f32 v18, v16  }
0x43e: {  	v16 =	vor.u32 v4, v17;
	v17 =	vld [tilespmem:s29+$0xFFFFFE40];
	v18 =	vmov s1  }
0x43f: {  	s10 =	simm.s32 $0x313;
	v10 =	vor.u32 v4, v10;
	v11 =	vadd.f32 v11, v19;
	[tilespmem:v9+s23+$0x0] =	vst.idx.msk $0xffff, v14;
	v9 =	vshrl.u32 v18, $0x3  }
0x440: {  	s14 =	simm.s32 $0x30C;
	v14 =	vadd.f32 v20, v15;
	v15 =	vmov s10;
	v18 =	vld [tilespmem:s29+$0xFFFFF7D0];
	v9 =	vshll.u32 v9, v1  }
0x441: {  	[tilespmem:v13+s23+$0x0] =	vst.idx.msk $0xffff, v11;
	v11 =	vmov s14;
	v13 =	vshrl.u32 v15, $0x3;
	v15 =	vld [tilespmem:s29+$0xFFFFFFD0];
	v9 =	vbroadcast v9, $0x0  }
0x442: {  	v11 =	vshrl.u32 v11, $0x3;
	v19 =	vld [tilespmem:s29+$0xFFFFF740];
	v13 =	vshll.u32 v13, v1  }
0x443: {  	s28 =	simm.s32 $0x304;
	[tilespmem:v16+s23+$0x0] =	vst.idx.msk $0xffff, v14;
	v12 =	vadd.f32 v17, v12;
	v14 =	vld [tilespmem:s29+$0xFFFFFF40];
	v13 =	vbroadcast v13, $0x0;
	v9 =	vor.u32 v5, v9  }
0x444: {  	v16 =	vmov s28;
	v11 =	vshll.u32 v11, v1;
	v17 =	vld [tilespmem:s29+$0xFFFFF6D0]  }
0x445: {  	v11 =	vbroadcast v11, $0x0;
	[tilespmem:v10+s23+$0x0] =	vst.idx.msk $0xffff, v12;
	v10 =	vshrl.u32 v16, $0x3;
	v12 =	vld [tilespmem:s29+$0xFFFFFED0];
	v13 =	vor.u32 v4, v13  }
0x446: {  	v16 =	vld [tilespmem:s29+$0xFFFFF650];
	v10 =	vshll.u32 v10, v1;
	v15 =	vadd.f32 v15, v18  }
0x447: {  	s30 =	simm.s32 $0x31D;
	v11 =	vor.u32 v5, v11;
	v18 =	vld [tilespmem:s29+$0xFFFFFE50];
	v10 =	vbroadcast v10, $0x0  }
0x448: {  	v20 =	vmov s30;
	v14 =	vadd.f32 v14, v19;
	[tilespmem:v9+s23+$0x0] =	vst.idx.msk $0xffff, v15  }
0x449: {  	s1 =	simm.s32 $0x314;
	v10 =	vor.u32 v5, v10;
	v9 =	vshrl.u32 v20, $0x3;
	v19 =	vld [tilespmem:s29+$0xFFFFF7E0]  }
0x44a: {  	s31 =	simm.s32 $0x30D;
	v15 =	vmov s1;
	v12 =	vadd.f32 v12, v17;
	v9 =	vshll.u32 v9, v1;
	[tilespmem:v13+s23+$0x0] =	vst.idx.msk $0xffff, v14;
	v14 =	vld [tilespmem:s29+$0xFFFFFFE0]  }
0x44b: {  	v62 =	vmov s31;
	v13 =	vshrl.u32 v15, $0x3;
	v9 =	vbroadcast v9, $0x0;
	v17 =	vld [tilespmem:s29+$0xFFFFF750]  }
0x44c: {  	s10 =	simm.s32 $0x305;
	v15 =	vshrl.u32 v62, $0x3;
	v13 =	vshll.u32 v13, v1;
	v16 =	vadd.f32 v18, v16;
	[tilespmem:v11+s23+$0x0] =	vst.idx.msk $0xffff, v12;
	v11 =	vld [tilespmem:s29+$0xFFFFFF50]  }
0x44d: {  	v12 =	vbroadcast v13, $0x0;
	v13 =	vmov s10;
	v18 =	vld [tilespmem:s29+$0xFFFFF6E0];
	v9 =	vor.u32 v6, v9  }
0x44e: {  	v15 =	vshll.u32 v15, v1;
	[tilespmem:v10+s23+$0x0] =	vst.idx.msk $0xffff, v16;
	v10 =	vshrl.u32 v13, $0x3;
	v13 =	vld [tilespmem:s29+$0xFFFFFEE0]  }
0x44f: {  	v15 =	vbroadcast v15, $0x0;
	v12 =	vor.u32 v5, v12;
	v10 =	vshll.u32 v10, v1  }
0x450: {  	s14 =	simm.s32 $0x31E;
	v16 =	vld [tilespmem:s29+$0xFFFFF660];
	v14 =	vadd.f32 v14, v19;
	v10 =	vbroadcast v10, $0x0  }
0x451: {  	v20 =	vmov s14;
	v15 =	vor.u32 v6, v15;
	v19 =	vld [tilespmem:s29+$0xFFFFFE60]  }
0x452: {  	s28 =	simm.s32 $0x315;
	v11 =	vadd.f32 v11, v17;
	v17 =	vor.u32 v6, v10;
	[tilespmem:v9+s23+$0x0] =	vst.idx.msk $0xffff, v14;
	v9 =	vshrl.u32 v20, $0x3  }
0x453: {  	s30 =	simm.s32 $0x30E;
	v10 =	vmov s28;
	v13 =	vadd.f32 v13, v18;
	v20 =	vld [tilespmem:s29+$0xFFFFF7F0];
	v9 =	vshll.u32 v9, v1  }
0x454: {  	[tilespmem:v12+s23+$0x0] =	vst.idx.msk $0xffff, v11;
	v63 =	vld [tilespmem:s29+$0xFFFFFFF0];
	v11 =	vmov s30;
	v12 =	vshrl.u32 v10, $0x3;
	v18 =	vbroadcast v9, $0x0  }
0x455: {  	v10 =	vld [tilespmem:s29+$0xFFFFF760];
	v11 =	vshrl.u32 v11, $0x3;
	v9 =	vshll.u32 v12, v1  }
0x456: {  	s31 =	simm.s32 $0x306;
	v12 =	vadd.f32 v19, v16;
	[tilespmem:v15+s23+$0x0] =	vst.idx.msk $0xffff, v13;
	v14 =	vld [tilespmem:s29+$0xFFFFFF60];
	v15 =	vbroadcast v9, $0x0;
	v13 =	vor.u32 v7, v18  }
0x457: {  	v16 =	vmov s31;
	v9 =	vld [tilespmem:s29+$0xFFFFF6F0];
	v11 =	vshll.u32 v11, v1  }
0x458: {  	v16 =	vshrl.u32 v16, $0x3;
	[tilespmem:v17+s23+$0x0] =	vst.idx.msk $0xffff, v12;
	v12 =	vld [tilespmem:s29+$0xFFFFFEF0];
	v17 =	vbroadcast v11, $0x0;
	v15 =	vor.u32 v6, v15  }
0x459: {  	s0 =	simm.s32 $0x0;
	s1 =	simm.s32 $0x71F0;
	v18 =	vshll.u32 v16, v1;
	v11 =	vld [tilespmem:s29+$0xFFFFF670];
	v16 =	vadd.f32 v63, v20  }
.LBB2_15:
0x45a: {  	s10 =	sadd.s32 $0x338, s0;
	v19 =	vld [tilespmem:s29+$0xFFFFFE70];
	v18 =	vbroadcast v18, $0x0;
	v17 =	vor.u32 v7, v17;
	s1 =	sadd.s32 $0x200, s1;
	s30 =	smov.u32 s0  }
0x45b: {  	v20 =	vld [tilespmem:s1+$0xFFFFF790];
	v21 =	vmov s10;
	v10 =	vadd.f32 v14, v10;
	s10 =	sadd.s32 $0x336, s25;
	[tilespmem:v13+s23+$0x0] =	vst.idx.msk $0xffff, v16  }
0x45c: {  	s14 =	sadd.s32 $0x321, s0;
	v13 =	vshrl.u32 v21, $0x3;
	v14 =	vor.u32 v7, v18;
	v16 =	vmov s10;
	v18 =	vld [tilespmem:s29+$0xFFFFF800]  }
0x45d: {  	s10 =	sadd.s32 $0x320, s0;
	v21 =	vmov s14;
	s14 =	sadd.s32 $0x328, s0;
	v13 =	vshll.u32 v13, v1;
	v9 =	vadd.f32 v12, v9;
	[tilespmem:v15+s23+$0x0] =	vst.idx.msk $0xffff, v10;
	v10 =	vld [tilespmem:s29+$0x0]  }
0x45e: {  	v12 =	vmov s10;
	v15 =	vmov s14;
	s10 =	sadd.s32 $0x33F, s25;
	v22 =	vld [tilespmem:s1+$0xFFFFFF90];
	v13 =	vbroadcast v13, $0x0  }
0x45f: {  	s14 =	sadd.s32 $0x330, s0;
	v15 =	vshrl.u32 v15, $0x3;
	v23 =	vld [tilespmem:s1+$0xFFFFFE10];
	v11 =	vadd.f32 v19, v11;
	[tilespmem:v17+s23+$0x0] =	vst.idx.msk $0xffff, v9;
	v9 =	vor.u32 s10, v8  }
0x460: {  	v15 =	vshll.u32 v15, v1;
	v19 =	vmov s14;
	v17 =	vld [tilespmem:s1+$0xFFFFF690];
	v13 =	vor.u32 v0, v13  }
0x461: {  	s0 =	sadd.s32 $0x20, s0;
	v12 =	vshrl.u32 v12, $0x3;
	v15 =	vbroadcast v15, $0x0;
	v19 =	vshrl.u32 v19, $0x3;
	v24 =	vld [tilespmem:s1+$0xFFFFFE90];
	[tilespmem:v14+s23+$0x0] =	vst.idx.msk $0xffff, v11  }
0x462: {  	p0 =	slt.u32 s0, $0x60;
	v11 =	vshll.u32 v12, v1;
	v14 =	vshll.u32 v19, v1;
	v12 =	vld [tilespmem:s1+$0xFFFFF710];
	v10 =	vadd.f32 v10, v18  }
0x463: {  	s10 =	sadd.s32 $0x329, s30;
	s14 =	sadd.s32 $0x339, s30;
	v15 =	vor.u32 v0, v15;
	v14 =	vbroadcast v14, $0x0;
	v18 =	vld [tilespmem:s1+$0xFFFFFF10];
	v19 =	vadd.f32 v22, v20  }
0x464: {  	s28 =	simm.s32 $0x81F0;
	v25 =	vmov s14;
	v11 =	vbroadcast v11, $0x0;
	v22 =	vmov s10;
	v20 =	vld [tilespmem:s1+$0xFFFFF610];
	[tilespmem:v9+s23+$0x0] =	vst.idx.msk $0xffff, v10  }
0x465: {  	v9 =	vor.u32 v0, v14;
	v10 =	vshrl.u32 v25, $0x3;
	v14 =	vshrl.u32 v16, $0x3;
	[tilespmem:v13+s23+$0x0] =	vst.idx.msk $0xffff, v19;
	v13 =	vld [tilespmem:s29+$0xFFFFF770]  }
0x466: {  	s10 =	sadd.s32 $0x331, s30;
	v11 =	vor.u32 v0, v11;
	v10 =	vshll.u32 v10, v1;
	v16 =	vadd.f32 v24, v17;
	v17 =	vld [tilespmem:s1+$0xFFFFF7A0]  }
0x467: {  	v19 =	vmov s10;
	v14 =	vshll.u32 v14, v1;
	v10 =	vbroadcast v10, $0x0;
	v24 =	vld [tilespmem:s1+$0xFFFFFFA0]  }
0x468: {  	v14 =	vbroadcast v14, $0x0;
	[tilespmem:v15+s23+$0x0] =	vst.idx.msk $0xffff, v16;
	v15 =	vshrl.u32 v22, $0x3;
	v12 =	vadd.f32 v18, v12;
	v16 =	vld [tilespmem:s29+$0xFFFFFF70]  }
0x469: {  	v10 =	vor.u32 v2, v10;
	v18 =	vadd.f32 v23, v20;
	v20 =	vld [tilespmem:s1+$0xFFFFF6A0];
	v15 =	vshll.u32 v15, v1  }
0x46a: {  	v21 =	vshrl.u32 v21, $0x3;
	v22 =	vld [tilespmem:s1+$0xFFFFFEA0];
	v15 =	vbroadcast v15, $0x0;
	[tilespmem:v9+s23+$0x0] =	vst.idx.msk $0xffff, v12;
	v9 =	vor.u32 v7, v14  }
0x46b: {  	v14 =	vshrl.u32 v19, $0x3;
	[tilespmem:v11+s23+$0x0] =	vst.idx.msk $0xffff, v18;
	v11 =	vshll.u32 v21, v1;
	v12 =	vld [tilespmem:s1+$0xFFFFF720]  }
0x46c: {  	s10 =	sadd.s32 $0x33A, s30;
	v18 =	vld [tilespmem:s1+$0xFFFFF620];
	v11 =	vbroadcast v11, $0x0;
	v15 =	vor.u32 v2, v15;
	v17 =	vadd.f32 v24, v17  }
0x46d: {  	v14 =	vshll.u32 v14, v1;
	v21 =	vmov s10;
	v19 =	vld [tilespmem:s1+$0xFFFFFE20];
	v13 =	vadd.f32 v16, v13  }
0x46e: {  	v14 =	vbroadcast v14, $0x0;
	v11 =	vor.u32 v2, v11;
	v16 =	vld [tilespmem:s1+$0xFFFFFF20];
	[tilespmem:v10+s23+$0x0] =	vst.idx.msk $0xffff, v17;
	v10 =	vshrl.u32 v21, $0x3  }
0x46f: {  	s10 =	sadd.s32 $0x32A, s30;
	v17 =	vadd.f32 v22, v20;
	v20 =	vld [tilespmem:s1+$0xFFFFF7B0];
	v10 =	vshll.u32 v10, v1;
	[tilespmem:v9+s23+$0x0] =	vst.idx.msk $0xffff, v13  }
0x470: {  	s14 =	sadd.s32 $0x322, s30;
	v9 =	vmov s10;
	v13 =	vor.u32 v2, v14;
	v14 =	vld [tilespmem:s1+$0xFFFFFFB0];
	v10 =	vbroadcast v10, $0x0  }
0x471: {  	v21 =	vmov s14;
	v9 =	vshrl.u32 v9, $0x3;
	[tilespmem:v15+s23+$0x0] =	vst.idx.msk $0xffff, v17;
	v15 =	vld [tilespmem:s29+$0xFFFFF680]  }
0x472: {  	v9 =	vshll.u32 v9, v1;
	v17 =	vadd.f32 v19, v18;
	v18 =	vld [tilespmem:s1+$0xFFFFF6B0];
	v10 =	vor.u32 v3, v10  }
0x473: {  	s10 =	sadd.s32 $0x327, s25;
	v19 =	vshrl.u32 v21, $0x3;
	v9 =	vbroadcast v9, $0x0;
	v21 =	vld [tilespmem:s1+$0xFFFFFEB0];
	v12 =	vadd.f32 v16, v12  }
0x474: {  	s14 =	sadd.s32 $0x32B, s30;
	[tilespmem:v11+s23+$0x0] =	vst.idx.msk $0xffff, v17;
	v11 =	vshll.u32 v19, v1;
	v16 =	vld [tilespmem:s29+$0xFFFFFE80];
	v17 =	vor.u32 s10, v8  }
0x475: {  	v22 =	vmov s14;
	s14 =	sadd.s32 $0x33B, s30;
	v9 =	vor.u32 v3, v9;
	s10 =	sadd.s32 $0x332, s30;
	v19 =	vld [tilespmem:s1+$0xFFFFF630];
	[tilespmem:v13+s23+$0x0] =	vst.idx.msk $0xffff, v12;
	v12 =	vadd.f32 v14, v20  }
0x476: {  	v11 =	vbroadcast v11, $0x0;
	v14 =	vmov s10;
	v20 =	vmov s14;
	v13 =	vld [tilespmem:s1+$0xFFFFFE30]  }
0x477: {  	v22 =	vshrl.u32 v22, $0x3;
	v14 =	vshrl.u32 v14, $0x3;
	v23 =	vld [tilespmem:s1+$0xFFFFF730];
	[tilespmem:v10+s23+$0x0] =	vst.idx.msk $0xffff, v12;
	v10 =	vshrl.u32 v20, $0x3  }
0x478: {  	v11 =	vor.u32 v3, v11;
	v12 =	vadd.f32 v21, v18;
	v18 =	vld [tilespmem:s1+$0xFFFFF7C0];
	v10 =	vshll.u32 v10, v1  }
0x479: {  	v14 =	vshll.u32 v14, v1;
	v20 =	vld [tilespmem:s1+$0xFFFFFFC0];
	v10 =	vbroadcast v10, $0x0;
	v15 =	vadd.f32 v16, v15  }
0x47a: {  	s10 =	sadd.s32 $0x323, s30;
	v14 =	vbroadcast v14, $0x0;
	[tilespmem:v9+s23+$0x0] =	vst.idx.msk $0xffff, v12;
	v9 =	vshll.u32 v22, v1;
	v12 =	vld [tilespmem:s1+$0xFFFFFF30]  }
0x47b: {  	v16 =	vmov s10;
	v13 =	vadd.f32 v13, v19;
	v19 =	vld [tilespmem:s1+$0xFFFFF6C0];
	v10 =	vor.u32 v4, v10;
	[tilespmem:v17+s23+$0x0] =	vst.idx.msk $0xffff, v15  }
0x47c: {  	v14 =	vor.u32 v3, v14;
	v15 =	vshrl.u32 v16, $0x3;
	v9 =	vbroadcast v9, $0x0;
	v16 =	vld [tilespmem:s1+$0xFFFFFEC0]  }
0x47d: {  	[tilespmem:v11+s23+$0x0] =	vst.idx.msk $0xffff, v13;
	v11 =	vshll.u32 v15, v1;
	v13 =	vld [tilespmem:s29+$0xFFFFF700]  }
0x47e: {  	s10 =	sadd.s32 $0x33C, s30;
	v9 =	vor.u32 v4, v9;
	v15 =	vld [tilespmem:s1+$0xFFFFF640];
	v11 =	vbroadcast v11, $0x0;
	v17 =	vadd.f32 v20, v18  }
0x47f: {  	v20 =	vmov s10;
	s10 =	sadd.s32 $0x32F, s25;
	v18 =	vld [tilespmem:s1+$0xFFFFFE40];
	v12 =	vadd.f32 v12, v23  }
0x480: {  	s14 =	sadd.s32 $0x333, s30;
	v11 =	vor.u32 v4, v11;
	[tilespmem:v10+s23+$0x0] =	vst.idx.msk $0xffff, v17;
	v10 =	vshrl.u32 v20, $0x3;
	v17 =	vld [tilespmem:s29+$0xFFFFFF00];
	v20 =	vor.u32 s10, v8  }
0x481: {  	s10 =	sadd.s32 $0x32C, s30;
	v16 =	vadd.f32 v16, v19;
	[tilespmem:v14+s23+$0x0] =	vst.idx.msk $0xffff, v12;
	v12 =	vmov s14;
	v14 =	vld [tilespmem:s1+$0xFFFFF7D0];
	v10 =	vshll.u32 v10, v1  }
0x482: {  	v19 =	vmov s10;
	v12 =	vshrl.u32 v12, $0x3;
	v21 =	vld [tilespmem:s1+$0xFFFFFFD0];
	v10 =	vbroadcast v10, $0x0  }
0x483: {  	[tilespmem:v9+s23+$0x0] =	vst.idx.msk $0xffff, v16;
	v9 =	vshrl.u32 v19, $0x3;
	v16 =	vld [tilespmem:s1+$0xFFFFF740];
	v12 =	vshll.u32 v12, v1  }
0x484: {  	s10 =	sadd.s32 $0x324, s30;
	v15 =	vadd.f32 v18, v15;
	v18 =	vld [tilespmem:s1+$0xFFFFFF40];
	v12 =	vbroadcast v12, $0x0;
	v10 =	vor.u32 v5, v10  }
0x485: {  	v19 =	vmov s10;
	v9 =	vshll.u32 v9, v1;
	v22 =	vld [tilespmem:s1+$0xFFFFF6D0];
	v13 =	vadd.f32 v17, v13  }
0x486: {  	v9 =	vbroadcast v9, $0x0;
	[tilespmem:v11+s23+$0x0] =	vst.idx.msk $0xffff, v15;
	v11 =	vshrl.u32 v19, $0x3;
	v15 =	vld [tilespmem:s1+$0xFFFFFED0];
	v12 =	vor.u32 v4, v12  }
0x487: {  	s10 =	sadd.s32 $0x33D, s30;
	v17 =	vld [tilespmem:s1+$0xFFFFF650];
	v11 =	vshll.u32 v11, v1;
	v14 =	vadd.f32 v21, v14;
	[tilespmem:v20+s23+$0x0] =	vst.idx.msk $0xffff, v13  }
0x488: {  	s14 =	sadd.s32 $0x32D, s30;
	v19 =	vmov s10;
	v9 =	vor.u32 v5, v9;
	v13 =	vld [tilespmem:s1+$0xFFFFFE50];
	v11 =	vbroadcast v11, $0x0  }
0x489: {  	s10 =	sadd.s32 $0x334, s30;
	v20 =	vmov s14;
	v16 =	vadd.f32 v18, v16;
	[tilespmem:v10+s23+$0x0] =	vst.idx.msk $0xffff, v14;
	v10 =	vshrl.u32 v19, $0x3;
	v18 =	vld [tilespmem:s29+$0xFFFFF780]  }
0x48a: {  	v14 =	vmov s10;
	v11 =	vor.u32 v5, v11;
	v19 =	vld [tilespmem:s1+$0xFFFFF7E0];
	v10 =	vshll.u32 v10, v1  }
0x48b: {  	v15 =	vadd.f32 v15, v22;
	[tilespmem:v12+s23+$0x0] =	vst.idx.msk $0xffff, v16;
	v12 =	vshrl.u32 v14, $0x3;
	v14 =	vld [tilespmem:s1+$0xFFFFFFE0];
	v10 =	vbroadcast v10, $0x0  }
0x48c: {  	v16 =	vshrl.u32 v20, $0x3;
	v20 =	vld [tilespmem:s1+$0xFFFFF750];
	v12 =	vshll.u32 v12, v1  }
0x48d: {  	s10 =	sadd.s32 $0x325, s30;
	v13 =	vadd.f32 v13, v17;
	[tilespmem:v9+s23+$0x0] =	vst.idx.msk $0xffff, v15;
	v9 =	vld [tilespmem:s1+$0xFFFFFF50];
	v12 =	vbroadcast v12, $0x0;
	v10 =	vor.u32 v6, v10  }
0x48e: {  	v16 =	vshll.u32 v16, v1;
	v15 =	vmov s10;
	v17 =	vld [tilespmem:s1+$0xFFFFF6E0]  }
0x48f: {  	s10 =	sadd.s32 $0x337, s25;
	s25 =	smov.u32 s30;
	[tilespmem:v11+s23+$0x0] =	vst.idx.msk $0xffff, v13;
	v11 =	vshrl.u32 v15, $0x3;
	v13 =	vld [tilespmem:s1+$0xFFFFFEE0];
	v15 =	vbroadcast v16, $0x0;
	v12 =	vor.u32 v5, v12  }
0x490: {  	s14 =	sadd.s32 $0x33E, s25;
	v16 =	vld [tilespmem:s1+$0xFFFFF660];
	v11 =	vshll.u32 v11, v1;
	v14 =	vadd.f32 v14, v19;
	v19 =	vor.u32 s10, v8  }
0x491: {  	v22 =	vmov s14;
	s10 =	sadd.s32 $0x32E, s25;
	v21 =	vld [tilespmem:s1+$0xFFFFFE60];
	v11 =	vbroadcast v11, $0x0;
	v15 =	vor.u32 v6, v15  }
0x492: {  	v23 =	vmov s10;
	s10 =	sadd.s32 $0x335, s25;
	v9 =	vadd.f32 v9, v20;
	[tilespmem:v10+s23+$0x0] =	vst.idx.msk $0xffff, v14;
	v10 =	vshrl.u32 v22, $0x3;
	v20 =	vld [tilespmem:s29+$0xFFFFFF80];
	s29 =	smov.u32 s1  }
0x493: {  	v14 =	vmov s10;
	v11 =	vor.u32 v6, v11;
	v22 =	vld [tilespmem:s1+$0xFFFFF7F0];
	v10 =	vshll.u32 v10, v1  }
0x494: {  	v13 =	vadd.f32 v13, v17;
	[tilespmem:v12+s23+$0x0] =	vst.idx.msk $0xffff, v9;
	v9 =	vshrl.u32 v14, $0x3;
	v24 =	vld [tilespmem:s1+$0xFFFFFFF0];
	v12 =	vbroadcast v10, $0x0  }
.Ltmp6:
0x495: {  	v17 =	vshrl.u32 v23, $0x3;
	v10 =	vld [tilespmem:s1+$0xFFFFF760];
	v9 =	vshll.u32 v9, v1;
	(pc) =	sbr.rel @p0 .LBB2_15-.Ltmp6, $4  }
0x496: {  	s10 =	sadd.s32 $0x326, s25;
	v16 =	vadd.f32 v21, v16;
	[tilespmem:v15+s23+$0x0] =	vst.idx.msk $0xffff, v13;
	v14 =	vld [tilespmem:s1+$0xFFFFFF60];
	v15 =	vbroadcast v9, $0x0;
	v13 =	vor.u32 v7, v12  }
0x497: {  	v17 =	vshll.u32 v17, v1;
	v12 =	vmov s10;
	v9 =	vld [tilespmem:s1+$0xFFFFF6F0];
	v20 =	vadd.f32 v20, v18  }
0x498: {  	v17 =	vbroadcast v17, $0x0;
	[tilespmem:v11+s23+$0x0] =	vst.idx.msk $0xffff, v16;
	v16 =	vshrl.u32 v12, $0x3;
	v12 =	vld [tilespmem:s1+$0xFFFFFEF0];
	v15 =	vor.u32 v6, v15  }
0x499: {  	v11 =	vld [tilespmem:s1+$0xFFFFF670];
	v18 =	vshll.u32 v16, v1;
	v16 =	vadd.f32 v24, v22;
	[tilespmem:v19+s23+$0x0] =	vst.idx.msk $0xffff, v20  }
0x49a: {  	_ =	sdelay $0x1  }
0x49b: {  	v19 =	vld [tilespmem:s29+$0xFFFFFE70];
	v18 =	vbroadcast v18, $0x0;
	s0 =	sadd.s32 $0x336, s25;
	v10 =	vadd.f32 v14, v10  }
0x49c: {  	v14 =	vmov s0  }
0x49d: {  	v18 =	vor.u32 v7, v18;
	[tilespmem:v15+s23+$0x0] =	vst.idx.msk $0xffff, v10;
	v10 =	vshrl.u32 v14, $0x3  }
0x49e: {  	v14 =	vld [tilespmem:s29+$0xFFFFF770];
	v10 =	vshll.u32 v10, v1  }
0x49f: {  	v15 =	vor.u32 v7, v17;
	v17 =	vld [tilespmem:s29+$0xFFFFFF70];
	v10 =	vbroadcast v10, $0x0  }
0x4a0: {  	[tilespmem:v13+s23+$0x0] =	vst.idx.msk $0xffff, v16;
	v11 =	vadd.f32 v19, v11  }
0x4a1: {  	v13 =	vld [tilespmem:s29+$0xFFFFF800];
	v10 =	vor.u32 v7, v10  }
0x4a2: {  	v9 =	vadd.f32 v12, v9;
	v12 =	vld [tilespmem:s29+$0x0];
	[tilespmem:v18+s23+$0x0] =	vst.idx.msk $0xffff, v11  }
0x4a3: {  	v11 =	vld [tilespmem:s29+$0xFFFFF680]  }
0x4a4: {  	[tilespmem:v15+s23+$0x0] =	vst.idx.msk $0xffff, v9;
	v9 =	vadd.f32 v17, v14;
	v14 =	vld [tilespmem:s29+$0xFFFFFE80]  }
0x4a5: {  	v15 =	vld [tilespmem:s29+$0xFFFFF700]  }
0x4a6: {  	s30 =	sadd.s32 $0x327, s25;
	[tilespmem:v10+s23+$0x0] =	vst.idx.msk $0xffff, v9;
	v9 =	vld [tilespmem:s29+$0xFFFFFF00]  }
0x4a7: {  	s14 =	sadd.s32 $0x33F, s25;
	v17 =	vor.u32 s30, v8;
	v16 =	vld [tilespmem:s29+$0xFFFFF780]  }
0x4a8: {  	s31 =	sadd.s32 $0x32F, s25;
	v10 =	vor.u32 s14, v8;
	v18 =	vld [tilespmem:s29+$0xFFFFFF80]  }
0x4a9: {  	s1 =	sadd.s32 $0x337, s25;
	v19 =	vor.u32 s31, v8  }
0x4aa: {  	v12 =	vadd.f32 v12, v13;
	v13 =	vor.u32 s1, v8;
	v11 =	vadd.f32 v14, v11;
	_ =	sdelay $0x1  }
0x4ab: {  	[tilespmem:v17+s23+$0x0] =	vst.idx.msk $0xffff, v11;
	v9 =	vadd.f32 v9, v15  }
0x4ac: {  	s10 =	simm.s32 $0x398;
	[tilespmem:v10+s23+$0x0] =	vst.idx.msk $0xffff, v12;
	v10 =	vadd.f32 v18, v16  }
0x4ad: {  	[tilespmem:v19+s23+$0x0] =	vst.idx.msk $0xffff, v9;
	v9 =	vmov s10  }
0x4ae: {  	s14 =	simm.s32 $0x388;
	[tilespmem:v13+s23+$0x0] =	vst.idx.msk $0xffff, v10;
	v9 =	vshrl.u32 v9, $0x3  }
0x4af: {  	v11 =	vmov s14;
	v10 =	vld [tilespmem:s28+$0xFFFFF790];
	v9 =	vshll.u32 v9, v1  }
0x4b0: {  	v11 =	vshrl.u32 v11, $0x3;
	v12 =	vld [tilespmem:s28+$0xFFFFFF90];
	v9 =	vbroadcast v9, $0x0  }
0x4b1: {  	s25 =	simm.s32 $0x390;
	v11 =	vshll.u32 v11, v1;
	v14 =	vld [tilespmem:s28+$0xFFFFFE10]  }
0x4b2: {  	s1 =	simm.s32 $0x380;
	v16 =	vmov s25;
	v11 =	vbroadcast v11, $0x0;
	v15 =	vld [tilespmem:s28+$0xFFFFF690];
	v9 =	vor.u32 v0, v9  }
0x4b3: {  	v16 =	vshrl.u32 v16, $0x3;
	v13 =	vmov s1;
	v17 =	vld [tilespmem:s28+$0xFFFFFE90]  }
0x4b4: {  	v16 =	vshll.u32 v16, v1;
	v13 =	vshrl.u32 v13, $0x3;
	v18 =	vld [tilespmem:s28+$0xFFFFF710];
	v11 =	vor.u32 v0, v11  }
0x4b5: {  	s29 =	simm.s32 $0x399;
	v19 =	vld [tilespmem:s28+$0xFFFFFF10];
	v16 =	vbroadcast v16, $0x0;
	v13 =	vshll.u32 v13, v1;
	v10 =	vadd.f32 v12, v10  }
0x4b6: {  	v20 =	vmov s29;
	v13 =	vbroadcast v13, $0x0;
	v12 =	vld [tilespmem:s28+$0xFFFFF610]  }
0x4b7: {  	v16 =	vor.u32 v0, v16;
	[tilespmem:v9+s23+$0x0] =	vst.idx.msk $0xffff, v10;
	v9 =	vshrl.u32 v20, $0x3  }
0x4b8: {  	s30 =	simm.s32 $0x389;
	v10 =	vor.u32 v0, v13;
	v13 =	vadd.f32 v17, v15;
	v15 =	vld [tilespmem:s28+$0xFFFFF7A0];
	v9 =	vshll.u32 v9, v1  }
0x4b9: {  	s31 =	simm.s32 $0x381;
	v17 =	vmov s30;
	v20 =	vld [tilespmem:s28+$0xFFFFFFA0];
	v9 =	vbroadcast v9, $0x0  }
0x4ba: {  	v21 =	vmov s31;
	[tilespmem:v11+s23+$0x0] =	vst.idx.msk $0xffff, v13;
	v11 =	vshrl.u32 v17, $0x3;
	v13 =	vadd.f32 v19, v18  }
0x4bb: {  	v12 =	vadd.f32 v14, v12;
	v14 =	vld [tilespmem:s28+$0xFFFFF6A0];
	v11 =	vshll.u32 v11, v1;
	v9 =	vor.u32 v2, v9  }
0x4bc: {  	s1 =	simm.s32 $0x391;
	v17 =	vshrl.u32 v21, $0x3;
	v18 =	vld [tilespmem:s28+$0xFFFFFEA0];
	v11 =	vbroadcast v11, $0x0;
	[tilespmem:v16+s23+$0x0] =	vst.idx.msk $0xffff, v13  }
0x4bd: {  	v13 =	vmov s1;
	[tilespmem:v10+s23+$0x0] =	vst.idx.msk $0xffff, v12;
	v10 =	vshll.u32 v17, v1;
	v12 =	vld [tilespmem:s28+$0xFFFFF720]  }
0x4be: {  	s10 =	simm.s32 $0x39A;
	v13 =	vshrl.u32 v13, $0x3;
	v16 =	vld [tilespmem:s28+$0xFFFFF620];
	v11 =	vor.u32 v2, v11;
	v15 =	vadd.f32 v20, v15  }
0x4bf: {  	v19 =	vmov s10;
	v10 =	vbroadcast v10, $0x0;
	v17 =	vld [tilespmem:s28+$0xFFFFFE20];
	v13 =	vshll.u32 v13, v1  }
0x4c0: {  	v20 =	vld [tilespmem:s28+$0xFFFFFF20];
	v13 =	vbroadcast v13, $0x0;
	[tilespmem:v9+s23+$0x0] =	vst.idx.msk $0xffff, v15;
	v9 =	vshrl.u32 v19, $0x3  }
0x4c1: {  	s14 =	simm.s32 $0x38A;
	v10 =	vor.u32 v2, v10;
	v14 =	vadd.f32 v18, v14;
	v15 =	vld [tilespmem:s28+$0xFFFFF7B0];
	v9 =	vshll.u32 v9, v1  }
0x4c2: {  	v18 =	vmov s14;
	v19 =	vld [tilespmem:s28+$0xFFFFFFB0];
	v9 =	vbroadcast v9, $0x0  }
0x4c3: {  	v13 =	vor.u32 v2, v13;
	[tilespmem:v11+s23+$0x0] =	vst.idx.msk $0xffff, v14;
	v11 =	vshrl.u32 v18, $0x3  }
0x4c4: {  	s25 =	simm.s32 $0x382;
	v14 =	vadd.f32 v17, v16;
	v16 =	vld [tilespmem:s28+$0xFFFFF6B0];
	v11 =	vshll.u32 v11, v1;
	v9 =	vor.u32 v3, v9  }
0x4c5: {  	v17 =	vmov s25;
	v18 =	vld [tilespmem:s28+$0xFFFFFEB0];
	v11 =	vbroadcast v11, $0x0  }
0x4c6: {  	v12 =	vadd.f32 v20, v12;
	v17 =	vshrl.u32 v17, $0x3;
	[tilespmem:v10+s23+$0x0] =	vst.idx.msk $0xffff, v14  }
0x4c7: {  	s29 =	simm.s32 $0x392;
	s30 =	simm.s32 $0x39B;
	v10 =	vshll.u32 v17, v1;
	v14 =	vld [tilespmem:s28+$0xFFFFF630];
	v11 =	vor.u32 v3, v11;
	v15 =	vadd.f32 v19, v15  }
0x4c8: {  	v17 =	vmov s30;
	[tilespmem:v13+s23+$0x0] =	vst.idx.msk $0xffff, v12;
	v12 =	vld [tilespmem:s28+$0xFFFFFE30];
	v10 =	vbroadcast v10, $0x0;
	v13 =	vmov s29  }
0x4c9: {  	v19 =	vld [tilespmem:s28+$0xFFFFF730];
	v13 =	vshrl.u32 v13, $0x3;
	[tilespmem:v9+s23+$0x0] =	vst.idx.msk $0xffff, v15;
	v9 =	vshrl.u32 v17, $0x3  }
0x4ca: {  	s31 =	simm.s32 $0x38B;
	v10 =	vor.u32 v3, v10;
	v15 =	vadd.f32 v18, v16;
	v16 =	vld [tilespmem:s28+$0xFFFFF7C0];
	v9 =	vshll.u32 v9, v1  }
0x4cb: {  	v13 =	vshll.u32 v13, v1;
	v17 =	vmov s31;
	v18 =	vld [tilespmem:s28+$0xFFFFFFC0];
	v9 =	vbroadcast v9, $0x0  }
0x4cc: {  	s1 =	simm.s32 $0x383;
	v13 =	vbroadcast v13, $0x0;
	v17 =	vshrl.u32 v17, $0x3;
	[tilespmem:v11+s23+$0x0] =	vst.idx.msk $0xffff, v15;
	v11 =	vld [tilespmem:s28+$0xFFFFFF30]  }
0x4cd: {  	v12 =	vadd.f32 v12, v14;
	v14 =	vmov s1;
	v15 =	vld [tilespmem:s28+$0xFFFFF6C0];
	v9 =	vor.u32 v4, v9  }
0x4ce: {  	v17 =	vshll.u32 v17, v1;
	v14 =	vshrl.u32 v14, $0x3;
	v20 =	vld [tilespmem:s28+$0xFFFFFEC0]  }
0x4cf: {  	v13 =	vor.u32 v3, v13;
	v17 =	vbroadcast v17, $0x0;
	[tilespmem:v10+s23+$0x0] =	vst.idx.msk $0xffff, v12;
	v10 =	vshll.u32 v14, v1  }
0x4d0: {  	s10 =	simm.s32 $0x39C;
	v12 =	vld [tilespmem:s28+$0xFFFFF640];
	v10 =	vbroadcast v10, $0x0;
	v14 =	vadd.f32 v18, v16  }
0x4d1: {  	v16 =	vor.u32 v4, v17;
	v17 =	vld [tilespmem:s28+$0xFFFFFE40];
	v18 =	vmov s10  }
0x4d2: {  	s14 =	simm.s32 $0x393;
	v10 =	vor.u32 v4, v10;
	v11 =	vadd.f32 v11, v19;
	[tilespmem:v9+s23+$0x0] =	vst.idx.msk $0xffff, v14;
	v9 =	vshrl.u32 v18, $0x3  }
0x4d3: {  	s25 =	simm.s32 $0x38C;
	v14 =	vadd.f32 v20, v15;
	v15 =	vmov s14;
	v18 =	vld [tilespmem:s28+$0xFFFFF7D0];
	v9 =	vshll.u32 v9, v1  }
0x4d4: {  	[tilespmem:v13+s23+$0x0] =	vst.idx.msk $0xffff, v11;
	v11 =	vmov s25;
	v13 =	vshrl.u32 v15, $0x3;
	v15 =	vld [tilespmem:s28+$0xFFFFFFD0];
	v9 =	vbroadcast v9, $0x0  }
0x4d5: {  	v11 =	vshrl.u32 v11, $0x3;
	v19 =	vld [tilespmem:s28+$0xFFFFF740];
	v13 =	vshll.u32 v13, v1  }
0x4d6: {  	s29 =	simm.s32 $0x384;
	[tilespmem:v16+s23+$0x0] =	vst.idx.msk $0xffff, v14;
	v12 =	vadd.f32 v17, v12;
	v14 =	vld [tilespmem:s28+$0xFFFFFF40];
	v13 =	vbroadcast v13, $0x0;
	v9 =	vor.u32 v5, v9  }
0x4d7: {  	v16 =	vmov s29;
	v11 =	vshll.u32 v11, v1;
	v17 =	vld [tilespmem:s28+$0xFFFFF6D0]  }
0x4d8: {  	v11 =	vbroadcast v11, $0x0;
	[tilespmem:v10+s23+$0x0] =	vst.idx.msk $0xffff, v12;
	v10 =	vshrl.u32 v16, $0x3;
	v12 =	vld [tilespmem:s28+$0xFFFFFED0];
	v13 =	vor.u32 v4, v13  }
0x4d9: {  	v16 =	vld [tilespmem:s28+$0xFFFFF650];
	v10 =	vshll.u32 v10, v1;
	v15 =	vadd.f32 v15, v18  }
0x4da: {  	s30 =	simm.s32 $0x39D;
	v11 =	vor.u32 v5, v11;
	v18 =	vld [tilespmem:s28+$0xFFFFFE50];
	v10 =	vbroadcast v10, $0x0  }
0x4db: {  	v20 =	vmov s30;
	v14 =	vadd.f32 v14, v19;
	[tilespmem:v9+s23+$0x0] =	vst.idx.msk $0xffff, v15  }
0x4dc: {  	s10 =	simm.s32 $0x394;
	v10 =	vor.u32 v5, v10;
	v9 =	vshrl.u32 v20, $0x3;
	v19 =	vld [tilespmem:s28+$0xFFFFF7E0]  }
0x4dd: {  	s31 =	simm.s32 $0x38D;
	v15 =	vmov s10;
	v12 =	vadd.f32 v12, v17;
	v9 =	vshll.u32 v9, v1;
	[tilespmem:v13+s23+$0x0] =	vst.idx.msk $0xffff, v14;
	v14 =	vld [tilespmem:s28+$0xFFFFFFE0]  }
0x4de: {  	v62 =	vmov s31;
	v13 =	vshrl.u32 v15, $0x3;
	v9 =	vbroadcast v9, $0x0;
	v17 =	vld [tilespmem:s28+$0xFFFFF750]  }
0x4df: {  	s14 =	simm.s32 $0x385;
	v15 =	vshrl.u32 v62, $0x3;
	v13 =	vshll.u32 v13, v1;
	v16 =	vadd.f32 v18, v16;
	[tilespmem:v11+s23+$0x0] =	vst.idx.msk $0xffff, v12;
	v11 =	vld [tilespmem:s28+$0xFFFFFF50]  }
0x4e0: {  	v12 =	vbroadcast v13, $0x0;
	v13 =	vmov s14;
	v18 =	vld [tilespmem:s28+$0xFFFFF6E0];
	v9 =	vor.u32 v6, v9  }
0x4e1: {  	v15 =	vshll.u32 v15, v1;
	[tilespmem:v10+s23+$0x0] =	vst.idx.msk $0xffff, v16;
	v10 =	vshrl.u32 v13, $0x3;
	v13 =	vld [tilespmem:s28+$0xFFFFFEE0]  }
0x4e2: {  	v15 =	vbroadcast v15, $0x0;
	v12 =	vor.u32 v5, v12;
	v10 =	vshll.u32 v10, v1  }
0x4e3: {  	s25 =	simm.s32 $0x39E;
	v16 =	vld [tilespmem:s28+$0xFFFFF660];
	v14 =	vadd.f32 v14, v19;
	v10 =	vbroadcast v10, $0x0  }
0x4e4: {  	v20 =	vmov s25;
	v15 =	vor.u32 v6, v15;
	v19 =	vld [tilespmem:s28+$0xFFFFFE60]  }
0x4e5: {  	s29 =	simm.s32 $0x395;
	v11 =	vadd.f32 v11, v17;
	v17 =	vor.u32 v6, v10;
	[tilespmem:v9+s23+$0x0] =	vst.idx.msk $0xffff, v14;
	v9 =	vshrl.u32 v20, $0x3  }
0x4e6: {  	s30 =	simm.s32 $0x38E;
	v10 =	vmov s29;
	v13 =	vadd.f32 v13, v18;
	v20 =	vld [tilespmem:s28+$0xFFFFF7F0];
	v9 =	vshll.u32 v9, v1  }
0x4e7: {  	[tilespmem:v12+s23+$0x0] =	vst.idx.msk $0xffff, v11;
	v63 =	vld [tilespmem:s28+$0xFFFFFFF0];
	v11 =	vmov s30;
	v12 =	vshrl.u32 v10, $0x3;
	v18 =	vbroadcast v9, $0x0  }
0x4e8: {  	v10 =	vld [tilespmem:s28+$0xFFFFF760];
	v11 =	vshrl.u32 v11, $0x3;
	v9 =	vshll.u32 v12, v1  }
0x4e9: {  	s31 =	simm.s32 $0x386;
	v12 =	vadd.f32 v19, v16;
	[tilespmem:v15+s23+$0x0] =	vst.idx.msk $0xffff, v13;
	v14 =	vld [tilespmem:s28+$0xFFFFFF60];
	v15 =	vbroadcast v9, $0x0;
	v13 =	vor.u32 v7, v18  }
0x4ea: {  	v16 =	vmov s31;
	v9 =	vld [tilespmem:s28+$0xFFFFF6F0];
	v11 =	vshll.u32 v11, v1  }
0x4eb: {  	[tilespmem:v17+s23+$0x0] =	vst.idx.msk $0xffff, v12;
	v17 =	vshrl.u32 v16, $0x3;
	v12 =	vld [tilespmem:s28+$0xFFFFFEF0];
	v16 =	vbroadcast v11, $0x0;
	v15 =	vor.u32 v6, v15  }
0x4ec: {  	s0 =	simm.s32 $0xFFFFFFE0;
	s1 =	simm.s32 $0x81F0;
	s25 =	simm.s32 $0x0;
	v11 =	vld [tilespmem:s28+$0xFFFFF670];
	v18 =	vshll.u32 v17, v1;
	v17 =	vadd.f32 v63, v20  }
.LBB2_17:
0x4ed: {  	s10 =	sadd.s32 $0x3B8, s25;
	v19 =	vld [tilespmem:s28+$0xFFFFFE70];
	v18 =	vbroadcast v18, $0x0;
	v16 =	vor.u32 v7, v16;
	s1 =	sadd.s32 $0x200, s1;
	s29 =	smov.u32 s25  }
0x4ee: {  	v20 =	vld [tilespmem:s1+$0xFFFFF790];
	v21 =	vmov s10;
	v10 =	vadd.f32 v14, v10;
	s10 =	sadd.s32 $0x3B6, s0;
	[tilespmem:v13+s23+$0x0] =	vst.idx.msk $0xffff, v17  }
0x4ef: {  	s14 =	sadd.s32 $0x3A1, s25;
	v13 =	vshrl.u32 v21, $0x3;
	v14 =	vor.u32 v7, v18;
	v17 =	vmov s10;
	v18 =	vld [tilespmem:s28+$0xFFFFF800]  }
0x4f0: {  	s10 =	sadd.s32 $0x3A0, s25;
	v21 =	vmov s14;
	s14 =	sadd.s32 $0x3A8, s25;
	v13 =	vshll.u32 v13, v1;
	v9 =	vadd.f32 v12, v9;
	[tilespmem:v15+s23+$0x0] =	vst.idx.msk $0xffff, v10;
	v10 =	vld [tilespmem:s28+$0x0]  }
0x4f1: {  	v12 =	vmov s10;
	v15 =	vmov s14;
	s10 =	sadd.s32 $0x3BF, s0;
	v22 =	vld [tilespmem:s1+$0xFFFFFF90];
	v13 =	vbroadcast v13, $0x0  }
0x4f2: {  	s14 =	sadd.s32 $0x3B0, s25;
	v15 =	vshrl.u32 v15, $0x3;
	v23 =	vld [tilespmem:s1+$0xFFFFFE10];
	v11 =	vadd.f32 v19, v11;
	[tilespmem:v16+s23+$0x0] =	vst.idx.msk $0xffff, v9;
	v9 =	vor.u32 s10, v8  }
0x4f3: {  	v15 =	vshll.u32 v15, v1;
	v19 =	vmov s14;
	v16 =	vld [tilespmem:s1+$0xFFFFF690];
	v13 =	vor.u32 v0, v13  }
0x4f4: {  	s25 =	sadd.s32 $0x20, s25;
	v12 =	vshrl.u32 v12, $0x3;
	v15 =	vbroadcast v15, $0x0;
	v19 =	vshrl.u32 v19, $0x3;
	v24 =	vld [tilespmem:s1+$0xFFFFFE90];
	[tilespmem:v14+s23+$0x0] =	vst.idx.msk $0xffff, v11  }
0x4f5: {  	p0 =	slt.u32 s25, $0x60;
	v11 =	vshll.u32 v12, v1;
	v14 =	vshll.u32 v19, v1;
	v12 =	vld [tilespmem:s1+$0xFFFFF710];
	v10 =	vadd.f32 v10, v18  }
0x4f6: {  	s10 =	sadd.s32 $0x3A9, s29;
	s14 =	sadd.s32 $0x3B9, s29;
	v15 =	vor.u32 v0, v15;
	v14 =	vbroadcast v14, $0x0;
	v18 =	vld [tilespmem:s1+$0xFFFFFF10];
	v19 =	vadd.f32 v22, v20  }
0x4f7: {  	v25 =	vmov s14;
	v11 =	vbroadcast v11, $0x0;
	v22 =	vmov s10;
	v20 =	vld [tilespmem:s1+$0xFFFFF610];
	[tilespmem:v9+s23+$0x0] =	vst.idx.msk $0xffff, v10  }
0x4f8: {  	v9 =	vor.u32 v0, v14;
	v10 =	vshrl.u32 v25, $0x3;
	v14 =	vshrl.u32 v17, $0x3;
	[tilespmem:v13+s23+$0x0] =	vst.idx.msk $0xffff, v19;
	v13 =	vld [tilespmem:s28+$0xFFFFF770]  }
0x4f9: {  	s10 =	sadd.s32 $0x3B1, s29;
	v11 =	vor.u32 v0, v11;
	v10 =	vshll.u32 v10, v1;
	v16 =	vadd.f32 v24, v16;
	v17 =	vld [tilespmem:s1+$0xFFFFF7A0]  }
0x4fa: {  	v19 =	vmov s10;
	v14 =	vshll.u32 v14, v1;
	v10 =	vbroadcast v10, $0x0;
	v24 =	vld [tilespmem:s1+$0xFFFFFFA0]  }
0x4fb: {  	v14 =	vbroadcast v14, $0x0;
	[tilespmem:v15+s23+$0x0] =	vst.idx.msk $0xffff, v16;
	v15 =	vshrl.u32 v22, $0x3;
	v12 =	vadd.f32 v18, v12;
	v16 =	vld [tilespmem:s28+$0xFFFFFF70]  }
0x4fc: {  	v10 =	vor.u32 v2, v10;
	v18 =	vadd.f32 v23, v20;
	v20 =	vld [tilespmem:s1+$0xFFFFF6A0];
	v15 =	vshll.u32 v15, v1  }
0x4fd: {  	v21 =	vshrl.u32 v21, $0x3;
	v22 =	vld [tilespmem:s1+$0xFFFFFEA0];
	v15 =	vbroadcast v15, $0x0;
	[tilespmem:v9+s23+$0x0] =	vst.idx.msk $0xffff, v12;
	v9 =	vor.u32 v7, v14  }
0x4fe: {  	v14 =	vshrl.u32 v19, $0x3;
	[tilespmem:v11+s23+$0x0] =	vst.idx.msk $0xffff, v18;
	v11 =	vshll.u32 v21, v1;
	v12 =	vld [tilespmem:s1+$0xFFFFF720]  }
0x4ff: {  	s10 =	sadd.s32 $0x3BA, s29;
	v18 =	vld [tilespmem:s1+$0xFFFFF620];
	v11 =	vbroadcast v11, $0x0;
	v15 =	vor.u32 v2, v15;
	v17 =	vadd.f32 v24, v17  }
0x500: {  	v14 =	vshll.u32 v14, v1;
	v21 =	vmov s10;
	v19 =	vld [tilespmem:s1+$0xFFFFFE20];
	v13 =	vadd.f32 v16, v13  }
0x501: {  	v14 =	vbroadcast v14, $0x0;
	v11 =	vor.u32 v2, v11;
	v16 =	vld [tilespmem:s1+$0xFFFFFF20];
	[tilespmem:v10+s23+$0x0] =	vst.idx.msk $0xffff, v17;
	v10 =	vshrl.u32 v21, $0x3  }
0x502: {  	s10 =	sadd.s32 $0x3AA, s29;
	v17 =	vadd.f32 v22, v20;
	v20 =	vld [tilespmem:s1+$0xFFFFF7B0];
	v10 =	vshll.u32 v10, v1;
	[tilespmem:v9+s23+$0x0] =	vst.idx.msk $0xffff, v13  }
0x503: {  	s14 =	sadd.s32 $0x3A2, s29;
	v9 =	vmov s10;
	v13 =	vor.u32 v2, v14;
	v14 =	vld [tilespmem:s1+$0xFFFFFFB0];
	v10 =	vbroadcast v10, $0x0  }
0x504: {  	v21 =	vmov s14;
	v9 =	vshrl.u32 v9, $0x3;
	[tilespmem:v15+s23+$0x0] =	vst.idx.msk $0xffff, v17;
	v15 =	vld [tilespmem:s28+$0xFFFFF680]  }
0x505: {  	v9 =	vshll.u32 v9, v1;
	v17 =	vadd.f32 v19, v18;
	v18 =	vld [tilespmem:s1+$0xFFFFF6B0];
	v10 =	vor.u32 v3, v10  }
0x506: {  	s10 =	sadd.s32 $0x3A7, s0;
	v19 =	vshrl.u32 v21, $0x3;
	v9 =	vbroadcast v9, $0x0;
	v21 =	vld [tilespmem:s1+$0xFFFFFEB0];
	v12 =	vadd.f32 v16, v12  }
0x507: {  	s14 =	sadd.s32 $0x3AB, s29;
	[tilespmem:v11+s23+$0x0] =	vst.idx.msk $0xffff, v17;
	v11 =	vshll.u32 v19, v1;
	v16 =	vld [tilespmem:s28+$0xFFFFFE80];
	v17 =	vor.u32 s10, v8  }
0x508: {  	v22 =	vmov s14;
	s14 =	sadd.s32 $0x3BB, s29;
	v9 =	vor.u32 v3, v9;
	s10 =	sadd.s32 $0x3B2, s29;
	v19 =	vld [tilespmem:s1+$0xFFFFF630];
	[tilespmem:v13+s23+$0x0] =	vst.idx.msk $0xffff, v12;
	v12 =	vadd.f32 v14, v20  }
0x509: {  	v11 =	vbroadcast v11, $0x0;
	v14 =	vmov s10;
	v20 =	vmov s14;
	v13 =	vld [tilespmem:s1+$0xFFFFFE30]  }
0x50a: {  	v22 =	vshrl.u32 v22, $0x3;
	v14 =	vshrl.u32 v14, $0x3;
	v23 =	vld [tilespmem:s1+$0xFFFFF730];
	[tilespmem:v10+s23+$0x0] =	vst.idx.msk $0xffff, v12;
	v10 =	vshrl.u32 v20, $0x3  }
0x50b: {  	v11 =	vor.u32 v3, v11;
	v12 =	vadd.f32 v21, v18;
	v18 =	vld [tilespmem:s1+$0xFFFFF7C0];
	v10 =	vshll.u32 v10, v1  }
0x50c: {  	v14 =	vshll.u32 v14, v1;
	v20 =	vld [tilespmem:s1+$0xFFFFFFC0];
	v10 =	vbroadcast v10, $0x0;
	v15 =	vadd.f32 v16, v15  }
0x50d: {  	s10 =	sadd.s32 $0x3A3, s29;
	v14 =	vbroadcast v14, $0x0;
	[tilespmem:v9+s23+$0x0] =	vst.idx.msk $0xffff, v12;
	v9 =	vshll.u32 v22, v1;
	v12 =	vld [tilespmem:s1+$0xFFFFFF30]  }
0x50e: {  	v16 =	vmov s10;
	v13 =	vadd.f32 v13, v19;
	v19 =	vld [tilespmem:s1+$0xFFFFF6C0];
	v10 =	vor.u32 v4, v10;
	[tilespmem:v17+s23+$0x0] =	vst.idx.msk $0xffff, v15  }
0x50f: {  	v14 =	vor.u32 v3, v14;
	v15 =	vshrl.u32 v16, $0x3;
	v9 =	vbroadcast v9, $0x0;
	v16 =	vld [tilespmem:s1+$0xFFFFFEC0]  }
0x510: {  	[tilespmem:v11+s23+$0x0] =	vst.idx.msk $0xffff, v13;
	v11 =	vshll.u32 v15, v1;
	v13 =	vld [tilespmem:s28+$0xFFFFF700]  }
0x511: {  	s10 =	sadd.s32 $0x3BC, s29;
	v9 =	vor.u32 v4, v9;
	v15 =	vld [tilespmem:s1+$0xFFFFF640];
	v11 =	vbroadcast v11, $0x0;
	v17 =	vadd.f32 v20, v18  }
0x512: {  	v20 =	vmov s10;
	s10 =	sadd.s32 $0x3AF, s0;
	v18 =	vld [tilespmem:s1+$0xFFFFFE40];
	v12 =	vadd.f32 v12, v23  }
0x513: {  	s14 =	sadd.s32 $0x3B3, s29;
	v11 =	vor.u32 v4, v11;
	[tilespmem:v10+s23+$0x0] =	vst.idx.msk $0xffff, v17;
	v10 =	vshrl.u32 v20, $0x3;
	v17 =	vld [tilespmem:s28+$0xFFFFFF00];
	v20 =	vor.u32 s10, v8  }
0x514: {  	s10 =	sadd.s32 $0x3AC, s29;
	v16 =	vadd.f32 v16, v19;
	[tilespmem:v14+s23+$0x0] =	vst.idx.msk $0xffff, v12;
	v12 =	vmov s14;
	v14 =	vld [tilespmem:s1+$0xFFFFF7D0];
	v10 =	vshll.u32 v10, v1  }
0x515: {  	v19 =	vmov s10;
	v12 =	vshrl.u32 v12, $0x3;
	v21 =	vld [tilespmem:s1+$0xFFFFFFD0];
	v10 =	vbroadcast v10, $0x0  }
0x516: {  	[tilespmem:v9+s23+$0x0] =	vst.idx.msk $0xffff, v16;
	v9 =	vshrl.u32 v19, $0x3;
	v16 =	vld [tilespmem:s1+$0xFFFFF740];
	v12 =	vshll.u32 v12, v1  }
0x517: {  	s10 =	sadd.s32 $0x3A4, s29;
	v15 =	vadd.f32 v18, v15;
	v18 =	vld [tilespmem:s1+$0xFFFFFF40];
	v12 =	vbroadcast v12, $0x0;
	v10 =	vor.u32 v5, v10  }
0x518: {  	v19 =	vmov s10;
	v9 =	vshll.u32 v9, v1;
	v22 =	vld [tilespmem:s1+$0xFFFFF6D0];
	v13 =	vadd.f32 v17, v13  }
0x519: {  	v9 =	vbroadcast v9, $0x0;
	[tilespmem:v11+s23+$0x0] =	vst.idx.msk $0xffff, v15;
	v11 =	vshrl.u32 v19, $0x3;
	v15 =	vld [tilespmem:s1+$0xFFFFFED0];
	v12 =	vor.u32 v4, v12  }
0x51a: {  	s10 =	sadd.s32 $0x3BD, s29;
	v17 =	vld [tilespmem:s1+$0xFFFFF650];
	v11 =	vshll.u32 v11, v1;
	v14 =	vadd.f32 v21, v14;
	[tilespmem:v20+s23+$0x0] =	vst.idx.msk $0xffff, v13  }
0x51b: {  	s14 =	sadd.s32 $0x3AD, s29;
	v19 =	vmov s10;
	v9 =	vor.u32 v5, v9;
	v13 =	vld [tilespmem:s1+$0xFFFFFE50];
	v11 =	vbroadcast v11, $0x0  }
0x51c: {  	s10 =	sadd.s32 $0x3B4, s29;
	v20 =	vmov s14;
	v16 =	vadd.f32 v18, v16;
	[tilespmem:v10+s23+$0x0] =	vst.idx.msk $0xffff, v14;
	v10 =	vshrl.u32 v19, $0x3;
	v18 =	vld [tilespmem:s28+$0xFFFFF780]  }
0x51d: {  	v14 =	vmov s10;
	v11 =	vor.u32 v5, v11;
	v19 =	vld [tilespmem:s1+$0xFFFFF7E0];
	v10 =	vshll.u32 v10, v1  }
0x51e: {  	v15 =	vadd.f32 v15, v22;
	[tilespmem:v12+s23+$0x0] =	vst.idx.msk $0xffff, v16;
	v12 =	vshrl.u32 v14, $0x3;
	v14 =	vld [tilespmem:s1+$0xFFFFFFE0];
	v10 =	vbroadcast v10, $0x0  }
0x51f: {  	v16 =	vshrl.u32 v20, $0x3;
	v20 =	vld [tilespmem:s1+$0xFFFFF750];
	v12 =	vshll.u32 v12, v1  }
0x520: {  	s10 =	sadd.s32 $0x3A5, s29;
	v13 =	vadd.f32 v13, v17;
	[tilespmem:v9+s23+$0x0] =	vst.idx.msk $0xffff, v15;
	v9 =	vld [tilespmem:s1+$0xFFFFFF50];
	v12 =	vbroadcast v12, $0x0;
	v10 =	vor.u32 v6, v10  }
0x521: {  	v16 =	vshll.u32 v16, v1;
	v15 =	vmov s10;
	v17 =	vld [tilespmem:s1+$0xFFFFF6E0]  }
0x522: {  	s10 =	sadd.s32 $0x3B7, s0;
	s0 =	smov.u32 s29;
	[tilespmem:v11+s23+$0x0] =	vst.idx.msk $0xffff, v13;
	v11 =	vshrl.u32 v15, $0x3;
	v13 =	vld [tilespmem:s1+$0xFFFFFEE0];
	v15 =	vbroadcast v16, $0x0;
	v12 =	vor.u32 v5, v12  }
0x523: {  	s14 =	sadd.s32 $0x3BE, s0;
	v16 =	vld [tilespmem:s1+$0xFFFFF660];
	v11 =	vshll.u32 v11, v1;
	v14 =	vadd.f32 v14, v19;
	v19 =	vor.u32 s10, v8  }
0x524: {  	v22 =	vmov s14;
	s10 =	sadd.s32 $0x3AE, s0;
	v21 =	vld [tilespmem:s1+$0xFFFFFE60];
	v11 =	vbroadcast v11, $0x0;
	v15 =	vor.u32 v6, v15  }
0x525: {  	v23 =	vmov s10;
	s10 =	sadd.s32 $0x3B5, s0;
	v9 =	vadd.f32 v9, v20;
	[tilespmem:v10+s23+$0x0] =	vst.idx.msk $0xffff, v14;
	v10 =	vshrl.u32 v22, $0x3;
	v20 =	vld [tilespmem:s28+$0xFFFFFF80];
	s28 =	smov.u32 s1  }
0x526: {  	v14 =	vmov s10;
	v11 =	vor.u32 v6, v11;
	v22 =	vld [tilespmem:s1+$0xFFFFF7F0];
	v10 =	vshll.u32 v10, v1  }
0x527: {  	v13 =	vadd.f32 v13, v17;
	[tilespmem:v12+s23+$0x0] =	vst.idx.msk $0xffff, v9;
	v9 =	vshrl.u32 v14, $0x3;
	v17 =	vld [tilespmem:s1+$0xFFFFFFF0];
	v12 =	vbroadcast v10, $0x0  }
.Ltmp7:
0x528: {  	v23 =	vshrl.u32 v23, $0x3;
	v10 =	vld [tilespmem:s1+$0xFFFFF760];
	v9 =	vshll.u32 v9, v1;
	(pc) =	sbr.rel @p0 .LBB2_17-.Ltmp7, $4  }
0x529: {  	s10 =	sadd.s32 $0x3A6, s0;
	v16 =	vadd.f32 v21, v16;
	[tilespmem:v15+s23+$0x0] =	vst.idx.msk $0xffff, v13;
	v14 =	vld [tilespmem:s1+$0xFFFFFF60];
	v15 =	vbroadcast v9, $0x0;
	v13 =	vor.u32 v7, v12  }
0x52a: {  	v12 =	vmov s10;
	v21 =	vshll.u32 v23, v1;
	v9 =	vld [tilespmem:s1+$0xFFFFF6F0];
	v20 =	vadd.f32 v20, v18  }
0x52b: {  	v18 =	vshrl.u32 v12, $0x3;
	[tilespmem:v11+s23+$0x0] =	vst.idx.msk $0xffff, v16;
	v12 =	vld [tilespmem:s1+$0xFFFFFEF0];
	v16 =	vbroadcast v21, $0x0;
	v15 =	vor.u32 v6, v15  }
0x52c: {  	v18 =	vshll.u32 v18, v1;
	v11 =	vld [tilespmem:s1+$0xFFFFF670];
	v17 =	vadd.f32 v17, v22;
	[tilespmem:v19+s23+$0x0] =	vst.idx.msk $0xffff, v20  }
0x52d: {  	_ =	sdelay $0x1  }
0x52e: {  	s1 =	sadd.s32 $0x3B6, s0;
	v10 =	vadd.f32 v14, v10  }
0x52f: {  	v19 =	vld [tilespmem:s28+$0xFFFFFE70];
	v18 =	vbroadcast v18, $0x0;
	v53 =	vmov s1  }
0x530: {  	v55 =	vor.u32 v7, v16;
	[tilespmem:v15+s23+$0x0] =	vst.idx.msk $0xffff, v10;
	v10 =	vshrl.u32 v53, $0x3  }
0x531: {  	v18 =	vor.u32 v7, v18;
	v54 =	vld [tilespmem:s28+$0xFFFFF770];
	v10 =	vshll.u32 v10, v1  }
0x532: {  	v56 =	vld [tilespmem:s28+$0xFFFFFF70];
	v10 =	vbroadcast v10, $0x0  }
0x533: {  	[tilespmem:v13+s23+$0x0] =	vst.idx.msk $0xffff, v17;
	v9 =	vadd.f32 v12, v9  }
0x534: {  	v13 =	vld [tilespmem:s28+$0xFFFFF800];
	v11 =	vadd.f32 v19, v11;
	v10 =	vor.u32 v7, v10  }
0x535: {  	v57 =	vld [tilespmem:s28+$0x0];
	[tilespmem:v55+s23+$0x0] =	vst.idx.msk $0xffff, v9  }
0x536: {  	v15 =	vld [tilespmem:s28+$0xFFFFF700];
	[tilespmem:v18+s23+$0x0] =	vst.idx.msk $0xffff, v11  }
0x537: {  	v11 =	vld [tilespmem:s28+$0xFFFFF680];
	v9 =	vadd.f32 v56, v54  }
0x538: {  	v58 =	vld [tilespmem:s28+$0xFFFFFE80]  }
0x539: {  	s14 =	sadd.s32 $0x3A7, s0;
	[tilespmem:v10+s23+$0x0] =	vst.idx.msk $0xffff, v9;
	v9 =	vld [tilespmem:s28+$0xFFFFFF00]  }
0x53a: {  	s10 =	sadd.s32 $0x3BF, s0;
	v60 =	vor.u32 s14, v8;
	v59 =	vld [tilespmem:s28+$0xFFFFF780]  }
0x53b: {  	s25 =	sadd.s32 $0x3AF, s0;
	v10 =	vor.u32 s10, v8;
	v61 =	vld [tilespmem:s28+$0xFFFFFF80]  }
0x53c: {  	s29 =	sadd.s32 $0x3B7, s0;
	v62 =	vor.u32 s25, v8  }
0x53d: {  	v63 =	vor.u32 s29, v8;
	v11 =	vadd.f32 v58, v11  }
0x53e: {  	v12 =	vadd.f32 v57, v13  }
0x53f: {  	[tilespmem:v60+s23+$0x0] =	vst.idx.msk $0xffff, v11;
	v9 =	vadd.f32 v9, v15  }
0x540: {  	s30 =	sshll.u32 s24, $0x4;
	s21 =	sadd.s32 $0x1, s21;
	[tilespmem:v10+s23+$0x0] =	vst.idx.msk $0xffff, v12;
	v10 =	vadd.f32 v61, v59  }
0x541: {  	s0 =	sand.u32 $0x1FFFFFF0, s30;
	p0 =	sne.s32 s21, $0x9;
	[tilespmem:v62+s23+$0x0] =	vst.idx.msk $0xffff, v9  }
.Ltmp8:
0x542: {  	s31 =	simm.s32 $0x4E200;
	s0 =	sadd.s32 s2, s0;
	[tilespmem:v63+s23+$0x0] =	vst.idx.msk $0xffff, v10;
	(pc) =	sbr.rel @p0 .LBB2_2-.Ltmp8, $4  }
0x543: {  	[hbm4b:s0+s26] =	stream.strided.scatter [tilespmem:s23], [sflag:$0x2], $0x4000, s31, s26, $0x38;
	[tilespmem:$0xC800] =	vst v63  }
0x544: {  	_ =	swait.ge [sflag:s11], $0x4000  }
0x545: {  	[sflag:s11] =	ssyncset.done $0x0  }
0x546: {  	s24 =	simm.s32 $0x0;
	[sflag:s11] =	ssyncadd.s32 $0xFFFFC000  }
0x547: {  	s21 =	simm.s32 $0x0  }
.LBB2_20:
0x548: {  	s25 =	sadd.s32 s21, s9  }
0x549: {  	s0 =	sshll.u32 s25, $0x5  }
0x54a: {  	s0 =	sand.u32 $0x1FFFFFE0, s0  }
0x54b: {  	s0 =	sadd.s32 s6, s0  }
0x54c: {  	[tilespmem:s24], [sflag:$0x2] =	stream.linear.gather [hbm4b:s0+s24], $0x100, $0x38;
	[tilespmem:$0xC800] =	vst v63  }
0x54d: {  	_ =	swait.ge [sflag:s11], $0x100  }
0x54e: {  	[sflag:s11] =	ssyncset.done $0x0  }
0x54f: {  	[sflag:s11] =	ssyncadd.s32 $0xFFFFFF00  }
0x550: {  	[tilespmem:s13], [sflag:$0x1] =	stream.indirect.gather [hbm4b:s4+s12], $0x10, s24, s12, $0xb8;
	[tilespmem:$0xC800] =	vst v63  }
0x551: {  	s28 =	simm.s32 $0x1000  }
0x552: {  	[tilespmem:s28], [sflag:$0x1] =	stream.indirect.gather [hbm4b:s5+s12], $0x10, s12, s12, $0xb8;
	[tilespmem:$0xC800] =	vst v63  }
0x553: {  	_ =	swait.ge [sflag:s22], $0x800  }
0x554: {  	[sflag:s22] =	ssyncset.done $0x0  }
0x555: {  	[sflag:s22] =	ssyncadd.s32 $0xFFFFF800  }
0x556: {  	s31 =	simm.s32 $0x18;
	_ =	swait.ge [sflag:s22], $0x800  }
0x557: {  	v9 =	vmov s31;
	[sflag:s22] =	ssyncset.done $0x0  }
0x558: {  	s1 =	simm.s32 $0x8;
	v9 =	vshrl.u32 v9, $0x3;
	[sflag:s22] =	ssyncadd.s32 $0xFFFFF800  }
0x559: {  	v11 =	vmov s1;
	v9 =	vshll.u32 v9, v1;
	v10 =	vld [tilespmem:s28+$0xFFFFF980]  }
0x55a: {  	s10 =	simm.s32 $0x10;
	v11 =	vshrl.u32 v11, $0x3;
	v9 =	vbroadcast v9, $0x0;
	v12 =	vld [tilespmem:s28+$0x180]  }
0x55b: {  	v14 =	vmov s10;
	v11 =	vshll.u32 v11, v1;
	v13 =	vld [tilespmem:s28+$0xFFFFF880]  }
0x55c: {  	v14 =	vshrl.u32 v14, $0x3;
	v11 =	vbroadcast v11, $0x0;
	v9 =	vor.u32 v0, v9;
	v16 =	vld [tilespmem:s28+$0x80]  }
0x55d: {  	v15 =	vmov s24;
	v14 =	vshll.u32 v14, v1;
	v17 =	vld [tilespmem:s28+$0xFFFFF900]  }
0x55e: {  	v15 =	vshrl.u32 v15, $0x3;
	v14 =	vbroadcast v14, $0x0;
	v11 =	vor.u32 v0, v11;
	v18 =	vld [tilespmem:s28+$0x100]  }
0x55f: {  	v15 =	vshll.u32 v15, v1;
	v20 =	vld [tilespmem:s28+$0xFFFFF800];
	v10 =	vadd.f32 v12, v10  }
0x560: {  	s14 =	simm.s32 $0x19;
	v15 =	vbroadcast v15, $0x0;
	v14 =	vor.u32 v0, v14;
	v12 =	vld [tilespmem:s28+$0x0]  }
0x561: {  	v19 =	vmov s14;
	[tilespmem:v9+s23+$0x0] =	vst.idx.msk $0xffff, v10;
	v10 =	vadd.f32 v16, v13  }
0x562: {  	s31 =	simm.s32 $0x9;
	v15 =	vor.u32 v0, v15;
	v9 =	vshrl.u32 v19, $0x3;
	v13 =	vld [tilespmem:s28+$0xFFFFF990]  }
0x563: {  	s1 =	simm.s32 $0x1;
	v16 =	vmov s31;
	v9 =	vshll.u32 v9, v1;
	v19 =	vld [tilespmem:s28+$0x190];
	[tilespmem:v11+s23+$0x0] =	vst.idx.msk $0xffff, v10;
	v11 =	vadd.f32 v18, v17  }
0x564: {  	v21 =	vmov s1;
	s1 =	simm.s32 $0x11;
	v9 =	vbroadcast v9, $0x0;
	v10 =	vshrl.u32 v16, $0x3;
	v17 =	vld [tilespmem:s28+$0xFFFFF890]  }
0x565: {  	v16 =	vmov s1;
	v10 =	vshll.u32 v10, v1;
	v12 =	vadd.f32 v12, v20;
	v18 =	vld [tilespmem:s28+$0x90];
	[tilespmem:v14+s23+$0x0] =	vst.idx.msk $0xffff, v11  }
0x566: {  	v9 =	vor.u32 v2, v9;
	v10 =	vbroadcast v10, $0x0;
	v11 =	vshrl.u32 v16, $0x3;
	v16 =	vld [tilespmem:s28+$0xFFFFF910]  }
0x567: {  	v11 =	vshll.u32 v11, v1;
	[tilespmem:v15+s23+$0x0] =	vst.idx.msk $0xffff, v12;
	v12 =	vld [tilespmem:s28+$0x110]  }
0x568: {  	v14 =	vshrl.u32 v21, $0x3;
	v10 =	vor.u32 v2, v10;
	v11 =	vbroadcast v11, $0x0;
	v15 =	vld [tilespmem:s28+$0xFFFFF810]  }
0x569: {  	s10 =	simm.s32 $0x1A;
	v14 =	vshll.u32 v14, v1;
	v13 =	vadd.f32 v19, v13;
	v20 =	vld [tilespmem:s28+$0x10]  }
0x56a: {  	v19 =	vmov s10;
	v14 =	vbroadcast v14, $0x0;
	v11 =	vor.u32 v2, v11  }
0x56b: {  	s14 =	simm.s32 $0xA;
	[tilespmem:v9+s23+$0x0] =	vst.idx.msk $0xffff, v13;
	v9 =	vshrl.u32 v19, $0x3;
	v13 =	vadd.f32 v18, v17  }
0x56c: {  	v14 =	vor.u32 v2, v14;
	v18 =	vmov s14;
	v17 =	vld [tilespmem:s28+$0xFFFFF9A0];
	v9 =	vshll.u32 v9, v1  }
0x56d: {  	s1 =	simm.s32 $0x12;
	v19 =	vld [tilespmem:s28+$0x1A0];
	v12 =	vadd.f32 v12, v16;
	v9 =	vbroadcast v9, $0x0;
	[tilespmem:v10+s23+$0x0] =	vst.idx.msk $0xffff, v13;
	v10 =	vshrl.u32 v18, $0x3  }
0x56e: {  	v16 =	vmov s1;
	v15 =	vadd.f32 v20, v15;
	v13 =	vld [tilespmem:s28+$0xFFFFF8A0];
	v10 =	vshll.u32 v10, v1  }
0x56f: {  	s31 =	simm.s32 $0x2;
	v18 =	vld [tilespmem:s28+$0xA0];
	v9 =	vor.u32 v3, v9;
	v10 =	vbroadcast v10, $0x0;
	[tilespmem:v11+s23+$0x0] =	vst.idx.msk $0xffff, v12;
	v11 =	vshrl.u32 v16, $0x3  }
0x570: {  	v21 =	vmov s31;
	v16 =	vld [tilespmem:s28+$0xFFFFF920];
	v11 =	vshll.u32 v11, v1  }
0x571: {  	v12 =	vshrl.u32 v21, $0x3;
	[tilespmem:v14+s23+$0x0] =	vst.idx.msk $0xffff, v15;
	v14 =	vld [tilespmem:s28+$0x120];
	v10 =	vor.u32 v3, v10;
	v11 =	vbroadcast v11, $0x0  }
0x572: {  	v12 =	vshll.u32 v12, v1;
	v20 =	vld [tilespmem:s28+$0x20];
	v15 =	vadd.f32 v19, v17  }
0x573: {  	s10 =	simm.s32 $0x1B;
	v17 =	vld [tilespmem:s28+$0xFFFFF820];
	v12 =	vbroadcast v12, $0x0;
	v11 =	vor.u32 v3, v11  }
0x574: {  	v19 =	vmov s10;
	v13 =	vadd.f32 v18, v13;
	[tilespmem:v9+s23+$0x0] =	vst.idx.msk $0xffff, v15  }
0x575: {  	s14 =	simm.s32 $0xB;
	v12 =	vor.u32 v3, v12;
	v9 =	vshrl.u32 v19, $0x3;
	v15 =	vld [tilespmem:s28+$0xFFFFF9B0]  }
0x576: {  	v18 =	vmov s14;
	v9 =	vshll.u32 v9, v1;
	v19 =	vld [tilespmem:s28+$0x1B0];
	[tilespmem:v10+s23+$0x0] =	vst.idx.msk $0xffff, v13;
	v13 =	vadd.f32 v14, v16  }
0x577: {  	s1 =	simm.s32 $0x13;
	v9 =	vbroadcast v9, $0x0;
	v10 =	vshrl.u32 v18, $0x3;
	v14 =	vld [tilespmem:s28+$0xFFFFF8B0]  }
0x578: {  	v16 =	vmov s1;
	v17 =	vadd.f32 v20, v17;
	v10 =	vshll.u32 v10, v1;
	v18 =	vld [tilespmem:s28+$0xB0];
	[tilespmem:v11+s23+$0x0] =	vst.idx.msk $0xffff, v13  }
0x579: {  	s31 =	simm.s32 $0x3;
	v9 =	vor.u32 v4, v9;
	v10 =	vbroadcast v10, $0x0;
	v11 =	vshrl.u32 v16, $0x3;
	v16 =	vld [tilespmem:s28+$0xFFFFF930]  }
0x57a: {  	v21 =	vmov s31;
	[tilespmem:v12+s23+$0x0] =	vst.idx.msk $0xffff, v17;
	v11 =	vshll.u32 v11, v1;
	v12 =	vld [tilespmem:s28+$0x130]  }
0x57b: {  	v13 =	vshrl.u32 v21, $0x3;
	v17 =	vld [tilespmem:s28+$0xFFFFF830];
	v10 =	vor.u32 v4, v10;
	v11 =	vbroadcast v11, $0x0  }
0x57c: {  	s10 =	simm.s32 $0x1C;
	v13 =	vshll.u32 v13, v1;
	v20 =	vld [tilespmem:s28+$0x30];
	v15 =	vadd.f32 v19, v15  }
0x57d: {  	v19 =	vmov s10;
	v13 =	vbroadcast v13, $0x0;
	v11 =	vor.u32 v4, v11  }
0x57e: {  	v14 =	vadd.f32 v18, v14;
	[tilespmem:v9+s23+$0x0] =	vst.idx.msk $0xffff, v15;
	v9 =	vshrl.u32 v19, $0x3  }
0x57f: {  	s14 =	simm.s32 $0xC;
	v13 =	vor.u32 v4, v13;
	v15 =	vld [tilespmem:s28+$0xFFFFF9C0];
	v9 =	vshll.u32 v9, v1  }
0x580: {  	s31 =	simm.s32 $0x4;
	v18 =	vmov s14;
	v19 =	vld [tilespmem:s28+$0x1C0];
	v12 =	vadd.f32 v12, v16;
	v9 =	vbroadcast v9, $0x0;
	[tilespmem:v10+s23+$0x0] =	vst.idx.msk $0xffff, v14  }
0x581: {  	s1 =	simm.s32 $0x14;
	v21 =	vmov s31;
	v17 =	vadd.f32 v20, v17;
	v10 =	vshrl.u32 v18, $0x3;
	v14 =	vld [tilespmem:s28+$0xFFFFF8C0]  }
0x582: {  	v16 =	vmov s1;
	v10 =	vshll.u32 v10, v1;
	v18 =	vld [tilespmem:s28+$0xC0];
	v9 =	vor.u32 v5, v9;
	[tilespmem:v11+s23+$0x0] =	vst.idx.msk $0xffff, v12  }
0x583: {  	v10 =	vbroadcast v10, $0x0;
	v11 =	vshrl.u32 v16, $0x3;
	v12 =	vshrl.u32 v21, $0x3;
	v16 =	vld [tilespmem:s28+$0xFFFFF940]  }
0x584: {  	[tilespmem:v13+s23+$0x0] =	vst.idx.msk $0xffff, v17;
	v11 =	vshll.u32 v11, v1;
	v13 =	vld [tilespmem:s28+$0x140];
	v12 =	vshll.u32 v12, v1  }
0x585: {  	s10 =	simm.s32 $0x1D;
	v17 =	vld [tilespmem:s28+$0xFFFFF840];
	v10 =	vor.u32 v5, v10;
	v11 =	vbroadcast v11, $0x0;
	v15 =	vadd.f32 v19, v15  }
0x586: {  	v20 =	vld [tilespmem:s28+$0x40];
	v19 =	vmov s10;
	v12 =	vbroadcast v12, $0x0  }
0x587: {  	v11 =	vor.u32 v5, v11;
	[tilespmem:v9+s23+$0x0] =	vst.idx.msk $0xffff, v15;
	v9 =	vshrl.u32 v19, $0x3  }
0x588: {  	s14 =	simm.s32 $0xD;
	v14 =	vadd.f32 v18, v14;
	v12 =	vor.u32 v5, v12;
	v15 =	vld [tilespmem:s28+$0xFFFFF9D0];
	v9 =	vshll.u32 v9, v1  }
0x589: {  	v18 =	vmov s14;
	v19 =	vld [tilespmem:s28+$0x1D0];
	v9 =	vbroadcast v9, $0x0  }
0x58a: {  	v13 =	vadd.f32 v13, v16;
	[tilespmem:v10+s23+$0x0] =	vst.idx.msk $0xffff, v14;
	v10 =	vshrl.u32 v18, $0x3  }
0x58b: {  	s31 =	simm.s32 $0x5;
	s1 =	simm.s32 $0x15;
	v17 =	vadd.f32 v20, v17;
	v14 =	vld [tilespmem:s28+$0xFFFFF8D0];
	v10 =	vshll.u32 v10, v1;
	v9 =	vor.u32 v6, v9  }
0x58c: {  	v21 =	vmov s31;
	v16 =	vmov s1;
	v18 =	vld [tilespmem:s28+$0xD0];
	v10 =	vbroadcast v10, $0x0;
	[tilespmem:v11+s23+$0x0] =	vst.idx.msk $0xffff, v13  }
0x58d: {  	v11 =	vshrl.u32 v16, $0x3;
	v13 =	vshrl.u32 v21, $0x3;
	[tilespmem:v12+s23+$0x0] =	vst.idx.msk $0xffff, v17;
	v16 =	vld [tilespmem:s28+$0xFFFFF950]  }
0x58e: {  	s10 =	simm.s32 $0x1E;
	v11 =	vshll.u32 v11, v1;
	v12 =	vld [tilespmem:s28+$0x150];
	v10 =	vor.u32 v6, v10;
	v15 =	vadd.f32 v19, v15  }
0x58f: {  	v17 =	vld [tilespmem:s28+$0xFFFFF850];
	v13 =	vshll.u32 v13, v1;
	v11 =	vbroadcast v11, $0x0;
	v19 =	vmov s10  }
0x590: {  	v20 =	vld [tilespmem:s28+$0x50];
	v13 =	vbroadcast v13, $0x0;
	[tilespmem:v9+s23+$0x0] =	vst.idx.msk $0xffff, v15;
	v9 =	vshrl.u32 v19, $0x3  }
0x591: {  	v11 =	vor.u32 v6, v11;
	v14 =	vadd.f32 v18, v14;
	v15 =	vld [tilespmem:s28+$0xFFFFF9E0];
	v9 =	vshll.u32 v9, v1  }
0x592: {  	v18 =	vld [tilespmem:s28+$0x1E0];
	v9 =	vbroadcast v9, $0x0  }
0x593: {  	s14 =	simm.s32 $0xE;
	v13 =	vor.u32 v6, v13;
	[tilespmem:v10+s23+$0x0] =	vst.idx.msk $0xffff, v14  }
0x594: {  	s31 =	simm.s32 $0x16;
	v10 =	vadd.f32 v12, v16;
	v12 =	vmov s14;
	v14 =	vld [tilespmem:s28+$0xFFFFF8E0];
	v9 =	vor.u32 v7, v9  }
0x595: {  	s0 =	simm.s32 $0x1200;
	v16 =	vmov s31;
	v12 =	vshrl.u32 v12, $0x3;
	v19 =	vld [tilespmem:s28+$0xE0]  }
0x596: {  	v17 =	vadd.f32 v20, v17;
	[tilespmem:v11+s23+$0x0] =	vst.idx.msk $0xffff, v10;
	v10 =	vshrl.u32 v16, $0x3;
	v11 =	vshll.u32 v12, v1;
	v16 =	vld [tilespmem:s0+$0xFFFFF980]  }
0x597: {  	v12 =	vld [tilespmem:s28+$0xFFFFF960];
	v10 =	vshll.u32 v10, v1;
	v11 =	vbroadcast v11, $0x0;
	v15 =	vadd.f32 v18, v15  }
0x598: {  	s29 =	simm.s32 $0x20;
	s10 =	simm.s32 $0x38;
	[tilespmem:v13+s23+$0x0] =	vst.idx.msk $0xffff, v17;
	v17 =	vld [tilespmem:s28+$0x160];
	v13 =	vbroadcast v10, $0x0  }
0x599: {  	v21 =	vmov s29;
	v10 =	vld [tilespmem:s28+$0xFFFFF860];
	v20 =	vor.u32 v7, v11;
	v11 =	vmov s10;
	[tilespmem:v9+s23+$0x0] =	vst.idx.msk $0xffff, v15  }
0x59a: {  	v21 =	vshrl.u32 v21, $0x3;
	s14 =	simm.s32 $0x21;
	v22 =	vor.u32 v7, v13;
	v11 =	vshrl.u32 v11, $0x3;
	v9 =	vld [tilespmem:s28+$0xFFFFF9F0]  }
0x59b: {  	s31 =	simm.s32 $0x28;
	s10 =	simm.s32 $0x6;
	v14 =	vadd.f32 v19, v14;
	v13 =	vmov s14;
	v15 =	vshll.u32 v11, v1;
	v11 =	vld [tilespmem:s28+$0x1F0]  }
0x59c: {  	v18 =	vld [tilespmem:s0+$0x180];
	v24 =	vmov s10;
	v19 =	vmov s31;
	s14 =	simm.s32 $0x1F;
	v23 =	vbroadcast v15, $0x0  }
0x59d: {  	s31 =	simm.s32 $0x30;
	v19 =	vshrl.u32 v19, $0x3;
	v25 =	vadd.f32 v17, v12;
	v15 =	vld [tilespmem:s0+$0x0];
	v12 =	vor.u32 s14, v8  }
0x59e: {  	v26 =	vmov s31;
	v17 =	vld [tilespmem:s0+$0xFFFFF880];
	[tilespmem:v20+s23+$0x0] =	vst.idx.msk $0xffff, v14;
	v14 =	vshll.u32 v19, v1;
	v20 =	vor.u32 v0, v23  }
0x59f: {  	s30 =	simm.s32 $0x0;
	s1 =	simm.s32 $0x40;
	v19 =	vld [tilespmem:s0+$0x80];
	v23 =	vshrl.u32 v26, $0x3;
	[tilespmem:v22+s23+$0x0] =	vst.idx.msk $0xffff, v25;
	v22 =	vbroadcast v14, $0x0;
	v14 =	vshrl.u32 v24, $0x3  }
.LBB2_21:
0x5a0: {  	p0 =	slt.u32 s1, $0x60;
	v21 =	vshll.u32 v21, v1;
	v24 =	vld [tilespmem:s0+$0xFFFFF900];
	v23 =	vshll.u32 v23, v1;
	v9 =	vadd.f32 v11, v9  }
0x5a1: {  	s10 =	sadd.s32 $0x19, s29;
	v11 =	vor.u32 v0, v22;
	v22 =	vld [tilespmem:s0+$0x100];
	v23 =	vbroadcast v23, $0x0;
	v16 =	vadd.f32 v18, v16  }
0x5a2: {  	v14 =	vshll.u32 v14, v1;
	v21 =	vbroadcast v21, $0x0;
	v25 =	vmov s10;
	v18 =	vld [tilespmem:s0+$0xFFFFF800];
	[tilespmem:v12+s23+$0x0] =	vst.idx.msk $0xffff, v9  }
0x5a3: {  	v14 =	vbroadcast v14, $0x0;
	v12 =	vshrl.u32 v25, $0x3;
	v9 =	vor.u32 v0, v23;
	[tilespmem:v20+s23+$0x0] =	vst.idx.msk $0xffff, v16;
	v16 =	vld [tilespmem:s28+$0x60]  }
0x5a4: {  	s10 =	sadd.s32 $0x9, s29;
	v20 =	vor.u32 v0, v21;
	v12 =	vshll.u32 v12, v1;
	v17 =	vadd.f32 v19, v17;
	v19 =	vld [tilespmem:s0+$0xFFFFF990]  }
0x5a5: {  	v21 =	vmov s10;
	s10 =	sadd.s32 $0x11, s29;
	v14 =	vor.u32 v7, v14;
	v12 =	vbroadcast v12, $0x0;
	v23 =	vld [tilespmem:s0+$0x190]  }
0x5a6: {  	[tilespmem:v11+s23+$0x0] =	vst.idx.msk $0xffff, v17;
	v11 =	vshrl.u32 v21, $0x3;
	v17 =	vadd.f32 v22, v24;
	v21 =	vmov s10;
	v22 =	vld [tilespmem:s28+$0xFFFFF8F0]  }
0x5a7: {  	v12 =	vor.u32 v2, v12;
	v15 =	vadd.f32 v15, v18;
	v18 =	vld [tilespmem:s0+$0xFFFFF890];
	v11 =	vshll.u32 v11, v1  }
0x5a8: {  	v24 =	vld [tilespmem:s0+$0x90];
	v11 =	vbroadcast v11, $0x0;
	[tilespmem:v9+s23+$0x0] =	vst.idx.msk $0xffff, v17;
	v9 =	vshrl.u32 v21, $0x3;
	v10 =	vadd.f32 v16, v10  }
0x5a9: {  	v13 =	vshrl.u32 v13, $0x3;
	[tilespmem:v20+s23+$0x0] =	vst.idx.msk $0xffff, v15;
	v15 =	vld [tilespmem:s0+$0xFFFFF910];
	v9 =	vshll.u32 v9, v1  }
0x5aa: {  	s10 =	sadd.s32 $0x1A, s29;
	v11 =	vor.u32 v2, v11;
	v16 =	vld [tilespmem:s0+$0x110];
	v9 =	vbroadcast v9, $0x0;
	v17 =	vadd.f32 v23, v19;
	[tilespmem:v14+s23+$0x0] =	vst.idx.msk $0xffff, v10  }
0x5ab: {  	v13 =	vshll.u32 v13, v1;
	v14 =	vmov s10;
	v10 =	vld [tilespmem:s0+$0xFFFFF810]  }
0x5ac: {  	v13 =	vbroadcast v13, $0x0;
	s10 =	sadd.s32 $0xF, s30;
	v19 =	vld [tilespmem:s0+$0x10];
	v9 =	vor.u32 v2, v9;
	[tilespmem:v12+s23+$0x0] =	vst.idx.msk $0xffff, v17;
	v12 =	vshrl.u32 v14, $0x3  }
0x5ad: {  	s14 =	sadd.s32 $0xA, s29;
	v14 =	vadd.f32 v24, v18;
	v17 =	vld [tilespmem:s0+$0xFFFFF9A0];
	v12 =	vshll.u32 v12, v1;
	v18 =	vor.u32 s10, v8  }
0x5ae: {  	v13 =	vor.u32 v2, v13;
	v20 =	vmov s14;
	s10 =	sadd.s32 $0x2, s29;
	v21 =	vld [tilespmem:s0+$0x1A0];
	v12 =	vbroadcast v12, $0x0  }
0x5af: {  	v23 =	vmov s10;
	s10 =	sadd.s32 $0x12, s29;
	[tilespmem:v11+s23+$0x0] =	vst.idx.msk $0xffff, v14;
	v11 =	vshrl.u32 v20, $0x3;
	v14 =	vadd.f32 v16, v15;
	v15 =	vld [tilespmem:s28+$0xF0]  }
0x5b0: {  	v20 =	vmov s10;
	v16 =	vld [tilespmem:s0+$0xFFFFF8A0];
	v11 =	vshll.u32 v11, v1;
	v12 =	vor.u32 v3, v12  }
0x5b1: {  	v10 =	vadd.f32 v19, v10;
	v19 =	vld [tilespmem:s0+$0xA0];
	v11 =	vbroadcast v11, $0x0;
	[tilespmem:v9+s23+$0x0] =	vst.idx.msk $0xffff, v14;
	v9 =	vshrl.u32 v20, $0x3  }
0x5b2: {  	v14 =	vshrl.u32 v23, $0x3;
	v20 =	vld [tilespmem:s0+$0xFFFFF920];
	v9 =	vshll.u32 v9, v1  }
0x5b3: {  	s10 =	sadd.s32 $0x1B, s29;
	[tilespmem:v13+s23+$0x0] =	vst.idx.msk $0xffff, v10;
	v10 =	vor.u32 v3, v11;
	v11 =	vld [tilespmem:s0+$0x120];
	v9 =	vbroadcast v9, $0x0;
	v13 =	vadd.f32 v21, v17  }
0x5b4: {  	v14 =	vshll.u32 v14, v1;
	v21 =	vmov s10;
	v17 =	vld [tilespmem:s0+$0xFFFFF820];
	v15 =	vadd.f32 v15, v22  }
0x5b5: {  	v14 =	vbroadcast v14, $0x0;
	v22 =	vld [tilespmem:s0+$0x20];
	v9 =	vor.u32 v3, v9;
	[tilespmem:v12+s23+$0x0] =	vst.idx.msk $0xffff, v13;
	v12 =	vshrl.u32 v21, $0x3  }
0x5b6: {  	s10 =	sadd.s32 $0xB, s29;
	v13 =	vadd.f32 v19, v16;
	v16 =	vld [tilespmem:s0+$0xFFFFF9B0];
	v12 =	vshll.u32 v12, v1;
	[tilespmem:v18+s23+$0x0] =	vst.idx.msk $0xffff, v15  }
0x5b7: {  	s14 =	sadd.s32 $0x3, s29;
	v14 =	vor.u32 v3, v14;
	v15 =	vmov s10;
	v18 =	vld [tilespmem:s0+$0x1B0];
	v12 =	vbroadcast v12, $0x0  }
0x5b8: {  	v19 =	vmov s14;
	s10 =	sadd.s32 $0x13, s29;
	[tilespmem:v10+s23+$0x0] =	vst.idx.msk $0xffff, v13;
	v10 =	vshrl.u32 v15, $0x3;
	v11 =	vadd.f32 v11, v20;
	v13 =	vld [tilespmem:s28+$0xFFFFF970]  }
0x5b9: {  	v20 =	vmov s10;
	v15 =	vld [tilespmem:s0+$0xFFFFF8B0];
	v10 =	vshll.u32 v10, v1;
	v12 =	vor.u32 v4, v12  }
0x5ba: {  	v17 =	vadd.f32 v22, v17;
	v21 =	vld [tilespmem:s0+$0xB0];
	v10 =	vbroadcast v10, $0x0;
	[tilespmem:v9+s23+$0x0] =	vst.idx.msk $0xffff, v11;
	v9 =	vshrl.u32 v20, $0x3  }
0x5bb: {  	v11 =	vshrl.u32 v19, $0x3;
	v19 =	vld [tilespmem:s0+$0xFFFFF930];
	v9 =	vshll.u32 v9, v1  }
0x5bc: {  	s10 =	sadd.s32 $0x1C, s29;
	[tilespmem:v14+s23+$0x0] =	vst.idx.msk $0xffff, v17;
	v10 =	vor.u32 v4, v10;
	v14 =	vld [tilespmem:s0+$0x130];
	v9 =	vbroadcast v9, $0x0;
	v16 =	vadd.f32 v18, v16  }
0x5bd: {  	v11 =	vshll.u32 v11, v1;
	v18 =	vmov s10;
	v17 =	vld [tilespmem:s0+$0xFFFFF830]  }
0x5be: {  	v11 =	vbroadcast v11, $0x0;
	s10 =	sadd.s32 $0x17, s30;
	v20 =	vld [tilespmem:s0+$0x30];
	v9 =	vor.u32 v4, v9;
	[tilespmem:v12+s23+$0x0] =	vst.idx.msk $0xffff, v16;
	v12 =	vshrl.u32 v18, $0x3  }
0x5bf: {  	s14 =	sadd.s32 $0xC, s29;
	v18 =	vor.u32 s10, v8;
	v15 =	vadd.f32 v21, v15;
	v16 =	vld [tilespmem:s0+$0xFFFFF9C0];
	v12 =	vshll.u32 v12, v1  }
0x5c0: {  	v11 =	vor.u32 v4, v11;
	s10 =	sadd.s32 $0x4, s29;
	v21 =	vmov s14;
	v22 =	vld [tilespmem:s0+$0x1C0];
	v12 =	vbroadcast v12, $0x0  }
0x5c1: {  	v23 =	vmov s10;
	s10 =	sadd.s32 $0x14, s29;
	[tilespmem:v10+s23+$0x0] =	vst.idx.msk $0xffff, v15;
	v10 =	vshrl.u32 v21, $0x3;
	v14 =	vadd.f32 v14, v19;
	v15 =	vld [tilespmem:s28+$0x170]  }
0x5c2: {  	v21 =	vmov s10;
	v19 =	vld [tilespmem:s0+$0xFFFFF8C0];
	v10 =	vshll.u32 v10, v1;
	v12 =	vor.u32 v5, v12  }
0x5c3: {  	v17 =	vadd.f32 v20, v17;
	v20 =	vld [tilespmem:s0+$0xC0];
	v10 =	vbroadcast v10, $0x0;
	[tilespmem:v9+s23+$0x0] =	vst.idx.msk $0xffff, v14;
	v9 =	vshrl.u32 v21, $0x3  }
0x5c4: {  	v14 =	vshrl.u32 v23, $0x3;
	v21 =	vld [tilespmem:s0+$0xFFFFF940];
	v9 =	vshll.u32 v9, v1  }
0x5c5: {  	s10 =	sadd.s32 $0x1D, s29;
	[tilespmem:v11+s23+$0x0] =	vst.idx.msk $0xffff, v17;
	v10 =	vor.u32 v5, v10;
	v11 =	vld [tilespmem:s0+$0x140];
	v9 =	vbroadcast v9, $0x0;
	v16 =	vadd.f32 v22, v16  }
0x5c6: {  	v14 =	vshll.u32 v14, v1;
	v22 =	vmov s10;
	v17 =	vld [tilespmem:s0+$0xFFFFF840];
	v13 =	vadd.f32 v15, v13  }
0x5c7: {  	v14 =	vbroadcast v14, $0x0;
	v15 =	vld [tilespmem:s0+$0x40];
	v9 =	vor.u32 v5, v9;
	[tilespmem:v12+s23+$0x0] =	vst.idx.msk $0xffff, v16;
	v12 =	vshrl.u32 v22, $0x3  }
0x5c8: {  	s10 =	sadd.s32 $0xD, s29;
	v16 =	vadd.f32 v20, v19;
	v19 =	vld [tilespmem:s0+$0xFFFFF9D0];
	v12 =	vshll.u32 v12, v1;
	[tilespmem:v18+s23+$0x0] =	vst.idx.msk $0xffff, v13  }
0x5c9: {  	s14 =	sadd.s32 $0x5, s29;
	v13 =	vor.u32 v5, v14;
	v14 =	vmov s10;
	v18 =	vld [tilespmem:s0+$0x1D0];
	v12 =	vbroadcast v12, $0x0  }
0x5ca: {  	v20 =	vmov s14;
	s10 =	sadd.s32 $0x15, s29;
	[tilespmem:v10+s23+$0x0] =	vst.idx.msk $0xffff, v16;
	v10 =	vshrl.u32 v14, $0x3;
	v11 =	vadd.f32 v11, v21;
	v14 =	vld [tilespmem:s28+$0xFFFFF870]  }
0x5cb: {  	v21 =	vmov s10;
	v16 =	vld [tilespmem:s0+$0xFFFFF8D0];
	v10 =	vshll.u32 v10, v1;
	v12 =	vor.u32 v6, v12  }
0x5cc: {  	v15 =	vadd.f32 v15, v17;
	v17 =	vld [tilespmem:s0+$0xD0];
	v10 =	vbroadcast v10, $0x0;
	[tilespmem:v9+s23+$0x0] =	vst.idx.msk $0xffff, v11;
	v9 =	vshrl.u32 v21, $0x3  }
0x5cd: {  	v11 =	vshrl.u32 v20, $0x3;
	v20 =	vld [tilespmem:s0+$0xFFFFF950];
	v9 =	vshll.u32 v9, v1  }
0x5ce: {  	s10 =	sadd.s32 $0x1E, s29;
	[tilespmem:v13+s23+$0x0] =	vst.idx.msk $0xffff, v15;
	v10 =	vor.u32 v6, v10;
	v13 =	vld [tilespmem:s0+$0x150];
	v9 =	vbroadcast v9, $0x0;
	v15 =	vadd.f32 v18, v19  }
0x5cf: {  	v11 =	vshll.u32 v11, v1;
	v19 =	vmov s10;
	v18 =	vld [tilespmem:s0+$0xFFFFF850]  }
0x5d0: {  	v11 =	vbroadcast v11, $0x0;
	v21 =	vld [tilespmem:s0+$0x50];
	v9 =	vor.u32 v6, v9;
	[tilespmem:v12+s23+$0x0] =	vst.idx.msk $0xffff, v15;
	v12 =	vshrl.u32 v19, $0x3  }
0x5d1: {  	s10 =	sadd.s32 $0xE, s29;
	v15 =	vadd.f32 v17, v16;
	v16 =	vld [tilespmem:s0+$0xFFFFF9E0];
	v12 =	vshll.u32 v12, v1  }
0x5d2: {  	v11 =	vor.u32 v6, v11;
	v17 =	vmov s10;
	s10 =	sadd.s32 $0x7, s30;
	s30 =	smov.u32 s29;
	s29 =	smov.u32 s1;
	v19 =	vld [tilespmem:s0+$0x1E0];
	v12 =	vbroadcast v12, $0x0  }
0x5d3: {  	s14 =	sadd.s32 $0x16, s30;
	[tilespmem:v10+s23+$0x0] =	vst.idx.msk $0xffff, v15;
	v10 =	vshrl.u32 v17, $0x3;
	v13 =	vadd.f32 v13, v20;
	v15 =	vld [tilespmem:s28+$0x70];
	v17 =	vor.u32 s10, v8;
	s28 =	smov.u32 s0  }
0x5d4: {  	v22 =	vmov s14;
	v20 =	vld [tilespmem:s0+$0xFFFFF8E0];
	v10 =	vshll.u32 v10, v1;
	v12 =	vor.u32 v7, v12  }
0x5d5: {  	v18 =	vadd.f32 v21, v18;
	v21 =	vld [tilespmem:s0+$0xE0];
	v10 =	vbroadcast v10, $0x0;
	[tilespmem:v9+s23+$0x0] =	vst.idx.msk $0xffff, v13;
	v9 =	vshrl.u32 v22, $0x3  }
0x5d6: {  	v22 =	vld [tilespmem:s0+$0xFFFFF960];
	v9 =	vshll.u32 v9, v1  }
0x5d7: {  	[tilespmem:v11+s23+$0x0] =	vst.idx.msk $0xffff, v18;
	v23 =	vor.u32 v7, v10;
	v24 =	vld [tilespmem:s0+$0x160];
	v9 =	vbroadcast v9, $0x0;
	v11 =	vadd.f32 v19, v16  }
0x5d8: {  	s10 =	sadd.s32 $0x18, s1;
	s0 =	sadd.s32 $0x200, s0;
	v10 =	vld [tilespmem:s28+$0xFFFFF860];
	v13 =	vadd.f32 v15, v14  }
0x5d9: {  	v14 =	vmov s10;
	v16 =	vld [tilespmem:s0+$0xFFFFF980];
	v19 =	vor.u32 v7, v9;
	[tilespmem:v12+s23+$0x0] =	vst.idx.msk $0xffff, v11  }
0x5da: {  	s14 =	sadd.s32 $0x6, s30;
	s10 =	sadd.s32 $0x1, s1;
	v12 =	vmov s1;
	v11 =	vshrl.u32 v14, $0x3;
	v14 =	vadd.f32 v21, v20;
	v9 =	vld [tilespmem:s28+$0xFFFFF9F0];
	[tilespmem:v17+s23+$0x0] =	vst.idx.msk $0xffff, v13  }
.Ltmp9:
0x5db: {  	v25 =	vmov s14;
	v13 =	vmov s10;
	s10 =	sadd.s32 $0x8, s1;
	v15 =	vshll.u32 v11, v1;
	v11 =	vld [tilespmem:s28+$0x1F0];
	(pc) =	sbr.rel @p0 .LBB2_21-.Ltmp9, $4  }
0x5dc: {  	v17 =	vmov s10;
	v20 =	vbroadcast v15, $0x0;
	s10 =	sadd.s32 $0x1F, s30;
	v18 =	vld [tilespmem:s0+$0x180];
	[tilespmem:v23+s23+$0x0] =	vst.idx.msk $0xffff, v14;
	v14 =	vadd.f32 v24, v22  }
0x5dd: {  	s14 =	sadd.s32 $0x10, s1;
	v21 =	vshrl.u32 v12, $0x3;
	v22 =	vshrl.u32 v17, $0x3;
	v12 =	vor.u32 s10, v8;
	v15 =	vld [tilespmem:s0+$0x0]  }
0x5de: {  	v23 =	vmov s14;
	v22 =	vshll.u32 v22, v1;
	v20 =	vor.u32 v0, v20;
	v17 =	vld [tilespmem:s0+$0xFFFFF880];
	[tilespmem:v19+s23+$0x0] =	vst.idx.msk $0xffff, v14  }
0x5df: {  	s1 =	sadd.s32 $0x20, s1;
	v23 =	vshrl.u32 v23, $0x3;
	v22 =	vbroadcast v22, $0x0;
	v14 =	vshrl.u32 v25, $0x3;
	v19 =	vld [tilespmem:s0+$0x80]  }
0x5e0: {  	v24 =	vld [tilespmem:s0+$0xFFFFF900];
	v23 =	vshll.u32 v23, v1  }
0x5e1: {  	v25 =	vld [tilespmem:s0+$0x100];
	v22 =	vor.u32 v0, v22;
	v23 =	vbroadcast v23, $0x0  }
0x5e2: {  	v21 =	vshll.u32 v21, v1;
	v16 =	vadd.f32 v18, v16  }
0x5e3: {  	s1 =	sadd.s32 $0x19, s29;
	v43 =	vld [tilespmem:s0+$0xFFFFF800];
	v21 =	vbroadcast v21, $0x0;
	v23 =	vor.u32 v0, v23  }
0x5e4: {  	v26 =	vmov s1;
	[tilespmem:v20+s23+$0x0] =	vst.idx.msk $0xffff, v16;
	v17 =	vadd.f32 v19, v17  }
0x5e5: {  	s31 =	sadd.s32 $0x9, s29;
	v44 =	vshrl.u32 v26, $0x3;
	v45 =	vor.u32 v0, v21;
	v20 =	vld [tilespmem:s0+$0xFFFFF990]  }
0x5e6: {  	v46 =	vmov s31;
	v16 =	vshll.u32 v44, v1;
	v47 =	vld [tilespmem:s0+$0x190];
	v49 =	vadd.f32 v25, v24;
	[tilespmem:v22+s23+$0x0] =	vst.idx.msk $0xffff, v17  }
0x5e7: {  	s10 =	sadd.s32 $0x11, s29;
	v48 =	vshrl.u32 v46, $0x3;
	v16 =	vbroadcast v16, $0x0;
	v51 =	vld [tilespmem:s0+$0xFFFFF890]  }
0x5e8: {  	v50 =	vmov s10;
	v15 =	vadd.f32 v15, v43;
	v17 =	vshll.u32 v48, v1;
	v52 =	vld [tilespmem:s0+$0x90];
	[tilespmem:v23+s23+$0x0] =	vst.idx.msk $0xffff, v49  }
0x5e9: {  	v53 =	vshrl.u32 v50, $0x3;
	v16 =	vor.u32 v2, v16;
	v17 =	vbroadcast v17, $0x0;
	v54 =	vld [tilespmem:s0+$0xFFFFF910]  }
0x5ea: {  	v13 =	vshrl.u32 v13, $0x3;
	v21 =	vshll.u32 v53, v1;
	[tilespmem:v45+s23+$0x0] =	vst.idx.msk $0xffff, v15;
	v55 =	vld [tilespmem:s0+$0x110]  }
0x5eb: {  	v13 =	vshll.u32 v13, v1;
	v56 =	vbroadcast v21, $0x0;
	v17 =	vor.u32 v2, v17;
	v57 =	vld [tilespmem:s0+$0xFFFFF810]  }
0x5ec: {  	v13 =	vbroadcast v13, $0x0;
	v20 =	vadd.f32 v47, v20;
	v59 =	vld [tilespmem:s0+$0x10]  }
0x5ed: {  	s14 =	sadd.s32 $0x1A, s29;
	v60 =	vor.u32 v2, v56  }
0x5ee: {  	v58 =	vmov s14;
	v13 =	vor.u32 v2, v13;
	v15 =	vld [tilespmem:s28+$0x60];
	[tilespmem:v16+s23+$0x0] =	vst.idx.msk $0xffff, v20;
	v61 =	vadd.f32 v52, v51  }
0x5ef: {  	s31 =	sadd.s32 $0xA, s29;
	v23 =	vshrl.u32 v58, $0x3;
	v20 =	vld [tilespmem:s0+$0xFFFFF9A0]  }
0x5f0: {  	v63 =	vmov s31;
	v62 =	vshll.u32 v23, v1;
	v28 =	vld [tilespmem:s0+$0x1A0];
	[tilespmem:v17+s23+$0x0] =	vst.idx.msk $0xffff, v61;
	v30 =	vadd.f32 v55, v54  }
0x5f1: {  	s10 =	sadd.s32 $0x12, s29;
	s14 =	sadd.s32 $0x2, s29;
	v29 =	vshrl.u32 v63, $0x3;
	v18 =	vbroadcast v62, $0x0;
	v21 =	vadd.f32 v59, v57;
	v31 =	vld [tilespmem:s0+$0xFFFFF8A0]  }
0x5f2: {  	v32 =	vmov s10;
	v35 =	vmov s14;
	v16 =	vshll.u32 v29, v1;
	v33 =	vld [tilespmem:s0+$0xA0];
	[tilespmem:v60+s23+$0x0] =	vst.idx.msk $0xffff, v30  }
0x5f3: {  	s31 =	sadd.s32 $0x1B, s29;
	v34 =	vshrl.u32 v32, $0x3;
	v18 =	vor.u32 v3, v18;
	v16 =	vbroadcast v16, $0x0;
	[tilespmem:v13+s23+$0x0] =	vst.idx.msk $0xffff, v21;
	v13 =	vld [tilespmem:s28+$0xFFFFF8F0]  }
0x5f4: {  	s14 =	sadd.s32 $0x13, s29;
	v41 =	vmov s31;
	v22 =	vshrl.u32 v35, $0x3;
	v17 =	vshll.u32 v34, v1;
	v36 =	vld [tilespmem:s0+$0xFFFFF920]  }
0x5f5: {  	v51 =	vmov s14;
	v16 =	vor.u32 v3, v16;
	v38 =	vbroadcast v17, $0x0;
	v37 =	vld [tilespmem:s0+$0x120]  }
0x5f6: {  	v22 =	vshll.u32 v22, v1;
	v53 =	vshrl.u32 v51, $0x3;
	v39 =	vadd.f32 v28, v20;
	v40 =	vld [tilespmem:s0+$0xFFFFF820]  }
0x5f7: {  	v22 =	vbroadcast v22, $0x0;
	v17 =	vshll.u32 v53, v1;
	v42 =	vld [tilespmem:s0+$0x20];
	v27 =	vor.u32 v3, v38  }
0x5f8: {  	s10 =	sadd.s32 $0xB, s29;
	v24 =	vshrl.u32 v41, $0x3;
	v58 =	vbroadcast v17, $0x0;
	v17 =	vld [tilespmem:s28+$0x170];
	[tilespmem:v18+s23+$0x0] =	vst.idx.msk $0xffff, v39;
	v43 =	vadd.f32 v33, v31  }
0x5f9: {  	v46 =	vmov s10;
	v44 =	vshll.u32 v24, v1;
	v22 =	vor.u32 v3, v22;
	v45 =	vld [tilespmem:s0+$0xFFFFF9B0]  }
0x5fa: {  	v48 =	vshrl.u32 v46, $0x3;
	v18 =	vbroadcast v44, $0x0;
	v47 =	vld [tilespmem:s0+$0x1B0];
	[tilespmem:v16+s23+$0x0] =	vst.idx.msk $0xffff, v43;
	v49 =	vadd.f32 v37, v36  }
0x5fb: {  	v16 =	vshll.u32 v48, v1;
	v50 =	vld [tilespmem:s0+$0xFFFFF8B0]  }
0x5fc: {  	s31 =	sadd.s32 $0x3, s29;
	v18 =	vor.u32 v4, v18;
	v20 =	vadd.f32 v42, v40;
	v52 =	vld [tilespmem:s0+$0xB0];
	v16 =	vbroadcast v16, $0x0;
	[tilespmem:v27+s23+$0x0] =	vst.idx.msk $0xffff, v49  }
0x5fd: {  	v54 =	vmov s31;
	v55 =	vld [tilespmem:s0+$0xFFFFF930]  }
0x5fe: {  	v23 =	vshrl.u32 v54, $0x3;
	[tilespmem:v22+s23+$0x0] =	vst.idx.msk $0xffff, v20;
	v56 =	vor.u32 v4, v16;
	v57 =	vld [tilespmem:s0+$0x130]  }
0x5ff: {  	s10 =	sadd.s32 $0x1C, s29;
	v23 =	vshll.u32 v23, v1;
	v59 =	vadd.f32 v47, v45;
	v60 =	vld [tilespmem:s0+$0xFFFFF830]  }
0x600: {  	s14 =	sadd.s32 $0xC, s29;
	v23 =	vbroadcast v23, $0x0;
	v28 =	vmov s10;
	v62 =	vor.u32 v4, v58;
	v61 =	vld [tilespmem:s0+$0x30]  }
0x601: {  	v34 =	vmov s14;
	s31 =	sadd.s32 $0x14, s29;
	v32 =	vshrl.u32 v28, $0x3;
	v28 =	vld [tilespmem:s28+$0xFFFFF970];
	[tilespmem:v18+s23+$0x0] =	vst.idx.msk $0xffff, v59;
	v63 =	vadd.f32 v52, v50  }
0x602: {  	v23 =	vor.u32 v4, v23;
	v39 =	vmov s31;
	v18 =	vshll.u32 v32, v1;
	v33 =	vld [tilespmem:s0+$0xFFFFF9C0]  }
0x603: {  	v37 =	vshrl.u32 v34, $0x3;
	v35 =	vld [tilespmem:s0+$0x1C0];
	v18 =	vbroadcast v18, $0x0;
	[tilespmem:v56+s23+$0x0] =	vst.idx.msk $0xffff, v63;
	v36 =	vadd.f32 v57, v55  }
0x604: {  	v43 =	vshrl.u32 v39, $0x3;
	v20 =	vshll.u32 v37, v1;
	v38 =	vld [tilespmem:s0+$0xFFFFF8C0]  }
0x605: {  	s10 =	sadd.s32 $0x4, s29;
	v42 =	vbroadcast v20, $0x0;
	v19 =	vadd.f32 v61, v60;
	v41 =	vor.u32 v5, v18;
	v40 =	vld [tilespmem:s0+$0xC0];
	[tilespmem:v62+s23+$0x0] =	vst.idx.msk $0xffff, v36  }
0x606: {  	v14 =	vshll.u32 v14, v1;
	v45 =	vmov s10;
	v20 =	vshll.u32 v43, v1;
	v44 =	vld [tilespmem:s0+$0xFFFFF940]  }
0x607: {  	v47 =	vshrl.u32 v45, $0x3;
	v20 =	vbroadcast v20, $0x0;
	v18 =	vor.u32 v5, v42;
	[tilespmem:v23+s23+$0x0] =	vst.idx.msk $0xffff, v19;
	v46 =	vld [tilespmem:s0+$0x140]  }
0x608: {  	v14 =	vbroadcast v14, $0x0;
	s14 =	sadd.s32 $0x1D, s29;
	v23 =	vshll.u32 v47, v1;
	v48 =	vld [tilespmem:s0+$0xFFFFF840];
	v21 =	vadd.f32 v35, v33  }
0x609: {  	v29 =	vmov s14;
	s31 =	sadd.s32 $0xD, s29;
	v20 =	vor.u32 v5, v20;
	v49 =	vld [tilespmem:s0+$0x40];
	v23 =	vbroadcast v23, $0x0  }
0x60a: {  	v16 =	vld [tilespmem:s28+$0xF0];
	v50 =	vshrl.u32 v29, $0x3;
	v52 =	vmov s31;
	[tilespmem:v41+s23+$0x0] =	vst.idx.msk $0xffff, v21;
	v22 =	vadd.f32 v40, v38  }
0x60b: {  	s10 =	sadd.s32 $0x15, s29;
	v54 =	vshrl.u32 v52, $0x3;
	v21 =	vshll.u32 v50, v1;
	v23 =	vor.u32 v5, v23;
	v51 =	vld [tilespmem:s0+$0xFFFFF9D0]  }
0x60c: {  	v56 =	vmov s10;
	v53 =	vld [tilespmem:s0+$0x1D0];
	v21 =	vbroadcast v21, $0x0;
	[tilespmem:v18+s23+$0x0] =	vst.idx.msk $0xffff, v22;
	v19 =	vadd.f32 v46, v44  }
0x60d: {  	v14 =	vor.u32 v7, v14;
	v59 =	vshrl.u32 v56, $0x3;
	v22 =	vshll.u32 v54, v1;
	v55 =	vld [tilespmem:s0+$0xFFFFF8D0]  }
0x60e: {  	s14 =	sadd.s32 $0x5, s29;
	v26 =	vadd.f32 v49, v48;
	v21 =	vor.u32 v6, v21;
	v57 =	vld [tilespmem:s0+$0xD0];
	v58 =	vbroadcast v22, $0x0;
	[tilespmem:v20+s23+$0x0] =	vst.idx.msk $0xffff, v19  }
0x60f: {  	v10 =	vadd.f32 v15, v10;
	v60 =	vmov s14;
	v22 =	vshll.u32 v59, v1;
	v61 =	vld [tilespmem:s0+$0xFFFFF950]  }
0x610: {  	v15 =	vshrl.u32 v60, $0x3;
	[tilespmem:v23+s23+$0x0] =	vst.idx.msk $0xffff, v26;
	v22 =	vbroadcast v22, $0x0;
	v20 =	vor.u32 v6, v58;
	v62 =	vld [tilespmem:s0+$0x150]  }
0x611: {  	s31 =	sadd.s32 $0x1E, s29;
	v15 =	vshll.u32 v15, v1;
	v18 =	vadd.f32 v53, v51;
	v63 =	vld [tilespmem:s0+$0xFFFFF850]  }
0x612: {  	[tilespmem:v14+s23+$0x0] =	vst.idx.msk $0xffff, v10;
	v29 =	vmov s31;
	s10 =	sadd.s32 $0xE, s29;
	v30 =	vbroadcast v15, $0x0;
	v10 =	vld [tilespmem:s0+$0x50];
	v31 =	vor.u32 v6, v22  }
0x613: {  	v32 =	vshrl.u32 v29, $0x3;
	v36 =	vmov s10;
	v33 =	vld [tilespmem:s28+$0xFFFFF870];
	[tilespmem:v21+s23+$0x0] =	vst.idx.msk $0xffff, v18;
	v19 =	vadd.f32 v57, v55  }
0x614: {  	s14 =	sadd.s32 $0x16, s29;
	v34 =	vshll.u32 v32, v1;
	v14 =	vor.u32 v6, v30;
	v38 =	vshrl.u32 v36, $0x3;
	v35 =	vld [tilespmem:s0+$0xFFFFF9E0]  }
0x615: {  	v40 =	vmov s14;
	v21 =	vbroadcast v34, $0x0;
	v37 =	vld [tilespmem:s0+$0x1E0];
	[tilespmem:v20+s23+$0x0] =	vst.idx.msk $0xffff, v19;
	v23 =	vadd.f32 v62, v61  }
0x616: {  	v42 =	vshrl.u32 v40, $0x3;
	v20 =	vshll.u32 v38, v1;
	v39 =	vld [tilespmem:s0+$0xFFFFF8E0]  }
0x617: {  	s31 =	sadd.s32 $0x6, s29;
	v21 =	vor.u32 v7, v21;
	v10 =	vadd.f32 v10, v63;
	v41 =	vld [tilespmem:s0+$0xE0];
	v20 =	vbroadcast v20, $0x0;
	[tilespmem:v31+s23+$0x0] =	vst.idx.msk $0xffff, v23  }
0x618: {  	v43 =	vmov s31;
	v15 =	vshll.u32 v42, v1;
	v44 =	vld [tilespmem:s0+$0xFFFFF960]  }
0x619: {  	v46 =	vshrl.u32 v43, $0x3;
	v15 =	vbroadcast v15, $0x0;
	[tilespmem:v14+s23+$0x0] =	vst.idx.msk $0xffff, v10;
	v10 =	vor.u32 v7, v20;
	v45 =	vld [tilespmem:s0+$0x160]  }
0x61a: {  	v19 =	vadd.f32 v37, v35;
	v47 =	vld [tilespmem:s0+$0xFFFFF860];
	v20 =	vshll.u32 v46, v1  }
0x61b: {  	v15 =	vor.u32 v7, v15;
	v48 =	vld [tilespmem:s0+$0x60];
	v20 =	vbroadcast v20, $0x0  }
0x61c: {  	v49 =	vld [tilespmem:s28+$0x70];
	[tilespmem:v21+s23+$0x0] =	vst.idx.msk $0xffff, v19;
	v50 =	vadd.f32 v41, v39  }
0x61d: {  	v51 =	vld [tilespmem:s0+$0xFFFFF9F0];
	v20 =	vor.u32 v7, v20  }
0x61e: {  	v52 =	vld [tilespmem:s0+$0x1F0];
	[tilespmem:v10+s23+$0x0] =	vst.idx.msk $0xffff, v50;
	v10 =	vadd.f32 v45, v44  }
0x61f: {  	s14 =	sadd.s32 $0x17, s30;
	v53 =	vld [tilespmem:s0+$0xFFFFF8F0]  }
0x620: {  	s10 =	sadd.s32 $0xF, s30;
	v56 =	vor.u32 s14, v8;
	v55 =	vld [tilespmem:s0+$0xF0];
	[tilespmem:v15+s23+$0x0] =	vst.idx.msk $0xffff, v10;
	v10 =	vadd.f32 v48, v47  }
0x621: {  	v9 =	vadd.f32 v11, v9;
	v54 =	vor.u32 s10, v8;
	s28 =	sadd.s32 $0x7, s30;
	v57 =	vld [tilespmem:s0+$0xFFFFF970]  }
0x622: {  	s30 =	sadd.s32 $0x1F, s29;
	v11 =	vor.u32 s28, v8;
	[tilespmem:v20+s23+$0x0] =	vst.idx.msk $0xffff, v10;
	v10 =	vld [tilespmem:s0+$0x170]  }
0x623: {  	[tilespmem:v12+s23+$0x0] =	vst.idx.msk $0xffff, v9;
	v9 =	vadd.f32 v17, v28;
	s31 =	sadd.s32 $0xF, s29;
	v58 =	vor.u32 s30, v8;
	v20 =	vld [tilespmem:s0+$0xFFFFF870]  }
0x624: {  	v13 =	vadd.f32 v16, v13;
	s10 =	sadd.s32 $0x17, s29;
	v59 =	vor.u32 s31, v8;
	v60 =	vld [tilespmem:s0+$0x70]  }
0x625: {  	s14 =	sadd.s32 $0x7, s29;
	[tilespmem:v56+s23+$0x0] =	vst.idx.msk $0xffff, v9;
	v61 =	vor.u32 s10, v8;
	v62 =	vadd.f32 v49, v33  }
0x626: {  	[tilespmem:v54+s23+$0x0] =	vst.idx.msk $0xffff, v13;
	v63 =	vor.u32 s14, v8;
	v9 =	vadd.f32 v52, v51  }
0x627: {  	[tilespmem:v11+s23+$0x0] =	vst.idx.msk $0xffff, v62;
	v11 =	vadd.f32 v55, v53  }
0x628: {  	[tilespmem:v58+s23+$0x0] =	vst.idx.msk $0xffff, v9;
	v9 =	vadd.f32 v10, v57  }
0x629: {  	s28 =	sshll.u32 s25, $0x4;
	[tilespmem:v59+s23+$0x0] =	vst.idx.msk $0xffff, v11;
	v10 =	vadd.f32 v60, v20  }
0x62a: {  	s0 =	sand.u32 $0x1FFFFFF0, s28;
	[tilespmem:v61+s23+$0x0] =	vst.idx.msk $0xffff, v9  }
0x62b: {  	s0 =	sadd.s32 s2, s0;
	[tilespmem:v63+s23+$0x0] =	vst.idx.msk $0xffff, v10  }
0x62c: {  	[hbm4b:s0+s3] =	stream.linear.scatter [tilespmem:s23], [sflag:$0x2], $0x80, $0x38;
	[tilespmem:$0xC800] =	vst v63  }
0x62d: {  	s10 =	simm.s32 $0x8C00;
	s29 =	sadd.s32 $0x9C40, s0  }
0x62e: {  	[hbm4b:s29+s3] =	stream.linear.scatter [tilespmem:s10], [sflag:$0x2], $0x80, $0x38;
	[tilespmem:$0xC800] =	vst v63  }
0x62f: {  	s31 =	simm.s32 $0x9000;
	s30 =	sadd.s32 $0x13880, s0  }
0x630: {  	[hbm4b:s30+s3] =	stream.linear.scatter [tilespmem:s31], [sflag:$0x2], $0x80, $0x38;
	[tilespmem:$0xC800] =	vst v63  }
0x631: {  	s25 =	simm.s32 $0x9400;
	s14 =	sadd.s32 $0x1D4C0, s0  }
0x632: {  	[hbm4b:s14+s3] =	stream.linear.scatter [tilespmem:s25], [sflag:$0x2], $0x80, $0x38;
	[tilespmem:$0xC800] =	vst v63  }
0x633: {  	s28 =	sadd.s32 $0x27100, s0;
	s29 =	simm.s32 $0x9800  }
0x634: {  	[hbm4b:s28+s3] =	stream.linear.scatter [tilespmem:s29], [sflag:$0x2], $0x80, $0x38;
	[tilespmem:$0xC800] =	vst v63  }
0x635: {  	s30 =	sadd.s32 $0x30D40, s0;
	s31 =	simm.s32 $0x9C00  }
0x636: {  	[hbm4b:s30+s3] =	stream.linear.scatter [tilespmem:s31], [sflag:$0x2], $0x80, $0x38;
	[tilespmem:$0xC800] =	vst v63  }
0x637: {  	s14 =	sadd.s32 $0x3A980, s0;
	s25 =	simm.s32 $0xA000  }
0x638: {  	[hbm4b:s14+s3] =	stream.linear.scatter [tilespmem:s25], [sflag:$0x2], $0x80, $0x38;
	[tilespmem:$0xC800] =	vst v63  }
0x639: {  	s28 =	sadd.s32 $0x445C0, s0;
	s29 =	simm.s32 $0xA400  }
0x63a: {  	[hbm4b:s28+s3] =	stream.linear.scatter [tilespmem:s29], [sflag:$0x2], $0x80, $0x38;
	[tilespmem:$0xC800] =	vst v63  }
0x63b: {  	s30 =	sadd.s32 $0x4E200, s0;
	s31 =	simm.s32 $0xA800  }
0x63c: {  	[hbm4b:s30+s3] =	stream.linear.scatter [tilespmem:s31], [sflag:$0x2], $0x80, $0x38;
	[tilespmem:$0xC800] =	vst v63  }
0x63d: {  	s10 =	sadd.s32 $0x57E40, s0;
	s14 =	simm.s32 $0xAC00  }
0x63e: {  	[hbm4b:s10+s3] =	stream.linear.scatter [tilespmem:s14], [sflag:$0x2], $0x80, $0x38;
	[tilespmem:$0xC800] =	vst v63  }
0x63f: {  	s25 =	sadd.s32 $0x61A80, s0  }
0x640: {  	[hbm4b:s25+s3] =	stream.linear.scatter [tilespmem:s15], [sflag:$0x2], $0x80, $0x38;
	[tilespmem:$0xC800] =	vst v63  }
0x641: {  	s28 =	sadd.s32 $0x6B6C0, s0  }
0x642: {  	[hbm4b:s28+s3] =	stream.linear.scatter [tilespmem:s16], [sflag:$0x2], $0x80, $0x38;
	[tilespmem:$0xC800] =	vst v63  }
0x643: {  	s29 =	sadd.s32 $0x75300, s0  }
0x644: {  	[hbm4b:s29+s3] =	stream.linear.scatter [tilespmem:s17], [sflag:$0x2], $0x80, $0x38;
	[tilespmem:$0xC800] =	vst v63  }
0x645: {  	s21 =	sadd.s32 $0x1, s21;
	s30 =	sadd.s32 $0x7EF40, s0  }
0x646: {  	[hbm4b:s30+s3] =	stream.linear.scatter [tilespmem:s18], [sflag:$0x2], $0x80, $0x38;
	[tilespmem:$0xC800] =	vst v63  }
0x647: {  	p0 =	sne.s32 s21, s8;
	s31 =	sadd.s32 $0x88B80, s0  }
0x648: {  	[hbm4b:s31+s3] =	stream.linear.scatter [tilespmem:s19], [sflag:$0x2], $0x80, $0x38;
	[tilespmem:$0xC800] =	vst v63  }
.Ltmp10:
0x649: {  	s0 =	sadd.s32 $0x927C0, s0;
	(pc) =	sbr.rel @p0 .LBB2_20-.Ltmp10, $4  }
0x64a: {  	[hbm4b:s0+s3] =	stream.linear.scatter [tilespmem:s20], [sflag:$0x2], $0x80, $0x38;
	[tilespmem:$0xC800] =	vst v63  }
0x64b: {  	_ =	swait.ge [sflag:s11], $0x800  }
0x64c: {  	[sflag:s11] =	ssyncset.done $0x0  }
0x64d: {  	[sflag:s11] =	ssyncadd.s32 $0xFFFFF800  }
0x64e: {  	s1 =	rddreg [dreg:$0x4]  }
0x64f: {  	s0 =	rddreg [dreg:$0x3];
	s1 =	sadd.s32 $0x1, s1  }
0x650: {  	p0 =	sne.s32 s1, s0  }
.Ltmp11:
0x651: {  	_ = 	snop;
	(pc) =	sbr.rel @p0 .LBB2_1-.Ltmp11, $1  }
0x652: {  	_ =	sdelay $0x3  }
0x653: {  	_ =	sfence.sel $0x180000  }
0x654: {  	[bflag:$0x0] =	sbarrier.arrive $0xFFFF  }
0x655: {  	_ =	strace $0x90000047  }
0x656: {  	s0 =	stileid.u32;
	[bflag:$0x2] =	sbarrier.arrive $0xFFFF  }
0x657: {  	p0 =	sne.s32 s0, $0x0;
	s0 =	rddreg [dreg:$0x2]  }
0x658: {  	s0 =	sadd.s32 @!p0 $0x100000, s0  }
0x659: {  	[sflag:s0] =	ssyncadd.tile.s32 @!p0 $0x1;
	_ =	shalt  }
.Lfunc_end2:
_tile_overlayer_lowered:
.L_overlay_start_2:
0x65a: {  	(tag) =	ssettag $0x2  }
0x65b: {  	s0 =	rddreg [dreg:$0x0];
	s2 =	stileid.u32  }
0x65c: {  	s1 =	rddreg [dreg:$0x1];
	p0 =	sne.s32 s2, $0x0  }
0x65d: {  	s3 =	rddreg [dreg:$0x2];
	[bflag:$0x3] =	sbarrier.arrive $0xFFFF;
	s2 =	simm.s32 @!p0 $0x1C02  }
0x65e: {  	[timem:s3], [sflag:s2] =	dma.local @!p0 [hbm:s0], s1  }
0x65f: {  	s0 =	simm.s32 @!p0 $0x2  }
0x660: {  	_ =	swait.ge @!p0 [sflag:s0], s1  }
0x661: {  	s1 =	ssub.s32 @!p0 $0x0, s1;
	[sflag:s0] =	ssyncset.done @!p0 $0x0  }
0x662: {  	[sflag:s0] =	ssyncadd.s32 @!p0 s1  }
0x663: {  	[bflag:$0x3] =	sbarrier.arrive $0xFFFF  }
0x664: {  	_ =	shalt  }

</sc_bundles>
